<compile_context>
chip_gen: v7x
topology: tpu7x:2x2x1
jax: 0.10.2.dev20260603
libtpu: 0.0.44.dev20260713+nightly
codegen_flags: <defaults>
</compile_context>

<pallas_src>
import jax
import jax.numpy as jnp
from jax import lax
from jax.experimental import pallas as pl
from jax.experimental.pallas import tpu as pltpu
from jax.experimental.pallas import tpu_sc as plsc

NUM_NODES = 1000000
EMBED_DIM = 64
BATCH = 16384

_info = plsc.get_sparse_core_info()
_NC = _info.num_cores
_NS = _info.num_subcores
_NW = _NC * _NS
_B_PER_W = BATCH // _NW
_K = 8


def _gather_kernel(tablet_hbm, idx_hbm, outt_hbm, idx_v, bufs_v, cols_v, sems, wsem):
    wid = lax.axis_index("s") * _NC + lax.axis_index("c")
    base = wid * _B_PER_W
    pltpu.sync_copy(idx_hbm.at[pl.ds(base, _B_PER_W)], idx_v.at[pl.ds(0, _B_PER_W)])
    lanes = lax.iota(jnp.int32, 16)
    zeros = jnp.zeros((16,), jnp.int32)

    def slab_base(n_scalar):
        return pl.multiple_of((n_scalar // 128) * 128, 128)

    def fire(n_scalar, k):
        pltpu.async_copy(
            tablet_hbm.at[:, pl.ds(slab_base(n_scalar), 128)],
            bufs_v.at[k],
            sems.at[k],
        )

    def extract(n_scalar, g, k):
        cv = zeros + (n_scalar - slab_base(n_scalar))
        gv = zeros + g
        for grp in range(4):
            vals = plsc.load_gather(bufs_v.at[k], [grp * 16 + lanes, cv])
            plsc.store_scatter(cols_v, [grp * 16 + lanes, gv], vals)

    v0 = idx_v[pl.ds(0, 16)]
    for k in range(_K):
        fire(v0[k], k)

    def body(o, carry):
        vcur = idx_v[pl.ds(o * 16, 16)]
        vnxt = idx_v[pl.ds(o * 16 + _K, 16)]
        for j in range(16):
            g = o * 16 + j
            k = j % _K
            pltpu.make_async_copy(
                tablet_hbm.at[:, pl.ds(0, 128)], bufs_v.at[k], sems.at[k]
            ).wait()
            extract(vcur[j], g, k)

            @pl.when(g + _K < _B_PER_W)
            def _(j=j, k=k, vnxt=vnxt):
                fire(vnxt[j], k)

        return carry

    lax.fori_loop(0, _B_PER_W // 16, body, 0)
    pltpu.async_copy(cols_v, outt_hbm.at[:, pl.ds(base, _B_PER_W)], wsem).wait()


@jax.jit
def _gather(table, idx):
    mesh = plsc.VectorSubcoreMesh(core_axis_name="c", subcore_axis_name="s")
    return pl.kernel(
        _gather_kernel,
        mesh=mesh,
        out_type=jax.ShapeDtypeStruct((EMBED_DIM, BATCH), jnp.float32),
        scratch_types=[
            pltpu.VMEM((_B_PER_W + 16,), jnp.int32),
            pltpu.VMEM((_K, EMBED_DIM, 128), jnp.float32),
            pltpu.VMEM((EMBED_DIM, _B_PER_W), jnp.float32),
            pltpu.SemaphoreType.DMA((_K,)),
            pltpu.SemaphoreType.DMA,
        ],
        compiler_params=pltpu.CompilerParams(
            use_tc_tiling_on_sc=True, needs_layout_passes=False
        ),
    )(table, idx)


def kernel(batch, embedding_weight):
    return _gather(embedding_weight.T, batch.astype(jnp.int32)).T

# --- scband reference (transcript-rebuilt; emitter-appended) ---
"""Pipeline reference for scband-inductive-n2-v-31112743092752 (READ-ONLY COPY).

The authoritative reference and input builder live on the scoring server;
editing this copy changes nothing except your own understanding.
"""

import jax, jax.numpy as jnp
import numpy as np

NUM_NODES = 1000000
EMBED_DIM = 64
BATCH = 16384

def setup_inputs(seed: int = 0) -> dict:
    key = jax.random.key(seed)
    k_table, k_batch = jax.random.split(key)
    # Embedding table sized per init_kwargs (num_nodes x embedding_dim).
    embedding_weight = jax.random.normal(k_table, (NUM_NODES, EMBED_DIM), dtype=jnp.float32)
    batch = jax.random.randint(k_batch, (BATCH,), 0, NUM_NODES, dtype=jnp.int64 if jax.config.jax_enable_x64 else jnp.int32)
    return {"batch": batch, "embedding_weight": embedding_weight}

def reference(batch, embedding_weight):
    # InductiveN2V.forward: emb = self.embedding.weight; return emb[batch]
    return jnp.take(embedding_weight, batch, axis=0)

if __name__ == "__main__":
    import jax
    _d = setup_inputs()
    print(jax.jit(kernel)(*tuple(_d.values())))

</pallas_src>

<mosaic_0001>
#map = affine_map<(d0, d1) -> (0, 0)>
#map1 = affine_map<(d0, d1) -> (0)>
module attributes {stable_mosaic.version = 14 : i64} {
  func.func @_gather_kernel(%arg0: i32, %arg1: i32, %arg2: memref<64x1000000xf32, #tpu.memory_space<hbm>>, %arg3: memref<16384xi32, #tpu.memory_space<hbm>>, %arg4: memref<64x16384xf32, #tpu.memory_space<hbm>>, %arg5: memref<528xi32, #tpu.memory_space<vmem>>, %arg6: memref<8x64x128xf32, #tpu.memory_space<vmem>>, %arg7: memref<64x512xf32, #tpu.memory_space<vmem>>, %arg8: memref<8x!tpu.dma_semaphore, #tpu.memory_space<semaphore_mem>>, %arg9: memref<!tpu.dma_semaphore, #tpu.memory_space<semaphore_mem>>) attributes {dimension_semantics = [#tpu.dimension_semantics<core_parallel>, #tpu.dimension_semantics<subcore_parallel>], iteration_bounds = array<i64: 2, 16>, scalar_prefetch = 0 : i64, scratch_operands = 5 : i64, tpu.core_type = #tpu.core_type<sc_vector_subcore>, window_params = [{transform_indices = #map}, {transform_indices = #map1}, {transform_indices = #map}]} {
    %mul3A = arith.constant 2 : i32
    %mul3A_0 = arith.muli %arg1, %mul3A : i32
    %add3A = arith.addi %mul3A_0, %arg0 : i32
    %mul3A_1 = arith.constant 512 : i32
    %mul3A_2 = arith.muli %add3A, %mul3A_1 : i32
    "tpu.region"() ({
      %run_scoped3A = tpu.sem_alloc : memref<!tpu.dma_semaphore, #tpu.memory_space<semaphore_mem>>
      %dma_start3A_365 = arith.constant 0 : i32
      %dma_start3A_366 = tpu.memref_slice %arg5[%dma_start3A_365] : memref<528xi32, #tpu.memory_space<vmem>> -> memref<512xi32, #tpu.memory_space<vmem>>
      %dma_start3A_367 = tpu.memref_slice %arg3[%mul3A_2] : memref<16384xi32, #tpu.memory_space<hbm>> -> memref<512xi32, #tpu.memory_space<hbm>>
      %dma_start3A_368 = arith.constant 0 : i32
      %dma_start3A_369 = tpu.memref_slice %arg5[%dma_start3A_368] : memref<528xi32, #tpu.memory_space<vmem>> -> memref<512xi32, #tpu.memory_space<vmem>>
      %dma_start3A_370 = tpu.memref_slice %arg3[%mul3A_2] : memref<16384xi32, #tpu.memory_space<hbm>> -> memref<512xi32, #tpu.memory_space<hbm>>
      tpu.enqueue_dma source(%dma_start3A_370 : memref<512xi32, #tpu.memory_space<hbm>>) target(%dma_start3A_369 : memref<512xi32, #tpu.memory_space<vmem>>) target_semaphore(%run_scoped3A : memref<!tpu.dma_semaphore, #tpu.memory_space<semaphore_mem>>)
      %dma_wait3A_371 = arith.constant 0 : i32
      %dma_wait3A_372 = tpu.memref_slice %arg5[%dma_wait3A_371] : memref<528xi32, #tpu.memory_space<vmem>> -> memref<512xi32, #tpu.memory_space<vmem>>
      %dma_wait3A_373 = tpu.memref_slice %arg3[%mul3A_2] : memref<16384xi32, #tpu.memory_space<hbm>> -> memref<512xi32, #tpu.memory_space<hbm>>
      %dma_wait3A_374 = arith.constant 0 : i32
      %dma_wait3A_375 = tpu.memref_slice %arg5[%dma_wait3A_374] : memref<528xi32, #tpu.memory_space<vmem>> -> memref<512xi32, #tpu.memory_space<vmem>>
      %dma_wait3A_376 = tpu.memref_slice %arg3[%mul3A_2] : memref<16384xi32, #tpu.memory_space<hbm>> -> memref<512xi32, #tpu.memory_space<hbm>>
      tpu.wait_dma2 semaphore(%run_scoped3A : memref<!tpu.dma_semaphore, #tpu.memory_space<semaphore_mem>>) src(%dma_wait3A_376 : memref<512xi32, #tpu.memory_space<hbm>>) dst(%dma_wait3A_375 : memref<512xi32, #tpu.memory_space<vmem>>)
      tpu.yield
    }) : () -> ()
    %iota3A = tpu.iota {dimensions = array<i32: 0>} : vector<16xi32>
    %broadcast_in_dim3A = arith.constant 0 : i32
    %broadcast_in_dim3A_3 = vector.broadcast %broadcast_in_dim3A : i32 to vector<16xi32>
    %get3A = arith.constant 0 : index
    %get3A_4 = tpu.vector_load %arg5[%get3A] {strides = array<i32>} : memref<528xi32, #tpu.memory_space<vmem>>, vector<16xi32>,
    %slice3A = vector.extract_strided_slice %get3A_4 {offsets = [0], sizes = [1], strides = [1]} : vector<16xi32> to vector<1xi32>
    %squeeze3A = vector.extract %slice3A[0] : i32 from vector<1xi32>
    %jit3A = arith.constant 128 : i32
    %div3A = arith.divsi %squeeze3A, %jit3A : i32
    %sign3A = arith.constant 0 : i32
    %sign3A_5 = arith.cmpi sgt, %squeeze3A, %sign3A : i32
    %sign3A_6 = arith.extui %sign3A_5 : i1 to i32
    %sign3A_7 = arith.constant 0 : i32
    %sign3A_8 = arith.cmpi slt, %squeeze3A, %sign3A_7 : i32
    %sign3A_9 = arith.extui %sign3A_8 : i1 to i32
    %sign3A_10 = arith.subi %sign3A_6, %sign3A_9 : i32
    %sign3A_11 = arith.constant 0 : i32
    %sign3A_12 = arith.cmpi sgt, %jit3A, %sign3A_11 : i32
    %sign3A_13 = arith.extui %sign3A_12 : i1 to i32
    %sign3A_14 = arith.constant 0 : i32
    %sign3A_15 = arith.cmpi slt, %jit3A, %sign3A_14 : i32
    %sign3A_16 = arith.extui %sign3A_15 : i1 to i32
    %sign3A_17 = arith.subi %sign3A_13, %sign3A_16 : i32
    %ne3A = arith.cmpi ne, %sign3A_10, %sign3A_17 : i32
    %rem3A = arith.remsi %squeeze3A, %jit3A : i32
    %ne3A_18 = arith.constant 0 : i32
    %ne3A_19 = arith.cmpi ne, %rem3A, %ne3A_18 : i32
    %and3A = arith.andi %ne3A, %ne3A_19 : i1
    %sub3A = arith.constant 1 : i32
    %sub3A_20 = arith.subi %div3A, %sub3A : i32
    %select_n3A = arith.select %and3A, %sub3A_20, %div3A : i32
    %mul3A_21 = arith.constant 128 : i32
    %mul3A_22 = arith.muli %select_n3A, %mul3A_21 : i32
    %multiple_of3A = tpu.assume_multiple %mul3A_22, 128 : i32
    %dma_start3A = arith.constant 0 : i32
    %dma_start3A_23 = arith.constant 0 : i32
    %dma_start3A_24 = arith.constant 0 : i32
    %dma_start3A_25 = arith.constant 0 : i32
    %dma_start3A_26 = tpu.memref_slice %arg6[%dma_start3A, %dma_start3A_24, %dma_start3A_25] : memref<8x64x128xf32, #tpu.memory_space<vmem>> -> memref<1x64x128xf32, #tpu.memory_space<vmem>>
    %dma_start3A_27 = tpu.memref_squeeze %dma_start3A_26 : memref<1x64x128xf32, #tpu.memory_space<vmem>> -> memref<64x128xf32, #tpu.memory_space<vmem>>
    %dma_start3A_28 = arith.constant 0 : i32
    %dma_start3A_29 = tpu.memref_slice %arg2[%dma_start3A_28, %multiple_of3A] : memref<64x1000000xf32, #tpu.memory_space<hbm>> -> memref<64x128xf32, #tpu.memory_space<hbm>>
    %dma_start3A_30 = tpu.memref_slice %arg8[%dma_start3A_23] : memref<8x!tpu.dma_semaphore, #tpu.memory_space<semaphore_mem>> -> memref<1x!tpu.dma_semaphore, #tpu.memory_space<semaphore_mem>>
    %dma_start3A_31 = tpu.memref_squeeze %dma_start3A_30 : memref<1x!tpu.dma_semaphore, #tpu.memory_space<semaphore_mem>> -> memref<!tpu.dma_semaphore, #tpu.memory_space<semaphore_mem>>
    %dma_start3A_32 = arith.constant 0 : i32
    %dma_start3A_33 = arith.constant 0 : i32
    %dma_start3A_34 = tpu.memref_slice %arg6[%dma_start3A, %dma_start3A_32, %dma_start3A_33] : memref<8x64x128xf32, #tpu.memory_space<vmem>> -> memref<1x64x128xf32, #tpu.memory_space<vmem>>
    %dma_start3A_35 = tpu.memref_squeeze %dma_start3A_34 : memref<1x64x128xf32, #tpu.memory_space<vmem>> -> memref<64x128xf32, #tpu.memory_space<vmem>>
    %dma_start3A_36 = arith.constant 0 : i32
    %dma_start3A_37 = tpu.memref_slice %arg2[%dma_start3A_36, %multiple_of3A] : memref<64x1000000xf32, #tpu.memory_space<hbm>> -> memref<64x128xf32, #tpu.memory_space<hbm>>
    tpu.enqueue_dma source(%dma_start3A_37 : memref<64x128xf32, #tpu.memory_space<hbm>>) target(%dma_start3A_35 : memref<64x128xf32, #tpu.memory_space<vmem>>) target_semaphore(%dma_start3A_31 : memref<!tpu.dma_semaphore, #tpu.memory_space<semaphore_mem>>)
    %slice3A_38 = vector.extract_strided_slice %get3A_4 {offsets = [1], sizes = [1], strides = [1]} : vector<16xi32> to vector<1xi32>
    %squeeze3A_39 = vector.extract %slice3A_38[0] : i32 from vector<1xi32>
    %jit3A_40 = arith.constant 128 : i32
    %div3A_41 = arith.divsi %squeeze3A_39, %jit3A_40 : i32
    %sign3A_42 = arith.constant 0 : i32
    %sign3A_43 = arith.cmpi sgt, %squeeze3A_39, %sign3A_42 : i32
    %sign3A_44 = arith.extui %sign3A_43 : i1 to i32
    %sign3A_45 = arith.constant 0 : i32
    %sign3A_46 = arith.cmpi slt, %squeeze3A_39, %sign3A_45 : i32
    %sign3A_47 = arith.extui %sign3A_46 : i1 to i32
    %sign3A_48 = arith.subi %sign3A_44, %sign3A_47 : i32
    %sign3A_49 = arith.constant 0 : i32
    %sign3A_50 = arith.cmpi sgt, %jit3A_40, %sign3A_49 : i32
    %sign3A_51 = arith.extui %sign3A_50 : i1 to i32
    %sign3A_52 = arith.constant 0 : i32
    %sign3A_53 = arith.cmpi slt, %jit3A_40, %sign3A_52 : i32
    %sign3A_54 = arith.extui %sign3A_53 : i1 to i32
    %sign3A_55 = arith.subi %sign3A_51, %sign3A_54 : i32
    %ne3A_56 = arith.cmpi ne, %sign3A_48, %sign3A_55 : i32
    %rem3A_57 = arith.remsi %squeeze3A_39, %jit3A_40 : i32
    %ne3A_58 = arith.constant 0 : i32
    %ne3A_59 = arith.cmpi ne, %rem3A_57, %ne3A_58 : i32
    %and3A_60 = arith.andi %ne3A_56, %ne3A_59 : i1
    %sub3A_61 = arith.constant 1 : i32
    %sub3A_62 = arith.subi %div3A_41, %sub3A_61 : i32
    %select_n3A_63 = arith.select %and3A_60, %sub3A_62, %div3A_41 : i32
    %mul3A_64 = arith.constant 128 : i32
    %mul3A_65 = arith.muli %select_n3A_63, %mul3A_64 : i32
    %multiple_of3A_66 = tpu.assume_multiple %mul3A_65, 128 : i32
    %dma_start3A_67 = arith.constant 1 : i32
    %dma_start3A_68 = arith.constant 1 : i32
    %dma_start3A_69 = arith.constant 0 : i32
    %dma_start3A_70 = arith.constant 0 : i32
    %dma_start3A_71 = tpu.memref_slice %arg6[%dma_start3A_67, %dma_start3A_69, %dma_start3A_70] : memref<8x64x128xf32, #tpu.memory_space<vmem>> -> memref<1x64x128xf32, #tpu.memory_space<vmem>>
    %dma_start3A_72 = tpu.memref_squeeze %dma_start3A_71 : memref<1x64x128xf32, #tpu.memory_space<vmem>> -> memref<64x128xf32, #tpu.memory_space<vmem>>
    %dma_start3A_73 = arith.constant 0 : i32
    %dma_start3A_74 = tpu.memref_slice %arg2[%dma_start3A_73, %multiple_of3A_66] : memref<64x1000000xf32, #tpu.memory_space<hbm>> -> memref<64x128xf32, #tpu.memory_space<hbm>>
    %dma_start3A_75 = tpu.memref_slice %arg8[%dma_start3A_68] : memref<8x!tpu.dma_semaphore, #tpu.memory_space<semaphore_mem>> -> memref<1x!tpu.dma_semaphore, #tpu.memory_space<semaphore_mem>>
    %dma_start3A_76 = tpu.memref_squeeze %dma_start3A_75 : memref<1x!tpu.dma_semaphore, #tpu.memory_space<semaphore_mem>> -> memref<!tpu.dma_semaphore, #tpu.memory_space<semaphore_mem>>
    %dma_start3A_77 = arith.constant 0 : i32
    %dma_start3A_78 = arith.constant 0 : i32
    %dma_start3A_79 = tpu.memref_slice %arg6[%dma_start3A_67, %dma_start3A_77, %dma_start3A_78] : memref<8x64x128xf32, #tpu.memory_space<vmem>> -> memref<1x64x128xf32, #tpu.memory_space<vmem>>
    %dma_start3A_80 = tpu.memref_squeeze %dma_start3A_79 : memref<1x64x128xf32, #tpu.memory_space<vmem>> -> memref<64x128xf32, #tpu.memory_space<vmem>>
    %dma_start3A_81 = arith.constant 0 : i32
    %dma_start3A_82 = tpu.memref_slice %arg2[%dma_start3A_81, %multiple_of3A_66] : memref<64x1000000xf32, #tpu.memory_space<hbm>> -> memref<64x128xf32, #tpu.memory_space<hbm>>
    tpu.enqueue_dma source(%dma_start3A_82 : memref<64x128xf32, #tpu.memory_space<hbm>>) target(%dma_start3A_80 : memref<64x128xf32, #tpu.memory_space<vmem>>) target_semaphore(%dma_start3A_76 : memref<!tpu.dma_semaphore, #tpu.memory_space<semaphore_mem>>)
    %slice3A_83 = vector.extract_strided_slice %get3A_4 {offsets = [2], sizes = [1], strides = [1]} : vector<16xi32> to vector<1xi32>
    %squeeze3A_84 = vector.extract %slice3A_83[0] : i32 from vector<1xi32>
    %jit3A_85 = arith.constant 128 : i32
    %div3A_86 = arith.divsi %squeeze3A_84, %jit3A_85 : i32
    %sign3A_87 = arith.constant 0 : i32
    %sign3A_88 = arith.cmpi sgt, %squeeze3A_84, %sign3A_87 : i32
    %sign3A_89 = arith.extui %sign3A_88 : i1 to i32
    %sign3A_90 = arith.constant 0 : i32
    %sign3A_91 = arith.cmpi slt, %squeeze3A_84, %sign3A_90 : i32
    %sign3A_92 = arith.extui %sign3A_91 : i1 to i32
    %sign3A_93 = arith.subi %sign3A_89, %sign3A_92 : i32
    %sign3A_94 = arith.constant 0 : i32
    %sign3A_95 = arith.cmpi sgt, %jit3A_85, %sign3A_94 : i32
    %sign3A_96 = arith.extui %sign3A_95 : i1 to i32
    %sign3A_97 = arith.constant 0 : i32
    %sign3A_98 = arith.cmpi slt, %jit3A_85, %sign3A_97 : i32
    %sign3A_99 = arith.extui %sign3A_98 : i1 to i32
    %sign3A_100 = arith.subi %sign3A_96, %sign3A_99 : i32
    %ne3A_101 = arith.cmpi ne, %sign3A_93, %sign3A_100 : i32
    %rem3A_102 = arith.remsi %squeeze3A_84, %jit3A_85 : i32
    %ne3A_103 = arith.constant 0 : i32
    %ne3A_104 = arith.cmpi ne, %rem3A_102, %ne3A_103 : i32
    %and3A_105 = arith.andi %ne3A_101, %ne3A_104 : i1
    %sub3A_106 = arith.constant 1 : i32
    %sub3A_107 = arith.subi %div3A_86, %sub3A_106 : i32
    %select_n3A_108 = arith.select %and3A_105, %sub3A_107, %div3A_86 : i32
    %mul3A_109 = arith.constant 128 : i32
    %mul3A_110 = arith.muli %select_n3A_108, %mul3A_109 : i32
    %multiple_of3A_111 = tpu.assume_multiple %mul3A_110, 128 : i32
    %dma_start3A_112 = arith.constant 2 : i32
    %dma_start3A_113 = arith.constant 2 : i32
    %dma_start3A_114 = arith.constant 0 : i32
    %dma_start3A_115 = arith.constant 0 : i32
    %dma_start3A_116 = tpu.memref_slice %arg6[%dma_start3A_112, %dma_start3A_114, %dma_start3A_115] : memref<8x64x128xf32, #tpu.memory_space<vmem>> -> memref<1x64x128xf32, #tpu.memory_space<vmem>>
    %dma_start3A_117 = tpu.memref_squeeze %dma_start3A_116 : memref<1x64x128xf32, #tpu.memory_space<vmem>> -> memref<64x128xf32, #tpu.memory_space<vmem>>
    %dma_start3A_118 = arith.constant 0 : i32
    %dma_start3A_119 = tpu.memref_slice %arg2[%dma_start3A_118, %multiple_of3A_111] : memref<64x1000000xf32, #tpu.memory_space<hbm>> -> memref<64x128xf32, #tpu.memory_space<hbm>>
    %dma_start3A_120 = tpu.memref_slice %arg8[%dma_start3A_113] : memref<8x!tpu.dma_semaphore, #tpu.memory_space<semaphore_mem>> -> memref<1x!tpu.dma_semaphore, #tpu.memory_space<semaphore_mem>>
    %dma_start3A_121 = tpu.memref_squeeze %dma_start3A_120 : memref<1x!tpu.dma_semaphore, #tpu.memory_space<semaphore_mem>> -> memref<!tpu.dma_semaphore, #tpu.memory_space<semaphore_mem>>
    %dma_start3A_122 = arith.constant 0 : i32
    %dma_start3A_123 = arith.constant 0 : i32
    %dma_start3A_124 = tpu.memref_slice %arg6[%dma_start3A_112, %dma_start3A_122, %dma_start3A_123] : memref<8x64x128xf32, #tpu.memory_space<vmem>> -> memref<1x64x128xf32, #tpu.memory_space<vmem>>
    %dma_start3A_125 = tpu.memref_squeeze %dma_start3A_124 : memref<1x64x128xf32, #tpu.memory_space<vmem>> -> memref<64x128xf32, #tpu.memory_space<vmem>>
    %dma_start3A_126 = arith.constant 0 : i32
    %dma_start3A_127 = tpu.memref_slice %arg2[%dma_start3A_126, %multiple_of3A_111] : memref<64x1000000xf32, #tpu.memory_space<hbm>> -> memref<64x128xf32, #tpu.memory_space<hbm>>
    tpu.enqueue_dma source(%dma_start3A_127 : memref<64x128xf32, #tpu.memory_space<hbm>>) target(%dma_start3A_125 : memref<64x128xf32, #tpu.memory_space<vmem>>) target_semaphore(%dma_start3A_121 : memref<!tpu.dma_semaphore, #tpu.memory_space<semaphore_mem>>)
    %slice3A_128 = vector.extract_strided_slice %get3A_4 {offsets = [3], sizes = [1], strides = [1]} : vector<16xi32> to vector<1xi32>
    %squeeze3A_129 = vector.extract %slice3A_128[0] : i32 from vector<1xi32>
    %jit3A_130 = arith.constant 128 : i32
    %div3A_131 = arith.divsi %squeeze3A_129, %jit3A_130 : i32
    %sign3A_132 = arith.constant 0 : i32
    %sign3A_133 = arith.cmpi sgt, %squeeze3A_129, %sign3A_132 : i32
    %sign3A_134 = arith.extui %sign3A_133 : i1 to i32
    %sign3A_135 = arith.constant 0 : i32
    %sign3A_136 = arith.cmpi slt, %squeeze3A_129, %sign3A_135 : i32
    %sign3A_137 = arith.extui %sign3A_136 : i1 to i32
    %sign3A_138 = arith.subi %sign3A_134, %sign3A_137 : i32
    %sign3A_139 = arith.constant 0 : i32
    %sign3A_140 = arith.cmpi sgt, %jit3A_130, %sign3A_139 : i32
    %sign3A_141 = arith.extui %sign3A_140 : i1 to i32
    %sign3A_142 = arith.constant 0 : i32
    %sign3A_143 = arith.cmpi slt, %jit3A_130, %sign3A_142 : i32
    %sign3A_144 = arith.extui %sign3A_143 : i1 to i32
    %sign3A_145 = arith.subi %sign3A_141, %sign3A_144 : i32
    %ne3A_146 = arith.cmpi ne, %sign3A_138, %sign3A_145 : i32
    %rem3A_147 = arith.remsi %squeeze3A_129, %jit3A_130 : i32
    %ne3A_148 = arith.constant 0 : i32
    %ne3A_149 = arith.cmpi ne, %rem3A_147, %ne3A_148 : i32
    %and3A_150 = arith.andi %ne3A_146, %ne3A_149 : i1
    %sub3A_151 = arith.constant 1 : i32
    %sub3A_152 = arith.subi %div3A_131, %sub3A_151 : i32
    %select_n3A_153 = arith.select %and3A_150, %sub3A_152, %div3A_131 : i32
    %mul3A_154 = arith.constant 128 : i32
    %mul3A_155 = arith.muli %select_n3A_153, %mul3A_154 : i32
    %multiple_of3A_156 = tpu.assume_multiple %mul3A_155, 128 : i32
    %dma_start3A_157 = arith.constant 3 : i32
    %dma_start3A_158 = arith.constant 3 : i32
    %dma_start3A_159 = arith.constant 0 : i32
    %dma_start3A_160 = arith.constant 0 : i32
    %dma_start3A_161 = tpu.memref_slice %arg6[%dma_start3A_157, %dma_start3A_159, %dma_start3A_160] : memref<8x64x128xf32, #tpu.memory_space<vmem>> -> memref<1x64x128xf32, #tpu.memory_space<vmem>>
    %dma_start3A_162 = tpu.memref_squeeze %dma_start3A_161 : memref<1x64x128xf32, #tpu.memory_space<vmem>> -> memref<64x128xf32, #tpu.memory_space<vmem>>
    %dma_start3A_163 = arith.constant 0 : i32
    %dma_start3A_164 = tpu.memref_slice %arg2[%dma_start3A_163, %multiple_of3A_156] : memref<64x1000000xf32, #tpu.memory_space<hbm>> -> memref<64x128xf32, #tpu.memory_space<hbm>>
    %dma_start3A_165 = tpu.memref_slice %arg8[%dma_start3A_158] : memref<8x!tpu.dma_semaphore, #tpu.memory_space<semaphore_mem>> -> memref<1x!tpu.dma_semaphore, #tpu.memory_space<semaphore_mem>>
    %dma_start3A_166 = tpu.memref_squeeze %dma_start3A_165 : memref<1x!tpu.dma_semaphore, #tpu.memory_space<semaphore_mem>> -> memref<!tpu.dma_semaphore, #tpu.memory_space<semaphore_mem>>
    %dma_start3A_167 = arith.constant 0 : i32
    %dma_start3A_168 = arith.constant 0 : i32
    %dma_start3A_169 = tpu.memref_slice %arg6[%dma_start3A_157, %dma_start3A_167, %dma_start3A_168] : memref<8x64x128xf32, #tpu.memory_space<vmem>> -> memref<1x64x128xf32, #tpu.memory_space<vmem>>
    %dma_start3A_170 = tpu.memref_squeeze %dma_start3A_169 : memref<1x64x128xf32, #tpu.memory_space<vmem>> -> memref<64x128xf32, #tpu.memory_space<vmem>>
    %dma_start3A_171 = arith.constant 0 : i32
    %dma_start3A_172 = tpu.memref_slice %arg2[%dma_start3A_171, %multiple_of3A_156] : memref<64x1000000xf32, #tpu.memory_space<hbm>> -> memref<64x128xf32, #tpu.memory_space<hbm>>
    tpu.enqueue_dma source(%dma_start3A_172 : memref<64x128xf32, #tpu.memory_space<hbm>>) target(%dma_start3A_170 : memref<64x128xf32, #tpu.memory_space<vmem>>) target_semaphore(%dma_start3A_166 : memref<!tpu.dma_semaphore, #tpu.memory_space<semaphore_mem>>)
    %slice3A_173 = vector.extract_strided_slice %get3A_4 {offsets = [4], sizes = [1], strides = [1]} : vector<16xi32> to vector<1xi32>
    %squeeze3A_174 = vector.extract %slice3A_173[0] : i32 from vector<1xi32>
    %jit3A_175 = arith.constant 128 : i32
    %div3A_176 = arith.divsi %squeeze3A_174, %jit3A_175 : i32
    %sign3A_177 = arith.constant 0 : i32
    %sign3A_178 = arith.cmpi sgt, %squeeze3A_174, %sign3A_177 : i32
    %sign3A_179 = arith.extui %sign3A_178 : i1 to i32
    %sign3A_180 = arith.constant 0 : i32
    %sign3A_181 = arith.cmpi slt, %squeeze3A_174, %sign3A_180 : i32
    %sign3A_182 = arith.extui %sign3A_181 : i1 to i32
    %sign3A_183 = arith.subi %sign3A_179, %sign3A_182 : i32
    %sign3A_184 = arith.constant 0 : i32
    %sign3A_185 = arith.cmpi sgt, %jit3A_175, %sign3A_184 : i32
    %sign3A_186 = arith.extui %sign3A_185 : i1 to i32
    %sign3A_187 = arith.constant 0 : i32
    %sign3A_188 = arith.cmpi slt, %jit3A_175, %sign3A_187 : i32
    %sign3A_189 = arith.extui %sign3A_188 : i1 to i32
    %sign3A_190 = arith.subi %sign3A_186, %sign3A_189 : i32
    %ne3A_191 = arith.cmpi ne, %sign3A_183, %sign3A_190 : i32
    %rem3A_192 = arith.remsi %squeeze3A_174, %jit3A_175 : i32
    %ne3A_193 = arith.constant 0 : i32
    %ne3A_194 = arith.cmpi ne, %rem3A_192, %ne3A_193 : i32
    %and3A_195 = arith.andi %ne3A_191, %ne3A_194 : i1
    %sub3A_196 = arith.constant 1 : i32
    %sub3A_197 = arith.subi %div3A_176, %sub3A_196 : i32
    %select_n3A_198 = arith.select %and3A_195, %sub3A_197, %div3A_176 : i32
    %mul3A_199 = arith.constant 128 : i32
    %mul3A_200 = arith.muli %select_n3A_198, %mul3A_199 : i32
    %multiple_of3A_201 = tpu.assume_multiple %mul3A_200, 128 : i32
    %dma_start3A_202 = arith.constant 4 : i32
    %dma_start3A_203 = arith.constant 4 : i32
    %dma_start3A_204 = arith.constant 0 : i32
    %dma_start3A_205 = arith.constant 0 : i32
    %dma_start3A_206 = tpu.memref_slice %arg6[%dma_start3A_202, %dma_start3A_204, %dma_start3A_205] : memref<8x64x128xf32, #tpu.memory_space<vmem>> -> memref<1x64x128xf32, #tpu.memory_space<vmem>>
    %dma_start3A_207 = tpu.memref_squeeze %dma_start3A_206 : memref<1x64x128xf32, #tpu.memory_space<vmem>> -> memref<64x128xf32, #tpu.memory_space<vmem>>
    %dma_start3A_208 = arith.constant 0 : i32
    %dma_start3A_209 = tpu.memref_slice %arg2[%dma_start3A_208, %multiple_of3A_201] : memref<64x1000000xf32, #tpu.memory_space<hbm>> -> memref<64x128xf32, #tpu.memory_space<hbm>>
    %dma_start3A_210 = tpu.memref_slice %arg8[%dma_start3A_203] : memref<8x!tpu.dma_semaphore, #tpu.memory_space<semaphore_mem>> -> memref<1x!tpu.dma_semaphore, #tpu.memory_space<semaphore_mem>>
    %dma_start3A_211 = tpu.memref_squeeze %dma_start3A_210 : memref<1x!tpu.dma_semaphore, #tpu.memory_space<semaphore_mem>> -> memref<!tpu.dma_semaphore, #tpu.memory_space<semaphore_mem>>
    %dma_start3A_212 = arith.constant 0 : i32
    %dma_start3A_213 = arith.constant 0 : i32
    %dma_start3A_214 = tpu.memref_slice %arg6[%dma_start3A_202, %dma_start3A_212, %dma_start3A_213] : memref<8x64x128xf32, #tpu.memory_space<vmem>> -> memref<1x64x128xf32, #tpu.memory_space<vmem>>
    %dma_start3A_215 = tpu.memref_squeeze %dma_start3A_214 : memref<1x64x128xf32, #tpu.memory_space<vmem>> -> memref<64x128xf32, #tpu.memory_space<vmem>>
    %dma_start3A_216 = arith.constant 0 : i32
    %dma_start3A_217 = tpu.memref_slice %arg2[%dma_start3A_216, %multiple_of3A_201] : memref<64x1000000xf32, #tpu.memory_space<hbm>> -> memref<64x128xf32, #tpu.memory_space<hbm>>
    tpu.enqueue_dma source(%dma_start3A_217 : memref<64x128xf32, #tpu.memory_space<hbm>>) target(%dma_start3A_215 : memref<64x128xf32, #tpu.memory_space<vmem>>) target_semaphore(%dma_start3A_211 : memref<!tpu.dma_semaphore, #tpu.memory_space<semaphore_mem>>)
    %slice3A_218 = vector.extract_strided_slice %get3A_4 {offsets = [5], sizes = [1], strides = [1]} : vector<16xi32> to vector<1xi32>
    %squeeze3A_219 = vector.extract %slice3A_218[0] : i32 from vector<1xi32>
    %jit3A_220 = arith.constant 128 : i32
    %div3A_221 = arith.divsi %squeeze3A_219, %jit3A_220 : i32
    %sign3A_222 = arith.constant 0 : i32
    %sign3A_223 = arith.cmpi sgt, %squeeze3A_219, %sign3A_222 : i32
    %sign3A_224 = arith.extui %sign3A_223 : i1 to i32
    %sign3A_225 = arith.constant 0 : i32
    %sign3A_226 = arith.cmpi slt, %squeeze3A_219, %sign3A_225 : i32
    %sign3A_227 = arith.extui %sign3A_226 : i1 to i32
    %sign3A_228 = arith.subi %sign3A_224, %sign3A_227 : i32
    %sign3A_229 = arith.constant 0 : i32
    %sign3A_230 = arith.cmpi sgt, %jit3A_220, %sign3A_229 : i32
    %sign3A_231 = arith.extui %sign3A_230 : i1 to i32
    %sign3A_232 = arith.constant 0 : i32
    %sign3A_233 = arith.cmpi slt, %jit3A_220, %sign3A_232 : i32
    %sign3A_234 = arith.extui %sign3A_233 : i1 to i32
    %sign3A_235 = arith.subi %sign3A_231, %sign3A_234 : i32
    %ne3A_236 = arith.cmpi ne, %sign3A_228, %sign3A_235 : i32
    %rem3A_237 = arith.remsi %squeeze3A_219, %jit3A_220 : i32
    %ne3A_238 = arith.constant 0 : i32
    %ne3A_239 = arith.cmpi ne, %rem3A_237, %ne3A_238 : i32
    %and3A_240 = arith.andi %ne3A_236, %ne3A_239 : i1
    %sub3A_241 = arith.constant 1 : i32
    %sub3A_242 = arith.subi %div3A_221, %sub3A_241 : i32
    %select_n3A_243 = arith.select %and3A_240, %sub3A_242, %div3A_221 : i32
    %mul3A_244 = arith.constant 128 : i32
    %mul3A_245 = arith.muli %select_n3A_243, %mul3A_244 : i32
    %multiple_of3A_246 = tpu.assume_multiple %mul3A_245, 128 : i32
    %dma_start3A_247 = arith.constant 5 : i32
    %dma_start3A_248 = arith.constant 5 : i32
    %dma_start3A_249 = arith.constant 0 : i32
    %dma_start3A_250 = arith.constant 0 : i32
    %dma_start3A_251 = tpu.memref_slice %arg6[%dma_start3A_247, %dma_start3A_249, %dma_start3A_250] : memref<8x64x128xf32, #tpu.memory_space<vmem>> -> memref<1x64x128xf32, #tpu.memory_space<vmem>>
    %dma_start3A_252 = tpu.memref_squeeze %dma_start3A_251 : memref<1x64x128xf32, #tpu.memory_space<vmem>> -> memref<64x128xf32, #tpu.memory_space<vmem>>
    %dma_start3A_253 = arith.constant 0 : i32
    %dma_start3A_254 = tpu.memref_slice %arg2[%dma_start3A_253, %multiple_of3A_246] : memref<64x1000000xf32, #tpu.memory_space<hbm>> -> memref<64x128xf32, #tpu.memory_space<hbm>>
    %dma_start3A_255 = tpu.memref_slice %arg8[%dma_start3A_248] : memref<8x!tpu.dma_semaphore, #tpu.memory_space<semaphore_mem>> -> memref<1x!tpu.dma_semaphore, #tpu.memory_space<semaphore_mem>>
    %dma_start3A_256 = tpu.memref_squeeze %dma_start3A_255 : memref<1x!tpu.dma_semaphore, #tpu.memory_space<semaphore_mem>> -> memref<!tpu.dma_semaphore, #tpu.memory_space<semaphore_mem>>
    %dma_start3A_257 = arith.constant 0 : i32
    %dma_start3A_258 = arith.constant 0 : i32
    %dma_start3A_259 = tpu.memref_slice %arg6[%dma_start3A_247, %dma_start3A_257, %dma_start3A_258] : memref<8x64x128xf32, #tpu.memory_space<vmem>> -> memref<1x64x128xf32, #tpu.memory_space<vmem>>
    %dma_start3A_260 = tpu.memref_squeeze %dma_start3A_259 : memref<1x64x128xf32, #tpu.memory_space<vmem>> -> memref<64x128xf32, #tpu.memory_space<vmem>>
    %dma_start3A_261 = arith.constant 0 : i32
    %dma_start3A_262 = tpu.memref_slice %arg2[%dma_start3A_261, %multiple_of3A_246] : memref<64x1000000xf32, #tpu.memory_space<hbm>> -> memref<64x128xf32, #tpu.memory_space<hbm>>
    tpu.enqueue_dma source(%dma_start3A_262 : memref<64x128xf32, #tpu.memory_space<hbm>>) target(%dma_start3A_260 : memref<64x128xf32, #tpu.memory_space<vmem>>) target_semaphore(%dma_start3A_256 : memref<!tpu.dma_semaphore, #tpu.memory_space<semaphore_mem>>)
    %slice3A_263 = vector.extract_strided_slice %get3A_4 {offsets = [6], sizes = [1], strides = [1]} : vector<16xi32> to vector<1xi32>
    %squeeze3A_264 = vector.extract %slice3A_263[0] : i32 from vector<1xi32>
    %jit3A_265 = arith.constant 128 : i32
    %div3A_266 = arith.divsi %squeeze3A_264, %jit3A_265 : i32
    %sign3A_267 = arith.constant 0 : i32
    %sign3A_268 = arith.cmpi sgt, %squeeze3A_264, %sign3A_267 : i32
    %sign3A_269 = arith.extui %sign3A_268 : i1 to i32
    %sign3A_270 = arith.constant 0 : i32
    %sign3A_271 = arith.cmpi slt, %squeeze3A_264, %sign3A_270 : i32
    %sign3A_272 = arith.extui %sign3A_271 : i1 to i32
    %sign3A_273 = arith.subi %sign3A_269, %sign3A_272 : i32
    %sign3A_274 = arith.constant 0 : i32
    %sign3A_275 = arith.cmpi sgt, %jit3A_265, %sign3A_274 : i32
    %sign3A_276 = arith.extui %sign3A_275 : i1 to i32
    %sign3A_277 = arith.constant 0 : i32
    %sign3A_278 = arith.cmpi slt, %jit3A_265, %sign3A_277 : i32
    %sign3A_279 = arith.extui %sign3A_278 : i1 to i32
    %sign3A_280 = arith.subi %sign3A_276, %sign3A_279 : i32
    %ne3A_281 = arith.cmpi ne, %sign3A_273, %sign3A_280 : i32
    %rem3A_282 = arith.remsi %squeeze3A_264, %jit3A_265 : i32
    %ne3A_283 = arith.constant 0 : i32
    %ne3A_284 = arith.cmpi ne, %rem3A_282, %ne3A_283 : i32
    %and3A_285 = arith.andi %ne3A_281, %ne3A_284 : i1
    %sub3A_286 = arith.constant 1 : i32
    %sub3A_287 = arith.subi %div3A_266, %sub3A_286 : i32
    %select_n3A_288 = arith.select %and3A_285, %sub3A_287, %div3A_266 : i32
    %mul3A_289 = arith.constant 128 : i32
    %mul3A_290 = arith.muli %select_n3A_288, %mul3A_289 : i32
    %multiple_of3A_291 = tpu.assume_multiple %mul3A_290, 128 : i32
    %dma_start3A_292 = arith.constant 6 : i32
    %dma_start3A_293 = arith.constant 6 : i32
    %dma_start3A_294 = arith.constant 0 : i32
    %dma_start3A_295 = arith.constant 0 : i32
    %dma_start3A_296 = tpu.memref_slice %arg6[%dma_start3A_292, %dma_start3A_294, %dma_start3A_295] : memref<8x64x128xf32, #tpu.memory_space<vmem>> -> memref<1x64x128xf32, #tpu.memory_space<vmem>>
    %dma_start3A_297 = tpu.memref_squeeze %dma_start3A_296 : memref<1x64x128xf32, #tpu.memory_space<vmem>> -> memref<64x128xf32, #tpu.memory_space<vmem>>
    %dma_start3A_298 = arith.constant 0 : i32
    %dma_start3A_299 = tpu.memref_slice %arg2[%dma_start3A_298, %multiple_of3A_291] : memref<64x1000000xf32, #tpu.memory_space<hbm>> -> memref<64x128xf32, #tpu.memory_space<hbm>>
    %dma_start3A_300 = tpu.memref_slice %arg8[%dma_start3A_293] : memref<8x!tpu.dma_semaphore, #tpu.memory_space<semaphore_mem>> -> memref<1x!tpu.dma_semaphore, #tpu.memory_space<semaphore_mem>>
    %dma_start3A_301 = tpu.memref_squeeze %dma_start3A_300 : memref<1x!tpu.dma_semaphore, #tpu.memory_space<semaphore_mem>> -> memref<!tpu.dma_semaphore, #tpu.memory_space<semaphore_mem>>
    %dma_start3A_302 = arith.constant 0 : i32
    %dma_start3A_303 = arith.constant 0 : i32
    %dma_start3A_304 = tpu.memref_slice %arg6[%dma_start3A_292, %dma_start3A_302, %dma_start3A_303] : memref<8x64x128xf32, #tpu.memory_space<vmem>> -> memref<1x64x128xf32, #tpu.memory_space<vmem>>
    %dma_start3A_305 = tpu.memref_squeeze %dma_start3A_304 : memref<1x64x128xf32, #tpu.memory_space<vmem>> -> memref<64x128xf32, #tpu.memory_space<vmem>>
    %dma_start3A_306 = arith.constant 0 : i32
    %dma_start3A_307 = tpu.memref_slice %arg2[%dma_start3A_306, %multiple_of3A_291] : memref<64x1000000xf32, #tpu.memory_space<hbm>> -> memref<64x128xf32, #tpu.memory_space<hbm>>
    tpu.enqueue_dma source(%dma_start3A_307 : memref<64x128xf32, #tpu.memory_space<hbm>>) target(%dma_start3A_305 : memref<64x128xf32, #tpu.memory_space<vmem>>) target_semaphore(%dma_start3A_301 : memref<!tpu.dma_semaphore, #tpu.memory_space<semaphore_mem>>)
    %slice3A_308 = vector.extract_strided_slice %get3A_4 {offsets = [7], sizes = [1], strides = [1]} : vector<16xi32> to vector<1xi32>
    %squeeze3A_309 = vector.extract %slice3A_308[0] : i32 from vector<1xi32>
    %jit3A_310 = arith.constant 128 : i32
    %div3A_311 = arith.divsi %squeeze3A_309, %jit3A_310 : i32
    %sign3A_312 = arith.constant 0 : i32
    %sign3A_313 = arith.cmpi sgt, %squeeze3A_309, %sign3A_312 : i32
    %sign3A_314 = arith.extui %sign3A_313 : i1 to i32
    %sign3A_315 = arith.constant 0 : i32
    %sign3A_316 = arith.cmpi slt, %squeeze3A_309, %sign3A_315 : i32
    %sign3A_317 = arith.extui %sign3A_316 : i1 to i32
    %sign3A_318 = arith.subi %sign3A_314, %sign3A_317 : i32
    %sign3A_319 = arith.constant 0 : i32
    %sign3A_320 = arith.cmpi sgt, %jit3A_310, %sign3A_319 : i32
    %sign3A_321 = arith.extui %sign3A_320 : i1 to i32
    %sign3A_322 = arith.constant 0 : i32
    %sign3A_323 = arith.cmpi slt, %jit3A_310, %sign3A_322 : i32
    %sign3A_324 = arith.extui %sign3A_323 : i1 to i32
    %sign3A_325 = arith.subi %sign3A_321, %sign3A_324 : i32
    %ne3A_326 = arith.cmpi ne, %sign3A_318, %sign3A_325 : i32
    %rem3A_327 = arith.remsi %squeeze3A_309, %jit3A_310 : i32
    %ne3A_328 = arith.constant 0 : i32
    %ne3A_329 = arith.cmpi ne, %rem3A_327, %ne3A_328 : i32
    %and3A_330 = arith.andi %ne3A_326, %ne3A_329 : i1
    %sub3A_331 = arith.constant 1 : i32
    %sub3A_332 = arith.subi %div3A_311, %sub3A_331 : i32
    %select_n3A_333 = arith.select %and3A_330, %sub3A_332, %div3A_311 : i32
    %mul3A_334 = arith.constant 128 : i32
    %mul3A_335 = arith.muli %select_n3A_333, %mul3A_334 : i32
    %multiple_of3A_336 = tpu.assume_multiple %mul3A_335, 128 : i32
    %dma_start3A_337 = arith.constant 7 : i32
    %dma_start3A_338 = arith.constant 7 : i32
    %dma_start3A_339 = arith.constant 0 : i32
    %dma_start3A_340 = arith.constant 0 : i32
    %dma_start3A_341 = tpu.memref_slice %arg6[%dma_start3A_337, %dma_start3A_339, %dma_start3A_340] : memref<8x64x128xf32, #tpu.memory_space<vmem>> -> memref<1x64x128xf32, #tpu.memory_space<vmem>>
    %dma_start3A_342 = tpu.memref_squeeze %dma_start3A_341 : memref<1x64x128xf32, #tpu.memory_space<vmem>> -> memref<64x128xf32, #tpu.memory_space<vmem>>
    %dma_start3A_343 = arith.constant 0 : i32
    %dma_start3A_344 = tpu.memref_slice %arg2[%dma_start3A_343, %multiple_of3A_336] : memref<64x1000000xf32, #tpu.memory_space<hbm>> -> memref<64x128xf32, #tpu.memory_space<hbm>>
    %dma_start3A_345 = tpu.memref_slice %arg8[%dma_start3A_338] : memref<8x!tpu.dma_semaphore, #tpu.memory_space<semaphore_mem>> -> memref<1x!tpu.dma_semaphore, #tpu.memory_space<semaphore_mem>>
    %dma_start3A_346 = tpu.memref_squeeze %dma_start3A_345 : memref<1x!tpu.dma_semaphore, #tpu.memory_space<semaphore_mem>> -> memref<!tpu.dma_semaphore, #tpu.memory_space<semaphore_mem>>
    %dma_start3A_347 = arith.constant 0 : i32
    %dma_start3A_348 = arith.constant 0 : i32
    %dma_start3A_349 = tpu.memref_slice %arg6[%dma_start3A_337, %dma_start3A_347, %dma_start3A_348] : memref<8x64x128xf32, #tpu.memory_space<vmem>> -> memref<1x64x128xf32, #tpu.memory_space<vmem>>
    %dma_start3A_350 = tpu.memref_squeeze %dma_start3A_349 : memref<1x64x128xf32, #tpu.memory_space<vmem>> -> memref<64x128xf32, #tpu.memory_space<vmem>>
    %dma_start3A_351 = arith.constant 0 : i32
    %dma_start3A_352 = tpu.memref_slice %arg2[%dma_start3A_351, %multiple_of3A_336] : memref<64x1000000xf32, #tpu.memory_space<hbm>> -> memref<64x128xf32, #tpu.memory_space<hbm>>
    tpu.enqueue_dma source(%dma_start3A_352 : memref<64x128xf32, #tpu.memory_space<hbm>>) target(%dma_start3A_350 : memref<64x128xf32, #tpu.memory_space<vmem>>) target_semaphore(%dma_start3A_346 : memref<!tpu.dma_semaphore, #tpu.memory_space<semaphore_mem>>)
    %scan3A = arith.constant 0 : i32
    %scan3A_353 = arith.constant 0 : i32
    %scan3A_354 = arith.constant 32 : i32
    %scan3A_355 = arith.addi %scan3A_353, %scan3A_354 : i32
    %scan3A_356 = arith.constant 1 : i32
    scf.for %scan3A_365 = %scan3A_353 to %scan3A_355 step %scan3A_356  : i32 {
      %mul3A_366 = arith.constant 16 : i32
      %mul3A_367 = arith.muli %scan3A_365, %mul3A_366 : i32
      %get3A_368 = arith.index_cast %mul3A_367 : i32 to index
      %get3A_369 = tpu.vector_load %arg5[%get3A_368] {strides = array<i32>} : memref<528xi32, #tpu.memory_space<vmem>>, vector<16xi32>,
      %mul3A_370 = arith.constant 16 : i32
      %mul3A_371 = arith.muli %scan3A_365, %mul3A_370 : i32
      %add3A_372 = arith.constant 8 : i32
      %add3A_373 = arith.addi %mul3A_371, %add3A_372 : i32
      %get3A_374 = arith.index_cast %add3A_373 : i32 to index
      %get3A_375 = tpu.vector_load %arg5[%get3A_374] {strides = array<i32>} : memref<528xi32, #tpu.memory_space<vmem>>, vector<16xi32>,
      %mul3A_376 = arith.constant 16 : i32
      %mul3A_377 = arith.muli %scan3A_365, %mul3A_376 : i32
      %add3A_378 = arith.constant 0 : i32
      %add3A_379 = arith.addi %mul3A_377, %add3A_378 : i32
      %dma_wait3A_380 = arith.constant 0 : i32
      %dma_wait3A_381 = arith.constant 0 : i32
      %dma_wait3A_382 = arith.constant 0 : i32
      %dma_wait3A_383 = arith.constant 0 : i32
      %dma_wait3A_384 = tpu.memref_slice %arg6[%dma_wait3A_380, %dma_wait3A_382, %dma_wait3A_383] : memref<8x64x128xf32, #tpu.memory_space<vmem>> -> memref<1x64x128xf32, #tpu.memory_space<vmem>>
      %dma_wait3A_385 = tpu.memref_squeeze %dma_wait3A_384 : memref<1x64x128xf32, #tpu.memory_space<vmem>> -> memref<64x128xf32, #tpu.memory_space<vmem>>
      %dma_wait3A_386 = arith.constant 0 : i32
      %dma_wait3A_387 = arith.constant 0 : i32
      %dma_wait3A_388 = tpu.memref_slice %arg2[%dma_wait3A_386, %dma_wait3A_387] : memref<64x1000000xf32, #tpu.memory_space<hbm>> -> memref<64x128xf32, #tpu.memory_space<hbm>>
      %dma_wait3A_389 = tpu.memref_slice %arg8[%dma_wait3A_381] : memref<8x!tpu.dma_semaphore, #tpu.memory_space<semaphore_mem>> -> memref<1x!tpu.dma_semaphore, #tpu.memory_space<semaphore_mem>>
      %dma_wait3A_390 = tpu.memref_squeeze %dma_wait3A_389 : memref<1x!tpu.dma_semaphore, #tpu.memory_space<semaphore_mem>> -> memref<!tpu.dma_semaphore, #tpu.memory_space<semaphore_mem>>
      %dma_wait3A_391 = arith.constant 0 : i32
      %dma_wait3A_392 = arith.constant 0 : i32
      %dma_wait3A_393 = tpu.memref_slice %arg6[%dma_wait3A_380, %dma_wait3A_391, %dma_wait3A_392] : memref<8x64x128xf32, #tpu.memory_space<vmem>> -> memref<1x64x128xf32, #tpu.memory_space<vmem>>
      %dma_wait3A_394 = tpu.memref_squeeze %dma_wait3A_393 : memref<1x64x128xf32, #tpu.memory_space<vmem>> -> memref<64x128xf32, #tpu.memory_space<vmem>>
      %dma_wait3A_395 = arith.constant 0 : i32
      %dma_wait3A_396 = arith.constant 0 : i32
      %dma_wait3A_397 = tpu.memref_slice %arg2[%dma_wait3A_395, %dma_wait3A_396] : memref<64x1000000xf32, #tpu.memory_space<hbm>> -> memref<64x128xf32, #tpu.memory_space<hbm>>
      tpu.wait_dma2 semaphore(%dma_wait3A_390 : memref<!tpu.dma_semaphore, #tpu.memory_space<semaphore_mem>>) src(%dma_wait3A_397 : memref<64x128xf32, #tpu.memory_space<hbm>>) dst(%dma_wait3A_394 : memref<64x128xf32, #tpu.memory_space<vmem>>)
      %slice3A_398 = vector.extract_strided_slice %get3A_369 {offsets = [0], sizes = [1], strides = [1]} : vector<16xi32> to vector<1xi32>
      %squeeze3A_399 = vector.extract %slice3A_398[0] : i32 from vector<1xi32>
      %jit3A_400 = arith.constant 128 : i32
      %div3A_401 = arith.divsi %squeeze3A_399, %jit3A_400 : i32
      %sign3A_402 = arith.constant 0 : i32
      %sign3A_403 = arith.cmpi sgt, %squeeze3A_399, %sign3A_402 : i32
      %sign3A_404 = arith.extui %sign3A_403 : i1 to i32
      %sign3A_405 = arith.constant 0 : i32
      %sign3A_406 = arith.cmpi slt, %squeeze3A_399, %sign3A_405 : i32
      %sign3A_407 = arith.extui %sign3A_406 : i1 to i32
      %sign3A_408 = arith.subi %sign3A_404, %sign3A_407 : i32
      %sign3A_409 = arith.constant 0 : i32
      %sign3A_410 = arith.cmpi sgt, %jit3A_400, %sign3A_409 : i32
      %sign3A_411 = arith.extui %sign3A_410 : i1 to i32
      %sign3A_412 = arith.constant 0 : i32
      %sign3A_413 = arith.cmpi slt, %jit3A_400, %sign3A_412 : i32
      %sign3A_414 = arith.extui %sign3A_413 : i1 to i32
      %sign3A_415 = arith.subi %sign3A_411, %sign3A_414 : i32
      %ne3A_416 = arith.cmpi ne, %sign3A_408, %sign3A_415 : i32
      %rem3A_417 = arith.remsi %squeeze3A_399, %jit3A_400 : i32
      %ne3A_418 = arith.constant 0 : i32
      %ne3A_419 = arith.cmpi ne, %rem3A_417, %ne3A_418 : i32
      %and3A_420 = arith.andi %ne3A_416, %ne3A_419 : i1
      %sub3A_421 = arith.constant 1 : i32
      %sub3A_422 = arith.subi %div3A_401, %sub3A_421 : i32
      %select_n3A_423 = arith.select %and3A_420, %sub3A_422, %div3A_401 : i32
      %mul3A_424 = arith.constant 128 : i32
      %mul3A_425 = arith.muli %select_n3A_423, %mul3A_424 : i32
      %multiple_of3A_426 = tpu.assume_multiple %mul3A_425, 128 : i32
      %sub3A_427 = arith.subi %squeeze3A_399, %multiple_of3A_426 : i32
      %add3A_428 = vector.broadcast %sub3A_427 : i32 to vector<16xi32>
      %add3A_429 = arith.addi %broadcast_in_dim3A_3, %add3A_428 : vector<16xi32>
      %add3A_430 = vector.broadcast %add3A_379 : i32 to vector<16xi32>
      %add3A_431 = arith.addi %broadcast_in_dim3A_3, %add3A_430 : vector<16xi32>
      %add3A_432 = arith.constant 0 : i32
      %add3A_433 = vector.broadcast %add3A_432 : i32 to vector<16xi32>
      %add3A_434 = arith.addi %add3A_433, %iota3A : vector<16xi32>
      %gather3A = arith.constant 0 : i32
      %gather3A_435 = arith.constant 0 : i32
      %gather3A_436 = arith.constant 0 : i32
      %gather3A_437 = tpu.memref_slice %arg6[%gather3A, %gather3A_435, %gather3A_436] : memref<8x64x128xf32, #tpu.memory_space<vmem>> -> memref<1x64x128xf32, #tpu.memory_space<vmem>>
      %gather3A_438 = tpu.memref_squeeze %gather3A_437 : memref<1x64x128xf32, #tpu.memory_space<vmem>> -> memref<64x128xf32, #tpu.memory_space<vmem>>
      %gather3A_439 = tpu.vector_load_idx %gather3A_438[%add3A_434, %add3A_429] : memref<64x128xf32, #tpu.memory_space<vmem>>[vector<16xi32>, vector<16xi32>], vector<16xf32>,
      %add3A_440 = arith.constant 0 : i32
      %add3A_441 = vector.broadcast %add3A_440 : i32 to vector<16xi32>
      %add3A_442 = arith.addi %add3A_441, %iota3A : vector<16xi32>
      tpu.vector_store_idx %arg7[%add3A_442, %add3A_431], %gather3A_439 : memref<64x512xf32, #tpu.memory_space<vmem>>[vector<16xi32>, vector<16xi32>], vector<16xf32>,
      %add3A_443 = arith.constant 16 : i32
      %add3A_444 = vector.broadcast %add3A_443 : i32 to vector<16xi32>
      %add3A_445 = arith.addi %add3A_444, %iota3A : vector<16xi32>
      %gather3A_446 = arith.constant 0 : i32
      %gather3A_447 = arith.constant 0 : i32
      %gather3A_448 = arith.constant 0 : i32
      %gather3A_449 = tpu.memref_slice %arg6[%gather3A_446, %gather3A_447, %gather3A_448] : memref<8x64x128xf32, #tpu.memory_space<vmem>> -> memref<1x64x128xf32, #tpu.memory_space<vmem>>
      %gather3A_450 = tpu.memref_squeeze %gather3A_449 : memref<1x64x128xf32, #tpu.memory_space<vmem>> -> memref<64x128xf32, #tpu.memory_space<vmem>>
      %gather3A_451 = tpu.vector_load_idx %gather3A_450[%add3A_445, %add3A_429] : memref<64x128xf32, #tpu.memory_space<vmem>>[vector<16xi32>, vector<16xi32>], vector<16xf32>,
      %add3A_452 = arith.constant 16 : i32
      %add3A_453 = vector.broadcast %add3A_452 : i32 to vector<16xi32>
      %add3A_454 = arith.addi %add3A_453, %iota3A : vector<16xi32>
      tpu.vector_store_idx %arg7[%add3A_454, %add3A_431], %gather3A_451 : memref<64x512xf32, #tpu.memory_space<vmem>>[vector<16xi32>, vector<16xi32>], vector<16xf32>,
      %add3A_455 = arith.constant 32 : i32
      %add3A_456 = vector.broadcast %add3A_455 : i32 to vector<16xi32>
      %add3A_457 = arith.addi %add3A_456, %iota3A : vector<16xi32>
      %gather3A_458 = arith.constant 0 : i32
      %gather3A_459 = arith.constant 0 : i32
      %gather3A_460 = arith.constant 0 : i32
      %gather3A_461 = tpu.memref_slice %arg6[%gather3A_458, %gather3A_459, %gather3A_460] : memref<8x64x128xf32, #tpu.memory_space<vmem>> -> memref<1x64x128xf32, #tpu.memory_space<vmem>>
      %gather3A_462 = tpu.memref_squeeze %gather3A_461 : memref<1x64x128xf32, #tpu.memory_space<vmem>> -> memref<64x128xf32, #tpu.memory_space<vmem>>
      %gather3A_463 = tpu.vector_load_idx %gather3A_462[%add3A_457, %add3A_429] : memref<64x128xf32, #tpu.memory_space<vmem>>[vector<16xi32>, vector<16xi32>], vector<16xf32>,
      %add3A_464 = arith.constant 32 : i32
      %add3A_465 = vector.broadcast %add3A_464 : i32 to vector<16xi32>
      %add3A_466 = arith.addi %add3A_465, %iota3A : vector<16xi32>
      tpu.vector_store_idx %arg7[%add3A_466, %add3A_431], %gather3A_463 : memref<64x512xf32, #tpu.memory_space<vmem>>[vector<16xi32>, vector<16xi32>], vector<16xf32>,
      %add3A_467 = arith.constant 48 : i32
      %add3A_468 = vector.broadcast %add3A_467 : i32 to vector<16xi32>
      %add3A_469 = arith.addi %add3A_468, %iota3A : vector<16xi32>
      %gather3A_470 = arith.constant 0 : i32
      %gather3A_471 = arith.constant 0 : i32
      %gather3A_472 = arith.constant 0 : i32
      %gather3A_473 = tpu.memref_slice %arg6[%gather3A_470, %gather3A_471, %gather3A_472] : memref<8x64x128xf32, #tpu.memory_space<vmem>> -> memref<1x64x128xf32, #tpu.memory_space<vmem>>
      %gather3A_474 = tpu.memref_squeeze %gather3A_473 : memref<1x64x128xf32, #tpu.memory_space<vmem>> -> memref<64x128xf32, #tpu.memory_space<vmem>>
      %gather3A_475 = tpu.vector_load_idx %gather3A_474[%add3A_469, %add3A_429] : memref<64x128xf32, #tpu.memory_space<vmem>>[vector<16xi32>, vector<16xi32>], vector<16xf32>,
      %add3A_476 = arith.constant 48 : i32
      %add3A_477 = vector.broadcast %add3A_476 : i32 to vector<16xi32>
      %add3A_478 = arith.addi %add3A_477, %iota3A : vector<16xi32>
      tpu.vector_store_idx %arg7[%add3A_478, %add3A_431], %gather3A_475 : memref<64x512xf32, #tpu.memory_space<vmem>>[vector<16xi32>, vector<16xi32>], vector<16xf32>,
      %add3A_479 = arith.constant 8 : i32
      %add3A_480 = arith.addi %add3A_379, %add3A_479 : i32
      %lt3A = arith.constant 512 : i32
      %lt3A_481 = arith.cmpi slt, %add3A_480, %lt3A : i32
      %convert_element_type3A = arith.extui %lt3A_481 : i1 to i32
      %cond3A = arith.constant 0 : i32
      %cond3A_482 = arith.cmpi ne, %convert_element_type3A, %cond3A : i32
      scf.if %cond3A_482 {
        %slice3A_2148 = vector.extract_strided_slice %get3A_375 {offsets = [0], sizes = [1], strides = [1]} : vector<16xi32> to vector<1xi32>
        %squeeze3A_2149 = vector.extract %slice3A_2148[0] : i32 from vector<1xi32>
        %jit3A_2150 = arith.constant 128 : i32
        %div3A_2151 = arith.divsi %squeeze3A_2149, %jit3A_2150 : i32
        %sign3A_2152 = arith.constant 0 : i32
        %sign3A_2153 = arith.cmpi sgt, %squeeze3A_2149, %sign3A_2152 : i32
        %sign3A_2154 = arith.extui %sign3A_2153 : i1 to i32
        %sign3A_2155 = arith.constant 0 : i32
        %sign3A_2156 = arith.cmpi slt, %squeeze3A_2149, %sign3A_2155 : i32
        %sign3A_2157 = arith.extui %sign3A_2156 : i1 to i32
        %sign3A_2158 = arith.subi %sign3A_2154, %sign3A_2157 : i32
        %sign3A_2159 = arith.constant 0 : i32
        %sign3A_2160 = arith.cmpi sgt, %jit3A_2150, %sign3A_2159 : i32
        %sign3A_2161 = arith.extui %sign3A_2160 : i1 to i32
        %sign3A_2162 = arith.constant 0 : i32
        %sign3A_2163 = arith.cmpi slt, %jit3A_2150, %sign3A_2162 : i32
        %sign3A_2164 = arith.extui %sign3A_2163 : i1 to i32
        %sign3A_2165 = arith.subi %sign3A_2161, %sign3A_2164 : i32
        %ne3A_2166 = arith.cmpi ne, %sign3A_2158, %sign3A_2165 : i32
        %rem3A_2167 = arith.remsi %squeeze3A_2149, %jit3A_2150 : i32
        %ne3A_2168 = arith.constant 0 : i32
        %ne3A_2169 = arith.cmpi ne, %rem3A_2167, %ne3A_2168 : i32
        %and3A_2170 = arith.andi %ne3A_2166, %ne3A_2169 : i1
        %sub3A_2171 = arith.constant 1 : i32
        %sub3A_2172 = arith.subi %div3A_2151, %sub3A_2171 : i32
        %select_n3A_2173 = arith.select %and3A_2170, %sub3A_2172, %div3A_2151 : i32
        %mul3A_2174 = arith.constant 128 : i32
        %mul3A_2175 = arith.muli %select_n3A_2173, %mul3A_2174 : i32
        %multiple_of3A_2176 = tpu.assume_multiple %mul3A_2175, 128 : i32
        %dma_start3A_2177 = arith.constant 0 : i32
        %dma_start3A_2178 = arith.constant 0 : i32
        %dma_start3A_2179 = arith.constant 0 : i32
        %dma_start3A_2180 = arith.constant 0 : i32
        %dma_start3A_2181 = tpu.memref_slice %arg6[%dma_start3A_2177, %dma_start3A_2179, %dma_start3A_2180] : memref<8x64x128xf32, #tpu.memory_space<vmem>> -> memref<1x64x128xf32, #tpu.memory_space<vmem>>
        %dma_start3A_2182 = tpu.memref_squeeze %dma_start3A_2181 : memref<1x64x128xf32, #tpu.memory_space<vmem>> -> memref<64x128xf32, #tpu.memory_space<vmem>>
        %dma_start3A_2183 = arith.constant 0 : i32
        %dma_start3A_2184 = tpu.memref_slice %arg2[%dma_start3A_2183, %multiple_of3A_2176] : memref<64x1000000xf32, #tpu.memory_space<hbm>> -> memref<64x128xf32, #tpu.memory_space<hbm>>
        %dma_start3A_2185 = tpu.memref_slice %arg8[%dma_start3A_2178] : memref<8x!tpu.dma_semaphore, #tpu.memory_space<semaphore_mem>> -> memref<1x!tpu.dma_semaphore, #tpu.memory_space<semaphore_mem>>
        %dma_start3A_2186 = tpu.memref_squeeze %dma_start3A_2185 : memref<1x!tpu.dma_semaphore, #tpu.memory_space<semaphore_mem>> -> memref<!tpu.dma_semaphore, #tpu.memory_space<semaphore_mem>>
        %dma_start3A_2187 = arith.constant 0 : i32
        %dma_start3A_2188 = arith.constant 0 : i32
        %dma_start3A_2189 = tpu.memref_slice %arg6[%dma_start3A_2177, %dma_start3A_2187, %dma_start3A_2188] : memref<8x64x128xf32, #tpu.memory_space<vmem>> -> memref<1x64x128xf32, #tpu.memory_space<vmem>>
        %dma_start3A_2190 = tpu.memref_squeeze %dma_start3A_2189 : memref<1x64x128xf32, #tpu.memory_space<vmem>> -> memref<64x128xf32, #tpu.memory_space<vmem>>
        %dma_start3A_2191 = arith.constant 0 : i32
        %dma_start3A_2192 = tpu.memref_slice %arg2[%dma_start3A_2191, %multiple_of3A_2176] : memref<64x1000000xf32, #tpu.memory_space<hbm>> -> memref<64x128xf32, #tpu.memory_space<hbm>>
        tpu.enqueue_dma source(%dma_start3A_2192 : memref<64x128xf32, #tpu.memory_space<hbm>>) target(%dma_start3A_2190 : memref<64x128xf32, #tpu.memory_space<vmem>>) target_semaphore(%dma_start3A_2186 : memref<!tpu.dma_semaphore, #tpu.memory_space<semaphore_mem>>)
      } else {
      }
      %mul3A_483 = arith.constant 16 : i32
      %mul3A_484 = arith.muli %scan3A_365, %mul3A_483 : i32
      %add3A_485 = arith.constant 1 : i32
      %add3A_486 = arith.addi %mul3A_484, %add3A_485 : i32
      %dma_wait3A_487 = arith.constant 1 : i32
      %dma_wait3A_488 = arith.constant 1 : i32
      %dma_wait3A_489 = arith.constant 0 : i32
      %dma_wait3A_490 = arith.constant 0 : i32
      %dma_wait3A_491 = tpu.memref_slice %arg6[%dma_wait3A_487, %dma_wait3A_489, %dma_wait3A_490] : memref<8x64x128xf32, #tpu.memory_space<vmem>> -> memref<1x64x128xf32, #tpu.memory_space<vmem>>
      %dma_wait3A_492 = tpu.memref_squeeze %dma_wait3A_491 : memref<1x64x128xf32, #tpu.memory_space<vmem>> -> memref<64x128xf32, #tpu.memory_space<vmem>>
      %dma_wait3A_493 = arith.constant 0 : i32
      %dma_wait3A_494 = arith.constant 0 : i32
      %dma_wait3A_495 = tpu.memref_slice %arg2[%dma_wait3A_493, %dma_wait3A_494] : memref<64x1000000xf32, #tpu.memory_space<hbm>> -> memref<64x128xf32, #tpu.memory_space<hbm>>
      %dma_wait3A_496 = tpu.memref_slice %arg8[%dma_wait3A_488] : memref<8x!tpu.dma_semaphore, #tpu.memory_space<semaphore_mem>> -> memref<1x!tpu.dma_semaphore, #tpu.memory_space<semaphore_mem>>
      %dma_wait3A_497 = tpu.memref_squeeze %dma_wait3A_496 : memref<1x!tpu.dma_semaphore, #tpu.memory_space<semaphore_mem>> -> memref<!tpu.dma_semaphore, #tpu.memory_space<semaphore_mem>>
      %dma_wait3A_498 = arith.constant 0 : i32
      %dma_wait3A_499 = arith.constant 0 : i32
      %dma_wait3A_500 = tpu.memref_slice %arg6[%dma_wait3A_487, %dma_wait3A_498, %dma_wait3A_499] : memref<8x64x128xf32, #tpu.memory_space<vmem>> -> memref<1x64x128xf32, #tpu.memory_space<vmem>>
      %dma_wait3A_501 = tpu.memref_squeeze %dma_wait3A_500 : memref<1x64x128xf32, #tpu.memory_space<vmem>> -> memref<64x128xf32, #tpu.memory_space<vmem>>
      %dma_wait3A_502 = arith.constant 0 : i32
      %dma_wait3A_503 = arith.constant 0 : i32
      %dma_wait3A_504 = tpu.memref_slice %arg2[%dma_wait3A_502, %dma_wait3A_503] : memref<64x1000000xf32, #tpu.memory_space<hbm>> -> memref<64x128xf32, #tpu.memory_space<hbm>>
      tpu.wait_dma2 semaphore(%dma_wait3A_497 : memref<!tpu.dma_semaphore, #tpu.memory_space<semaphore_mem>>) src(%dma_wait3A_504 : memref<64x128xf32, #tpu.memory_space<hbm>>) dst(%dma_wait3A_501 : memref<64x128xf32, #tpu.memory_space<vmem>>)
      %slice3A_505 = vector.extract_strided_slice %get3A_369 {offsets = [1], sizes = [1], strides = [1]} : vector<16xi32> to vector<1xi32>
      %squeeze3A_506 = vector.extract %slice3A_505[0] : i32 from vector<1xi32>
      %jit3A_507 = arith.constant 128 : i32
      %div3A_508 = arith.divsi %squeeze3A_506, %jit3A_507 : i32
      %sign3A_509 = arith.constant 0 : i32
      %sign3A_510 = arith.cmpi sgt, %squeeze3A_506, %sign3A_509 : i32
      %sign3A_511 = arith.extui %sign3A_510 : i1 to i32
      %sign3A_512 = arith.constant 0 : i32
      %sign3A_513 = arith.cmpi slt, %squeeze3A_506, %sign3A_512 : i32
      %sign3A_514 = arith.extui %sign3A_513 : i1 to i32
      %sign3A_515 = arith.subi %sign3A_511, %sign3A_514 : i32
      %sign3A_516 = arith.constant 0 : i32
      %sign3A_517 = arith.cmpi sgt, %jit3A_507, %sign3A_516 : i32
      %sign3A_518 = arith.extui %sign3A_517 : i1 to i32
      %sign3A_519 = arith.constant 0 : i32
      %sign3A_520 = arith.cmpi slt, %jit3A_507, %sign3A_519 : i32
      %sign3A_521 = arith.extui %sign3A_520 : i1 to i32
      %sign3A_522 = arith.subi %sign3A_518, %sign3A_521 : i32
      %ne3A_523 = arith.cmpi ne, %sign3A_515, %sign3A_522 : i32
      %rem3A_524 = arith.remsi %squeeze3A_506, %jit3A_507 : i32
      %ne3A_525 = arith.constant 0 : i32
      %ne3A_526 = arith.cmpi ne, %rem3A_524, %ne3A_525 : i32
      %and3A_527 = arith.andi %ne3A_523, %ne3A_526 : i1
      %sub3A_528 = arith.constant 1 : i32
      %sub3A_529 = arith.subi %div3A_508, %sub3A_528 : i32
      %select_n3A_530 = arith.select %and3A_527, %sub3A_529, %div3A_508 : i32
      %mul3A_531 = arith.constant 128 : i32
      %mul3A_532 = arith.muli %select_n3A_530, %mul3A_531 : i32
      %multiple_of3A_533 = tpu.assume_multiple %mul3A_532, 128 : i32
      %sub3A_534 = arith.subi %squeeze3A_506, %multiple_of3A_533 : i32
      %add3A_535 = vector.broadcast %sub3A_534 : i32 to vector<16xi32>
      %add3A_536 = arith.addi %broadcast_in_dim3A_3, %add3A_535 : vector<16xi32>
      %add3A_537 = vector.broadcast %add3A_486 : i32 to vector<16xi32>
      %add3A_538 = arith.addi %broadcast_in_dim3A_3, %add3A_537 : vector<16xi32>
      %add3A_539 = arith.constant 0 : i32
      %add3A_540 = vector.broadcast %add3A_539 : i32 to vector<16xi32>
      %add3A_541 = arith.addi %add3A_540, %iota3A : vector<16xi32>
      %gather3A_542 = arith.constant 1 : i32
      %gather3A_543 = arith.constant 0 : i32
      %gather3A_544 = arith.constant 0 : i32
      %gather3A_545 = tpu.memref_slice %arg6[%gather3A_542, %gather3A_543, %gather3A_544] : memref<8x64x128xf32, #tpu.memory_space<vmem>> -> memref<1x64x128xf32, #tpu.memory_space<vmem>>
      %gather3A_546 = tpu.memref_squeeze %gather3A_545 : memref<1x64x128xf32, #tpu.memory_space<vmem>> -> memref<64x128xf32, #tpu.memory_space<vmem>>
      %gather3A_547 = tpu.vector_load_idx %gather3A_546[%add3A_541, %add3A_536] : memref<64x128xf32, #tpu.memory_space<vmem>>[vector<16xi32>, vector<16xi32>], vector<16xf32>,
      %add3A_548 = arith.constant 0 : i32
      %add3A_549 = vector.broadcast %add3A_548 : i32 to vector<16xi32>
      %add3A_550 = arith.addi %add3A_549, %iota3A : vector<16xi32>
      tpu.vector_store_idx %arg7[%add3A_550, %add3A_538], %gather3A_547 : memref<64x512xf32, #tpu.memory_space<vmem>>[vector<16xi32>, vector<16xi32>], vector<16xf32>,
      %add3A_551 = arith.constant 16 : i32
      %add3A_552 = vector.broadcast %add3A_551 : i32 to vector<16xi32>
      %add3A_553 = arith.addi %add3A_552, %iota3A : vector<16xi32>
      %gather3A_554 = arith.constant 1 : i32
      %gather3A_555 = arith.constant 0 : i32
      %gather3A_556 = arith.constant 0 : i32
      %gather3A_557 = tpu.memref_slice %arg6[%gather3A_554, %gather3A_555, %gather3A_556] : memref<8x64x128xf32, #tpu.memory_space<vmem>> -> memref<1x64x128xf32, #tpu.memory_space<vmem>>
      %gather3A_558 = tpu.memref_squeeze %gather3A_557 : memref<1x64x128xf32, #tpu.memory_space<vmem>> -> memref<64x128xf32, #tpu.memory_space<vmem>>
      %gather3A_559 = tpu.vector_load_idx %gather3A_558[%add3A_553, %add3A_536] : memref<64x128xf32, #tpu.memory_space<vmem>>[vector<16xi32>, vector<16xi32>], vector<16xf32>,
      %add3A_560 = arith.constant 16 : i32
      %add3A_561 = vector.broadcast %add3A_560 : i32 to vector<16xi32>
      %add3A_562 = arith.addi %add3A_561, %iota3A : vector<16xi32>
      tpu.vector_store_idx %arg7[%add3A_562, %add3A_538], %gather3A_559 : memref<64x512xf32, #tpu.memory_space<vmem>>[vector<16xi32>, vector<16xi32>], vector<16xf32>,
      %add3A_563 = arith.constant 32 : i32
      %add3A_564 = vector.broadcast %add3A_563 : i32 to vector<16xi32>
      %add3A_565 = arith.addi %add3A_564, %iota3A : vector<16xi32>
      %gather3A_566 = arith.constant 1 : i32
      %gather3A_567 = arith.constant 0 : i32
      %gather3A_568 = arith.constant 0 : i32
      %gather3A_569 = tpu.memref_slice %arg6[%gather3A_566, %gather3A_567, %gather3A_568] : memref<8x64x128xf32, #tpu.memory_space<vmem>> -> memref<1x64x128xf32, #tpu.memory_space<vmem>>
      %gather3A_570 = tpu.memref_squeeze %gather3A_569 : memref<1x64x128xf32, #tpu.memory_space<vmem>> -> memref<64x128xf32, #tpu.memory_space<vmem>>
      %gather3A_571 = tpu.vector_load_idx %gather3A_570[%add3A_565, %add3A_536] : memref<64x128xf32, #tpu.memory_space<vmem>>[vector<16xi32>, vector<16xi32>], vector<16xf32>,
      %add3A_572 = arith.constant 32 : i32
      %add3A_573 = vector.broadcast %add3A_572 : i32 to vector<16xi32>
      %add3A_574 = arith.addi %add3A_573, %iota3A : vector<16xi32>
      tpu.vector_store_idx %arg7[%add3A_574, %add3A_538], %gather3A_571 : memref<64x512xf32, #tpu.memory_space<vmem>>[vector<16xi32>, vector<16xi32>], vector<16xf32>,
      %add3A_575 = arith.constant 48 : i32
      %add3A_576 = vector.broadcast %add3A_575 : i32 to vector<16xi32>
      %add3A_577 = arith.addi %add3A_576, %iota3A : vector<16xi32>
      %gather3A_578 = arith.constant 1 : i32
      %gather3A_579 = arith.constant 0 : i32
      %gather3A_580 = arith.constant 0 : i32
      %gather3A_581 = tpu.memref_slice %arg6[%gather3A_578, %gather3A_579, %gather3A_580] : memref<8x64x128xf32, #tpu.memory_space<vmem>> -> memref<1x64x128xf32, #tpu.memory_space<vmem>>
      %gather3A_582 = tpu.memref_squeeze %gather3A_581 : memref<1x64x128xf32, #tpu.memory_space<vmem>> -> memref<64x128xf32, #tpu.memory_space<vmem>>
      %gather3A_583 = tpu.vector_load_idx %gather3A_582[%add3A_577, %add3A_536] : memref<64x128xf32, #tpu.memory_space<vmem>>[vector<16xi32>, vector<16xi32>], vector<16xf32>,
      %add3A_584 = arith.constant 48 : i32
      %add3A_585 = vector.broadcast %add3A_584 : i32 to vector<16xi32>
      %add3A_586 = arith.addi %add3A_585, %iota3A : vector<16xi32>
      tpu.vector_store_idx %arg7[%add3A_586, %add3A_538], %gather3A_583 : memref<64x512xf32, #tpu.memory_space<vmem>>[vector<16xi32>, vector<16xi32>], vector<16xf32>,
      %add3A_587 = arith.constant 8 : i32
      %add3A_588 = arith.addi %add3A_486, %add3A_587 : i32
      %lt3A_589 = arith.constant 512 : i32
      %lt3A_590 = arith.cmpi slt, %add3A_588, %lt3A_589 : i32
      %convert_element_type3A_591 = arith.extui %lt3A_590 : i1 to i32
      %cond3A_592 = arith.constant 0 : i32
      %cond3A_593 = arith.cmpi ne, %convert_element_type3A_591, %cond3A_592 : i32
      scf.if %cond3A_593 {
        %slice3A_2148 = vector.extract_strided_slice %get3A_375 {offsets = [1], sizes = [1], strides = [1]} : vector<16xi32> to vector<1xi32>
        %squeeze3A_2149 = vector.extract %slice3A_2148[0] : i32 from vector<1xi32>
        %jit3A_2150 = arith.constant 128 : i32
        %div3A_2151 = arith.divsi %squeeze3A_2149, %jit3A_2150 : i32
        %sign3A_2152 = arith.constant 0 : i32
        %sign3A_2153 = arith.cmpi sgt, %squeeze3A_2149, %sign3A_2152 : i32
        %sign3A_2154 = arith.extui %sign3A_2153 : i1 to i32
        %sign3A_2155 = arith.constant 0 : i32
        %sign3A_2156 = arith.cmpi slt, %squeeze3A_2149, %sign3A_2155 : i32
        %sign3A_2157 = arith.extui %sign3A_2156 : i1 to i32
        %sign3A_2158 = arith.subi %sign3A_2154, %sign3A_2157 : i32
        %sign3A_2159 = arith.constant 0 : i32
        %sign3A_2160 = arith.cmpi sgt, %jit3A_2150, %sign3A_2159 : i32
        %sign3A_2161 = arith.extui %sign3A_2160 : i1 to i32
        %sign3A_2162 = arith.constant 0 : i32
        %sign3A_2163 = arith.cmpi slt, %jit3A_2150, %sign3A_2162 : i32
        %sign3A_2164 = arith.extui %sign3A_2163 : i1 to i32
        %sign3A_2165 = arith.subi %sign3A_2161, %sign3A_2164 : i32
        %ne3A_2166 = arith.cmpi ne, %sign3A_2158, %sign3A_2165 : i32
        %rem3A_2167 = arith.remsi %squeeze3A_2149, %jit3A_2150 : i32
        %ne3A_2168 = arith.constant 0 : i32
        %ne3A_2169 = arith.cmpi ne, %rem3A_2167, %ne3A_2168 : i32
        %and3A_2170 = arith.andi %ne3A_2166, %ne3A_2169 : i1
        %sub3A_2171 = arith.constant 1 : i32
        %sub3A_2172 = arith.subi %div3A_2151, %sub3A_2171 : i32
        %select_n3A_2173 = arith.select %and3A_2170, %sub3A_2172, %div3A_2151 : i32
        %mul3A_2174 = arith.constant 128 : i32
        %mul3A_2175 = arith.muli %select_n3A_2173, %mul3A_2174 : i32
        %multiple_of3A_2176 = tpu.assume_multiple %mul3A_2175, 128 : i32
        %dma_start3A_2177 = arith.constant 1 : i32
        %dma_start3A_2178 = arith.constant 1 : i32
        %dma_start3A_2179 = arith.constant 0 : i32
        %dma_start3A_2180 = arith.constant 0 : i32
        %dma_start3A_2181 = tpu.memref_slice %arg6[%dma_start3A_2177, %dma_start3A_2179, %dma_start3A_2180] : memref<8x64x128xf32, #tpu.memory_space<vmem>> -> memref<1x64x128xf32, #tpu.memory_space<vmem>>
        %dma_start3A_2182 = tpu.memref_squeeze %dma_start3A_2181 : memref<1x64x128xf32, #tpu.memory_space<vmem>> -> memref<64x128xf32, #tpu.memory_space<vmem>>
        %dma_start3A_2183 = arith.constant 0 : i32
        %dma_start3A_2184 = tpu.memref_slice %arg2[%dma_start3A_2183, %multiple_of3A_2176] : memref<64x1000000xf32, #tpu.memory_space<hbm>> -> memref<64x128xf32, #tpu.memory_space<hbm>>
        %dma_start3A_2185 = tpu.memref_slice %arg8[%dma_start3A_2178] : memref<8x!tpu.dma_semaphore, #tpu.memory_space<semaphore_mem>> -> memref<1x!tpu.dma_semaphore, #tpu.memory_space<semaphore_mem>>
        %dma_start3A_2186 = tpu.memref_squeeze %dma_start3A_2185 : memref<1x!tpu.dma_semaphore, #tpu.memory_space<semaphore_mem>> -> memref<!tpu.dma_semaphore, #tpu.memory_space<semaphore_mem>>
        %dma_start3A_2187 = arith.constant 0 : i32
        %dma_start3A_2188 = arith.constant 0 : i32
        %dma_start3A_2189 = tpu.memref_slice %arg6[%dma_start3A_2177, %dma_start3A_2187, %dma_start3A_2188] : memref<8x64x128xf32, #tpu.memory_space<vmem>> -> memref<1x64x128xf32, #tpu.memory_space<vmem>>
        %dma_start3A_2190 = tpu.memref_squeeze %dma_start3A_2189 : memref<1x64x128xf32, #tpu.memory_space<vmem>> -> memref<64x128xf32, #tpu.memory_space<vmem>>
        %dma_start3A_2191 = arith.constant 0 : i32
        %dma_start3A_2192 = tpu.memref_slice %arg2[%dma_start3A_2191, %multiple_of3A_2176] : memref<64x1000000xf32, #tpu.memory_space<hbm>> -> memref<64x128xf32, #tpu.memory_space<hbm>>
        tpu.enqueue_dma source(%dma_start3A_2192 : memref<64x128xf32, #tpu.memory_space<hbm>>) target(%dma_start3A_2190 : memref<64x128xf32, #tpu.memory_space<vmem>>) target_semaphore(%dma_start3A_2186 : memref<!tpu.dma_semaphore, #tpu.memory_space<semaphore_mem>>)
      } else {
      }
      %mul3A_594 = arith.constant 16 : i32
      %mul3A_595 = arith.muli %scan3A_365, %mul3A_594 : i32
      %add3A_596 = arith.constant 2 : i32
      %add3A_597 = arith.addi %mul3A_595, %add3A_596 : i32
      %dma_wait3A_598 = arith.constant 2 : i32
      %dma_wait3A_599 = arith.constant 2 : i32
      %dma_wait3A_600 = arith.constant 0 : i32
      %dma_wait3A_601 = arith.constant 0 : i32
      %dma_wait3A_602 = tpu.memref_slice %arg6[%dma_wait3A_598, %dma_wait3A_600, %dma_wait3A_601] : memref<8x64x128xf32, #tpu.memory_space<vmem>> -> memref<1x64x128xf32, #tpu.memory_space<vmem>>
      %dma_wait3A_603 = tpu.memref_squeeze %dma_wait3A_602 : memref<1x64x128xf32, #tpu.memory_space<vmem>> -> memref<64x128xf32, #tpu.memory_space<vmem>>
      %dma_wait3A_604 = arith.constant 0 : i32
      %dma_wait3A_605 = arith.constant 0 : i32
      %dma_wait3A_606 = tpu.memref_slice %arg2[%dma_wait3A_604, %dma_wait3A_605] : memref<64x1000000xf32, #tpu.memory_space<hbm>> -> memref<64x128xf32, #tpu.memory_space<hbm>>
      %dma_wait3A_607 = tpu.memref_slice %arg8[%dma_wait3A_599] : memref<8x!tpu.dma_semaphore, #tpu.memory_space<semaphore_mem>> -> memref<1x!tpu.dma_semaphore, #tpu.memory_space<semaphore_mem>>
      %dma_wait3A_608 = tpu.memref_squeeze %dma_wait3A_607 : memref<1x!tpu.dma_semaphore, #tpu.memory_space<semaphore_mem>> -> memref<!tpu.dma_semaphore, #tpu.memory_space<semaphore_mem>>
      %dma_wait3A_609 = arith.constant 0 : i32
      %dma_wait3A_610 = arith.constant 0 : i32
      %dma_wait3A_611 = tpu.memref_slice %arg6[%dma_wait3A_598, %dma_wait3A_609, %dma_wait3A_610] : memref<8x64x128xf32, #tpu.memory_space<vmem>> -> memref<1x64x128xf32, #tpu.memory_space<vmem>>
      %dma_wait3A_612 = tpu.memref_squeeze %dma_wait3A_611 : memref<1x64x128xf32, #tpu.memory_space<vmem>> -> memref<64x128xf32, #tpu.memory_space<vmem>>
      %dma_wait3A_613 = arith.constant 0 : i32
      %dma_wait3A_614 = arith.constant 0 : i32
      %dma_wait3A_615 = tpu.memref_slice %arg2[%dma_wait3A_613, %dma_wait3A_614] : memref<64x1000000xf32, #tpu.memory_space<hbm>> -> memref<64x128xf32, #tpu.memory_space<hbm>>
      tpu.wait_dma2 semaphore(%dma_wait3A_608 : memref<!tpu.dma_semaphore, #tpu.memory_space<semaphore_mem>>) src(%dma_wait3A_615 : memref<64x128xf32, #tpu.memory_space<hbm>>) dst(%dma_wait3A_612 : memref<64x128xf32, #tpu.memory_space<vmem>>)
      %slice3A_616 = vector.extract_strided_slice %get3A_369 {offsets = [2], sizes = [1], strides = [1]} : vector<16xi32> to vector<1xi32>
      %squeeze3A_617 = vector.extract %slice3A_616[0] : i32 from vector<1xi32>
      %jit3A_618 = arith.constant 128 : i32
      %div3A_619 = arith.divsi %squeeze3A_617, %jit3A_618 : i32
      %sign3A_620 = arith.constant 0 : i32
      %sign3A_621 = arith.cmpi sgt, %squeeze3A_617, %sign3A_620 : i32
      %sign3A_622 = arith.extui %sign3A_621 : i1 to i32
      %sign3A_623 = arith.constant 0 : i32
      %sign3A_624 = arith.cmpi slt, %squeeze3A_617, %sign3A_623 : i32
      %sign3A_625 = arith.extui %sign3A_624 : i1 to i32
      %sign3A_626 = arith.subi %sign3A_622, %sign3A_625 : i32
      %sign3A_627 = arith.constant 0 : i32
      %sign3A_628 = arith.cmpi sgt, %jit3A_618, %sign3A_627 : i32
      %sign3A_629 = arith.extui %sign3A_628 : i1 to i32
      %sign3A_630 = arith.constant 0 : i32
      %sign3A_631 = arith.cmpi slt, %jit3A_618, %sign3A_630 : i32
      %sign3A_632 = arith.extui %sign3A_631 : i1 to i32
      %sign3A_633 = arith.subi %sign3A_629, %sign3A_632 : i32
      %ne3A_634 = arith.cmpi ne, %sign3A_626, %sign3A_633 : i32
      %rem3A_635 = arith.remsi %squeeze3A_617, %jit3A_618 : i32
      %ne3A_636 = arith.constant 0 : i32
      %ne3A_637 = arith.cmpi ne, %rem3A_635, %ne3A_636 : i32
      %and3A_638 = arith.andi %ne3A_634, %ne3A_637 : i1
      %sub3A_639 = arith.constant 1 : i32
      %sub3A_640 = arith.subi %div3A_619, %sub3A_639 : i32
      %select_n3A_641 = arith.select %and3A_638, %sub3A_640, %div3A_619 : i32
      %mul3A_642 = arith.constant 128 : i32
      %mul3A_643 = arith.muli %select_n3A_641, %mul3A_642 : i32
      %multiple_of3A_644 = tpu.assume_multiple %mul3A_643, 128 : i32
      %sub3A_645 = arith.subi %squeeze3A_617, %multiple_of3A_644 : i32
      %add3A_646 = vector.broadcast %sub3A_645 : i32 to vector<16xi32>
      %add3A_647 = arith.addi %broadcast_in_dim3A_3, %add3A_646 : vector<16xi32>
      %add3A_648 = vector.broadcast %add3A_597 : i32 to vector<16xi32>
      %add3A_649 = arith.addi %broadcast_in_dim3A_3, %add3A_648 : vector<16xi32>
      %add3A_650 = arith.constant 0 : i32
      %add3A_651 = vector.broadcast %add3A_650 : i32 to vector<16xi32>
      %add3A_652 = arith.addi %add3A_651, %iota3A : vector<16xi32>
      %gather3A_653 = arith.constant 2 : i32
      %gather3A_654 = arith.constant 0 : i32
      %gather3A_655 = arith.constant 0 : i32
      %gather3A_656 = tpu.memref_slice %arg6[%gather3A_653, %gather3A_654, %gather3A_655] : memref<8x64x128xf32, #tpu.memory_space<vmem>> -> memref<1x64x128xf32, #tpu.memory_space<vmem>>
      %gather3A_657 = tpu.memref_squeeze %gather3A_656 : memref<1x64x128xf32, #tpu.memory_space<vmem>> -> memref<64x128xf32, #tpu.memory_space<vmem>>
      %gather3A_658 = tpu.vector_load_idx %gather3A_657[%add3A_652, %add3A_647] : memref<64x128xf32, #tpu.memory_space<vmem>>[vector<16xi32>, vector<16xi32>], vector<16xf32>,
      %add3A_659 = arith.constant 0 : i32
      %add3A_660 = vector.broadcast %add3A_659 : i32 to vector<16xi32>
      %add3A_661 = arith.addi %add3A_660, %iota3A : vector<16xi32>
      tpu.vector_store_idx %arg7[%add3A_661, %add3A_649], %gather3A_658 : memref<64x512xf32, #tpu.memory_space<vmem>>[vector<16xi32>, vector<16xi32>], vector<16xf32>,
      %add3A_662 = arith.constant 16 : i32
      %add3A_663 = vector.broadcast %add3A_662 : i32 to vector<16xi32>
      %add3A_664 = arith.addi %add3A_663, %iota3A : vector<16xi32>
      %gather3A_665 = arith.constant 2 : i32
      %gather3A_666 = arith.constant 0 : i32
      %gather3A_667 = arith.constant 0 : i32
      %gather3A_668 = tpu.memref_slice %arg6[%gather3A_665, %gather3A_666, %gather3A_667] : memref<8x64x128xf32, #tpu.memory_space<vmem>> -> memref<1x64x128xf32, #tpu.memory_space<vmem>>
      %gather3A_669 = tpu.memref_squeeze %gather3A_668 : memref<1x64x128xf32, #tpu.memory_space<vmem>> -> memref<64x128xf32, #tpu.memory_space<vmem>>
      %gather3A_670 = tpu.vector_load_idx %gather3A_669[%add3A_664, %add3A_647] : memref<64x128xf32, #tpu.memory_space<vmem>>[vector<16xi32>, vector<16xi32>], vector<16xf32>,
      %add3A_671 = arith.constant 16 : i32
      %add3A_672 = vector.broadcast %add3A_671 : i32 to vector<16xi32>
      %add3A_673 = arith.addi %add3A_672, %iota3A : vector<16xi32>
      tpu.vector_store_idx %arg7[%add3A_673, %add3A_649], %gather3A_670 : memref<64x512xf32, #tpu.memory_space<vmem>>[vector<16xi32>, vector<16xi32>], vector<16xf32>,
      %add3A_674 = arith.constant 32 : i32
      %add3A_675 = vector.broadcast %add3A_674 : i32 to vector<16xi32>
      %add3A_676 = arith.addi %add3A_675, %iota3A : vector<16xi32>
      %gather3A_677 = arith.constant 2 : i32
      %gather3A_678 = arith.constant 0 : i32
      %gather3A_679 = arith.constant 0 : i32
      %gather3A_680 = tpu.memref_slice %arg6[%gather3A_677, %gather3A_678, %gather3A_679] : memref<8x64x128xf32, #tpu.memory_space<vmem>> -> memref<1x64x128xf32, #tpu.memory_space<vmem>>
      %gather3A_681 = tpu.memref_squeeze %gather3A_680 : memref<1x64x128xf32, #tpu.memory_space<vmem>> -> memref<64x128xf32, #tpu.memory_space<vmem>>
      %gather3A_682 = tpu.vector_load_idx %gather3A_681[%add3A_676, %add3A_647] : memref<64x128xf32, #tpu.memory_space<vmem>>[vector<16xi32>, vector<16xi32>], vector<16xf32>,
      %add3A_683 = arith.constant 32 : i32
      %add3A_684 = vector.broadcast %add3A_683 : i32 to vector<16xi32>
      %add3A_685 = arith.addi %add3A_684, %iota3A : vector<16xi32>
      tpu.vector_store_idx %arg7[%add3A_685, %add3A_649], %gather3A_682 : memref<64x512xf32, #tpu.memory_space<vmem>>[vector<16xi32>, vector<16xi32>], vector<16xf32>,
      %add3A_686 = arith.constant 48 : i32
      %add3A_687 = vector.broadcast %add3A_686 : i32 to vector<16xi32>
      %add3A_688 = arith.addi %add3A_687, %iota3A : vector<16xi32>
      %gather3A_689 = arith.constant 2 : i32
      %gather3A_690 = arith.constant 0 : i32
      %gather3A_691 = arith.constant 0 : i32
      %gather3A_692 = tpu.memref_slice %arg6[%gather3A_689, %gather3A_690, %gather3A_691] : memref<8x64x128xf32, #tpu.memory_space<vmem>> -> memref<1x64x128xf32, #tpu.memory_space<vmem>>
      %gather3A_693 = tpu.memref_squeeze %gather3A_692 : memref<1x64x128xf32, #tpu.memory_space<vmem>> -> memref<64x128xf32, #tpu.memory_space<vmem>>
      %gather3A_694 = tpu.vector_load_idx %gather3A_693[%add3A_688, %add3A_647] : memref<64x128xf32, #tpu.memory_space<vmem>>[vector<16xi32>, vector<16xi32>], vector<16xf32>,
      %add3A_695 = arith.constant 48 : i32
      %add3A_696 = vector.broadcast %add3A_695 : i32 to vector<16xi32>
      %add3A_697 = arith.addi %add3A_696, %iota3A : vector<16xi32>
      tpu.vector_store_idx %arg7[%add3A_697, %add3A_649], %gather3A_694 : memref<64x512xf32, #tpu.memory_space<vmem>>[vector<16xi32>, vector<16xi32>], vector<16xf32>,
      %add3A_698 = arith.constant 8 : i32
      %add3A_699 = arith.addi %add3A_597, %add3A_698 : i32
      %lt3A_700 = arith.constant 512 : i32
      %lt3A_701 = arith.cmpi slt, %add3A_699, %lt3A_700 : i32
      %convert_element_type3A_702 = arith.extui %lt3A_701 : i1 to i32
      %cond3A_703 = arith.constant 0 : i32
      %cond3A_704 = arith.cmpi ne, %convert_element_type3A_702, %cond3A_703 : i32
      scf.if %cond3A_704 {
        %slice3A_2148 = vector.extract_strided_slice %get3A_375 {offsets = [2], sizes = [1], strides = [1]} : vector<16xi32> to vector<1xi32>
        %squeeze3A_2149 = vector.extract %slice3A_2148[0] : i32 from vector<1xi32>
        %jit3A_2150 = arith.constant 128 : i32
        %div3A_2151 = arith.divsi %squeeze3A_2149, %jit3A_2150 : i32
        %sign3A_2152 = arith.constant 0 : i32
        %sign3A_2153 = arith.cmpi sgt, %squeeze3A_2149, %sign3A_2152 : i32
        %sign3A_2154 = arith.extui %sign3A_2153 : i1 to i32
        %sign3A_2155 = arith.constant 0 : i32
        %sign3A_2156 = arith.cmpi slt, %squeeze3A_2149, %sign3A_2155 : i32
        %sign3A_2157 = arith.extui %sign3A_2156 : i1 to i32
        %sign3A_2158 = arith.subi %sign3A_2154, %sign3A_2157 : i32
        %sign3A_2159 = arith.constant 0 : i32
        %sign3A_2160 = arith.cmpi sgt, %jit3A_2150, %sign3A_2159 : i32
        %sign3A_2161 = arith.extui %sign3A_2160 : i1 to i32
        %sign3A_2162 = arith.constant 0 : i32
        %sign3A_2163 = arith.cmpi slt, %jit3A_2150, %sign3A_2162 : i32
        %sign3A_2164 = arith.extui %sign3A_2163 : i1 to i32
        %sign3A_2165 = arith.subi %sign3A_2161, %sign3A_2164 : i32
        %ne3A_2166 = arith.cmpi ne, %sign3A_2158, %sign3A_2165 : i32
        %rem3A_2167 = arith.remsi %squeeze3A_2149, %jit3A_2150 : i32
        %ne3A_2168 = arith.constant 0 : i32
        %ne3A_2169 = arith.cmpi ne, %rem3A_2167, %ne3A_2168 : i32
        %and3A_2170 = arith.andi %ne3A_2166, %ne3A_2169 : i1
        %sub3A_2171 = arith.constant 1 : i32
        %sub3A_2172 = arith.subi %div3A_2151, %sub3A_2171 : i32
        %select_n3A_2173 = arith.select %and3A_2170, %sub3A_2172, %div3A_2151 : i32
        %mul3A_2174 = arith.constant 128 : i32
        %mul3A_2175 = arith.muli %select_n3A_2173, %mul3A_2174 : i32
        %multiple_of3A_2176 = tpu.assume_multiple %mul3A_2175, 128 : i32
        %dma_start3A_2177 = arith.constant 2 : i32
        %dma_start3A_2178 = arith.constant 2 : i32
        %dma_start3A_2179 = arith.constant 0 : i32
        %dma_start3A_2180 = arith.constant 0 : i32
        %dma_start3A_2181 = tpu.memref_slice %arg6[%dma_start3A_2177, %dma_start3A_2179, %dma_start3A_2180] : memref<8x64x128xf32, #tpu.memory_space<vmem>> -> memref<1x64x128xf32, #tpu.memory_space<vmem>>
        %dma_start3A_2182 = tpu.memref_squeeze %dma_start3A_2181 : memref<1x64x128xf32, #tpu.memory_space<vmem>> -> memref<64x128xf32, #tpu.memory_space<vmem>>
        %dma_start3A_2183 = arith.constant 0 : i32
        %dma_start3A_2184 = tpu.memref_slice %arg2[%dma_start3A_2183, %multiple_of3A_2176] : memref<64x1000000xf32, #tpu.memory_space<hbm>> -> memref<64x128xf32, #tpu.memory_space<hbm>>
        %dma_start3A_2185 = tpu.memref_slice %arg8[%dma_start3A_2178] : memref<8x!tpu.dma_semaphore, #tpu.memory_space<semaphore_mem>> -> memref<1x!tpu.dma_semaphore, #tpu.memory_space<semaphore_mem>>
        %dma_start3A_2186 = tpu.memref_squeeze %dma_start3A_2185 : memref<1x!tpu.dma_semaphore, #tpu.memory_space<semaphore_mem>> -> memref<!tpu.dma_semaphore, #tpu.memory_space<semaphore_mem>>
        %dma_start3A_2187 = arith.constant 0 : i32
        %dma_start3A_2188 = arith.constant 0 : i32
        %dma_start3A_2189 = tpu.memref_slice %arg6[%dma_start3A_2177, %dma_start3A_2187, %dma_start3A_2188] : memref<8x64x128xf32, #tpu.memory_space<vmem>> -> memref<1x64x128xf32, #tpu.memory_space<vmem>>
        %dma_start3A_2190 = tpu.memref_squeeze %dma_start3A_2189 : memref<1x64x128xf32, #tpu.memory_space<vmem>> -> memref<64x128xf32, #tpu.memory_space<vmem>>
        %dma_start3A_2191 = arith.constant 0 : i32
        %dma_start3A_2192 = tpu.memref_slice %arg2[%dma_start3A_2191, %multiple_of3A_2176] : memref<64x1000000xf32, #tpu.memory_space<hbm>> -> memref<64x128xf32, #tpu.memory_space<hbm>>
        tpu.enqueue_dma source(%dma_start3A_2192 : memref<64x128xf32, #tpu.memory_space<hbm>>) target(%dma_start3A_2190 : memref<64x128xf32, #tpu.memory_space<vmem>>) target_semaphore(%dma_start3A_2186 : memref<!tpu.dma_semaphore, #tpu.memory_space<semaphore_mem>>)
      } else {
      }
      %mul3A_705 = arith.constant 16 : i32
      %mul3A_706 = arith.muli %scan3A_365, %mul3A_705 : i32
      %add3A_707 = arith.constant 3 : i32
      %add3A_708 = arith.addi %mul3A_706, %add3A_707 : i32
      %dma_wait3A_709 = arith.constant 3 : i32
      %dma_wait3A_710 = arith.constant 3 : i32
      %dma_wait3A_711 = arith.constant 0 : i32
      %dma_wait3A_712 = arith.constant 0 : i32
      %dma_wait3A_713 = tpu.memref_slice %arg6[%dma_wait3A_709, %dma_wait3A_711, %dma_wait3A_712] : memref<8x64x128xf32, #tpu.memory_space<vmem>> -> memref<1x64x128xf32, #tpu.memory_space<vmem>>
      %dma_wait3A_714 = tpu.memref_squeeze %dma_wait3A_713 : memref<1x64x128xf32, #tpu.memory_space<vmem>> -> memref<64x128xf32, #tpu.memory_space<vmem>>
      %dma_wait3A_715 = arith.constant 0 : i32
      %dma_wait3A_716 = arith.constant 0 : i32
      %dma_wait3A_717 = tpu.memref_slice %arg2[%dma_wait3A_715, %dma_wait3A_716] : memref<64x1000000xf32, #tpu.memory_space<hbm>> -> memref<64x128xf32, #tpu.memory_space<hbm>>
      %dma_wait3A_718 = tpu.memref_slice %arg8[%dma_wait3A_710] : memref<8x!tpu.dma_semaphore, #tpu.memory_space<semaphore_mem>> -> memref<1x!tpu.dma_semaphore, #tpu.memory_space<semaphore_mem>>
      %dma_wait3A_719 = tpu.memref_squeeze %dma_wait3A_718 : memref<1x!tpu.dma_semaphore, #tpu.memory_space<semaphore_mem>> -> memref<!tpu.dma_semaphore, #tpu.memory_space<semaphore_mem>>
      %dma_wait3A_720 = arith.constant 0 : i32
      %dma_wait3A_721 = arith.constant 0 : i32
      %dma_wait3A_722 = tpu.memref_slice %arg6[%dma_wait3A_709, %dma_wait3A_720, %dma_wait3A_721] : memref<8x64x128xf32, #tpu.memory_space<vmem>> -> memref<1x64x128xf32, #tpu.memory_space<vmem>>
      %dma_wait3A_723 = tpu.memref_squeeze %dma_wait3A_722 : memref<1x64x128xf32, #tpu.memory_space<vmem>> -> memref<64x128xf32, #tpu.memory_space<vmem>>
      %dma_wait3A_724 = arith.constant 0 : i32
      %dma_wait3A_725 = arith.constant 0 : i32
      %dma_wait3A_726 = tpu.memref_slice %arg2[%dma_wait3A_724, %dma_wait3A_725] : memref<64x1000000xf32, #tpu.memory_space<hbm>> -> memref<64x128xf32, #tpu.memory_space<hbm>>
      tpu.wait_dma2 semaphore(%dma_wait3A_719 : memref<!tpu.dma_semaphore, #tpu.memory_space<semaphore_mem>>) src(%dma_wait3A_726 : memref<64x128xf32, #tpu.memory_space<hbm>>) dst(%dma_wait3A_723 : memref<64x128xf32, #tpu.memory_space<vmem>>)
      %slice3A_727 = vector.extract_strided_slice %get3A_369 {offsets = [3], sizes = [1], strides = [1]} : vector<16xi32> to vector<1xi32>
      %squeeze3A_728 = vector.extract %slice3A_727[0] : i32 from vector<1xi32>
      %jit3A_729 = arith.constant 128 : i32
      %div3A_730 = arith.divsi %squeeze3A_728, %jit3A_729 : i32
      %sign3A_731 = arith.constant 0 : i32
      %sign3A_732 = arith.cmpi sgt, %squeeze3A_728, %sign3A_731 : i32
      %sign3A_733 = arith.extui %sign3A_732 : i1 to i32
      %sign3A_734 = arith.constant 0 : i32
      %sign3A_735 = arith.cmpi slt, %squeeze3A_728, %sign3A_734 : i32
      %sign3A_736 = arith.extui %sign3A_735 : i1 to i32
      %sign3A_737 = arith.subi %sign3A_733, %sign3A_736 : i32
      %sign3A_738 = arith.constant 0 : i32
      %sign3A_739 = arith.cmpi sgt, %jit3A_729, %sign3A_738 : i32
      %sign3A_740 = arith.extui %sign3A_739 : i1 to i32
      %sign3A_741 = arith.constant 0 : i32
      %sign3A_742 = arith.cmpi slt, %jit3A_729, %sign3A_741 : i32
      %sign3A_743 = arith.extui %sign3A_742 : i1 to i32
      %sign3A_744 = arith.subi %sign3A_740, %sign3A_743 : i32
      %ne3A_745 = arith.cmpi ne, %sign3A_737, %sign3A_744 : i32
      %rem3A_746 = arith.remsi %squeeze3A_728, %jit3A_729 : i32
      %ne3A_747 = arith.constant 0 : i32
      %ne3A_748 = arith.cmpi ne, %rem3A_746, %ne3A_747 : i32
      %and3A_749 = arith.andi %ne3A_745, %ne3A_748 : i1
      %sub3A_750 = arith.constant 1 : i32
      %sub3A_751 = arith.subi %div3A_730, %sub3A_750 : i32
      %select_n3A_752 = arith.select %and3A_749, %sub3A_751, %div3A_730 : i32
      %mul3A_753 = arith.constant 128 : i32
      %mul3A_754 = arith.muli %select_n3A_752, %mul3A_753 : i32
      %multiple_of3A_755 = tpu.assume_multiple %mul3A_754, 128 : i32
      %sub3A_756 = arith.subi %squeeze3A_728, %multiple_of3A_755 : i32
      %add3A_757 = vector.broadcast %sub3A_756 : i32 to vector<16xi32>
      %add3A_758 = arith.addi %broadcast_in_dim3A_3, %add3A_757 : vector<16xi32>
      %add3A_759 = vector.broadcast %add3A_708 : i32 to vector<16xi32>
      %add3A_760 = arith.addi %broadcast_in_dim3A_3, %add3A_759 : vector<16xi32>
      %add3A_761 = arith.constant 0 : i32
      %add3A_762 = vector.broadcast %add3A_761 : i32 to vector<16xi32>
      %add3A_763 = arith.addi %add3A_762, %iota3A : vector<16xi32>
      %gather3A_764 = arith.constant 3 : i32
      %gather3A_765 = arith.constant 0 : i32
      %gather3A_766 = arith.constant 0 : i32
      %gather3A_767 = tpu.memref_slice %arg6[%gather3A_764, %gather3A_765, %gather3A_766] : memref<8x64x128xf32, #tpu.memory_space<vmem>> -> memref<1x64x128xf32, #tpu.memory_space<vmem>>
      %gather3A_768 = tpu.memref_squeeze %gather3A_767 : memref<1x64x128xf32, #tpu.memory_space<vmem>> -> memref<64x128xf32, #tpu.memory_space<vmem>>
      %gather3A_769 = tpu.vector_load_idx %gather3A_768[%add3A_763, %add3A_758] : memref<64x128xf32, #tpu.memory_space<vmem>>[vector<16xi32>, vector<16xi32>], vector<16xf32>,
      %add3A_770 = arith.constant 0 : i32
      %add3A_771 = vector.broadcast %add3A_770 : i32 to vector<16xi32>
      %add3A_772 = arith.addi %add3A_771, %iota3A : vector<16xi32>
      tpu.vector_store_idx %arg7[%add3A_772, %add3A_760], %gather3A_769 : memref<64x512xf32, #tpu.memory_space<vmem>>[vector<16xi32>, vector<16xi32>], vector<16xf32>,
      %add3A_773 = arith.constant 16 : i32
      %add3A_774 = vector.broadcast %add3A_773 : i32 to vector<16xi32>
      %add3A_775 = arith.addi %add3A_774, %iota3A : vector<16xi32>
      %gather3A_776 = arith.constant 3 : i32
      %gather3A_777 = arith.constant 0 : i32
      %gather3A_778 = arith.constant 0 : i32
      %gather3A_779 = tpu.memref_slice %arg6[%gather3A_776, %gather3A_777, %gather3A_778] : memref<8x64x128xf32, #tpu.memory_space<vmem>> -> memref<1x64x128xf32, #tpu.memory_space<vmem>>
      %gather3A_780 = tpu.memref_squeeze %gather3A_779 : memref<1x64x128xf32, #tpu.memory_space<vmem>> -> memref<64x128xf32, #tpu.memory_space<vmem>>
      %gather3A_781 = tpu.vector_load_idx %gather3A_780[%add3A_775, %add3A_758] : memref<64x128xf32, #tpu.memory_space<vmem>>[vector<16xi32>, vector<16xi32>], vector<16xf32>,
      %add3A_782 = arith.constant 16 : i32
      %add3A_783 = vector.broadcast %add3A_782 : i32 to vector<16xi32>
      %add3A_784 = arith.addi %add3A_783, %iota3A : vector<16xi32>
      tpu.vector_store_idx %arg7[%add3A_784, %add3A_760], %gather3A_781 : memref<64x512xf32, #tpu.memory_space<vmem>>[vector<16xi32>, vector<16xi32>], vector<16xf32>,
      %add3A_785 = arith.constant 32 : i32
      %add3A_786 = vector.broadcast %add3A_785 : i32 to vector<16xi32>
      %add3A_787 = arith.addi %add3A_786, %iota3A : vector<16xi32>
      %gather3A_788 = arith.constant 3 : i32
      %gather3A_789 = arith.constant 0 : i32
      %gather3A_790 = arith.constant 0 : i32
      %gather3A_791 = tpu.memref_slice %arg6[%gather3A_788, %gather3A_789, %gather3A_790] : memref<8x64x128xf32, #tpu.memory_space<vmem>> -> memref<1x64x128xf32, #tpu.memory_space<vmem>>
      %gather3A_792 = tpu.memref_squeeze %gather3A_791 : memref<1x64x128xf32, #tpu.memory_space<vmem>> -> memref<64x128xf32, #tpu.memory_space<vmem>>
      %gather3A_793 = tpu.vector_load_idx %gather3A_792[%add3A_787, %add3A_758] : memref<64x128xf32, #tpu.memory_space<vmem>>[vector<16xi32>, vector<16xi32>], vector<16xf32>,
      %add3A_794 = arith.constant 32 : i32
      %add3A_795 = vector.broadcast %add3A_794 : i32 to vector<16xi32>
      %add3A_796 = arith.addi %add3A_795, %iota3A : vector<16xi32>
      tpu.vector_store_idx %arg7[%add3A_796, %add3A_760], %gather3A_793 : memref<64x512xf32, #tpu.memory_space<vmem>>[vector<16xi32>, vector<16xi32>], vector<16xf32>,
      %add3A_797 = arith.constant 48 : i32
      %add3A_798 = vector.broadcast %add3A_797 : i32 to vector<16xi32>
      %add3A_799 = arith.addi %add3A_798, %iota3A : vector<16xi32>
      %gather3A_800 = arith.constant 3 : i32
      %gather3A_801 = arith.constant 0 : i32
      %gather3A_802 = arith.constant 0 : i32
      %gather3A_803 = tpu.memref_slice %arg6[%gather3A_800, %gather3A_801, %gather3A_802] : memref<8x64x128xf32, #tpu.memory_space<vmem>> -> memref<1x64x128xf32, #tpu.memory_space<vmem>>
      %gather3A_804 = tpu.memref_squeeze %gather3A_803 : memref<1x64x128xf32, #tpu.memory_space<vmem>> -> memref<64x128xf32, #tpu.memory_space<vmem>>
      %gather3A_805 = tpu.vector_load_idx %gather3A_804[%add3A_799, %add3A_758] : memref<64x128xf32, #tpu.memory_space<vmem>>[vector<16xi32>, vector<16xi32>], vector<16xf32>,
      %add3A_806 = arith.constant 48 : i32
      %add3A_807 = vector.broadcast %add3A_806 : i32 to vector<16xi32>
      %add3A_808 = arith.addi %add3A_807, %iota3A : vector<16xi32>
      tpu.vector_store_idx %arg7[%add3A_808, %add3A_760], %gather3A_805 : memref<64x512xf32, #tpu.memory_space<vmem>>[vector<16xi32>, vector<16xi32>], vector<16xf32>,
      %add3A_809 = arith.constant 8 : i32
      %add3A_810 = arith.addi %add3A_708, %add3A_809 : i32
      %lt3A_811 = arith.constant 512 : i32
      %lt3A_812 = arith.cmpi slt, %add3A_810, %lt3A_811 : i32
      %convert_element_type3A_813 = arith.extui %lt3A_812 : i1 to i32
      %cond3A_814 = arith.constant 0 : i32
      %cond3A_815 = arith.cmpi ne, %convert_element_type3A_813, %cond3A_814 : i32
      scf.if %cond3A_815 {
        %slice3A_2148 = vector.extract_strided_slice %get3A_375 {offsets = [3], sizes = [1], strides = [1]} : vector<16xi32> to vector<1xi32>
        %squeeze3A_2149 = vector.extract %slice3A_2148[0] : i32 from vector<1xi32>
        %jit3A_2150 = arith.constant 128 : i32
        %div3A_2151 = arith.divsi %squeeze3A_2149, %jit3A_2150 : i32
        %sign3A_2152 = arith.constant 0 : i32
        %sign3A_2153 = arith.cmpi sgt, %squeeze3A_2149, %sign3A_2152 : i32
        %sign3A_2154 = arith.extui %sign3A_2153 : i1 to i32
        %sign3A_2155 = arith.constant 0 : i32
        %sign3A_2156 = arith.cmpi slt, %squeeze3A_2149, %sign3A_2155 : i32
        %sign3A_2157 = arith.extui %sign3A_2156 : i1 to i32
        %sign3A_2158 = arith.subi %sign3A_2154, %sign3A_2157 : i32
        %sign3A_2159 = arith.constant 0 : i32
        %sign3A_2160 = arith.cmpi sgt, %jit3A_2150, %sign3A_2159 : i32
        %sign3A_2161 = arith.extui %sign3A_2160 : i1 to i32
        %sign3A_2162 = arith.constant 0 : i32
        %sign3A_2163 = arith.cmpi slt, %jit3A_2150, %sign3A_2162 : i32
        %sign3A_2164 = arith.extui %sign3A_2163 : i1 to i32
        %sign3A_2165 = arith.subi %sign3A_2161, %sign3A_2164 : i32
        %ne3A_2166 = arith.cmpi ne, %sign3A_2158, %sign3A_2165 : i32
        %rem3A_2167 = arith.remsi %squeeze3A_2149, %jit3A_2150 : i32
        %ne3A_2168 = arith.constant 0 : i32
        %ne3A_2169 = arith.cmpi ne, %rem3A_2167, %ne3A_2168 : i32
        %and3A_2170 = arith.andi %ne3A_2166, %ne3A_2169 : i1
        %sub3A_2171 = arith.constant 1 : i32
        %sub3A_2172 = arith.subi %div3A_2151, %sub3A_2171 : i32
        %select_n3A_2173 = arith.select %and3A_2170, %sub3A_2172, %div3A_2151 : i32
        %mul3A_2174 = arith.constant 128 : i32
        %mul3A_2175 = arith.muli %select_n3A_2173, %mul3A_2174 : i32
        %multiple_of3A_2176 = tpu.assume_multiple %mul3A_2175, 128 : i32
        %dma_start3A_2177 = arith.constant 3 : i32
        %dma_start3A_2178 = arith.constant 3 : i32
        %dma_start3A_2179 = arith.constant 0 : i32
        %dma_start3A_2180 = arith.constant 0 : i32
        %dma_start3A_2181 = tpu.memref_slice %arg6[%dma_start3A_2177, %dma_start3A_2179, %dma_start3A_2180] : memref<8x64x128xf32, #tpu.memory_space<vmem>> -> memref<1x64x128xf32, #tpu.memory_space<vmem>>
        %dma_start3A_2182 = tpu.memref_squeeze %dma_start3A_2181 : memref<1x64x128xf32, #tpu.memory_space<vmem>> -> memref<64x128xf32, #tpu.memory_space<vmem>>
        %dma_start3A_2183 = arith.constant 0 : i32
        %dma_start3A_2184 = tpu.memref_slice %arg2[%dma_start3A_2183, %multiple_of3A_2176] : memref<64x1000000xf32, #tpu.memory_space<hbm>> -> memref<64x128xf32, #tpu.memory_space<hbm>>
        %dma_start3A_2185 = tpu.memref_slice %arg8[%dma_start3A_2178] : memref<8x!tpu.dma_semaphore, #tpu.memory_space<semaphore_mem>> -> memref<1x!tpu.dma_semaphore, #tpu.memory_space<semaphore_mem>>
        %dma_start3A_2186 = tpu.memref_squeeze %dma_start3A_2185 : memref<1x!tpu.dma_semaphore, #tpu.memory_space<semaphore_mem>> -> memref<!tpu.dma_semaphore, #tpu.memory_space<semaphore_mem>>
        %dma_start3A_2187 = arith.constant 0 : i32
        %dma_start3A_2188 = arith.constant 0 : i32
        %dma_start3A_2189 = tpu.memref_slice %arg6[%dma_start3A_2177, %dma_start3A_2187, %dma_start3A_2188] : memref<8x64x128xf32, #tpu.memory_space<vmem>> -> memref<1x64x128xf32, #tpu.memory_space<vmem>>
        %dma_start3A_2190 = tpu.memref_squeeze %dma_start3A_2189 : memref<1x64x128xf32, #tpu.memory_space<vmem>> -> memref<64x128xf32, #tpu.memory_space<vmem>>
        %dma_start3A_2191 = arith.constant 0 : i32
        %dma_start3A_2192 = tpu.memref_slice %arg2[%dma_start3A_2191, %multiple_of3A_2176] : memref<64x1000000xf32, #tpu.memory_space<hbm>> -> memref<64x128xf32, #tpu.memory_space<hbm>>
        tpu.enqueue_dma source(%dma_start3A_2192 : memref<64x128xf32, #tpu.memory_space<hbm>>) target(%dma_start3A_2190 : memref<64x128xf32, #tpu.memory_space<vmem>>) target_semaphore(%dma_start3A_2186 : memref<!tpu.dma_semaphore, #tpu.memory_space<semaphore_mem>>)
      } else {
      }
      %mul3A_816 = arith.constant 16 : i32
      %mul3A_817 = arith.muli %scan3A_365, %mul3A_816 : i32
      %add3A_818 = arith.constant 4 : i32
      %add3A_819 = arith.addi %mul3A_817, %add3A_818 : i32
      %dma_wait3A_820 = arith.constant 4 : i32
      %dma_wait3A_821 = arith.constant 4 : i32
      %dma_wait3A_822 = arith.constant 0 : i32
      %dma_wait3A_823 = arith.constant 0 : i32
      %dma_wait3A_824 = tpu.memref_slice %arg6[%dma_wait3A_820, %dma_wait3A_822, %dma_wait3A_823] : memref<8x64x128xf32, #tpu.memory_space<vmem>> -> memref<1x64x128xf32, #tpu.memory_space<vmem>>
      %dma_wait3A_825 = tpu.memref_squeeze %dma_wait3A_824 : memref<1x64x128xf32, #tpu.memory_space<vmem>> -> memref<64x128xf32, #tpu.memory_space<vmem>>
      %dma_wait3A_826 = arith.constant 0 : i32
      %dma_wait3A_827 = arith.constant 0 : i32
      %dma_wait3A_828 = tpu.memref_slice %arg2[%dma_wait3A_826, %dma_wait3A_827] : memref<64x1000000xf32, #tpu.memory_space<hbm>> -> memref<64x128xf32, #tpu.memory_space<hbm>>
      %dma_wait3A_829 = tpu.memref_slice %arg8[%dma_wait3A_821] : memref<8x!tpu.dma_semaphore, #tpu.memory_space<semaphore_mem>> -> memref<1x!tpu.dma_semaphore, #tpu.memory_space<semaphore_mem>>
      %dma_wait3A_830 = tpu.memref_squeeze %dma_wait3A_829 : memref<1x!tpu.dma_semaphore, #tpu.memory_space<semaphore_mem>> -> memref<!tpu.dma_semaphore, #tpu.memory_space<semaphore_mem>>
      %dma_wait3A_831 = arith.constant 0 : i32
      %dma_wait3A_832 = arith.constant 0 : i32
      %dma_wait3A_833 = tpu.memref_slice %arg6[%dma_wait3A_820, %dma_wait3A_831, %dma_wait3A_832] : memref<8x64x128xf32, #tpu.memory_space<vmem>> -> memref<1x64x128xf32, #tpu.memory_space<vmem>>
      %dma_wait3A_834 = tpu.memref_squeeze %dma_wait3A_833 : memref<1x64x128xf32, #tpu.memory_space<vmem>> -> memref<64x128xf32, #tpu.memory_space<vmem>>
      %dma_wait3A_835 = arith.constant 0 : i32
      %dma_wait3A_836 = arith.constant 0 : i32
      %dma_wait3A_837 = tpu.memref_slice %arg2[%dma_wait3A_835, %dma_wait3A_836] : memref<64x1000000xf32, #tpu.memory_space<hbm>> -> memref<64x128xf32, #tpu.memory_space<hbm>>
      tpu.wait_dma2 semaphore(%dma_wait3A_830 : memref<!tpu.dma_semaphore, #tpu.memory_space<semaphore_mem>>) src(%dma_wait3A_837 : memref<64x128xf32, #tpu.memory_space<hbm>>) dst(%dma_wait3A_834 : memref<64x128xf32, #tpu.memory_space<vmem>>)
      %slice3A_838 = vector.extract_strided_slice %get3A_369 {offsets = [4], sizes = [1], strides = [1]} : vector<16xi32> to vector<1xi32>
      %squeeze3A_839 = vector.extract %slice3A_838[0] : i32 from vector<1xi32>
      %jit3A_840 = arith.constant 128 : i32
      %div3A_841 = arith.divsi %squeeze3A_839, %jit3A_840 : i32
      %sign3A_842 = arith.constant 0 : i32
      %sign3A_843 = arith.cmpi sgt, %squeeze3A_839, %sign3A_842 : i32
      %sign3A_844 = arith.extui %sign3A_843 : i1 to i32
      %sign3A_845 = arith.constant 0 : i32
      %sign3A_846 = arith.cmpi slt, %squeeze3A_839, %sign3A_845 : i32
      %sign3A_847 = arith.extui %sign3A_846 : i1 to i32
      %sign3A_848 = arith.subi %sign3A_844, %sign3A_847 : i32
      %sign3A_849 = arith.constant 0 : i32
      %sign3A_850 = arith.cmpi sgt, %jit3A_840, %sign3A_849 : i32
      %sign3A_851 = arith.extui %sign3A_850 : i1 to i32
      %sign3A_852 = arith.constant 0 : i32
      %sign3A_853 = arith.cmpi slt, %jit3A_840, %sign3A_852 : i32
      %sign3A_854 = arith.extui %sign3A_853 : i1 to i32
      %sign3A_855 = arith.subi %sign3A_851, %sign3A_854 : i32
      %ne3A_856 = arith.cmpi ne, %sign3A_848, %sign3A_855 : i32
      %rem3A_857 = arith.remsi %squeeze3A_839, %jit3A_840 : i32
      %ne3A_858 = arith.constant 0 : i32
      %ne3A_859 = arith.cmpi ne, %rem3A_857, %ne3A_858 : i32
      %and3A_860 = arith.andi %ne3A_856, %ne3A_859 : i1
      %sub3A_861 = arith.constant 1 : i32
      %sub3A_862 = arith.subi %div3A_841, %sub3A_861 : i32
      %select_n3A_863 = arith.select %and3A_860, %sub3A_862, %div3A_841 : i32
      %mul3A_864 = arith.constant 128 : i32
      %mul3A_865 = arith.muli %select_n3A_863, %mul3A_864 : i32
      %multiple_of3A_866 = tpu.assume_multiple %mul3A_865, 128 : i32
      %sub3A_867 = arith.subi %squeeze3A_839, %multiple_of3A_866 : i32
      %add3A_868 = vector.broadcast %sub3A_867 : i32 to vector<16xi32>
      %add3A_869 = arith.addi %broadcast_in_dim3A_3, %add3A_868 : vector<16xi32>
      %add3A_870 = vector.broadcast %add3A_819 : i32 to vector<16xi32>
      %add3A_871 = arith.addi %broadcast_in_dim3A_3, %add3A_870 : vector<16xi32>
      %add3A_872 = arith.constant 0 : i32
      %add3A_873 = vector.broadcast %add3A_872 : i32 to vector<16xi32>
      %add3A_874 = arith.addi %add3A_873, %iota3A : vector<16xi32>
      %gather3A_875 = arith.constant 4 : i32
      %gather3A_876 = arith.constant 0 : i32
      %gather3A_877 = arith.constant 0 : i32
      %gather3A_878 = tpu.memref_slice %arg6[%gather3A_875, %gather3A_876, %gather3A_877] : memref<8x64x128xf32, #tpu.memory_space<vmem>> -> memref<1x64x128xf32, #tpu.memory_space<vmem>>
      %gather3A_879 = tpu.memref_squeeze %gather3A_878 : memref<1x64x128xf32, #tpu.memory_space<vmem>> -> memref<64x128xf32, #tpu.memory_space<vmem>>
      %gather3A_880 = tpu.vector_load_idx %gather3A_879[%add3A_874, %add3A_869] : memref<64x128xf32, #tpu.memory_space<vmem>>[vector<16xi32>, vector<16xi32>], vector<16xf32>,
      %add3A_881 = arith.constant 0 : i32
      %add3A_882 = vector.broadcast %add3A_881 : i32 to vector<16xi32>
      %add3A_883 = arith.addi %add3A_882, %iota3A : vector<16xi32>
      tpu.vector_store_idx %arg7[%add3A_883, %add3A_871], %gather3A_880 : memref<64x512xf32, #tpu.memory_space<vmem>>[vector<16xi32>, vector<16xi32>], vector<16xf32>,
      %add3A_884 = arith.constant 16 : i32
      %add3A_885 = vector.broadcast %add3A_884 : i32 to vector<16xi32>
      %add3A_886 = arith.addi %add3A_885, %iota3A : vector<16xi32>
      %gather3A_887 = arith.constant 4 : i32
      %gather3A_888 = arith.constant 0 : i32
      %gather3A_889 = arith.constant 0 : i32
      %gather3A_890 = tpu.memref_slice %arg6[%gather3A_887, %gather3A_888, %gather3A_889] : memref<8x64x128xf32, #tpu.memory_space<vmem>> -> memref<1x64x128xf32, #tpu.memory_space<vmem>>
      %gather3A_891 = tpu.memref_squeeze %gather3A_890 : memref<1x64x128xf32, #tpu.memory_space<vmem>> -> memref<64x128xf32, #tpu.memory_space<vmem>>
      %gather3A_892 = tpu.vector_load_idx %gather3A_891[%add3A_886, %add3A_869] : memref<64x128xf32, #tpu.memory_space<vmem>>[vector<16xi32>, vector<16xi32>], vector<16xf32>,
      %add3A_893 = arith.constant 16 : i32
      %add3A_894 = vector.broadcast %add3A_893 : i32 to vector<16xi32>
      %add3A_895 = arith.addi %add3A_894, %iota3A : vector<16xi32>
      tpu.vector_store_idx %arg7[%add3A_895, %add3A_871], %gather3A_892 : memref<64x512xf32, #tpu.memory_space<vmem>>[vector<16xi32>, vector<16xi32>], vector<16xf32>,
      %add3A_896 = arith.constant 32 : i32
      %add3A_897 = vector.broadcast %add3A_896 : i32 to vector<16xi32>
      %add3A_898 = arith.addi %add3A_897, %iota3A : vector<16xi32>
      %gather3A_899 = arith.constant 4 : i32
      %gather3A_900 = arith.constant 0 : i32
      %gather3A_901 = arith.constant 0 : i32
      %gather3A_902 = tpu.memref_slice %arg6[%gather3A_899, %gather3A_900, %gather3A_901] : memref<8x64x128xf32, #tpu.memory_space<vmem>> -> memref<1x64x128xf32, #tpu.memory_space<vmem>>
      %gather3A_903 = tpu.memref_squeeze %gather3A_902 : memref<1x64x128xf32, #tpu.memory_space<vmem>> -> memref<64x128xf32, #tpu.memory_space<vmem>>
      %gather3A_904 = tpu.vector_load_idx %gather3A_903[%add3A_898, %add3A_869] : memref<64x128xf32, #tpu.memory_space<vmem>>[vector<16xi32>, vector<16xi32>], vector<16xf32>,
      %add3A_905 = arith.constant 32 : i32
      %add3A_906 = vector.broadcast %add3A_905 : i32 to vector<16xi32>
      %add3A_907 = arith.addi %add3A_906, %iota3A : vector<16xi32>
      tpu.vector_store_idx %arg7[%add3A_907, %add3A_871], %gather3A_904 : memref<64x512xf32, #tpu.memory_space<vmem>>[vector<16xi32>, vector<16xi32>], vector<16xf32>,
      %add3A_908 = arith.constant 48 : i32
      %add3A_909 = vector.broadcast %add3A_908 : i32 to vector<16xi32>
      %add3A_910 = arith.addi %add3A_909, %iota3A : vector<16xi32>
      %gather3A_911 = arith.constant 4 : i32
      %gather3A_912 = arith.constant 0 : i32
      %gather3A_913 = arith.constant 0 : i32
      %gather3A_914 = tpu.memref_slice %arg6[%gather3A_911, %gather3A_912, %gather3A_913] : memref<8x64x128xf32, #tpu.memory_space<vmem>> -> memref<1x64x128xf32, #tpu.memory_space<vmem>>
      %gather3A_915 = tpu.memref_squeeze %gather3A_914 : memref<1x64x128xf32, #tpu.memory_space<vmem>> -> memref<64x128xf32, #tpu.memory_space<vmem>>
      %gather3A_916 = tpu.vector_load_idx %gather3A_915[%add3A_910, %add3A_869] : memref<64x128xf32, #tpu.memory_space<vmem>>[vector<16xi32>, vector<16xi32>], vector<16xf32>,
      %add3A_917 = arith.constant 48 : i32
      %add3A_918 = vector.broadcast %add3A_917 : i32 to vector<16xi32>
      %add3A_919 = arith.addi %add3A_918, %iota3A : vector<16xi32>
      tpu.vector_store_idx %arg7[%add3A_919, %add3A_871], %gather3A_916 : memref<64x512xf32, #tpu.memory_space<vmem>>[vector<16xi32>, vector<16xi32>], vector<16xf32>,
      %add3A_920 = arith.constant 8 : i32
      %add3A_921 = arith.addi %add3A_819, %add3A_920 : i32
      %lt3A_922 = arith.constant 512 : i32
      %lt3A_923 = arith.cmpi slt, %add3A_921, %lt3A_922 : i32
      %convert_element_type3A_924 = arith.extui %lt3A_923 : i1 to i32
      %cond3A_925 = arith.constant 0 : i32
      %cond3A_926 = arith.cmpi ne, %convert_element_type3A_924, %cond3A_925 : i32
      scf.if %cond3A_926 {
        %slice3A_2148 = vector.extract_strided_slice %get3A_375 {offsets = [4], sizes = [1], strides = [1]} : vector<16xi32> to vector<1xi32>
        %squeeze3A_2149 = vector.extract %slice3A_2148[0] : i32 from vector<1xi32>
        %jit3A_2150 = arith.constant 128 : i32
        %div3A_2151 = arith.divsi %squeeze3A_2149, %jit3A_2150 : i32
        %sign3A_2152 = arith.constant 0 : i32
        %sign3A_2153 = arith.cmpi sgt, %squeeze3A_2149, %sign3A_2152 : i32
        %sign3A_2154 = arith.extui %sign3A_2153 : i1 to i32
        %sign3A_2155 = arith.constant 0 : i32
        %sign3A_2156 = arith.cmpi slt, %squeeze3A_2149, %sign3A_2155 : i32
        %sign3A_2157 = arith.extui %sign3A_2156 : i1 to i32
        %sign3A_2158 = arith.subi %sign3A_2154, %sign3A_2157 : i32
        %sign3A_2159 = arith.constant 0 : i32
        %sign3A_2160 = arith.cmpi sgt, %jit3A_2150, %sign3A_2159 : i32
        %sign3A_2161 = arith.extui %sign3A_2160 : i1 to i32
        %sign3A_2162 = arith.constant 0 : i32
        %sign3A_2163 = arith.cmpi slt, %jit3A_2150, %sign3A_2162 : i32
        %sign3A_2164 = arith.extui %sign3A_2163 : i1 to i32
        %sign3A_2165 = arith.subi %sign3A_2161, %sign3A_2164 : i32
        %ne3A_2166 = arith.cmpi ne, %sign3A_2158, %sign3A_2165 : i32
        %rem3A_2167 = arith.remsi %squeeze3A_2149, %jit3A_2150 : i32
        %ne3A_2168 = arith.constant 0 : i32
        %ne3A_2169 = arith.cmpi ne, %rem3A_2167, %ne3A_2168 : i32
        %and3A_2170 = arith.andi %ne3A_2166, %ne3A_2169 : i1
        %sub3A_2171 = arith.constant 1 : i32
        %sub3A_2172 = arith.subi %div3A_2151, %sub3A_2171 : i32
        %select_n3A_2173 = arith.select %and3A_2170, %sub3A_2172, %div3A_2151 : i32
        %mul3A_2174 = arith.constant 128 : i32
        %mul3A_2175 = arith.muli %select_n3A_2173, %mul3A_2174 : i32
        %multiple_of3A_2176 = tpu.assume_multiple %mul3A_2175, 128 : i32
        %dma_start3A_2177 = arith.constant 4 : i32
        %dma_start3A_2178 = arith.constant 4 : i32
        %dma_start3A_2179 = arith.constant 0 : i32
        %dma_start3A_2180 = arith.constant 0 : i32
        %dma_start3A_2181 = tpu.memref_slice %arg6[%dma_start3A_2177, %dma_start3A_2179, %dma_start3A_2180] : memref<8x64x128xf32, #tpu.memory_space<vmem>> -> memref<1x64x128xf32, #tpu.memory_space<vmem>>
        %dma_start3A_2182 = tpu.memref_squeeze %dma_start3A_2181 : memref<1x64x128xf32, #tpu.memory_space<vmem>> -> memref<64x128xf32, #tpu.memory_space<vmem>>
        %dma_start3A_2183 = arith.constant 0 : i32
        %dma_start3A_2184 = tpu.memref_slice %arg2[%dma_start3A_2183, %multiple_of3A_2176] : memref<64x1000000xf32, #tpu.memory_space<hbm>> -> memref<64x128xf32, #tpu.memory_space<hbm>>
        %dma_start3A_2185 = tpu.memref_slice %arg8[%dma_start3A_2178] : memref<8x!tpu.dma_semaphore, #tpu.memory_space<semaphore_mem>> -> memref<1x!tpu.dma_semaphore, #tpu.memory_space<semaphore_mem>>
        %dma_start3A_2186 = tpu.memref_squeeze %dma_start3A_2185 : memref<1x!tpu.dma_semaphore, #tpu.memory_space<semaphore_mem>> -> memref<!tpu.dma_semaphore, #tpu.memory_space<semaphore_mem>>
        %dma_start3A_2187 = arith.constant 0 : i32
        %dma_start3A_2188 = arith.constant 0 : i32
        %dma_start3A_2189 = tpu.memref_slice %arg6[%dma_start3A_2177, %dma_start3A_2187, %dma_start3A_2188] : memref<8x64x128xf32, #tpu.memory_space<vmem>> -> memref<1x64x128xf32, #tpu.memory_space<vmem>>
        %dma_start3A_2190 = tpu.memref_squeeze %dma_start3A_2189 : memref<1x64x128xf32, #tpu.memory_space<vmem>> -> memref<64x128xf32, #tpu.memory_space<vmem>>
        %dma_start3A_2191 = arith.constant 0 : i32
        %dma_start3A_2192 = tpu.memref_slice %arg2[%dma_start3A_2191, %multiple_of3A_2176] : memref<64x1000000xf32, #tpu.memory_space<hbm>> -> memref<64x128xf32, #tpu.memory_space<hbm>>
        tpu.enqueue_dma source(%dma_start3A_2192 : memref<64x128xf32, #tpu.memory_space<hbm>>) target(%dma_start3A_2190 : memref<64x128xf32, #tpu.memory_space<vmem>>) target_semaphore(%dma_start3A_2186 : memref<!tpu.dma_semaphore, #tpu.memory_space<semaphore_mem>>)
      } else {
      }
      %mul3A_927 = arith.constant 16 : i32
      %mul3A_928 = arith.muli %scan3A_365, %mul3A_927 : i32
      %add3A_929 = arith.constant 5 : i32
      %add3A_930 = arith.addi %mul3A_928, %add3A_929 : i32
      %dma_wait3A_931 = arith.constant 5 : i32
      %dma_wait3A_932 = arith.constant 5 : i32
      %dma_wait3A_933 = arith.constant 0 : i32
      %dma_wait3A_934 = arith.constant 0 : i32
      %dma_wait3A_935 = tpu.memref_slice %arg6[%dma_wait3A_931, %dma_wait3A_933, %dma_wait3A_934] : memref<8x64x128xf32, #tpu.memory_space<vmem>> -> memref<1x64x128xf32, #tpu.memory_space<vmem>>
      %dma_wait3A_936 = tpu.memref_squeeze %dma_wait3A_935 : memref<1x64x128xf32, #tpu.memory_space<vmem>> -> memref<64x128xf32, #tpu.memory_space<vmem>>
      %dma_wait3A_937 = arith.constant 0 : i32
      %dma_wait3A_938 = arith.constant 0 : i32
      %dma_wait3A_939 = tpu.memref_slice %arg2[%dma_wait3A_937, %dma_wait3A_938] : memref<64x1000000xf32, #tpu.memory_space<hbm>> -> memref<64x128xf32, #tpu.memory_space<hbm>>
      %dma_wait3A_940 = tpu.memref_slice %arg8[%dma_wait3A_932] : memref<8x!tpu.dma_semaphore, #tpu.memory_space<semaphore_mem>> -> memref<1x!tpu.dma_semaphore, #tpu.memory_space<semaphore_mem>>
      %dma_wait3A_941 = tpu.memref_squeeze %dma_wait3A_940 : memref<1x!tpu.dma_semaphore, #tpu.memory_space<semaphore_mem>> -> memref<!tpu.dma_semaphore, #tpu.memory_space<semaphore_mem>>
      %dma_wait3A_942 = arith.constant 0 : i32
      %dma_wait3A_943 = arith.constant 0 : i32
      %dma_wait3A_944 = tpu.memref_slice %arg6[%dma_wait3A_931, %dma_wait3A_942, %dma_wait3A_943] : memref<8x64x128xf32, #tpu.memory_space<vmem>> -> memref<1x64x128xf32, #tpu.memory_space<vmem>>
      %dma_wait3A_945 = tpu.memref_squeeze %dma_wait3A_944 : memref<1x64x128xf32, #tpu.memory_space<vmem>> -> memref<64x128xf32, #tpu.memory_space<vmem>>
      %dma_wait3A_946 = arith.constant 0 : i32
      %dma_wait3A_947 = arith.constant 0 : i32
      %dma_wait3A_948 = tpu.memref_slice %arg2[%dma_wait3A_946, %dma_wait3A_947] : memref<64x1000000xf32, #tpu.memory_space<hbm>> -> memref<64x128xf32, #tpu.memory_space<hbm>>
      tpu.wait_dma2 semaphore(%dma_wait3A_941 : memref<!tpu.dma_semaphore, #tpu.memory_space<semaphore_mem>>) src(%dma_wait3A_948 : memref<64x128xf32, #tpu.memory_space<hbm>>) dst(%dma_wait3A_945 : memref<64x128xf32, #tpu.memory_space<vmem>>)
      %slice3A_949 = vector.extract_strided_slice %get3A_369 {offsets = [5], sizes = [1], strides = [1]} : vector<16xi32> to vector<1xi32>
      %squeeze3A_950 = vector.extract %slice3A_949[0] : i32 from vector<1xi32>
      %jit3A_951 = arith.constant 128 : i32
      %div3A_952 = arith.divsi %squeeze3A_950, %jit3A_951 : i32
      %sign3A_953 = arith.constant 0 : i32
      %sign3A_954 = arith.cmpi sgt, %squeeze3A_950, %sign3A_953 : i32
      %sign3A_955 = arith.extui %sign3A_954 : i1 to i32
      %sign3A_956 = arith.constant 0 : i32
      %sign3A_957 = arith.cmpi slt, %squeeze3A_950, %sign3A_956 : i32
      %sign3A_958 = arith.extui %sign3A_957 : i1 to i32
      %sign3A_959 = arith.subi %sign3A_955, %sign3A_958 : i32
      %sign3A_960 = arith.constant 0 : i32
      %sign3A_961 = arith.cmpi sgt, %jit3A_951, %sign3A_960 : i32
      %sign3A_962 = arith.extui %sign3A_961 : i1 to i32
      %sign3A_963 = arith.constant 0 : i32
      %sign3A_964 = arith.cmpi slt, %jit3A_951, %sign3A_963 : i32
      %sign3A_965 = arith.extui %sign3A_964 : i1 to i32
      %sign3A_966 = arith.subi %sign3A_962, %sign3A_965 : i32
      %ne3A_967 = arith.cmpi ne, %sign3A_959, %sign3A_966 : i32
      %rem3A_968 = arith.remsi %squeeze3A_950, %jit3A_951 : i32
      %ne3A_969 = arith.constant 0 : i32
      %ne3A_970 = arith.cmpi ne, %rem3A_968, %ne3A_969 : i32
      %and3A_971 = arith.andi %ne3A_967, %ne3A_970 : i1
      %sub3A_972 = arith.constant 1 : i32
      %sub3A_973 = arith.subi %div3A_952, %sub3A_972 : i32
      %select_n3A_974 = arith.select %and3A_971, %sub3A_973, %div3A_952 : i32
      %mul3A_975 = arith.constant 128 : i32
      %mul3A_976 = arith.muli %select_n3A_974, %mul3A_975 : i32
      %multiple_of3A_977 = tpu.assume_multiple %mul3A_976, 128 : i32
      %sub3A_978 = arith.subi %squeeze3A_950, %multiple_of3A_977 : i32
      %add3A_979 = vector.broadcast %sub3A_978 : i32 to vector<16xi32>
      %add3A_980 = arith.addi %broadcast_in_dim3A_3, %add3A_979 : vector<16xi32>
      %add3A_981 = vector.broadcast %add3A_930 : i32 to vector<16xi32>
      %add3A_982 = arith.addi %broadcast_in_dim3A_3, %add3A_981 : vector<16xi32>
      %add3A_983 = arith.constant 0 : i32
      %add3A_984 = vector.broadcast %add3A_983 : i32 to vector<16xi32>
      %add3A_985 = arith.addi %add3A_984, %iota3A : vector<16xi32>
      %gather3A_986 = arith.constant 5 : i32
      %gather3A_987 = arith.constant 0 : i32
      %gather3A_988 = arith.constant 0 : i32
      %gather3A_989 = tpu.memref_slice %arg6[%gather3A_986, %gather3A_987, %gather3A_988] : memref<8x64x128xf32, #tpu.memory_space<vmem>> -> memref<1x64x128xf32, #tpu.memory_space<vmem>>
      %gather3A_990 = tpu.memref_squeeze %gather3A_989 : memref<1x64x128xf32, #tpu.memory_space<vmem>> -> memref<64x128xf32, #tpu.memory_space<vmem>>
      %gather3A_991 = tpu.vector_load_idx %gather3A_990[%add3A_985, %add3A_980] : memref<64x128xf32, #tpu.memory_space<vmem>>[vector<16xi32>, vector<16xi32>], vector<16xf32>,
      %add3A_992 = arith.constant 0 : i32
      %add3A_993 = vector.broadcast %add3A_992 : i32 to vector<16xi32>
      %add3A_994 = arith.addi %add3A_993, %iota3A : vector<16xi32>
      tpu.vector_store_idx %arg7[%add3A_994, %add3A_982], %gather3A_991 : memref<64x512xf32, #tpu.memory_space<vmem>>[vector<16xi32>, vector<16xi32>], vector<16xf32>,
      %add3A_995 = arith.constant 16 : i32
      %add3A_996 = vector.broadcast %add3A_995 : i32 to vector<16xi32>
      %add3A_997 = arith.addi %add3A_996, %iota3A : vector<16xi32>
      %gather3A_998 = arith.constant 5 : i32
      %gather3A_999 = arith.constant 0 : i32
      %gather3A_1000 = arith.constant 0 : i32
      %gather3A_1001 = tpu.memref_slice %arg6[%gather3A_998, %gather3A_999, %gather3A_1000] : memref<8x64x128xf32, #tpu.memory_space<vmem>> -> memref<1x64x128xf32, #tpu.memory_space<vmem>>
      %gather3A_1002 = tpu.memref_squeeze %gather3A_1001 : memref<1x64x128xf32, #tpu.memory_space<vmem>> -> memref<64x128xf32, #tpu.memory_space<vmem>>
      %gather3A_1003 = tpu.vector_load_idx %gather3A_1002[%add3A_997, %add3A_980] : memref<64x128xf32, #tpu.memory_space<vmem>>[vector<16xi32>, vector<16xi32>], vector<16xf32>,
      %add3A_1004 = arith.constant 16 : i32
      %add3A_1005 = vector.broadcast %add3A_1004 : i32 to vector<16xi32>
      %add3A_1006 = arith.addi %add3A_1005, %iota3A : vector<16xi32>
      tpu.vector_store_idx %arg7[%add3A_1006, %add3A_982], %gather3A_1003 : memref<64x512xf32, #tpu.memory_space<vmem>>[vector<16xi32>, vector<16xi32>], vector<16xf32>,
      %add3A_1007 = arith.constant 32 : i32
      %add3A_1008 = vector.broadcast %add3A_1007 : i32 to vector<16xi32>
      %add3A_1009 = arith.addi %add3A_1008, %iota3A : vector<16xi32>
      %gather3A_1010 = arith.constant 5 : i32
      %gather3A_1011 = arith.constant 0 : i32
      %gather3A_1012 = arith.constant 0 : i32
      %gather3A_1013 = tpu.memref_slice %arg6[%gather3A_1010, %gather3A_1011, %gather3A_1012] : memref<8x64x128xf32, #tpu.memory_space<vmem>> -> memref<1x64x128xf32, #tpu.memory_space<vmem>>
      %gather3A_1014 = tpu.memref_squeeze %gather3A_1013 : memref<1x64x128xf32, #tpu.memory_space<vmem>> -> memref<64x128xf32, #tpu.memory_space<vmem>>
      %gather3A_1015 = tpu.vector_load_idx %gather3A_1014[%add3A_1009, %add3A_980] : memref<64x128xf32, #tpu.memory_space<vmem>>[vector<16xi32>, vector<16xi32>], vector<16xf32>,
      %add3A_1016 = arith.constant 32 : i32
      %add3A_1017 = vector.broadcast %add3A_1016 : i32 to vector<16xi32>
      %add3A_1018 = arith.addi %add3A_1017, %iota3A : vector<16xi32>
      tpu.vector_store_idx %arg7[%add3A_1018, %add3A_982], %gather3A_1015 : memref<64x512xf32, #tpu.memory_space<vmem>>[vector<16xi32>, vector<16xi32>], vector<16xf32>,
      %add3A_1019 = arith.constant 48 : i32
      %add3A_1020 = vector.broadcast %add3A_1019 : i32 to vector<16xi32>
      %add3A_1021 = arith.addi %add3A_1020, %iota3A : vector<16xi32>
      %gather3A_1022 = arith.constant 5 : i32
      %gather3A_1023 = arith.constant 0 : i32
      %gather3A_1024 = arith.constant 0 : i32
      %gather3A_1025 = tpu.memref_slice %arg6[%gather3A_1022, %gather3A_1023, %gather3A_1024] : memref<8x64x128xf32, #tpu.memory_space<vmem>> -> memref<1x64x128xf32, #tpu.memory_space<vmem>>
      %gather3A_1026 = tpu.memref_squeeze %gather3A_1025 : memref<1x64x128xf32, #tpu.memory_space<vmem>> -> memref<64x128xf32, #tpu.memory_space<vmem>>
      %gather3A_1027 = tpu.vector_load_idx %gather3A_1026[%add3A_1021, %add3A_980] : memref<64x128xf32, #tpu.memory_space<vmem>>[vector<16xi32>, vector<16xi32>], vector<16xf32>,
      %add3A_1028 = arith.constant 48 : i32
      %add3A_1029 = vector.broadcast %add3A_1028 : i32 to vector<16xi32>
      %add3A_1030 = arith.addi %add3A_1029, %iota3A : vector<16xi32>
      tpu.vector_store_idx %arg7[%add3A_1030, %add3A_982], %gather3A_1027 : memref<64x512xf32, #tpu.memory_space<vmem>>[vector<16xi32>, vector<16xi32>], vector<16xf32>,
      %add3A_1031 = arith.constant 8 : i32
      %add3A_1032 = arith.addi %add3A_930, %add3A_1031 : i32
      %lt3A_1033 = arith.constant 512 : i32
      %lt3A_1034 = arith.cmpi slt, %add3A_1032, %lt3A_1033 : i32
      %convert_element_type3A_1035 = arith.extui %lt3A_1034 : i1 to i32
      %cond3A_1036 = arith.constant 0 : i32
      %cond3A_1037 = arith.cmpi ne, %convert_element_type3A_1035, %cond3A_1036 : i32
      scf.if %cond3A_1037 {
        %slice3A_2148 = vector.extract_strided_slice %get3A_375 {offsets = [5], sizes = [1], strides = [1]} : vector<16xi32> to vector<1xi32>
        %squeeze3A_2149 = vector.extract %slice3A_2148[0] : i32 from vector<1xi32>
        %jit3A_2150 = arith.constant 128 : i32
        %div3A_2151 = arith.divsi %squeeze3A_2149, %jit3A_2150 : i32
        %sign3A_2152 = arith.constant 0 : i32
        %sign3A_2153 = arith.cmpi sgt, %squeeze3A_2149, %sign3A_2152 : i32
        %sign3A_2154 = arith.extui %sign3A_2153 : i1 to i32
        %sign3A_2155 = arith.constant 0 : i32
        %sign3A_2156 = arith.cmpi slt, %squeeze3A_2149, %sign3A_2155 : i32
        %sign3A_2157 = arith.extui %sign3A_2156 : i1 to i32
        %sign3A_2158 = arith.subi %sign3A_2154, %sign3A_2157 : i32
        %sign3A_2159 = arith.constant 0 : i32
        %sign3A_2160 = arith.cmpi sgt, %jit3A_2150, %sign3A_2159 : i32
        %sign3A_2161 = arith.extui %sign3A_2160 : i1 to i32
        %sign3A_2162 = arith.constant 0 : i32
        %sign3A_2163 = arith.cmpi slt, %jit3A_2150, %sign3A_2162 : i32
        %sign3A_2164 = arith.extui %sign3A_2163 : i1 to i32
        %sign3A_2165 = arith.subi %sign3A_2161, %sign3A_2164 : i32
        %ne3A_2166 = arith.cmpi ne, %sign3A_2158, %sign3A_2165 : i32
        %rem3A_2167 = arith.remsi %squeeze3A_2149, %jit3A_2150 : i32
        %ne3A_2168 = arith.constant 0 : i32
        %ne3A_2169 = arith.cmpi ne, %rem3A_2167, %ne3A_2168 : i32
        %and3A_2170 = arith.andi %ne3A_2166, %ne3A_2169 : i1
        %sub3A_2171 = arith.constant 1 : i32
        %sub3A_2172 = arith.subi %div3A_2151, %sub3A_2171 : i32
        %select_n3A_2173 = arith.select %and3A_2170, %sub3A_2172, %div3A_2151 : i32
        %mul3A_2174 = arith.constant 128 : i32
        %mul3A_2175 = arith.muli %select_n3A_2173, %mul3A_2174 : i32
        %multiple_of3A_2176 = tpu.assume_multiple %mul3A_2175, 128 : i32
        %dma_start3A_2177 = arith.constant 5 : i32
        %dma_start3A_2178 = arith.constant 5 : i32
        %dma_start3A_2179 = arith.constant 0 : i32
        %dma_start3A_2180 = arith.constant 0 : i32
        %dma_start3A_2181 = tpu.memref_slice %arg6[%dma_start3A_2177, %dma_start3A_2179, %dma_start3A_2180] : memref<8x64x128xf32, #tpu.memory_space<vmem>> -> memref<1x64x128xf32, #tpu.memory_space<vmem>>
        %dma_start3A_2182 = tpu.memref_squeeze %dma_start3A_2181 : memref<1x64x128xf32, #tpu.memory_space<vmem>> -> memref<64x128xf32, #tpu.memory_space<vmem>>
        %dma_start3A_2183 = arith.constant 0 : i32
        %dma_start3A_2184 = tpu.memref_slice %arg2[%dma_start3A_2183, %multiple_of3A_2176] : memref<64x1000000xf32, #tpu.memory_space<hbm>> -> memref<64x128xf32, #tpu.memory_space<hbm>>
        %dma_start3A_2185 = tpu.memref_slice %arg8[%dma_start3A_2178] : memref<8x!tpu.dma_semaphore, #tpu.memory_space<semaphore_mem>> -> memref<1x!tpu.dma_semaphore, #tpu.memory_space<semaphore_mem>>
        %dma_start3A_2186 = tpu.memref_squeeze %dma_start3A_2185 : memref<1x!tpu.dma_semaphore, #tpu.memory_space<semaphore_mem>> -> memref<!tpu.dma_semaphore, #tpu.memory_space<semaphore_mem>>
        %dma_start3A_2187 = arith.constant 0 : i32
        %dma_start3A_2188 = arith.constant 0 : i32
        %dma_start3A_2189 = tpu.memref_slice %arg6[%dma_start3A_2177, %dma_start3A_2187, %dma_start3A_2188] : memref<8x64x128xf32, #tpu.memory_space<vmem>> -> memref<1x64x128xf32, #tpu.memory_space<vmem>>
        %dma_start3A_2190 = tpu.memref_squeeze %dma_start3A_2189 : memref<1x64x128xf32, #tpu.memory_space<vmem>> -> memref<64x128xf32, #tpu.memory_space<vmem>>
        %dma_start3A_2191 = arith.constant 0 : i32
        %dma_start3A_2192 = tpu.memref_slice %arg2[%dma_start3A_2191, %multiple_of3A_2176] : memref<64x1000000xf32, #tpu.memory_space<hbm>> -> memref<64x128xf32, #tpu.memory_space<hbm>>
        tpu.enqueue_dma source(%dma_start3A_2192 : memref<64x128xf32, #tpu.memory_space<hbm>>) target(%dma_start3A_2190 : memref<64x128xf32, #tpu.memory_space<vmem>>) target_semaphore(%dma_start3A_2186 : memref<!tpu.dma_semaphore, #tpu.memory_space<semaphore_mem>>)
      } else {
      }
      %mul3A_1038 = arith.constant 16 : i32
      %mul3A_1039 = arith.muli %scan3A_365, %mul3A_1038 : i32
      %add3A_1040 = arith.constant 6 : i32
      %add3A_1041 = arith.addi %mul3A_1039, %add3A_1040 : i32
      %dma_wait3A_1042 = arith.constant 6 : i32
      %dma_wait3A_1043 = arith.constant 6 : i32
      %dma_wait3A_1044 = arith.constant 0 : i32
      %dma_wait3A_1045 = arith.constant 0 : i32
      %dma_wait3A_1046 = tpu.memref_slice %arg6[%dma_wait3A_1042, %dma_wait3A_1044, %dma_wait3A_1045] : memref<8x64x128xf32, #tpu.memory_space<vmem>> -> memref<1x64x128xf32, #tpu.memory_space<vmem>>
      %dma_wait3A_1047 = tpu.memref_squeeze %dma_wait3A_1046 : memref<1x64x128xf32, #tpu.memory_space<vmem>> -> memref<64x128xf32, #tpu.memory_space<vmem>>
      %dma_wait3A_1048 = arith.constant 0 : i32
      %dma_wait3A_1049 = arith.constant 0 : i32
      %dma_wait3A_1050 = tpu.memref_slice %arg2[%dma_wait3A_1048, %dma_wait3A_1049] : memref<64x1000000xf32, #tpu.memory_space<hbm>> -> memref<64x128xf32, #tpu.memory_space<hbm>>
      %dma_wait3A_1051 = tpu.memref_slice %arg8[%dma_wait3A_1043] : memref<8x!tpu.dma_semaphore, #tpu.memory_space<semaphore_mem>> -> memref<1x!tpu.dma_semaphore, #tpu.memory_space<semaphore_mem>>
      %dma_wait3A_1052 = tpu.memref_squeeze %dma_wait3A_1051 : memref<1x!tpu.dma_semaphore, #tpu.memory_space<semaphore_mem>> -> memref<!tpu.dma_semaphore, #tpu.memory_space<semaphore_mem>>
      %dma_wait3A_1053 = arith.constant 0 : i32
      %dma_wait3A_1054 = arith.constant 0 : i32
      %dma_wait3A_1055 = tpu.memref_slice %arg6[%dma_wait3A_1042, %dma_wait3A_1053, %dma_wait3A_1054] : memref<8x64x128xf32, #tpu.memory_space<vmem>> -> memref<1x64x128xf32, #tpu.memory_space<vmem>>
      %dma_wait3A_1056 = tpu.memref_squeeze %dma_wait3A_1055 : memref<1x64x128xf32, #tpu.memory_space<vmem>> -> memref<64x128xf32, #tpu.memory_space<vmem>>
      %dma_wait3A_1057 = arith.constant 0 : i32
      %dma_wait3A_1058 = arith.constant 0 : i32
      %dma_wait3A_1059 = tpu.memref_slice %arg2[%dma_wait3A_1057, %dma_wait3A_1058] : memref<64x1000000xf32, #tpu.memory_space<hbm>> -> memref<64x128xf32, #tpu.memory_space<hbm>>
      tpu.wait_dma2 semaphore(%dma_wait3A_1052 : memref<!tpu.dma_semaphore, #tpu.memory_space<semaphore_mem>>) src(%dma_wait3A_1059 : memref<64x128xf32, #tpu.memory_space<hbm>>) dst(%dma_wait3A_1056 : memref<64x128xf32, #tpu.memory_space<vmem>>)
      %slice3A_1060 = vector.extract_strided_slice %get3A_369 {offsets = [6], sizes = [1], strides = [1]} : vector<16xi32> to vector<1xi32>
      %squeeze3A_1061 = vector.extract %slice3A_1060[0] : i32 from vector<1xi32>
      %jit3A_1062 = arith.constant 128 : i32
      %div3A_1063 = arith.divsi %squeeze3A_1061, %jit3A_1062 : i32
      %sign3A_1064 = arith.constant 0 : i32
      %sign3A_1065 = arith.cmpi sgt, %squeeze3A_1061, %sign3A_1064 : i32
      %sign3A_1066 = arith.extui %sign3A_1065 : i1 to i32
      %sign3A_1067 = arith.constant 0 : i32
      %sign3A_1068 = arith.cmpi slt, %squeeze3A_1061, %sign3A_1067 : i32
      %sign3A_1069 = arith.extui %sign3A_1068 : i1 to i32
      %sign3A_1070 = arith.subi %sign3A_1066, %sign3A_1069 : i32
      %sign3A_1071 = arith.constant 0 : i32
      %sign3A_1072 = arith.cmpi sgt, %jit3A_1062, %sign3A_1071 : i32
      %sign3A_1073 = arith.extui %sign3A_1072 : i1 to i32
      %sign3A_1074 = arith.constant 0 : i32
      %sign3A_1075 = arith.cmpi slt, %jit3A_1062, %sign3A_1074 : i32
      %sign3A_1076 = arith.extui %sign3A_1075 : i1 to i32
      %sign3A_1077 = arith.subi %sign3A_1073, %sign3A_1076 : i32
      %ne3A_1078 = arith.cmpi ne, %sign3A_1070, %sign3A_1077 : i32
      %rem3A_1079 = arith.remsi %squeeze3A_1061, %jit3A_1062 : i32
      %ne3A_1080 = arith.constant 0 : i32
      %ne3A_1081 = arith.cmpi ne, %rem3A_1079, %ne3A_1080 : i32
      %and3A_1082 = arith.andi %ne3A_1078, %ne3A_1081 : i1
      %sub3A_1083 = arith.constant 1 : i32
      %sub3A_1084 = arith.subi %div3A_1063, %sub3A_1083 : i32
      %select_n3A_1085 = arith.select %and3A_1082, %sub3A_1084, %div3A_1063 : i32
      %mul3A_1086 = arith.constant 128 : i32
      %mul3A_1087 = arith.muli %select_n3A_1085, %mul3A_1086 : i32
      %multiple_of3A_1088 = tpu.assume_multiple %mul3A_1087, 128 : i32
      %sub3A_1089 = arith.subi %squeeze3A_1061, %multiple_of3A_1088 : i32
      %add3A_1090 = vector.broadcast %sub3A_1089 : i32 to vector<16xi32>
      %add3A_1091 = arith.addi %broadcast_in_dim3A_3, %add3A_1090 : vector<16xi32>
      %add3A_1092 = vector.broadcast %add3A_1041 : i32 to vector<16xi32>
      %add3A_1093 = arith.addi %broadcast_in_dim3A_3, %add3A_1092 : vector<16xi32>
      %add3A_1094 = arith.constant 0 : i32
      %add3A_1095 = vector.broadcast %add3A_1094 : i32 to vector<16xi32>
      %add3A_1096 = arith.addi %add3A_1095, %iota3A : vector<16xi32>
      %gather3A_1097 = arith.constant 6 : i32
      %gather3A_1098 = arith.constant 0 : i32
      %gather3A_1099 = arith.constant 0 : i32
      %gather3A_1100 = tpu.memref_slice %arg6[%gather3A_1097, %gather3A_1098, %gather3A_1099] : memref<8x64x128xf32, #tpu.memory_space<vmem>> -> memref<1x64x128xf32, #tpu.memory_space<vmem>>
      %gather3A_1101 = tpu.memref_squeeze %gather3A_1100 : memref<1x64x128xf32, #tpu.memory_space<vmem>> -> memref<64x128xf32, #tpu.memory_space<vmem>>
      %gather3A_1102 = tpu.vector_load_idx %gather3A_1101[%add3A_1096, %add3A_1091] : memref<64x128xf32, #tpu.memory_space<vmem>>[vector<16xi32>, vector<16xi32>], vector<16xf32>,
      %add3A_1103 = arith.constant 0 : i32
      %add3A_1104 = vector.broadcast %add3A_1103 : i32 to vector<16xi32>
      %add3A_1105 = arith.addi %add3A_1104, %iota3A : vector<16xi32>
      tpu.vector_store_idx %arg7[%add3A_1105, %add3A_1093], %gather3A_1102 : memref<64x512xf32, #tpu.memory_space<vmem>>[vector<16xi32>, vector<16xi32>], vector<16xf32>,
      %add3A_1106 = arith.constant 16 : i32
      %add3A_1107 = vector.broadcast %add3A_1106 : i32 to vector<16xi32>
      %add3A_1108 = arith.addi %add3A_1107, %iota3A : vector<16xi32>
      %gather3A_1109 = arith.constant 6 : i32
      %gather3A_1110 = arith.constant 0 : i32
      %gather3A_1111 = arith.constant 0 : i32
      %gather3A_1112 = tpu.memref_slice %arg6[%gather3A_1109, %gather3A_1110, %gather3A_1111] : memref<8x64x128xf32, #tpu.memory_space<vmem>> -> memref<1x64x128xf32, #tpu.memory_space<vmem>>
      %gather3A_1113 = tpu.memref_squeeze %gather3A_1112 : memref<1x64x128xf32, #tpu.memory_space<vmem>> -> memref<64x128xf32, #tpu.memory_space<vmem>>
      %gather3A_1114 = tpu.vector_load_idx %gather3A_1113[%add3A_1108, %add3A_1091] : memref<64x128xf32, #tpu.memory_space<vmem>>[vector<16xi32>, vector<16xi32>], vector<16xf32>,
      %add3A_1115 = arith.constant 16 : i32
      %add3A_1116 = vector.broadcast %add3A_1115 : i32 to vector<16xi32>
      %add3A_1117 = arith.addi %add3A_1116, %iota3A : vector<16xi32>
      tpu.vector_store_idx %arg7[%add3A_1117, %add3A_1093], %gather3A_1114 : memref<64x512xf32, #tpu.memory_space<vmem>>[vector<16xi32>, vector<16xi32>], vector<16xf32>,
      %add3A_1118 = arith.constant 32 : i32
      %add3A_1119 = vector.broadcast %add3A_1118 : i32 to vector<16xi32>
      %add3A_1120 = arith.addi %add3A_1119, %iota3A : vector<16xi32>
      %gather3A_1121 = arith.constant 6 : i32
      %gather3A_1122 = arith.constant 0 : i32
      %gather3A_1123 = arith.constant 0 : i32
      %gather3A_1124 = tpu.memref_slice %arg6[%gather3A_1121, %gather3A_1122, %gather3A_1123] : memref<8x64x128xf32, #tpu.memory_space<vmem>> -> memref<1x64x128xf32, #tpu.memory_space<vmem>>
      %gather3A_1125 = tpu.memref_squeeze %gather3A_1124 : memref<1x64x128xf32, #tpu.memory_space<vmem>> -> memref<64x128xf32, #tpu.memory_space<vmem>>
      %gather3A_1126 = tpu.vector_load_idx %gather3A_1125[%add3A_1120, %add3A_1091] : memref<64x128xf32, #tpu.memory_space<vmem>>[vector<16xi32>, vector<16xi32>], vector<16xf32>,
      %add3A_1127 = arith.constant 32 : i32
      %add3A_1128 = vector.broadcast %add3A_1127 : i32 to vector<16xi32>
      %add3A_1129 = arith.addi %add3A_1128, %iota3A : vector<16xi32>
      tpu.vector_store_idx %arg7[%add3A_1129, %add3A_1093], %gather3A_1126 : memref<64x512xf32, #tpu.memory_space<vmem>>[vector<16xi32>, vector<16xi32>], vector<16xf32>,
      %add3A_1130 = arith.constant 48 : i32
      %add3A_1131 = vector.broadcast %add3A_1130 : i32 to vector<16xi32>
      %add3A_1132 = arith.addi %add3A_1131, %iota3A : vector<16xi32>
      %gather3A_1133 = arith.constant 6 : i32
      %gather3A_1134 = arith.constant 0 : i32
      %gather3A_1135 = arith.constant 0 : i32
      %gather3A_1136 = tpu.memref_slice %arg6[%gather3A_1133, %gather3A_1134, %gather3A_1135] : memref<8x64x128xf32, #tpu.memory_space<vmem>> -> memref<1x64x128xf32, #tpu.memory_space<vmem>>
      %gather3A_1137 = tpu.memref_squeeze %gather3A_1136 : memref<1x64x128xf32, #tpu.memory_space<vmem>> -> memref<64x128xf32, #tpu.memory_space<vmem>>
      %gather3A_1138 = tpu.vector_load_idx %gather3A_1137[%add3A_1132, %add3A_1091] : memref<64x128xf32, #tpu.memory_space<vmem>>[vector<16xi32>, vector<16xi32>], vector<16xf32>,
      %add3A_1139 = arith.constant 48 : i32
      %add3A_1140 = vector.broadcast %add3A_1139 : i32 to vector<16xi32>
      %add3A_1141 = arith.addi %add3A_1140, %iota3A : vector<16xi32>
      tpu.vector_store_idx %arg7[%add3A_1141, %add3A_1093], %gather3A_1138 : memref<64x512xf32, #tpu.memory_space<vmem>>[vector<16xi32>, vector<16xi32>], vector<16xf32>,
      %add3A_1142 = arith.constant 8 : i32
      %add3A_1143 = arith.addi %add3A_1041, %add3A_1142 : i32
      %lt3A_1144 = arith.constant 512 : i32
      %lt3A_1145 = arith.cmpi slt, %add3A_1143, %lt3A_1144 : i32
      %convert_element_type3A_1146 = arith.extui %lt3A_1145 : i1 to i32
      %cond3A_1147 = arith.constant 0 : i32
      %cond3A_1148 = arith.cmpi ne, %convert_element_type3A_1146, %cond3A_1147 : i32
      scf.if %cond3A_1148 {
        %slice3A_2148 = vector.extract_strided_slice %get3A_375 {offsets = [6], sizes = [1], strides = [1]} : vector<16xi32> to vector<1xi32>
        %squeeze3A_2149 = vector.extract %slice3A_2148[0] : i32 from vector<1xi32>
        %jit3A_2150 = arith.constant 128 : i32
        %div3A_2151 = arith.divsi %squeeze3A_2149, %jit3A_2150 : i32
        %sign3A_2152 = arith.constant 0 : i32
        %sign3A_2153 = arith.cmpi sgt, %squeeze3A_2149, %sign3A_2152 : i32
        %sign3A_2154 = arith.extui %sign3A_2153 : i1 to i32
        %sign3A_2155 = arith.constant 0 : i32
        %sign3A_2156 = arith.cmpi slt, %squeeze3A_2149, %sign3A_2155 : i32
        %sign3A_2157 = arith.extui %sign3A_2156 : i1 to i32
        %sign3A_2158 = arith.subi %sign3A_2154, %sign3A_2157 : i32
        %sign3A_2159 = arith.constant 0 : i32
        %sign3A_2160 = arith.cmpi sgt, %jit3A_2150, %sign3A_2159 : i32
        %sign3A_2161 = arith.extui %sign3A_2160 : i1 to i32
        %sign3A_2162 = arith.constant 0 : i32
        %sign3A_2163 = arith.cmpi slt, %jit3A_2150, %sign3A_2162 : i32
        %sign3A_2164 = arith.extui %sign3A_2163 : i1 to i32
        %sign3A_2165 = arith.subi %sign3A_2161, %sign3A_2164 : i32
        %ne3A_2166 = arith.cmpi ne, %sign3A_2158, %sign3A_2165 : i32
        %rem3A_2167 = arith.remsi %squeeze3A_2149, %jit3A_2150 : i32
        %ne3A_2168 = arith.constant 0 : i32
        %ne3A_2169 = arith.cmpi ne, %rem3A_2167, %ne3A_2168 : i32
        %and3A_2170 = arith.andi %ne3A_2166, %ne3A_2169 : i1
        %sub3A_2171 = arith.constant 1 : i32
        %sub3A_2172 = arith.subi %div3A_2151, %sub3A_2171 : i32
        %select_n3A_2173 = arith.select %and3A_2170, %sub3A_2172, %div3A_2151 : i32
        %mul3A_2174 = arith.constant 128 : i32
        %mul3A_2175 = arith.muli %select_n3A_2173, %mul3A_2174 : i32
        %multiple_of3A_2176 = tpu.assume_multiple %mul3A_2175, 128 : i32
        %dma_start3A_2177 = arith.constant 6 : i32
        %dma_start3A_2178 = arith.constant 6 : i32
        %dma_start3A_2179 = arith.constant 0 : i32
        %dma_start3A_2180 = arith.constant 0 : i32
        %dma_start3A_2181 = tpu.memref_slice %arg6[%dma_start3A_2177, %dma_start3A_2179, %dma_start3A_2180] : memref<8x64x128xf32, #tpu.memory_space<vmem>> -> memref<1x64x128xf32, #tpu.memory_space<vmem>>
        %dma_start3A_2182 = tpu.memref_squeeze %dma_start3A_2181 : memref<1x64x128xf32, #tpu.memory_space<vmem>> -> memref<64x128xf32, #tpu.memory_space<vmem>>
        %dma_start3A_2183 = arith.constant 0 : i32
        %dma_start3A_2184 = tpu.memref_slice %arg2[%dma_start3A_2183, %multiple_of3A_2176] : memref<64x1000000xf32, #tpu.memory_space<hbm>> -> memref<64x128xf32, #tpu.memory_space<hbm>>
        %dma_start3A_2185 = tpu.memref_slice %arg8[%dma_start3A_2178] : memref<8x!tpu.dma_semaphore, #tpu.memory_space<semaphore_mem>> -> memref<1x!tpu.dma_semaphore, #tpu.memory_space<semaphore_mem>>
        %dma_start3A_2186 = tpu.memref_squeeze %dma_start3A_2185 : memref<1x!tpu.dma_semaphore, #tpu.memory_space<semaphore_mem>> -> memref<!tpu.dma_semaphore, #tpu.memory_space<semaphore_mem>>
        %dma_start3A_2187 = arith.constant 0 : i32
        %dma_start3A_2188 = arith.constant 0 : i32
        %dma_start3A_2189 = tpu.memref_slice %arg6[%dma_start3A_2177, %dma_start3A_2187, %dma_start3A_2188] : memref<8x64x128xf32, #tpu.memory_space<vmem>> -> memref<1x64x128xf32, #tpu.memory_space<vmem>>
        %dma_start3A_2190 = tpu.memref_squeeze %dma_start3A_2189 : memref<1x64x128xf32, #tpu.memory_space<vmem>> -> memref<64x128xf32, #tpu.memory_space<vmem>>
        %dma_start3A_2191 = arith.constant 0 : i32
        %dma_start3A_2192 = tpu.memref_slice %arg2[%dma_start3A_2191, %multiple_of3A_2176] : memref<64x1000000xf32, #tpu.memory_space<hbm>> -> memref<64x128xf32, #tpu.memory_space<hbm>>
        tpu.enqueue_dma source(%dma_start3A_2192 : memref<64x128xf32, #tpu.memory_space<hbm>>) target(%dma_start3A_2190 : memref<64x128xf32, #tpu.memory_space<vmem>>) target_semaphore(%dma_start3A_2186 : memref<!tpu.dma_semaphore, #tpu.memory_space<semaphore_mem>>)
      } else {
      }
      %mul3A_1149 = arith.constant 16 : i32
      %mul3A_1150 = arith.muli %scan3A_365, %mul3A_1149 : i32
      %add3A_1151 = arith.constant 7 : i32
      %add3A_1152 = arith.addi %mul3A_1150, %add3A_1151 : i32
      %dma_wait3A_1153 = arith.constant 7 : i32
      %dma_wait3A_1154 = arith.constant 7 : i32
      %dma_wait3A_1155 = arith.constant 0 : i32
      %dma_wait3A_1156 = arith.constant 0 : i32
      %dma_wait3A_1157 = tpu.memref_slice %arg6[%dma_wait3A_1153, %dma_wait3A_1155, %dma_wait3A_1156] : memref<8x64x128xf32, #tpu.memory_space<vmem>> -> memref<1x64x128xf32, #tpu.memory_space<vmem>>
      %dma_wait3A_1158 = tpu.memref_squeeze %dma_wait3A_1157 : memref<1x64x128xf32, #tpu.memory_space<vmem>> -> memref<64x128xf32, #tpu.memory_space<vmem>>
      %dma_wait3A_1159 = arith.constant 0 : i32
      %dma_wait3A_1160 = arith.constant 0 : i32
      %dma_wait3A_1161 = tpu.memref_slice %arg2[%dma_wait3A_1159, %dma_wait3A_1160] : memref<64x1000000xf32, #tpu.memory_space<hbm>> -> memref<64x128xf32, #tpu.memory_space<hbm>>
      %dma_wait3A_1162 = tpu.memref_slice %arg8[%dma_wait3A_1154] : memref<8x!tpu.dma_semaphore, #tpu.memory_space<semaphore_mem>> -> memref<1x!tpu.dma_semaphore, #tpu.memory_space<semaphore_mem>>
      %dma_wait3A_1163 = tpu.memref_squeeze %dma_wait3A_1162 : memref<1x!tpu.dma_semaphore, #tpu.memory_space<semaphore_mem>> -> memref<!tpu.dma_semaphore, #tpu.memory_space<semaphore_mem>>
      %dma_wait3A_1164 = arith.constant 0 : i32
      %dma_wait3A_1165 = arith.constant 0 : i32
      %dma_wait3A_1166 = tpu.memref_slice %arg6[%dma_wait3A_1153, %dma_wait3A_1164, %dma_wait3A_1165] : memref<8x64x128xf32, #tpu.memory_space<vmem>> -> memref<1x64x128xf32, #tpu.memory_space<vmem>>
      %dma_wait3A_1167 = tpu.memref_squeeze %dma_wait3A_1166 : memref<1x64x128xf32, #tpu.memory_space<vmem>> -> memref<64x128xf32, #tpu.memory_space<vmem>>
      %dma_wait3A_1168 = arith.constant 0 : i32
      %dma_wait3A_1169 = arith.constant 0 : i32
      %dma_wait3A_1170 = tpu.memref_slice %arg2[%dma_wait3A_1168, %dma_wait3A_1169] : memref<64x1000000xf32, #tpu.memory_space<hbm>> -> memref<64x128xf32, #tpu.memory_space<hbm>>
      tpu.wait_dma2 semaphore(%dma_wait3A_1163 : memref<!tpu.dma_semaphore, #tpu.memory_space<semaphore_mem>>) src(%dma_wait3A_1170 : memref<64x128xf32, #tpu.memory_space<hbm>>) dst(%dma_wait3A_1167 : memref<64x128xf32, #tpu.memory_space<vmem>>)
      %slice3A_1171 = vector.extract_strided_slice %get3A_369 {offsets = [7], sizes = [1], strides = [1]} : vector<16xi32> to vector<1xi32>
      %squeeze3A_1172 = vector.extract %slice3A_1171[0] : i32 from vector<1xi32>
      %jit3A_1173 = arith.constant 128 : i32
      %div3A_1174 = arith.divsi %squeeze3A_1172, %jit3A_1173 : i32
      %sign3A_1175 = arith.constant 0 : i32
      %sign3A_1176 = arith.cmpi sgt, %squeeze3A_1172, %sign3A_1175 : i32
      %sign3A_1177 = arith.extui %sign3A_1176 : i1 to i32
      %sign3A_1178 = arith.constant 0 : i32
      %sign3A_1179 = arith.cmpi slt, %squeeze3A_1172, %sign3A_1178 : i32
      %sign3A_1180 = arith.extui %sign3A_1179 : i1 to i32
      %sign3A_1181 = arith.subi %sign3A_1177, %sign3A_1180 : i32
      %sign3A_1182 = arith.constant 0 : i32
      %sign3A_1183 = arith.cmpi sgt, %jit3A_1173, %sign3A_1182 : i32
      %sign3A_1184 = arith.extui %sign3A_1183 : i1 to i32
      %sign3A_1185 = arith.constant 0 : i32
      %sign3A_1186 = arith.cmpi slt, %jit3A_1173, %sign3A_1185 : i32
      %sign3A_1187 = arith.extui %sign3A_1186 : i1 to i32
      %sign3A_1188 = arith.subi %sign3A_1184, %sign3A_1187 : i32
      %ne3A_1189 = arith.cmpi ne, %sign3A_1181, %sign3A_1188 : i32
      %rem3A_1190 = arith.remsi %squeeze3A_1172, %jit3A_1173 : i32
      %ne3A_1191 = arith.constant 0 : i32
      %ne3A_1192 = arith.cmpi ne, %rem3A_1190, %ne3A_1191 : i32
      %and3A_1193 = arith.andi %ne3A_1189, %ne3A_1192 : i1
      %sub3A_1194 = arith.constant 1 : i32
      %sub3A_1195 = arith.subi %div3A_1174, %sub3A_1194 : i32
      %select_n3A_1196 = arith.select %and3A_1193, %sub3A_1195, %div3A_1174 : i32
      %mul3A_1197 = arith.constant 128 : i32
      %mul3A_1198 = arith.muli %select_n3A_1196, %mul3A_1197 : i32
      %multiple_of3A_1199 = tpu.assume_multiple %mul3A_1198, 128 : i32
      %sub3A_1200 = arith.subi %squeeze3A_1172, %multiple_of3A_1199 : i32
      %add3A_1201 = vector.broadcast %sub3A_1200 : i32 to vector<16xi32>
      %add3A_1202 = arith.addi %broadcast_in_dim3A_3, %add3A_1201 : vector<16xi32>
      %add3A_1203 = vector.broadcast %add3A_1152 : i32 to vector<16xi32>
      %add3A_1204 = arith.addi %broadcast_in_dim3A_3, %add3A_1203 : vector<16xi32>
      %add3A_1205 = arith.constant 0 : i32
      %add3A_1206 = vector.broadcast %add3A_1205 : i32 to vector<16xi32>
      %add3A_1207 = arith.addi %add3A_1206, %iota3A : vector<16xi32>
      %gather3A_1208 = arith.constant 7 : i32
      %gather3A_1209 = arith.constant 0 : i32
      %gather3A_1210 = arith.constant 0 : i32
      %gather3A_1211 = tpu.memref_slice %arg6[%gather3A_1208, %gather3A_1209, %gather3A_1210] : memref<8x64x128xf32, #tpu.memory_space<vmem>> -> memref<1x64x128xf32, #tpu.memory_space<vmem>>
      %gather3A_1212 = tpu.memref_squeeze %gather3A_1211 : memref<1x64x128xf32, #tpu.memory_space<vmem>> -> memref<64x128xf32, #tpu.memory_space<vmem>>
      %gather3A_1213 = tpu.vector_load_idx %gather3A_1212[%add3A_1207, %add3A_1202] : memref<64x128xf32, #tpu.memory_space<vmem>>[vector<16xi32>, vector<16xi32>], vector<16xf32>,
      %add3A_1214 = arith.constant 0 : i32
      %add3A_1215 = vector.broadcast %add3A_1214 : i32 to vector<16xi32>
      %add3A_1216 = arith.addi %add3A_1215, %iota3A : vector<16xi32>
      tpu.vector_store_idx %arg7[%add3A_1216, %add3A_1204], %gather3A_1213 : memref<64x512xf32, #tpu.memory_space<vmem>>[vector<16xi32>, vector<16xi32>], vector<16xf32>,
      %add3A_1217 = arith.constant 16 : i32
      %add3A_1218 = vector.broadcast %add3A_1217 : i32 to vector<16xi32>
      %add3A_1219 = arith.addi %add3A_1218, %iota3A : vector<16xi32>
      %gather3A_1220 = arith.constant 7 : i32
      %gather3A_1221 = arith.constant 0 : i32
      %gather3A_1222 = arith.constant 0 : i32
      %gather3A_1223 = tpu.memref_slice %arg6[%gather3A_1220, %gather3A_1221, %gather3A_1222] : memref<8x64x128xf32, #tpu.memory_space<vmem>> -> memref<1x64x128xf32, #tpu.memory_space<vmem>>
      %gather3A_1224 = tpu.memref_squeeze %gather3A_1223 : memref<1x64x128xf32, #tpu.memory_space<vmem>> -> memref<64x128xf32, #tpu.memory_space<vmem>>
      %gather3A_1225 = tpu.vector_load_idx %gather3A_1224[%add3A_1219, %add3A_1202] : memref<64x128xf32, #tpu.memory_space<vmem>>[vector<16xi32>, vector<16xi32>], vector<16xf32>,
      %add3A_1226 = arith.constant 16 : i32
      %add3A_1227 = vector.broadcast %add3A_1226 : i32 to vector<16xi32>
      %add3A_1228 = arith.addi %add3A_1227, %iota3A : vector<16xi32>
      tpu.vector_store_idx %arg7[%add3A_1228, %add3A_1204], %gather3A_1225 : memref<64x512xf32, #tpu.memory_space<vmem>>[vector<16xi32>, vector<16xi32>], vector<16xf32>,
      %add3A_1229 = arith.constant 32 : i32
      %add3A_1230 = vector.broadcast %add3A_1229 : i32 to vector<16xi32>
      %add3A_1231 = arith.addi %add3A_1230, %iota3A : vector<16xi32>
      %gather3A_1232 = arith.constant 7 : i32
      %gather3A_1233 = arith.constant 0 : i32
      %gather3A_1234 = arith.constant 0 : i32
      %gather3A_1235 = tpu.memref_slice %arg6[%gather3A_1232, %gather3A_1233, %gather3A_1234] : memref<8x64x128xf32, #tpu.memory_space<vmem>> -> memref<1x64x128xf32, #tpu.memory_space<vmem>>
      %gather3A_1236 = tpu.memref_squeeze %gather3A_1235 : memref<1x64x128xf32, #tpu.memory_space<vmem>> -> memref<64x128xf32, #tpu.memory_space<vmem>>
      %gather3A_1237 = tpu.vector_load_idx %gather3A_1236[%add3A_1231, %add3A_1202] : memref<64x128xf32, #tpu.memory_space<vmem>>[vector<16xi32>, vector<16xi32>], vector<16xf32>,
      %add3A_1238 = arith.constant 32 : i32
      %add3A_1239 = vector.broadcast %add3A_1238 : i32 to vector<16xi32>
      %add3A_1240 = arith.addi %add3A_1239, %iota3A : vector<16xi32>
      tpu.vector_store_idx %arg7[%add3A_1240, %add3A_1204], %gather3A_1237 : memref<64x512xf32, #tpu.memory_space<vmem>>[vector<16xi32>, vector<16xi32>], vector<16xf32>,
      %add3A_1241 = arith.constant 48 : i32
      %add3A_1242 = vector.broadcast %add3A_1241 : i32 to vector<16xi32>
      %add3A_1243 = arith.addi %add3A_1242, %iota3A : vector<16xi32>
      %gather3A_1244 = arith.constant 7 : i32
      %gather3A_1245 = arith.constant 0 : i32
      %gather3A_1246 = arith.constant 0 : i32
      %gather3A_1247 = tpu.memref_slice %arg6[%gather3A_1244, %gather3A_1245, %gather3A_1246] : memref<8x64x128xf32, #tpu.memory_space<vmem>> -> memref<1x64x128xf32, #tpu.memory_space<vmem>>
      %gather3A_1248 = tpu.memref_squeeze %gather3A_1247 : memref<1x64x128xf32, #tpu.memory_space<vmem>> -> memref<64x128xf32, #tpu.memory_space<vmem>>
      %gather3A_1249 = tpu.vector_load_idx %gather3A_1248[%add3A_1243, %add3A_1202] : memref<64x128xf32, #tpu.memory_space<vmem>>[vector<16xi32>, vector<16xi32>], vector<16xf32>,
      %add3A_1250 = arith.constant 48 : i32
      %add3A_1251 = vector.broadcast %add3A_1250 : i32 to vector<16xi32>
      %add3A_1252 = arith.addi %add3A_1251, %iota3A : vector<16xi32>
      tpu.vector_store_idx %arg7[%add3A_1252, %add3A_1204], %gather3A_1249 : memref<64x512xf32, #tpu.memory_space<vmem>>[vector<16xi32>, vector<16xi32>], vector<16xf32>,
      %add3A_1253 = arith.constant 8 : i32
      %add3A_1254 = arith.addi %add3A_1152, %add3A_1253 : i32
      %lt3A_1255 = arith.constant 512 : i32
      %lt3A_1256 = arith.cmpi slt, %add3A_1254, %lt3A_1255 : i32
      %convert_element_type3A_1257 = arith.extui %lt3A_1256 : i1 to i32
      %cond3A_1258 = arith.constant 0 : i32
      %cond3A_1259 = arith.cmpi ne, %convert_element_type3A_1257, %cond3A_1258 : i32
      scf.if %cond3A_1259 {
        %slice3A_2148 = vector.extract_strided_slice %get3A_375 {offsets = [7], sizes = [1], strides = [1]} : vector<16xi32> to vector<1xi32>
        %squeeze3A_2149 = vector.extract %slice3A_2148[0] : i32 from vector<1xi32>
        %jit3A_2150 = arith.constant 128 : i32
        %div3A_2151 = arith.divsi %squeeze3A_2149, %jit3A_2150 : i32
        %sign3A_2152 = arith.constant 0 : i32
        %sign3A_2153 = arith.cmpi sgt, %squeeze3A_2149, %sign3A_2152 : i32
        %sign3A_2154 = arith.extui %sign3A_2153 : i1 to i32
        %sign3A_2155 = arith.constant 0 : i32
        %sign3A_2156 = arith.cmpi slt, %squeeze3A_2149, %sign3A_2155 : i32
        %sign3A_2157 = arith.extui %sign3A_2156 : i1 to i32
        %sign3A_2158 = arith.subi %sign3A_2154, %sign3A_2157 : i32
        %sign3A_2159 = arith.constant 0 : i32
        %sign3A_2160 = arith.cmpi sgt, %jit3A_2150, %sign3A_2159 : i32
        %sign3A_2161 = arith.extui %sign3A_2160 : i1 to i32
        %sign3A_2162 = arith.constant 0 : i32
        %sign3A_2163 = arith.cmpi slt, %jit3A_2150, %sign3A_2162 : i32
        %sign3A_2164 = arith.extui %sign3A_2163 : i1 to i32
        %sign3A_2165 = arith.subi %sign3A_2161, %sign3A_2164 : i32
        %ne3A_2166 = arith.cmpi ne, %sign3A_2158, %sign3A_2165 : i32
        %rem3A_2167 = arith.remsi %squeeze3A_2149, %jit3A_2150 : i32
        %ne3A_2168 = arith.constant 0 : i32
        %ne3A_2169 = arith.cmpi ne, %rem3A_2167, %ne3A_2168 : i32
        %and3A_2170 = arith.andi %ne3A_2166, %ne3A_2169 : i1
        %sub3A_2171 = arith.constant 1 : i32
        %sub3A_2172 = arith.subi %div3A_2151, %sub3A_2171 : i32
        %select_n3A_2173 = arith.select %and3A_2170, %sub3A_2172, %div3A_2151 : i32
        %mul3A_2174 = arith.constant 128 : i32
        %mul3A_2175 = arith.muli %select_n3A_2173, %mul3A_2174 : i32
        %multiple_of3A_2176 = tpu.assume_multiple %mul3A_2175, 128 : i32
        %dma_start3A_2177 = arith.constant 7 : i32
        %dma_start3A_2178 = arith.constant 7 : i32
        %dma_start3A_2179 = arith.constant 0 : i32
        %dma_start3A_2180 = arith.constant 0 : i32
        %dma_start3A_2181 = tpu.memref_slice %arg6[%dma_start3A_2177, %dma_start3A_2179, %dma_start3A_2180] : memref<8x64x128xf32, #tpu.memory_space<vmem>> -> memref<1x64x128xf32, #tpu.memory_space<vmem>>
        %dma_start3A_2182 = tpu.memref_squeeze %dma_start3A_2181 : memref<1x64x128xf32, #tpu.memory_space<vmem>> -> memref<64x128xf32, #tpu.memory_space<vmem>>
        %dma_start3A_2183 = arith.constant 0 : i32
        %dma_start3A_2184 = tpu.memref_slice %arg2[%dma_start3A_2183, %multiple_of3A_2176] : memref<64x1000000xf32, #tpu.memory_space<hbm>> -> memref<64x128xf32, #tpu.memory_space<hbm>>
        %dma_start3A_2185 = tpu.memref_slice %arg8[%dma_start3A_2178] : memref<8x!tpu.dma_semaphore, #tpu.memory_space<semaphore_mem>> -> memref<1x!tpu.dma_semaphore, #tpu.memory_space<semaphore_mem>>
        %dma_start3A_2186 = tpu.memref_squeeze %dma_start3A_2185 : memref<1x!tpu.dma_semaphore, #tpu.memory_space<semaphore_mem>> -> memref<!tpu.dma_semaphore, #tpu.memory_space<semaphore_mem>>
        %dma_start3A_2187 = arith.constant 0 : i32
        %dma_start3A_2188 = arith.constant 0 : i32
        %dma_start3A_2189 = tpu.memref_slice %arg6[%dma_start3A_2177, %dma_start3A_2187, %dma_start3A_2188] : memref<8x64x128xf32, #tpu.memory_space<vmem>> -> memref<1x64x128xf32, #tpu.memory_space<vmem>>
        %dma_start3A_2190 = tpu.memref_squeeze %dma_start3A_2189 : memref<1x64x128xf32, #tpu.memory_space<vmem>> -> memref<64x128xf32, #tpu.memory_space<vmem>>
        %dma_start3A_2191 = arith.constant 0 : i32
        %dma_start3A_2192 = tpu.memref_slice %arg2[%dma_start3A_2191, %multiple_of3A_2176] : memref<64x1000000xf32, #tpu.memory_space<hbm>> -> memref<64x128xf32, #tpu.memory_space<hbm>>
        tpu.enqueue_dma source(%dma_start3A_2192 : memref<64x128xf32, #tpu.memory_space<hbm>>) target(%dma_start3A_2190 : memref<64x128xf32, #tpu.memory_space<vmem>>) target_semaphore(%dma_start3A_2186 : memref<!tpu.dma_semaphore, #tpu.memory_space<semaphore_mem>>)
      } else {
      }
      %mul3A_1260 = arith.constant 16 : i32
      %mul3A_1261 = arith.muli %scan3A_365, %mul3A_1260 : i32
      %add3A_1262 = arith.constant 8 : i32
      %add3A_1263 = arith.addi %mul3A_1261, %add3A_1262 : i32
      %dma_wait3A_1264 = arith.constant 0 : i32
      %dma_wait3A_1265 = arith.constant 0 : i32
      %dma_wait3A_1266 = arith.constant 0 : i32
      %dma_wait3A_1267 = arith.constant 0 : i32
      %dma_wait3A_1268 = tpu.memref_slice %arg6[%dma_wait3A_1264, %dma_wait3A_1266, %dma_wait3A_1267] : memref<8x64x128xf32, #tpu.memory_space<vmem>> -> memref<1x64x128xf32, #tpu.memory_space<vmem>>
      %dma_wait3A_1269 = tpu.memref_squeeze %dma_wait3A_1268 : memref<1x64x128xf32, #tpu.memory_space<vmem>> -> memref<64x128xf32, #tpu.memory_space<vmem>>
      %dma_wait3A_1270 = arith.constant 0 : i32
      %dma_wait3A_1271 = arith.constant 0 : i32
      %dma_wait3A_1272 = tpu.memref_slice %arg2[%dma_wait3A_1270, %dma_wait3A_1271] : memref<64x1000000xf32, #tpu.memory_space<hbm>> -> memref<64x128xf32, #tpu.memory_space<hbm>>
      %dma_wait3A_1273 = tpu.memref_slice %arg8[%dma_wait3A_1265] : memref<8x!tpu.dma_semaphore, #tpu.memory_space<semaphore_mem>> -> memref<1x!tpu.dma_semaphore, #tpu.memory_space<semaphore_mem>>
      %dma_wait3A_1274 = tpu.memref_squeeze %dma_wait3A_1273 : memref<1x!tpu.dma_semaphore, #tpu.memory_space<semaphore_mem>> -> memref<!tpu.dma_semaphore, #tpu.memory_space<semaphore_mem>>
      %dma_wait3A_1275 = arith.constant 0 : i32
      %dma_wait3A_1276 = arith.constant 0 : i32
      %dma_wait3A_1277 = tpu.memref_slice %arg6[%dma_wait3A_1264, %dma_wait3A_1275, %dma_wait3A_1276] : memref<8x64x128xf32, #tpu.memory_space<vmem>> -> memref<1x64x128xf32, #tpu.memory_space<vmem>>
      %dma_wait3A_1278 = tpu.memref_squeeze %dma_wait3A_1277 : memref<1x64x128xf32, #tpu.memory_space<vmem>> -> memref<64x128xf32, #tpu.memory_space<vmem>>
      %dma_wait3A_1279 = arith.constant 0 : i32
      %dma_wait3A_1280 = arith.constant 0 : i32
      %dma_wait3A_1281 = tpu.memref_slice %arg2[%dma_wait3A_1279, %dma_wait3A_1280] : memref<64x1000000xf32, #tpu.memory_space<hbm>> -> memref<64x128xf32, #tpu.memory_space<hbm>>
      tpu.wait_dma2 semaphore(%dma_wait3A_1274 : memref<!tpu.dma_semaphore, #tpu.memory_space<semaphore_mem>>) src(%dma_wait3A_1281 : memref<64x128xf32, #tpu.memory_space<hbm>>) dst(%dma_wait3A_1278 : memref<64x128xf32, #tpu.memory_space<vmem>>)
      %slice3A_1282 = vector.extract_strided_slice %get3A_369 {offsets = [8], sizes = [1], strides = [1]} : vector<16xi32> to vector<1xi32>
      %squeeze3A_1283 = vector.extract %slice3A_1282[0] : i32 from vector<1xi32>
      %jit3A_1284 = arith.constant 128 : i32
      %div3A_1285 = arith.divsi %squeeze3A_1283, %jit3A_1284 : i32
      %sign3A_1286 = arith.constant 0 : i32
      %sign3A_1287 = arith.cmpi sgt, %squeeze3A_1283, %sign3A_1286 : i32
      %sign3A_1288 = arith.extui %sign3A_1287 : i1 to i32
      %sign3A_1289 = arith.constant 0 : i32
      %sign3A_1290 = arith.cmpi slt, %squeeze3A_1283, %sign3A_1289 : i32
      %sign3A_1291 = arith.extui %sign3A_1290 : i1 to i32
      %sign3A_1292 = arith.subi %sign3A_1288, %sign3A_1291 : i32
      %sign3A_1293 = arith.constant 0 : i32
      %sign3A_1294 = arith.cmpi sgt, %jit3A_1284, %sign3A_1293 : i32
      %sign3A_1295 = arith.extui %sign3A_1294 : i1 to i32
      %sign3A_1296 = arith.constant 0 : i32
      %sign3A_1297 = arith.cmpi slt, %jit3A_1284, %sign3A_1296 : i32
      %sign3A_1298 = arith.extui %sign3A_1297 : i1 to i32
      %sign3A_1299 = arith.subi %sign3A_1295, %sign3A_1298 : i32
      %ne3A_1300 = arith.cmpi ne, %sign3A_1292, %sign3A_1299 : i32
      %rem3A_1301 = arith.remsi %squeeze3A_1283, %jit3A_1284 : i32
      %ne3A_1302 = arith.constant 0 : i32
      %ne3A_1303 = arith.cmpi ne, %rem3A_1301, %ne3A_1302 : i32
      %and3A_1304 = arith.andi %ne3A_1300, %ne3A_1303 : i1
      %sub3A_1305 = arith.constant 1 : i32
      %sub3A_1306 = arith.subi %div3A_1285, %sub3A_1305 : i32
      %select_n3A_1307 = arith.select %and3A_1304, %sub3A_1306, %div3A_1285 : i32
      %mul3A_1308 = arith.constant 128 : i32
      %mul3A_1309 = arith.muli %select_n3A_1307, %mul3A_1308 : i32
      %multiple_of3A_1310 = tpu.assume_multiple %mul3A_1309, 128 : i32
      %sub3A_1311 = arith.subi %squeeze3A_1283, %multiple_of3A_1310 : i32
      %add3A_1312 = vector.broadcast %sub3A_1311 : i32 to vector<16xi32>
      %add3A_1313 = arith.addi %broadcast_in_dim3A_3, %add3A_1312 : vector<16xi32>
      %add3A_1314 = vector.broadcast %add3A_1263 : i32 to vector<16xi32>
      %add3A_1315 = arith.addi %broadcast_in_dim3A_3, %add3A_1314 : vector<16xi32>
      %add3A_1316 = arith.constant 0 : i32
      %add3A_1317 = vector.broadcast %add3A_1316 : i32 to vector<16xi32>
      %add3A_1318 = arith.addi %add3A_1317, %iota3A : vector<16xi32>
      %gather3A_1319 = arith.constant 0 : i32
      %gather3A_1320 = arith.constant 0 : i32
      %gather3A_1321 = arith.constant 0 : i32
      %gather3A_1322 = tpu.memref_slice %arg6[%gather3A_1319, %gather3A_1320, %gather3A_1321] : memref<8x64x128xf32, #tpu.memory_space<vmem>> -> memref<1x64x128xf32, #tpu.memory_space<vmem>>
      %gather3A_1323 = tpu.memref_squeeze %gather3A_1322 : memref<1x64x128xf32, #tpu.memory_space<vmem>> -> memref<64x128xf32, #tpu.memory_space<vmem>>
      %gather3A_1324 = tpu.vector_load_idx %gather3A_1323[%add3A_1318, %add3A_1313] : memref<64x128xf32, #tpu.memory_space<vmem>>[vector<16xi32>, vector<16xi32>], vector<16xf32>,
      %add3A_1325 = arith.constant 0 : i32
      %add3A_1326 = vector.broadcast %add3A_1325 : i32 to vector<16xi32>
      %add3A_1327 = arith.addi %add3A_1326, %iota3A : vector<16xi32>
      tpu.vector_store_idx %arg7[%add3A_1327, %add3A_1315], %gather3A_1324 : memref<64x512xf32, #tpu.memory_space<vmem>>[vector<16xi32>, vector<16xi32>], vector<16xf32>,
      %add3A_1328 = arith.constant 16 : i32
      %add3A_1329 = vector.broadcast %add3A_1328 : i32 to vector<16xi32>
      %add3A_1330 = arith.addi %add3A_1329, %iota3A : vector<16xi32>
      %gather3A_1331 = arith.constant 0 : i32
      %gather3A_1332 = arith.constant 0 : i32
      %gather3A_1333 = arith.constant 0 : i32
      %gather3A_1334 = tpu.memref_slice %arg6[%gather3A_1331, %gather3A_1332, %gather3A_1333] : memref<8x64x128xf32, #tpu.memory_space<vmem>> -> memref<1x64x128xf32, #tpu.memory_space<vmem>>
      %gather3A_1335 = tpu.memref_squeeze %gather3A_1334 : memref<1x64x128xf32, #tpu.memory_space<vmem>> -> memref<64x128xf32, #tpu.memory_space<vmem>>
      %gather3A_1336 = tpu.vector_load_idx %gather3A_1335[%add3A_1330, %add3A_1313] : memref<64x128xf32, #tpu.memory_space<vmem>>[vector<16xi32>, vector<16xi32>], vector<16xf32>,
      %add3A_1337 = arith.constant 16 : i32
      %add3A_1338 = vector.broadcast %add3A_1337 : i32 to vector<16xi32>
      %add3A_1339 = arith.addi %add3A_1338, %iota3A : vector<16xi32>
      tpu.vector_store_idx %arg7[%add3A_1339, %add3A_1315], %gather3A_1336 : memref<64x512xf32, #tpu.memory_space<vmem>>[vector<16xi32>, vector<16xi32>], vector<16xf32>,
      %add3A_1340 = arith.constant 32 : i32
      %add3A_1341 = vector.broadcast %add3A_1340 : i32 to vector<16xi32>
      %add3A_1342 = arith.addi %add3A_1341, %iota3A : vector<16xi32>
      %gather3A_1343 = arith.constant 0 : i32
      %gather3A_1344 = arith.constant 0 : i32
      %gather3A_1345 = arith.constant 0 : i32
      %gather3A_1346 = tpu.memref_slice %arg6[%gather3A_1343, %gather3A_1344, %gather3A_1345] : memref<8x64x128xf32, #tpu.memory_space<vmem>> -> memref<1x64x128xf32, #tpu.memory_space<vmem>>
      %gather3A_1347 = tpu.memref_squeeze %gather3A_1346 : memref<1x64x128xf32, #tpu.memory_space<vmem>> -> memref<64x128xf32, #tpu.memory_space<vmem>>
      %gather3A_1348 = tpu.vector_load_idx %gather3A_1347[%add3A_1342, %add3A_1313] : memref<64x128xf32, #tpu.memory_space<vmem>>[vector<16xi32>, vector<16xi32>], vector<16xf32>,
      %add3A_1349 = arith.constant 32 : i32
      %add3A_1350 = vector.broadcast %add3A_1349 : i32 to vector<16xi32>
      %add3A_1351 = arith.addi %add3A_1350, %iota3A : vector<16xi32>
      tpu.vector_store_idx %arg7[%add3A_1351, %add3A_1315], %gather3A_1348 : memref<64x512xf32, #tpu.memory_space<vmem>>[vector<16xi32>, vector<16xi32>], vector<16xf32>,
      %add3A_1352 = arith.constant 48 : i32
      %add3A_1353 = vector.broadcast %add3A_1352 : i32 to vector<16xi32>
      %add3A_1354 = arith.addi %add3A_1353, %iota3A : vector<16xi32>
      %gather3A_1355 = arith.constant 0 : i32
      %gather3A_1356 = arith.constant 0 : i32
      %gather3A_1357 = arith.constant 0 : i32
      %gather3A_1358 = tpu.memref_slice %arg6[%gather3A_1355, %gather3A_1356, %gather3A_1357] : memref<8x64x128xf32, #tpu.memory_space<vmem>> -> memref<1x64x128xf32, #tpu.memory_space<vmem>>
      %gather3A_1359 = tpu.memref_squeeze %gather3A_1358 : memref<1x64x128xf32, #tpu.memory_space<vmem>> -> memref<64x128xf32, #tpu.memory_space<vmem>>
      %gather3A_1360 = tpu.vector_load_idx %gather3A_1359[%add3A_1354, %add3A_1313] : memref<64x128xf32, #tpu.memory_space<vmem>>[vector<16xi32>, vector<16xi32>], vector<16xf32>,
      %add3A_1361 = arith.constant 48 : i32
      %add3A_1362 = vector.broadcast %add3A_1361 : i32 to vector<16xi32>
      %add3A_1363 = arith.addi %add3A_1362, %iota3A : vector<16xi32>
      tpu.vector_store_idx %arg7[%add3A_1363, %add3A_1315], %gather3A_1360 : memref<64x512xf32, #tpu.memory_space<vmem>>[vector<16xi32>, vector<16xi32>], vector<16xf32>,
      %add3A_1364 = arith.constant 8 : i32
      %add3A_1365 = arith.addi %add3A_1263, %add3A_1364 : i32
      %lt3A_1366 = arith.constant 512 : i32
      %lt3A_1367 = arith.cmpi slt, %add3A_1365, %lt3A_1366 : i32
      %convert_element_type3A_1368 = arith.extui %lt3A_1367 : i1 to i32
      %cond3A_1369 = arith.constant 0 : i32
      %cond3A_1370 = arith.cmpi ne, %convert_element_type3A_1368, %cond3A_1369 : i32
      scf.if %cond3A_1370 {
        %slice3A_2148 = vector.extract_strided_slice %get3A_375 {offsets = [8], sizes = [1], strides = [1]} : vector<16xi32> to vector<1xi32>
        %squeeze3A_2149 = vector.extract %slice3A_2148[0] : i32 from vector<1xi32>
        %jit3A_2150 = arith.constant 128 : i32
        %div3A_2151 = arith.divsi %squeeze3A_2149, %jit3A_2150 : i32
        %sign3A_2152 = arith.constant 0 : i32
        %sign3A_2153 = arith.cmpi sgt, %squeeze3A_2149, %sign3A_2152 : i32
        %sign3A_2154 = arith.extui %sign3A_2153 : i1 to i32
        %sign3A_2155 = arith.constant 0 : i32
        %sign3A_2156 = arith.cmpi slt, %squeeze3A_2149, %sign3A_2155 : i32
        %sign3A_2157 = arith.extui %sign3A_2156 : i1 to i32
        %sign3A_2158 = arith.subi %sign3A_2154, %sign3A_2157 : i32
        %sign3A_2159 = arith.constant 0 : i32
        %sign3A_2160 = arith.cmpi sgt, %jit3A_2150, %sign3A_2159 : i32
        %sign3A_2161 = arith.extui %sign3A_2160 : i1 to i32
        %sign3A_2162 = arith.constant 0 : i32
        %sign3A_2163 = arith.cmpi slt, %jit3A_2150, %sign3A_2162 : i32
        %sign3A_2164 = arith.extui %sign3A_2163 : i1 to i32
        %sign3A_2165 = arith.subi %sign3A_2161, %sign3A_2164 : i32
        %ne3A_2166 = arith.cmpi ne, %sign3A_2158, %sign3A_2165 : i32
        %rem3A_2167 = arith.remsi %squeeze3A_2149, %jit3A_2150 : i32
        %ne3A_2168 = arith.constant 0 : i32
        %ne3A_2169 = arith.cmpi ne, %rem3A_2167, %ne3A_2168 : i32
        %and3A_2170 = arith.andi %ne3A_2166, %ne3A_2169 : i1
        %sub3A_2171 = arith.constant 1 : i32
        %sub3A_2172 = arith.subi %div3A_2151, %sub3A_2171 : i32
        %select_n3A_2173 = arith.select %and3A_2170, %sub3A_2172, %div3A_2151 : i32
        %mul3A_2174 = arith.constant 128 : i32
        %mul3A_2175 = arith.muli %select_n3A_2173, %mul3A_2174 : i32
        %multiple_of3A_2176 = tpu.assume_multiple %mul3A_2175, 128 : i32
        %dma_start3A_2177 = arith.constant 0 : i32
        %dma_start3A_2178 = arith.constant 0 : i32
        %dma_start3A_2179 = arith.constant 0 : i32
        %dma_start3A_2180 = arith.constant 0 : i32
        %dma_start3A_2181 = tpu.memref_slice %arg6[%dma_start3A_2177, %dma_start3A_2179, %dma_start3A_2180] : memref<8x64x128xf32, #tpu.memory_space<vmem>> -> memref<1x64x128xf32, #tpu.memory_space<vmem>>
        %dma_start3A_2182 = tpu.memref_squeeze %dma_start3A_2181 : memref<1x64x128xf32, #tpu.memory_space<vmem>> -> memref<64x128xf32, #tpu.memory_space<vmem>>
        %dma_start3A_2183 = arith.constant 0 : i32
        %dma_start3A_2184 = tpu.memref_slice %arg2[%dma_start3A_2183, %multiple_of3A_2176] : memref<64x1000000xf32, #tpu.memory_space<hbm>> -> memref<64x128xf32, #tpu.memory_space<hbm>>
        %dma_start3A_2185 = tpu.memref_slice %arg8[%dma_start3A_2178] : memref<8x!tpu.dma_semaphore, #tpu.memory_space<semaphore_mem>> -> memref<1x!tpu.dma_semaphore, #tpu.memory_space<semaphore_mem>>
        %dma_start3A_2186 = tpu.memref_squeeze %dma_start3A_2185 : memref<1x!tpu.dma_semaphore, #tpu.memory_space<semaphore_mem>> -> memref<!tpu.dma_semaphore, #tpu.memory_space<semaphore_mem>>
        %dma_start3A_2187 = arith.constant 0 : i32
        %dma_start3A_2188 = arith.constant 0 : i32
        %dma_start3A_2189 = tpu.memref_slice %arg6[%dma_start3A_2177, %dma_start3A_2187, %dma_start3A_2188] : memref<8x64x128xf32, #tpu.memory_space<vmem>> -> memref<1x64x128xf32, #tpu.memory_space<vmem>>
        %dma_start3A_2190 = tpu.memref_squeeze %dma_start3A_2189 : memref<1x64x128xf32, #tpu.memory_space<vmem>> -> memref<64x128xf32, #tpu.memory_space<vmem>>
        %dma_start3A_2191 = arith.constant 0 : i32
        %dma_start3A_2192 = tpu.memref_slice %arg2[%dma_start3A_2191, %multiple_of3A_2176] : memref<64x1000000xf32, #tpu.memory_space<hbm>> -> memref<64x128xf32, #tpu.memory_space<hbm>>
        tpu.enqueue_dma source(%dma_start3A_2192 : memref<64x128xf32, #tpu.memory_space<hbm>>) target(%dma_start3A_2190 : memref<64x128xf32, #tpu.memory_space<vmem>>) target_semaphore(%dma_start3A_2186 : memref<!tpu.dma_semaphore, #tpu.memory_space<semaphore_mem>>)
      } else {
      }
      %mul3A_1371 = arith.constant 16 : i32
      %mul3A_1372 = arith.muli %scan3A_365, %mul3A_1371 : i32
      %add3A_1373 = arith.constant 9 : i32
      %add3A_1374 = arith.addi %mul3A_1372, %add3A_1373 : i32
      %dma_wait3A_1375 = arith.constant 1 : i32
      %dma_wait3A_1376 = arith.constant 1 : i32
      %dma_wait3A_1377 = arith.constant 0 : i32
      %dma_wait3A_1378 = arith.constant 0 : i32
      %dma_wait3A_1379 = tpu.memref_slice %arg6[%dma_wait3A_1375, %dma_wait3A_1377, %dma_wait3A_1378] : memref<8x64x128xf32, #tpu.memory_space<vmem>> -> memref<1x64x128xf32, #tpu.memory_space<vmem>>
      %dma_wait3A_1380 = tpu.memref_squeeze %dma_wait3A_1379 : memref<1x64x128xf32, #tpu.memory_space<vmem>> -> memref<64x128xf32, #tpu.memory_space<vmem>>
      %dma_wait3A_1381 = arith.constant 0 : i32
      %dma_wait3A_1382 = arith.constant 0 : i32
      %dma_wait3A_1383 = tpu.memref_slice %arg2[%dma_wait3A_1381, %dma_wait3A_1382] : memref<64x1000000xf32, #tpu.memory_space<hbm>> -> memref<64x128xf32, #tpu.memory_space<hbm>>
      %dma_wait3A_1384 = tpu.memref_slice %arg8[%dma_wait3A_1376] : memref<8x!tpu.dma_semaphore, #tpu.memory_space<semaphore_mem>> -> memref<1x!tpu.dma_semaphore, #tpu.memory_space<semaphore_mem>>
      %dma_wait3A_1385 = tpu.memref_squeeze %dma_wait3A_1384 : memref<1x!tpu.dma_semaphore, #tpu.memory_space<semaphore_mem>> -> memref<!tpu.dma_semaphore, #tpu.memory_space<semaphore_mem>>
      %dma_wait3A_1386 = arith.constant 0 : i32
      %dma_wait3A_1387 = arith.constant 0 : i32
      %dma_wait3A_1388 = tpu.memref_slice %arg6[%dma_wait3A_1375, %dma_wait3A_1386, %dma_wait3A_1387] : memref<8x64x128xf32, #tpu.memory_space<vmem>> -> memref<1x64x128xf32, #tpu.memory_space<vmem>>
      %dma_wait3A_1389 = tpu.memref_squeeze %dma_wait3A_1388 : memref<1x64x128xf32, #tpu.memory_space<vmem>> -> memref<64x128xf32, #tpu.memory_space<vmem>>
      %dma_wait3A_1390 = arith.constant 0 : i32
      %dma_wait3A_1391 = arith.constant 0 : i32
      %dma_wait3A_1392 = tpu.memref_slice %arg2[%dma_wait3A_1390, %dma_wait3A_1391] : memref<64x1000000xf32, #tpu.memory_space<hbm>> -> memref<64x128xf32, #tpu.memory_space<hbm>>
      tpu.wait_dma2 semaphore(%dma_wait3A_1385 : memref<!tpu.dma_semaphore, #tpu.memory_space<semaphore_mem>>) src(%dma_wait3A_1392 : memref<64x128xf32, #tpu.memory_space<hbm>>) dst(%dma_wait3A_1389 : memref<64x128xf32, #tpu.memory_space<vmem>>)
      %slice3A_1393 = vector.extract_strided_slice %get3A_369 {offsets = [9], sizes = [1], strides = [1]} : vector<16xi32> to vector<1xi32>
      %squeeze3A_1394 = vector.extract %slice3A_1393[0] : i32 from vector<1xi32>
      %jit3A_1395 = arith.constant 128 : i32
      %div3A_1396 = arith.divsi %squeeze3A_1394, %jit3A_1395 : i32
      %sign3A_1397 = arith.constant 0 : i32
      %sign3A_1398 = arith.cmpi sgt, %squeeze3A_1394, %sign3A_1397 : i32
      %sign3A_1399 = arith.extui %sign3A_1398 : i1 to i32
      %sign3A_1400 = arith.constant 0 : i32
      %sign3A_1401 = arith.cmpi slt, %squeeze3A_1394, %sign3A_1400 : i32
      %sign3A_1402 = arith.extui %sign3A_1401 : i1 to i32
      %sign3A_1403 = arith.subi %sign3A_1399, %sign3A_1402 : i32
      %sign3A_1404 = arith.constant 0 : i32
      %sign3A_1405 = arith.cmpi sgt, %jit3A_1395, %sign3A_1404 : i32
      %sign3A_1406 = arith.extui %sign3A_1405 : i1 to i32
      %sign3A_1407 = arith.constant 0 : i32
      %sign3A_1408 = arith.cmpi slt, %jit3A_1395, %sign3A_1407 : i32
      %sign3A_1409 = arith.extui %sign3A_1408 : i1 to i32
      %sign3A_1410 = arith.subi %sign3A_1406, %sign3A_1409 : i32
      %ne3A_1411 = arith.cmpi ne, %sign3A_1403, %sign3A_1410 : i32
      %rem3A_1412 = arith.remsi %squeeze3A_1394, %jit3A_1395 : i32
      %ne3A_1413 = arith.constant 0 : i32
      %ne3A_1414 = arith.cmpi ne, %rem3A_1412, %ne3A_1413 : i32
      %and3A_1415 = arith.andi %ne3A_1411, %ne3A_1414 : i1
      %sub3A_1416 = arith.constant 1 : i32
      %sub3A_1417 = arith.subi %div3A_1396, %sub3A_1416 : i32
      %select_n3A_1418 = arith.select %and3A_1415, %sub3A_1417, %div3A_1396 : i32
      %mul3A_1419 = arith.constant 128 : i32
      %mul3A_1420 = arith.muli %select_n3A_1418, %mul3A_1419 : i32
      %multiple_of3A_1421 = tpu.assume_multiple %mul3A_1420, 128 : i32
      %sub3A_1422 = arith.subi %squeeze3A_1394, %multiple_of3A_1421 : i32
      %add3A_1423 = vector.broadcast %sub3A_1422 : i32 to vector<16xi32>
      %add3A_1424 = arith.addi %broadcast_in_dim3A_3, %add3A_1423 : vector<16xi32>
      %add3A_1425 = vector.broadcast %add3A_1374 : i32 to vector<16xi32>
      %add3A_1426 = arith.addi %broadcast_in_dim3A_3, %add3A_1425 : vector<16xi32>
      %add3A_1427 = arith.constant 0 : i32
      %add3A_1428 = vector.broadcast %add3A_1427 : i32 to vector<16xi32>
      %add3A_1429 = arith.addi %add3A_1428, %iota3A : vector<16xi32>
      %gather3A_1430 = arith.constant 1 : i32
      %gather3A_1431 = arith.constant 0 : i32
      %gather3A_1432 = arith.constant 0 : i32
      %gather3A_1433 = tpu.memref_slice %arg6[%gather3A_1430, %gather3A_1431, %gather3A_1432] : memref<8x64x128xf32, #tpu.memory_space<vmem>> -> memref<1x64x128xf32, #tpu.memory_space<vmem>>
      %gather3A_1434 = tpu.memref_squeeze %gather3A_1433 : memref<1x64x128xf32, #tpu.memory_space<vmem>> -> memref<64x128xf32, #tpu.memory_space<vmem>>
      %gather3A_1435 = tpu.vector_load_idx %gather3A_1434[%add3A_1429, %add3A_1424] : memref<64x128xf32, #tpu.memory_space<vmem>>[vector<16xi32>, vector<16xi32>], vector<16xf32>,
      %add3A_1436 = arith.constant 0 : i32
      %add3A_1437 = vector.broadcast %add3A_1436 : i32 to vector<16xi32>
      %add3A_1438 = arith.addi %add3A_1437, %iota3A : vector<16xi32>
      tpu.vector_store_idx %arg7[%add3A_1438, %add3A_1426], %gather3A_1435 : memref<64x512xf32, #tpu.memory_space<vmem>>[vector<16xi32>, vector<16xi32>], vector<16xf32>,
      %add3A_1439 = arith.constant 16 : i32
      %add3A_1440 = vector.broadcast %add3A_1439 : i32 to vector<16xi32>
      %add3A_1441 = arith.addi %add3A_1440, %iota3A : vector<16xi32>
      %gather3A_1442 = arith.constant 1 : i32
      %gather3A_1443 = arith.constant 0 : i32
      %gather3A_1444 = arith.constant 0 : i32
      %gather3A_1445 = tpu.memref_slice %arg6[%gather3A_1442, %gather3A_1443, %gather3A_1444] : memref<8x64x128xf32, #tpu.memory_space<vmem>> -> memref<1x64x128xf32, #tpu.memory_space<vmem>>
      %gather3A_1446 = tpu.memref_squeeze %gather3A_1445 : memref<1x64x128xf32, #tpu.memory_space<vmem>> -> memref<64x128xf32, #tpu.memory_space<vmem>>
      %gather3A_1447 = tpu.vector_load_idx %gather3A_1446[%add3A_1441, %add3A_1424] : memref<64x128xf32, #tpu.memory_space<vmem>>[vector<16xi32>, vector<16xi32>], vector<16xf32>,
      %add3A_1448 = arith.constant 16 : i32
      %add3A_1449 = vector.broadcast %add3A_1448 : i32 to vector<16xi32>
      %add3A_1450 = arith.addi %add3A_1449, %iota3A : vector<16xi32>
      tpu.vector_store_idx %arg7[%add3A_1450, %add3A_1426], %gather3A_1447 : memref<64x512xf32, #tpu.memory_space<vmem>>[vector<16xi32>, vector<16xi32>], vector<16xf32>,
      %add3A_1451 = arith.constant 32 : i32
      %add3A_1452 = vector.broadcast %add3A_1451 : i32 to vector<16xi32>
      %add3A_1453 = arith.addi %add3A_1452, %iota3A : vector<16xi32>
      %gather3A_1454 = arith.constant 1 : i32
      %gather3A_1455 = arith.constant 0 : i32
      %gather3A_1456 = arith.constant 0 : i32
      %gather3A_1457 = tpu.memref_slice %arg6[%gather3A_1454, %gather3A_1455, %gather3A_1456] : memref<8x64x128xf32, #tpu.memory_space<vmem>> -> memref<1x64x128xf32, #tpu.memory_space<vmem>>
      %gather3A_1458 = tpu.memref_squeeze %gather3A_1457 : memref<1x64x128xf32, #tpu.memory_space<vmem>> -> memref<64x128xf32, #tpu.memory_space<vmem>>
      %gather3A_1459 = tpu.vector_load_idx %gather3A_1458[%add3A_1453, %add3A_1424] : memref<64x128xf32, #tpu.memory_space<vmem>>[vector<16xi32>, vector<16xi32>], vector<16xf32>,
      %add3A_1460 = arith.constant 32 : i32
      %add3A_1461 = vector.broadcast %add3A_1460 : i32 to vector<16xi32>
      %add3A_1462 = arith.addi %add3A_1461, %iota3A : vector<16xi32>
      tpu.vector_store_idx %arg7[%add3A_1462, %add3A_1426], %gather3A_1459 : memref<64x512xf32, #tpu.memory_space<vmem>>[vector<16xi32>, vector<16xi32>], vector<16xf32>,
      %add3A_1463 = arith.constant 48 : i32
      %add3A_1464 = vector.broadcast %add3A_1463 : i32 to vector<16xi32>
      %add3A_1465 = arith.addi %add3A_1464, %iota3A : vector<16xi32>
      %gather3A_1466 = arith.constant 1 : i32
      %gather3A_1467 = arith.constant 0 : i32
      %gather3A_1468 = arith.constant 0 : i32
      %gather3A_1469 = tpu.memref_slice %arg6[%gather3A_1466, %gather3A_1467, %gather3A_1468] : memref<8x64x128xf32, #tpu.memory_space<vmem>> -> memref<1x64x128xf32, #tpu.memory_space<vmem>>
      %gather3A_1470 = tpu.memref_squeeze %gather3A_1469 : memref<1x64x128xf32, #tpu.memory_space<vmem>> -> memref<64x128xf32, #tpu.memory_space<vmem>>
      %gather3A_1471 = tpu.vector_load_idx %gather3A_1470[%add3A_1465, %add3A_1424] : memref<64x128xf32, #tpu.memory_space<vmem>>[vector<16xi32>, vector<16xi32>], vector<16xf32>,
      %add3A_1472 = arith.constant 48 : i32
      %add3A_1473 = vector.broadcast %add3A_1472 : i32 to vector<16xi32>
      %add3A_1474 = arith.addi %add3A_1473, %iota3A : vector<16xi32>
      tpu.vector_store_idx %arg7[%add3A_1474, %add3A_1426], %gather3A_1471 : memref<64x512xf32, #tpu.memory_space<vmem>>[vector<16xi32>, vector<16xi32>], vector<16xf32>,
      %add3A_1475 = arith.constant 8 : i32
      %add3A_1476 = arith.addi %add3A_1374, %add3A_1475 : i32
      %lt3A_1477 = arith.constant 512 : i32
      %lt3A_1478 = arith.cmpi slt, %add3A_1476, %lt3A_1477 : i32
      %convert_element_type3A_1479 = arith.extui %lt3A_1478 : i1 to i32
      %cond3A_1480 = arith.constant 0 : i32
      %cond3A_1481 = arith.cmpi ne, %convert_element_type3A_1479, %cond3A_1480 : i32
      scf.if %cond3A_1481 {
        %slice3A_2148 = vector.extract_strided_slice %get3A_375 {offsets = [9], sizes = [1], strides = [1]} : vector<16xi32> to vector<1xi32>
        %squeeze3A_2149 = vector.extract %slice3A_2148[0] : i32 from vector<1xi32>
        %jit3A_2150 = arith.constant 128 : i32
        %div3A_2151 = arith.divsi %squeeze3A_2149, %jit3A_2150 : i32
        %sign3A_2152 = arith.constant 0 : i32
        %sign3A_2153 = arith.cmpi sgt, %squeeze3A_2149, %sign3A_2152 : i32
        %sign3A_2154 = arith.extui %sign3A_2153 : i1 to i32
        %sign3A_2155 = arith.constant 0 : i32
        %sign3A_2156 = arith.cmpi slt, %squeeze3A_2149, %sign3A_2155 : i32
        %sign3A_2157 = arith.extui %sign3A_2156 : i1 to i32
        %sign3A_2158 = arith.subi %sign3A_2154, %sign3A_2157 : i32
        %sign3A_2159 = arith.constant 0 : i32
        %sign3A_2160 = arith.cmpi sgt, %jit3A_2150, %sign3A_2159 : i32
        %sign3A_2161 = arith.extui %sign3A_2160 : i1 to i32
        %sign3A_2162 = arith.constant 0 : i32
        %sign3A_2163 = arith.cmpi slt, %jit3A_2150, %sign3A_2162 : i32
        %sign3A_2164 = arith.extui %sign3A_2163 : i1 to i32
        %sign3A_2165 = arith.subi %sign3A_2161, %sign3A_2164 : i32
        %ne3A_2166 = arith.cmpi ne, %sign3A_2158, %sign3A_2165 : i32
        %rem3A_2167 = arith.remsi %squeeze3A_2149, %jit3A_2150 : i32
        %ne3A_2168 = arith.constant 0 : i32
        %ne3A_2169 = arith.cmpi ne, %rem3A_2167, %ne3A_2168 : i32
        %and3A_2170 = arith.andi %ne3A_2166, %ne3A_2169 : i1
        %sub3A_2171 = arith.constant 1 : i32
        %sub3A_2172 = arith.subi %div3A_2151, %sub3A_2171 : i32
        %select_n3A_2173 = arith.select %and3A_2170, %sub3A_2172, %div3A_2151 : i32
        %mul3A_2174 = arith.constant 128 : i32
        %mul3A_2175 = arith.muli %select_n3A_2173, %mul3A_2174 : i32
        %multiple_of3A_2176 = tpu.assume_multiple %mul3A_2175, 128 : i32
        %dma_start3A_2177 = arith.constant 1 : i32
        %dma_start3A_2178 = arith.constant 1 : i32
        %dma_start3A_2179 = arith.constant 0 : i32
        %dma_start3A_2180 = arith.constant 0 : i32
        %dma_start3A_2181 = tpu.memref_slice %arg6[%dma_start3A_2177, %dma_start3A_2179, %dma_start3A_2180] : memref<8x64x128xf32, #tpu.memory_space<vmem>> -> memref<1x64x128xf32, #tpu.memory_space<vmem>>
        %dma_start3A_2182 = tpu.memref_squeeze %dma_start3A_2181 : memref<1x64x128xf32, #tpu.memory_space<vmem>> -> memref<64x128xf32, #tpu.memory_space<vmem>>
        %dma_start3A_2183 = arith.constant 0 : i32
        %dma_start3A_2184 = tpu.memref_slice %arg2[%dma_start3A_2183, %multiple_of3A_2176] : memref<64x1000000xf32, #tpu.memory_space<hbm>> -> memref<64x128xf32, #tpu.memory_space<hbm>>
        %dma_start3A_2185 = tpu.memref_slice %arg8[%dma_start3A_2178] : memref<8x!tpu.dma_semaphore, #tpu.memory_space<semaphore_mem>> -> memref<1x!tpu.dma_semaphore, #tpu.memory_space<semaphore_mem>>
        %dma_start3A_2186 = tpu.memref_squeeze %dma_start3A_2185 : memref<1x!tpu.dma_semaphore, #tpu.memory_space<semaphore_mem>> -> memref<!tpu.dma_semaphore, #tpu.memory_space<semaphore_mem>>
        %dma_start3A_2187 = arith.constant 0 : i32
        %dma_start3A_2188 = arith.constant 0 : i32
        %dma_start3A_2189 = tpu.memref_slice %arg6[%dma_start3A_2177, %dma_start3A_2187, %dma_start3A_2188] : memref<8x64x128xf32, #tpu.memory_space<vmem>> -> memref<1x64x128xf32, #tpu.memory_space<vmem>>
        %dma_start3A_2190 = tpu.memref_squeeze %dma_start3A_2189 : memref<1x64x128xf32, #tpu.memory_space<vmem>> -> memref<64x128xf32, #tpu.memory_space<vmem>>
        %dma_start3A_2191 = arith.constant 0 : i32
        %dma_start3A_2192 = tpu.memref_slice %arg2[%dma_start3A_2191, %multiple_of3A_2176] : memref<64x1000000xf32, #tpu.memory_space<hbm>> -> memref<64x128xf32, #tpu.memory_space<hbm>>
        tpu.enqueue_dma source(%dma_start3A_2192 : memref<64x128xf32, #tpu.memory_space<hbm>>) target(%dma_start3A_2190 : memref<64x128xf32, #tpu.memory_space<vmem>>) target_semaphore(%dma_start3A_2186 : memref<!tpu.dma_semaphore, #tpu.memory_space<semaphore_mem>>)
      } else {
      }
      %mul3A_1482 = arith.constant 16 : i32
      %mul3A_1483 = arith.muli %scan3A_365, %mul3A_1482 : i32
      %add3A_1484 = arith.constant 10 : i32
      %add3A_1485 = arith.addi %mul3A_1483, %add3A_1484 : i32
      %dma_wait3A_1486 = arith.constant 2 : i32
      %dma_wait3A_1487 = arith.constant 2 : i32
      %dma_wait3A_1488 = arith.constant 0 : i32
      %dma_wait3A_1489 = arith.constant 0 : i32
      %dma_wait3A_1490 = tpu.memref_slice %arg6[%dma_wait3A_1486, %dma_wait3A_1488, %dma_wait3A_1489] : memref<8x64x128xf32, #tpu.memory_space<vmem>> -> memref<1x64x128xf32, #tpu.memory_space<vmem>>
      %dma_wait3A_1491 = tpu.memref_squeeze %dma_wait3A_1490 : memref<1x64x128xf32, #tpu.memory_space<vmem>> -> memref<64x128xf32, #tpu.memory_space<vmem>>
      %dma_wait3A_1492 = arith.constant 0 : i32
      %dma_wait3A_1493 = arith.constant 0 : i32
      %dma_wait3A_1494 = tpu.memref_slice %arg2[%dma_wait3A_1492, %dma_wait3A_1493] : memref<64x1000000xf32, #tpu.memory_space<hbm>> -> memref<64x128xf32, #tpu.memory_space<hbm>>
      %dma_wait3A_1495 = tpu.memref_slice %arg8[%dma_wait3A_1487] : memref<8x!tpu.dma_semaphore, #tpu.memory_space<semaphore_mem>> -> memref<1x!tpu.dma_semaphore, #tpu.memory_space<semaphore_mem>>
      %dma_wait3A_1496 = tpu.memref_squeeze %dma_wait3A_1495 : memref<1x!tpu.dma_semaphore, #tpu.memory_space<semaphore_mem>> -> memref<!tpu.dma_semaphore, #tpu.memory_space<semaphore_mem>>
      %dma_wait3A_1497 = arith.constant 0 : i32
      %dma_wait3A_1498 = arith.constant 0 : i32
      %dma_wait3A_1499 = tpu.memref_slice %arg6[%dma_wait3A_1486, %dma_wait3A_1497, %dma_wait3A_1498] : memref<8x64x128xf32, #tpu.memory_space<vmem>> -> memref<1x64x128xf32, #tpu.memory_space<vmem>>
      %dma_wait3A_1500 = tpu.memref_squeeze %dma_wait3A_1499 : memref<1x64x128xf32, #tpu.memory_space<vmem>> -> memref<64x128xf32, #tpu.memory_space<vmem>>
      %dma_wait3A_1501 = arith.constant 0 : i32
      %dma_wait3A_1502 = arith.constant 0 : i32
      %dma_wait3A_1503 = tpu.memref_slice %arg2[%dma_wait3A_1501, %dma_wait3A_1502] : memref<64x1000000xf32, #tpu.memory_space<hbm>> -> memref<64x128xf32, #tpu.memory_space<hbm>>
      tpu.wait_dma2 semaphore(%dma_wait3A_1496 : memref<!tpu.dma_semaphore, #tpu.memory_space<semaphore_mem>>) src(%dma_wait3A_1503 : memref<64x128xf32, #tpu.memory_space<hbm>>) dst(%dma_wait3A_1500 : memref<64x128xf32, #tpu.memory_space<vmem>>)
      %slice3A_1504 = vector.extract_strided_slice %get3A_369 {offsets = [10], sizes = [1], strides = [1]} : vector<16xi32> to vector<1xi32>
      %squeeze3A_1505 = vector.extract %slice3A_1504[0] : i32 from vector<1xi32>
      %jit3A_1506 = arith.constant 128 : i32
      %div3A_1507 = arith.divsi %squeeze3A_1505, %jit3A_1506 : i32
      %sign3A_1508 = arith.constant 0 : i32
      %sign3A_1509 = arith.cmpi sgt, %squeeze3A_1505, %sign3A_1508 : i32
      %sign3A_1510 = arith.extui %sign3A_1509 : i1 to i32
      %sign3A_1511 = arith.constant 0 : i32
      %sign3A_1512 = arith.cmpi slt, %squeeze3A_1505, %sign3A_1511 : i32
      %sign3A_1513 = arith.extui %sign3A_1512 : i1 to i32
      %sign3A_1514 = arith.subi %sign3A_1510, %sign3A_1513 : i32
      %sign3A_1515 = arith.constant 0 : i32
      %sign3A_1516 = arith.cmpi sgt, %jit3A_1506, %sign3A_1515 : i32
      %sign3A_1517 = arith.extui %sign3A_1516 : i1 to i32
      %sign3A_1518 = arith.constant 0 : i32
      %sign3A_1519 = arith.cmpi slt, %jit3A_1506, %sign3A_1518 : i32
      %sign3A_1520 = arith.extui %sign3A_1519 : i1 to i32
      %sign3A_1521 = arith.subi %sign3A_1517, %sign3A_1520 : i32
      %ne3A_1522 = arith.cmpi ne, %sign3A_1514, %sign3A_1521 : i32
      %rem3A_1523 = arith.remsi %squeeze3A_1505, %jit3A_1506 : i32
      %ne3A_1524 = arith.constant 0 : i32
      %ne3A_1525 = arith.cmpi ne, %rem3A_1523, %ne3A_1524 : i32
      %and3A_1526 = arith.andi %ne3A_1522, %ne3A_1525 : i1
      %sub3A_1527 = arith.constant 1 : i32
      %sub3A_1528 = arith.subi %div3A_1507, %sub3A_1527 : i32
      %select_n3A_1529 = arith.select %and3A_1526, %sub3A_1528, %div3A_1507 : i32
      %mul3A_1530 = arith.constant 128 : i32
      %mul3A_1531 = arith.muli %select_n3A_1529, %mul3A_1530 : i32
      %multiple_of3A_1532 = tpu.assume_multiple %mul3A_1531, 128 : i32
      %sub3A_1533 = arith.subi %squeeze3A_1505, %multiple_of3A_1532 : i32
      %add3A_1534 = vector.broadcast %sub3A_1533 : i32 to vector<16xi32>
      %add3A_1535 = arith.addi %broadcast_in_dim3A_3, %add3A_1534 : vector<16xi32>
      %add3A_1536 = vector.broadcast %add3A_1485 : i32 to vector<16xi32>
      %add3A_1537 = arith.addi %broadcast_in_dim3A_3, %add3A_1536 : vector<16xi32>
      %add3A_1538 = arith.constant 0 : i32
      %add3A_1539 = vector.broadcast %add3A_1538 : i32 to vector<16xi32>
      %add3A_1540 = arith.addi %add3A_1539, %iota3A : vector<16xi32>
      %gather3A_1541 = arith.constant 2 : i32
      %gather3A_1542 = arith.constant 0 : i32
      %gather3A_1543 = arith.constant 0 : i32
      %gather3A_1544 = tpu.memref_slice %arg6[%gather3A_1541, %gather3A_1542, %gather3A_1543] : memref<8x64x128xf32, #tpu.memory_space<vmem>> -> memref<1x64x128xf32, #tpu.memory_space<vmem>>
      %gather3A_1545 = tpu.memref_squeeze %gather3A_1544 : memref<1x64x128xf32, #tpu.memory_space<vmem>> -> memref<64x128xf32, #tpu.memory_space<vmem>>
      %gather3A_1546 = tpu.vector_load_idx %gather3A_1545[%add3A_1540, %add3A_1535] : memref<64x128xf32, #tpu.memory_space<vmem>>[vector<16xi32>, vector<16xi32>], vector<16xf32>,
      %add3A_1547 = arith.constant 0 : i32
      %add3A_1548 = vector.broadcast %add3A_1547 : i32 to vector<16xi32>
      %add3A_1549 = arith.addi %add3A_1548, %iota3A : vector<16xi32>
      tpu.vector_store_idx %arg7[%add3A_1549, %add3A_1537], %gather3A_1546 : memref<64x512xf32, #tpu.memory_space<vmem>>[vector<16xi32>, vector<16xi32>], vector<16xf32>,
      %add3A_1550 = arith.constant 16 : i32
      %add3A_1551 = vector.broadcast %add3A_1550 : i32 to vector<16xi32>
      %add3A_1552 = arith.addi %add3A_1551, %iota3A : vector<16xi32>
      %gather3A_1553 = arith.constant 2 : i32
      %gather3A_1554 = arith.constant 0 : i32
      %gather3A_1555 = arith.constant 0 : i32
      %gather3A_1556 = tpu.memref_slice %arg6[%gather3A_1553, %gather3A_1554, %gather3A_1555] : memref<8x64x128xf32, #tpu.memory_space<vmem>> -> memref<1x64x128xf32, #tpu.memory_space<vmem>>
      %gather3A_1557 = tpu.memref_squeeze %gather3A_1556 : memref<1x64x128xf32, #tpu.memory_space<vmem>> -> memref<64x128xf32, #tpu.memory_space<vmem>>
      %gather3A_1558 = tpu.vector_load_idx %gather3A_1557[%add3A_1552, %add3A_1535] : memref<64x128xf32, #tpu.memory_space<vmem>>[vector<16xi32>, vector<16xi32>], vector<16xf32>,
      %add3A_1559 = arith.constant 16 : i32
      %add3A_1560 = vector.broadcast %add3A_1559 : i32 to vector<16xi32>
      %add3A_1561 = arith.addi %add3A_1560, %iota3A : vector<16xi32>
      tpu.vector_store_idx %arg7[%add3A_1561, %add3A_1537], %gather3A_1558 : memref<64x512xf32, #tpu.memory_space<vmem>>[vector<16xi32>, vector<16xi32>], vector<16xf32>,
      %add3A_1562 = arith.constant 32 : i32
      %add3A_1563 = vector.broadcast %add3A_1562 : i32 to vector<16xi32>
      %add3A_1564 = arith.addi %add3A_1563, %iota3A : vector<16xi32>
      %gather3A_1565 = arith.constant 2 : i32
      %gather3A_1566 = arith.constant 0 : i32
      %gather3A_1567 = arith.constant 0 : i32
      %gather3A_1568 = tpu.memref_slice %arg6[%gather3A_1565, %gather3A_1566, %gather3A_1567] : memref<8x64x128xf32, #tpu.memory_space<vmem>> -> memref<1x64x128xf32, #tpu.memory_space<vmem>>
      %gather3A_1569 = tpu.memref_squeeze %gather3A_1568 : memref<1x64x128xf32, #tpu.memory_space<vmem>> -> memref<64x128xf32, #tpu.memory_space<vmem>>
      %gather3A_1570 = tpu.vector_load_idx %gather3A_1569[%add3A_1564, %add3A_1535] : memref<64x128xf32, #tpu.memory_space<vmem>>[vector<16xi32>, vector<16xi32>], vector<16xf32>,
      %add3A_1571 = arith.constant 32 : i32
      %add3A_1572 = vector.broadcast %add3A_1571 : i32 to vector<16xi32>
      %add3A_1573 = arith.addi %add3A_1572, %iota3A : vector<16xi32>
      tpu.vector_store_idx %arg7[%add3A_1573, %add3A_1537], %gather3A_1570 : memref<64x512xf32, #tpu.memory_space<vmem>>[vector<16xi32>, vector<16xi32>], vector<16xf32>,
      %add3A_1574 = arith.constant 48 : i32
      %add3A_1575 = vector.broadcast %add3A_1574 : i32 to vector<16xi32>
      %add3A_1576 = arith.addi %add3A_1575, %iota3A : vector<16xi32>
      %gather3A_1577 = arith.constant 2 : i32
      %gather3A_1578 = arith.constant 0 : i32
      %gather3A_1579 = arith.constant 0 : i32
      %gather3A_1580 = tpu.memref_slice %arg6[%gather3A_1577, %gather3A_1578, %gather3A_1579] : memref<8x64x128xf32, #tpu.memory_space<vmem>> -> memref<1x64x128xf32, #tpu.memory_space<vmem>>
      %gather3A_1581 = tpu.memref_squeeze %gather3A_1580 : memref<1x64x128xf32, #tpu.memory_space<vmem>> -> memref<64x128xf32, #tpu.memory_space<vmem>>
      %gather3A_1582 = tpu.vector_load_idx %gather3A_1581[%add3A_1576, %add3A_1535] : memref<64x128xf32, #tpu.memory_space<vmem>>[vector<16xi32>, vector<16xi32>], vector<16xf32>,
      %add3A_1583 = arith.constant 48 : i32
      %add3A_1584 = vector.broadcast %add3A_1583 : i32 to vector<16xi32>
      %add3A_1585 = arith.addi %add3A_1584, %iota3A : vector<16xi32>
      tpu.vector_store_idx %arg7[%add3A_1585, %add3A_1537], %gather3A_1582 : memref<64x512xf32, #tpu.memory_space<vmem>>[vector<16xi32>, vector<16xi32>], vector<16xf32>,
      %add3A_1586 = arith.constant 8 : i32
      %add3A_1587 = arith.addi %add3A_1485, %add3A_1586 : i32
      %lt3A_1588 = arith.constant 512 : i32
      %lt3A_1589 = arith.cmpi slt, %add3A_1587, %lt3A_1588 : i32
      %convert_element_type3A_1590 = arith.extui %lt3A_1589 : i1 to i32
      %cond3A_1591 = arith.constant 0 : i32
      %cond3A_1592 = arith.cmpi ne, %convert_element_type3A_1590, %cond3A_1591 : i32
      scf.if %cond3A_1592 {
        %slice3A_2148 = vector.extract_strided_slice %get3A_375 {offsets = [10], sizes = [1], strides = [1]} : vector<16xi32> to vector<1xi32>
        %squeeze3A_2149 = vector.extract %slice3A_2148[0] : i32 from vector<1xi32>
        %jit3A_2150 = arith.constant 128 : i32
        %div3A_2151 = arith.divsi %squeeze3A_2149, %jit3A_2150 : i32
        %sign3A_2152 = arith.constant 0 : i32
        %sign3A_2153 = arith.cmpi sgt, %squeeze3A_2149, %sign3A_2152 : i32
        %sign3A_2154 = arith.extui %sign3A_2153 : i1 to i32
        %sign3A_2155 = arith.constant 0 : i32
        %sign3A_2156 = arith.cmpi slt, %squeeze3A_2149, %sign3A_2155 : i32
        %sign3A_2157 = arith.extui %sign3A_2156 : i1 to i32
        %sign3A_2158 = arith.subi %sign3A_2154, %sign3A_2157 : i32
        %sign3A_2159 = arith.constant 0 : i32
        %sign3A_2160 = arith.cmpi sgt, %jit3A_2150, %sign3A_2159 : i32
        %sign3A_2161 = arith.extui %sign3A_2160 : i1 to i32
        %sign3A_2162 = arith.constant 0 : i32
        %sign3A_2163 = arith.cmpi slt, %jit3A_2150, %sign3A_2162 : i32
        %sign3A_2164 = arith.extui %sign3A_2163 : i1 to i32
        %sign3A_2165 = arith.subi %sign3A_2161, %sign3A_2164 : i32
        %ne3A_2166 = arith.cmpi ne, %sign3A_2158, %sign3A_2165 : i32
        %rem3A_2167 = arith.remsi %squeeze3A_2149, %jit3A_2150 : i32
        %ne3A_2168 = arith.constant 0 : i32
        %ne3A_2169 = arith.cmpi ne, %rem3A_2167, %ne3A_2168 : i32
        %and3A_2170 = arith.andi %ne3A_2166, %ne3A_2169 : i1
        %sub3A_2171 = arith.constant 1 : i32
        %sub3A_2172 = arith.subi %div3A_2151, %sub3A_2171 : i32
        %select_n3A_2173 = arith.select %and3A_2170, %sub3A_2172, %div3A_2151 : i32
        %mul3A_2174 = arith.constant 128 : i32
        %mul3A_2175 = arith.muli %select_n3A_2173, %mul3A_2174 : i32
        %multiple_of3A_2176 = tpu.assume_multiple %mul3A_2175, 128 : i32
        %dma_start3A_2177 = arith.constant 2 : i32
        %dma_start3A_2178 = arith.constant 2 : i32
        %dma_start3A_2179 = arith.constant 0 : i32
        %dma_start3A_2180 = arith.constant 0 : i32
        %dma_start3A_2181 = tpu.memref_slice %arg6[%dma_start3A_2177, %dma_start3A_2179, %dma_start3A_2180] : memref<8x64x128xf32, #tpu.memory_space<vmem>> -> memref<1x64x128xf32, #tpu.memory_space<vmem>>
        %dma_start3A_2182 = tpu.memref_squeeze %dma_start3A_2181 : memref<1x64x128xf32, #tpu.memory_space<vmem>> -> memref<64x128xf32, #tpu.memory_space<vmem>>
        %dma_start3A_2183 = arith.constant 0 : i32
        %dma_start3A_2184 = tpu.memref_slice %arg2[%dma_start3A_2183, %multiple_of3A_2176] : memref<64x1000000xf32, #tpu.memory_space<hbm>> -> memref<64x128xf32, #tpu.memory_space<hbm>>
        %dma_start3A_2185 = tpu.memref_slice %arg8[%dma_start3A_2178] : memref<8x!tpu.dma_semaphore, #tpu.memory_space<semaphore_mem>> -> memref<1x!tpu.dma_semaphore, #tpu.memory_space<semaphore_mem>>
        %dma_start3A_2186 = tpu.memref_squeeze %dma_start3A_2185 : memref<1x!tpu.dma_semaphore, #tpu.memory_space<semaphore_mem>> -> memref<!tpu.dma_semaphore, #tpu.memory_space<semaphore_mem>>
        %dma_start3A_2187 = arith.constant 0 : i32
        %dma_start3A_2188 = arith.constant 0 : i32
        %dma_start3A_2189 = tpu.memref_slice %arg6[%dma_start3A_2177, %dma_start3A_2187, %dma_start3A_2188] : memref<8x64x128xf32, #tpu.memory_space<vmem>> -> memref<1x64x128xf32, #tpu.memory_space<vmem>>
        %dma_start3A_2190 = tpu.memref_squeeze %dma_start3A_2189 : memref<1x64x128xf32, #tpu.memory_space<vmem>> -> memref<64x128xf32, #tpu.memory_space<vmem>>
        %dma_start3A_2191 = arith.constant 0 : i32
        %dma_start3A_2192 = tpu.memref_slice %arg2[%dma_start3A_2191, %multiple_of3A_2176] : memref<64x1000000xf32, #tpu.memory_space<hbm>> -> memref<64x128xf32, #tpu.memory_space<hbm>>
        tpu.enqueue_dma source(%dma_start3A_2192 : memref<64x128xf32, #tpu.memory_space<hbm>>) target(%dma_start3A_2190 : memref<64x128xf32, #tpu.memory_space<vmem>>) target_semaphore(%dma_start3A_2186 : memref<!tpu.dma_semaphore, #tpu.memory_space<semaphore_mem>>)
      } else {
      }
      %mul3A_1593 = arith.constant 16 : i32
      %mul3A_1594 = arith.muli %scan3A_365, %mul3A_1593 : i32
      %add3A_1595 = arith.constant 11 : i32
      %add3A_1596 = arith.addi %mul3A_1594, %add3A_1595 : i32
      %dma_wait3A_1597 = arith.constant 3 : i32
      %dma_wait3A_1598 = arith.constant 3 : i32
      %dma_wait3A_1599 = arith.constant 0 : i32
      %dma_wait3A_1600 = arith.constant 0 : i32
      %dma_wait3A_1601 = tpu.memref_slice %arg6[%dma_wait3A_1597, %dma_wait3A_1599, %dma_wait3A_1600] : memref<8x64x128xf32, #tpu.memory_space<vmem>> -> memref<1x64x128xf32, #tpu.memory_space<vmem>>
      %dma_wait3A_1602 = tpu.memref_squeeze %dma_wait3A_1601 : memref<1x64x128xf32, #tpu.memory_space<vmem>> -> memref<64x128xf32, #tpu.memory_space<vmem>>
      %dma_wait3A_1603 = arith.constant 0 : i32
      %dma_wait3A_1604 = arith.constant 0 : i32
      %dma_wait3A_1605 = tpu.memref_slice %arg2[%dma_wait3A_1603, %dma_wait3A_1604] : memref<64x1000000xf32, #tpu.memory_space<hbm>> -> memref<64x128xf32, #tpu.memory_space<hbm>>
      %dma_wait3A_1606 = tpu.memref_slice %arg8[%dma_wait3A_1598] : memref<8x!tpu.dma_semaphore, #tpu.memory_space<semaphore_mem>> -> memref<1x!tpu.dma_semaphore, #tpu.memory_space<semaphore_mem>>
      %dma_wait3A_1607 = tpu.memref_squeeze %dma_wait3A_1606 : memref<1x!tpu.dma_semaphore, #tpu.memory_space<semaphore_mem>> -> memref<!tpu.dma_semaphore, #tpu.memory_space<semaphore_mem>>
      %dma_wait3A_1608 = arith.constant 0 : i32
      %dma_wait3A_1609 = arith.constant 0 : i32
      %dma_wait3A_1610 = tpu.memref_slice %arg6[%dma_wait3A_1597, %dma_wait3A_1608, %dma_wait3A_1609] : memref<8x64x128xf32, #tpu.memory_space<vmem>> -> memref<1x64x128xf32, #tpu.memory_space<vmem>>
      %dma_wait3A_1611 = tpu.memref_squeeze %dma_wait3A_1610 : memref<1x64x128xf32, #tpu.memory_space<vmem>> -> memref<64x128xf32, #tpu.memory_space<vmem>>
      %dma_wait3A_1612 = arith.constant 0 : i32
      %dma_wait3A_1613 = arith.constant 0 : i32
      %dma_wait3A_1614 = tpu.memref_slice %arg2[%dma_wait3A_1612, %dma_wait3A_1613] : memref<64x1000000xf32, #tpu.memory_space<hbm>> -> memref<64x128xf32, #tpu.memory_space<hbm>>
      tpu.wait_dma2 semaphore(%dma_wait3A_1607 : memref<!tpu.dma_semaphore, #tpu.memory_space<semaphore_mem>>) src(%dma_wait3A_1614 : memref<64x128xf32, #tpu.memory_space<hbm>>) dst(%dma_wait3A_1611 : memref<64x128xf32, #tpu.memory_space<vmem>>)
      %slice3A_1615 = vector.extract_strided_slice %get3A_369 {offsets = [11], sizes = [1], strides = [1]} : vector<16xi32> to vector<1xi32>
      %squeeze3A_1616 = vector.extract %slice3A_1615[0] : i32 from vector<1xi32>
      %jit3A_1617 = arith.constant 128 : i32
      %div3A_1618 = arith.divsi %squeeze3A_1616, %jit3A_1617 : i32
      %sign3A_1619 = arith.constant 0 : i32
      %sign3A_1620 = arith.cmpi sgt, %squeeze3A_1616, %sign3A_1619 : i32
      %sign3A_1621 = arith.extui %sign3A_1620 : i1 to i32
      %sign3A_1622 = arith.constant 0 : i32
      %sign3A_1623 = arith.cmpi slt, %squeeze3A_1616, %sign3A_1622 : i32
      %sign3A_1624 = arith.extui %sign3A_1623 : i1 to i32
      %sign3A_1625 = arith.subi %sign3A_1621, %sign3A_1624 : i32
      %sign3A_1626 = arith.constant 0 : i32
      %sign3A_1627 = arith.cmpi sgt, %jit3A_1617, %sign3A_1626 : i32
      %sign3A_1628 = arith.extui %sign3A_1627 : i1 to i32
      %sign3A_1629 = arith.constant 0 : i32
      %sign3A_1630 = arith.cmpi slt, %jit3A_1617, %sign3A_1629 : i32
      %sign3A_1631 = arith.extui %sign3A_1630 : i1 to i32
      %sign3A_1632 = arith.subi %sign3A_1628, %sign3A_1631 : i32
      %ne3A_1633 = arith.cmpi ne, %sign3A_1625, %sign3A_1632 : i32
      %rem3A_1634 = arith.remsi %squeeze3A_1616, %jit3A_1617 : i32
      %ne3A_1635 = arith.constant 0 : i32
      %ne3A_1636 = arith.cmpi ne, %rem3A_1634, %ne3A_1635 : i32
      %and3A_1637 = arith.andi %ne3A_1633, %ne3A_1636 : i1
      %sub3A_1638 = arith.constant 1 : i32
      %sub3A_1639 = arith.subi %div3A_1618, %sub3A_1638 : i32
      %select_n3A_1640 = arith.select %and3A_1637, %sub3A_1639, %div3A_1618 : i32
      %mul3A_1641 = arith.constant 128 : i32
      %mul3A_1642 = arith.muli %select_n3A_1640, %mul3A_1641 : i32
      %multiple_of3A_1643 = tpu.assume_multiple %mul3A_1642, 128 : i32
      %sub3A_1644 = arith.subi %squeeze3A_1616, %multiple_of3A_1643 : i32
      %add3A_1645 = vector.broadcast %sub3A_1644 : i32 to vector<16xi32>
      %add3A_1646 = arith.addi %broadcast_in_dim3A_3, %add3A_1645 : vector<16xi32>
      %add3A_1647 = vector.broadcast %add3A_1596 : i32 to vector<16xi32>
      %add3A_1648 = arith.addi %broadcast_in_dim3A_3, %add3A_1647 : vector<16xi32>
      %add3A_1649 = arith.constant 0 : i32
      %add3A_1650 = vector.broadcast %add3A_1649 : i32 to vector<16xi32>
      %add3A_1651 = arith.addi %add3A_1650, %iota3A : vector<16xi32>
      %gather3A_1652 = arith.constant 3 : i32
      %gather3A_1653 = arith.constant 0 : i32
      %gather3A_1654 = arith.constant 0 : i32
      %gather3A_1655 = tpu.memref_slice %arg6[%gather3A_1652, %gather3A_1653, %gather3A_1654] : memref<8x64x128xf32, #tpu.memory_space<vmem>> -> memref<1x64x128xf32, #tpu.memory_space<vmem>>
      %gather3A_1656 = tpu.memref_squeeze %gather3A_1655 : memref<1x64x128xf32, #tpu.memory_space<vmem>> -> memref<64x128xf32, #tpu.memory_space<vmem>>
      %gather3A_1657 = tpu.vector_load_idx %gather3A_1656[%add3A_1651, %add3A_1646] : memref<64x128xf32, #tpu.memory_space<vmem>>[vector<16xi32>, vector<16xi32>], vector<16xf32>,
      %add3A_1658 = arith.constant 0 : i32
      %add3A_1659 = vector.broadcast %add3A_1658 : i32 to vector<16xi32>
      %add3A_1660 = arith.addi %add3A_1659, %iota3A : vector<16xi32>
      tpu.vector_store_idx %arg7[%add3A_1660, %add3A_1648], %gather3A_1657 : memref<64x512xf32, #tpu.memory_space<vmem>>[vector<16xi32>, vector<16xi32>], vector<16xf32>,
      %add3A_1661 = arith.constant 16 : i32
      %add3A_1662 = vector.broadcast %add3A_1661 : i32 to vector<16xi32>
      %add3A_1663 = arith.addi %add3A_1662, %iota3A : vector<16xi32>
      %gather3A_1664 = arith.constant 3 : i32
      %gather3A_1665 = arith.constant 0 : i32
      %gather3A_1666 = arith.constant 0 : i32
      %gather3A_1667 = tpu.memref_slice %arg6[%gather3A_1664, %gather3A_1665, %gather3A_1666] : memref<8x64x128xf32, #tpu.memory_space<vmem>> -> memref<1x64x128xf32, #tpu.memory_space<vmem>>
      %gather3A_1668 = tpu.memref_squeeze %gather3A_1667 : memref<1x64x128xf32, #tpu.memory_space<vmem>> -> memref<64x128xf32, #tpu.memory_space<vmem>>
      %gather3A_1669 = tpu.vector_load_idx %gather3A_1668[%add3A_1663, %add3A_1646] : memref<64x128xf32, #tpu.memory_space<vmem>>[vector<16xi32>, vector<16xi32>], vector<16xf32>,
      %add3A_1670 = arith.constant 16 : i32
      %add3A_1671 = vector.broadcast %add3A_1670 : i32 to vector<16xi32>
      %add3A_1672 = arith.addi %add3A_1671, %iota3A : vector<16xi32>
      tpu.vector_store_idx %arg7[%add3A_1672, %add3A_1648], %gather3A_1669 : memref<64x512xf32, #tpu.memory_space<vmem>>[vector<16xi32>, vector<16xi32>], vector<16xf32>,
      %add3A_1673 = arith.constant 32 : i32
      %add3A_1674 = vector.broadcast %add3A_1673 : i32 to vector<16xi32>
      %add3A_1675 = arith.addi %add3A_1674, %iota3A : vector<16xi32>
      %gather3A_1676 = arith.constant 3 : i32
      %gather3A_1677 = arith.constant 0 : i32
      %gather3A_1678 = arith.constant 0 : i32
      %gather3A_1679 = tpu.memref_slice %arg6[%gather3A_1676, %gather3A_1677, %gather3A_1678] : memref<8x64x128xf32, #tpu.memory_space<vmem>> -> memref<1x64x128xf32, #tpu.memory_space<vmem>>
      %gather3A_1680 = tpu.memref_squeeze %gather3A_1679 : memref<1x64x128xf32, #tpu.memory_space<vmem>> -> memref<64x128xf32, #tpu.memory_space<vmem>>
      %gather3A_1681 = tpu.vector_load_idx %gather3A_1680[%add3A_1675, %add3A_1646] : memref<64x128xf32, #tpu.memory_space<vmem>>[vector<16xi32>, vector<16xi32>], vector<16xf32>,
      %add3A_1682 = arith.constant 32 : i32
      %add3A_1683 = vector.broadcast %add3A_1682 : i32 to vector<16xi32>
      %add3A_1684 = arith.addi %add3A_1683, %iota3A : vector<16xi32>
      tpu.vector_store_idx %arg7[%add3A_1684, %add3A_1648], %gather3A_1681 : memref<64x512xf32, #tpu.memory_space<vmem>>[vector<16xi32>, vector<16xi32>], vector<16xf32>,
      %add3A_1685 = arith.constant 48 : i32
      %add3A_1686 = vector.broadcast %add3A_1685 : i32 to vector<16xi32>
      %add3A_1687 = arith.addi %add3A_1686, %iota3A : vector<16xi32>
      %gather3A_1688 = arith.constant 3 : i32
      %gather3A_1689 = arith.constant 0 : i32
      %gather3A_1690 = arith.constant 0 : i32
      %gather3A_1691 = tpu.memref_slice %arg6[%gather3A_1688, %gather3A_1689, %gather3A_1690] : memref<8x64x128xf32, #tpu.memory_space<vmem>> -> memref<1x64x128xf32, #tpu.memory_space<vmem>>
      %gather3A_1692 = tpu.memref_squeeze %gather3A_1691 : memref<1x64x128xf32, #tpu.memory_space<vmem>> -> memref<64x128xf32, #tpu.memory_space<vmem>>
      %gather3A_1693 = tpu.vector_load_idx %gather3A_1692[%add3A_1687, %add3A_1646] : memref<64x128xf32, #tpu.memory_space<vmem>>[vector<16xi32>, vector<16xi32>], vector<16xf32>,
      %add3A_1694 = arith.constant 48 : i32
      %add3A_1695 = vector.broadcast %add3A_1694 : i32 to vector<16xi32>
      %add3A_1696 = arith.addi %add3A_1695, %iota3A : vector<16xi32>
      tpu.vector_store_idx %arg7[%add3A_1696, %add3A_1648], %gather3A_1693 : memref<64x512xf32, #tpu.memory_space<vmem>>[vector<16xi32>, vector<16xi32>], vector<16xf32>,
      %add3A_1697 = arith.constant 8 : i32
      %add3A_1698 = arith.addi %add3A_1596, %add3A_1697 : i32
      %lt3A_1699 = arith.constant 512 : i32
      %lt3A_1700 = arith.cmpi slt, %add3A_1698, %lt3A_1699 : i32
      %convert_element_type3A_1701 = arith.extui %lt3A_1700 : i1 to i32
      %cond3A_1702 = arith.constant 0 : i32
      %cond3A_1703 = arith.cmpi ne, %convert_element_type3A_1701, %cond3A_1702 : i32
      scf.if %cond3A_1703 {
        %slice3A_2148 = vector.extract_strided_slice %get3A_375 {offsets = [11], sizes = [1], strides = [1]} : vector<16xi32> to vector<1xi32>
        %squeeze3A_2149 = vector.extract %slice3A_2148[0] : i32 from vector<1xi32>
        %jit3A_2150 = arith.constant 128 : i32
        %div3A_2151 = arith.divsi %squeeze3A_2149, %jit3A_2150 : i32
        %sign3A_2152 = arith.constant 0 : i32
        %sign3A_2153 = arith.cmpi sgt, %squeeze3A_2149, %sign3A_2152 : i32
        %sign3A_2154 = arith.extui %sign3A_2153 : i1 to i32
        %sign3A_2155 = arith.constant 0 : i32
        %sign3A_2156 = arith.cmpi slt, %squeeze3A_2149, %sign3A_2155 : i32
        %sign3A_2157 = arith.extui %sign3A_2156 : i1 to i32
        %sign3A_2158 = arith.subi %sign3A_2154, %sign3A_2157 : i32
        %sign3A_2159 = arith.constant 0 : i32
        %sign3A_2160 = arith.cmpi sgt, %jit3A_2150, %sign3A_2159 : i32
        %sign3A_2161 = arith.extui %sign3A_2160 : i1 to i32
        %sign3A_2162 = arith.constant 0 : i32
        %sign3A_2163 = arith.cmpi slt, %jit3A_2150, %sign3A_2162 : i32
        %sign3A_2164 = arith.extui %sign3A_2163 : i1 to i32
        %sign3A_2165 = arith.subi %sign3A_2161, %sign3A_2164 : i32
        %ne3A_2166 = arith.cmpi ne, %sign3A_2158, %sign3A_2165 : i32
        %rem3A_2167 = arith.remsi %squeeze3A_2149, %jit3A_2150 : i32
        %ne3A_2168 = arith.constant 0 : i32
        %ne3A_2169 = arith.cmpi ne, %rem3A_2167, %ne3A_2168 : i32
        %and3A_2170 = arith.andi %ne3A_2166, %ne3A_2169 : i1
        %sub3A_2171 = arith.constant 1 : i32
        %sub3A_2172 = arith.subi %div3A_2151, %sub3A_2171 : i32
        %select_n3A_2173 = arith.select %and3A_2170, %sub3A_2172, %div3A_2151 : i32
        %mul3A_2174 = arith.constant 128 : i32
        %mul3A_2175 = arith.muli %select_n3A_2173, %mul3A_2174 : i32
        %multiple_of3A_2176 = tpu.assume_multiple %mul3A_2175, 128 : i32
        %dma_start3A_2177 = arith.constant 3 : i32
        %dma_start3A_2178 = arith.constant 3 : i32
        %dma_start3A_2179 = arith.constant 0 : i32
        %dma_start3A_2180 = arith.constant 0 : i32
        %dma_start3A_2181 = tpu.memref_slice %arg6[%dma_start3A_2177, %dma_start3A_2179, %dma_start3A_2180] : memref<8x64x128xf32, #tpu.memory_space<vmem>> -> memref<1x64x128xf32, #tpu.memory_space<vmem>>
        %dma_start3A_2182 = tpu.memref_squeeze %dma_start3A_2181 : memref<1x64x128xf32, #tpu.memory_space<vmem>> -> memref<64x128xf32, #tpu.memory_space<vmem>>
        %dma_start3A_2183 = arith.constant 0 : i32
        %dma_start3A_2184 = tpu.memref_slice %arg2[%dma_start3A_2183, %multiple_of3A_2176] : memref<64x1000000xf32, #tpu.memory_space<hbm>> -> memref<64x128xf32, #tpu.memory_space<hbm>>
        %dma_start3A_2185 = tpu.memref_slice %arg8[%dma_start3A_2178] : memref<8x!tpu.dma_semaphore, #tpu.memory_space<semaphore_mem>> -> memref<1x!tpu.dma_semaphore, #tpu.memory_space<semaphore_mem>>
        %dma_start3A_2186 = tpu.memref_squeeze %dma_start3A_2185 : memref<1x!tpu.dma_semaphore, #tpu.memory_space<semaphore_mem>> -> memref<!tpu.dma_semaphore, #tpu.memory_space<semaphore_mem>>
        %dma_start3A_2187 = arith.constant 0 : i32
        %dma_start3A_2188 = arith.constant 0 : i32
        %dma_start3A_2189 = tpu.memref_slice %arg6[%dma_start3A_2177, %dma_start3A_2187, %dma_start3A_2188] : memref<8x64x128xf32, #tpu.memory_space<vmem>> -> memref<1x64x128xf32, #tpu.memory_space<vmem>>
        %dma_start3A_2190 = tpu.memref_squeeze %dma_start3A_2189 : memref<1x64x128xf32, #tpu.memory_space<vmem>> -> memref<64x128xf32, #tpu.memory_space<vmem>>
        %dma_start3A_2191 = arith.constant 0 : i32
        %dma_start3A_2192 = tpu.memref_slice %arg2[%dma_start3A_2191, %multiple_of3A_2176] : memref<64x1000000xf32, #tpu.memory_space<hbm>> -> memref<64x128xf32, #tpu.memory_space<hbm>>
        tpu.enqueue_dma source(%dma_start3A_2192 : memref<64x128xf32, #tpu.memory_space<hbm>>) target(%dma_start3A_2190 : memref<64x128xf32, #tpu.memory_space<vmem>>) target_semaphore(%dma_start3A_2186 : memref<!tpu.dma_semaphore, #tpu.memory_space<semaphore_mem>>)
      } else {
      }
      %mul3A_1704 = arith.constant 16 : i32
      %mul3A_1705 = arith.muli %scan3A_365, %mul3A_1704 : i32
      %add3A_1706 = arith.constant 12 : i32
      %add3A_1707 = arith.addi %mul3A_1705, %add3A_1706 : i32
      %dma_wait3A_1708 = arith.constant 4 : i32
      %dma_wait3A_1709 = arith.constant 4 : i32
      %dma_wait3A_1710 = arith.constant 0 : i32
      %dma_wait3A_1711 = arith.constant 0 : i32
      %dma_wait3A_1712 = tpu.memref_slice %arg6[%dma_wait3A_1708, %dma_wait3A_1710, %dma_wait3A_1711] : memref<8x64x128xf32, #tpu.memory_space<vmem>> -> memref<1x64x128xf32, #tpu.memory_space<vmem>>
      %dma_wait3A_1713 = tpu.memref_squeeze %dma_wait3A_1712 : memref<1x64x128xf32, #tpu.memory_space<vmem>> -> memref<64x128xf32, #tpu.memory_space<vmem>>
      %dma_wait3A_1714 = arith.constant 0 : i32
      %dma_wait3A_1715 = arith.constant 0 : i32
      %dma_wait3A_1716 = tpu.memref_slice %arg2[%dma_wait3A_1714, %dma_wait3A_1715] : memref<64x1000000xf32, #tpu.memory_space<hbm>> -> memref<64x128xf32, #tpu.memory_space<hbm>>
      %dma_wait3A_1717 = tpu.memref_slice %arg8[%dma_wait3A_1709] : memref<8x!tpu.dma_semaphore, #tpu.memory_space<semaphore_mem>> -> memref<1x!tpu.dma_semaphore, #tpu.memory_space<semaphore_mem>>
      %dma_wait3A_1718 = tpu.memref_squeeze %dma_wait3A_1717 : memref<1x!tpu.dma_semaphore, #tpu.memory_space<semaphore_mem>> -> memref<!tpu.dma_semaphore, #tpu.memory_space<semaphore_mem>>
      %dma_wait3A_1719 = arith.constant 0 : i32
      %dma_wait3A_1720 = arith.constant 0 : i32
      %dma_wait3A_1721 = tpu.memref_slice %arg6[%dma_wait3A_1708, %dma_wait3A_1719, %dma_wait3A_1720] : memref<8x64x128xf32, #tpu.memory_space<vmem>> -> memref<1x64x128xf32, #tpu.memory_space<vmem>>
      %dma_wait3A_1722 = tpu.memref_squeeze %dma_wait3A_1721 : memref<1x64x128xf32, #tpu.memory_space<vmem>> -> memref<64x128xf32, #tpu.memory_space<vmem>>
      %dma_wait3A_1723 = arith.constant 0 : i32
      %dma_wait3A_1724 = arith.constant 0 : i32
      %dma_wait3A_1725 = tpu.memref_slice %arg2[%dma_wait3A_1723, %dma_wait3A_1724] : memref<64x1000000xf32, #tpu.memory_space<hbm>> -> memref<64x128xf32, #tpu.memory_space<hbm>>
      tpu.wait_dma2 semaphore(%dma_wait3A_1718 : memref<!tpu.dma_semaphore, #tpu.memory_space<semaphore_mem>>) src(%dma_wait3A_1725 : memref<64x128xf32, #tpu.memory_space<hbm>>) dst(%dma_wait3A_1722 : memref<64x128xf32, #tpu.memory_space<vmem>>)
      %slice3A_1726 = vector.extract_strided_slice %get3A_369 {offsets = [12], sizes = [1], strides = [1]} : vector<16xi32> to vector<1xi32>
      %squeeze3A_1727 = vector.extract %slice3A_1726[0] : i32 from vector<1xi32>
      %jit3A_1728 = arith.constant 128 : i32
      %div3A_1729 = arith.divsi %squeeze3A_1727, %jit3A_1728 : i32
      %sign3A_1730 = arith.constant 0 : i32
      %sign3A_1731 = arith.cmpi sgt, %squeeze3A_1727, %sign3A_1730 : i32
      %sign3A_1732 = arith.extui %sign3A_1731 : i1 to i32
      %sign3A_1733 = arith.constant 0 : i32
      %sign3A_1734 = arith.cmpi slt, %squeeze3A_1727, %sign3A_1733 : i32
      %sign3A_1735 = arith.extui %sign3A_1734 : i1 to i32
      %sign3A_1736 = arith.subi %sign3A_1732, %sign3A_1735 : i32
      %sign3A_1737 = arith.constant 0 : i32
      %sign3A_1738 = arith.cmpi sgt, %jit3A_1728, %sign3A_1737 : i32
      %sign3A_1739 = arith.extui %sign3A_1738 : i1 to i32
      %sign3A_1740 = arith.constant 0 : i32
      %sign3A_1741 = arith.cmpi slt, %jit3A_1728, %sign3A_1740 : i32
      %sign3A_1742 = arith.extui %sign3A_1741 : i1 to i32
      %sign3A_1743 = arith.subi %sign3A_1739, %sign3A_1742 : i32
      %ne3A_1744 = arith.cmpi ne, %sign3A_1736, %sign3A_1743 : i32
      %rem3A_1745 = arith.remsi %squeeze3A_1727, %jit3A_1728 : i32
      %ne3A_1746 = arith.constant 0 : i32
      %ne3A_1747 = arith.cmpi ne, %rem3A_1745, %ne3A_1746 : i32
      %and3A_1748 = arith.andi %ne3A_1744, %ne3A_1747 : i1
      %sub3A_1749 = arith.constant 1 : i32
      %sub3A_1750 = arith.subi %div3A_1729, %sub3A_1749 : i32
      %select_n3A_1751 = arith.select %and3A_1748, %sub3A_1750, %div3A_1729 : i32
      %mul3A_1752 = arith.constant 128 : i32
      %mul3A_1753 = arith.muli %select_n3A_1751, %mul3A_1752 : i32
      %multiple_of3A_1754 = tpu.assume_multiple %mul3A_1753, 128 : i32
      %sub3A_1755 = arith.subi %squeeze3A_1727, %multiple_of3A_1754 : i32
      %add3A_1756 = vector.broadcast %sub3A_1755 : i32 to vector<16xi32>
      %add3A_1757 = arith.addi %broadcast_in_dim3A_3, %add3A_1756 : vector<16xi32>
      %add3A_1758 = vector.broadcast %add3A_1707 : i32 to vector<16xi32>
      %add3A_1759 = arith.addi %broadcast_in_dim3A_3, %add3A_1758 : vector<16xi32>
      %add3A_1760 = arith.constant 0 : i32
      %add3A_1761 = vector.broadcast %add3A_1760 : i32 to vector<16xi32>
      %add3A_1762 = arith.addi %add3A_1761, %iota3A : vector<16xi32>
      %gather3A_1763 = arith.constant 4 : i32
      %gather3A_1764 = arith.constant 0 : i32
      %gather3A_1765 = arith.constant 0 : i32
      %gather3A_1766 = tpu.memref_slice %arg6[%gather3A_1763, %gather3A_1764, %gather3A_1765] : memref<8x64x128xf32, #tpu.memory_space<vmem>> -> memref<1x64x128xf32, #tpu.memory_space<vmem>>
      %gather3A_1767 = tpu.memref_squeeze %gather3A_1766 : memref<1x64x128xf32, #tpu.memory_space<vmem>> -> memref<64x128xf32, #tpu.memory_space<vmem>>
      %gather3A_1768 = tpu.vector_load_idx %gather3A_1767[%add3A_1762, %add3A_1757] : memref<64x128xf32, #tpu.memory_space<vmem>>[vector<16xi32>, vector<16xi32>], vector<16xf32>,
      %add3A_1769 = arith.constant 0 : i32
      %add3A_1770 = vector.broadcast %add3A_1769 : i32 to vector<16xi32>
      %add3A_1771 = arith.addi %add3A_1770, %iota3A : vector<16xi32>
      tpu.vector_store_idx %arg7[%add3A_1771, %add3A_1759], %gather3A_1768 : memref<64x512xf32, #tpu.memory_space<vmem>>[vector<16xi32>, vector<16xi32>], vector<16xf32>,
      %add3A_1772 = arith.constant 16 : i32
      %add3A_1773 = vector.broadcast %add3A_1772 : i32 to vector<16xi32>
      %add3A_1774 = arith.addi %add3A_1773, %iota3A : vector<16xi32>
      %gather3A_1775 = arith.constant 4 : i32
      %gather3A_1776 = arith.constant 0 : i32
      %gather3A_1777 = arith.constant 0 : i32
      %gather3A_1778 = tpu.memref_slice %arg6[%gather3A_1775, %gather3A_1776, %gather3A_1777] : memref<8x64x128xf32, #tpu.memory_space<vmem>> -> memref<1x64x128xf32, #tpu.memory_space<vmem>>
      %gather3A_1779 = tpu.memref_squeeze %gather3A_1778 : memref<1x64x128xf32, #tpu.memory_space<vmem>> -> memref<64x128xf32, #tpu.memory_space<vmem>>
      %gather3A_1780 = tpu.vector_load_idx %gather3A_1779[%add3A_1774, %add3A_1757] : memref<64x128xf32, #tpu.memory_space<vmem>>[vector<16xi32>, vector<16xi32>], vector<16xf32>,
      %add3A_1781 = arith.constant 16 : i32
      %add3A_1782 = vector.broadcast %add3A_1781 : i32 to vector<16xi32>
      %add3A_1783 = arith.addi %add3A_1782, %iota3A : vector<16xi32>
      tpu.vector_store_idx %arg7[%add3A_1783, %add3A_1759], %gather3A_1780 : memref<64x512xf32, #tpu.memory_space<vmem>>[vector<16xi32>, vector<16xi32>], vector<16xf32>,
      %add3A_1784 = arith.constant 32 : i32
      %add3A_1785 = vector.broadcast %add3A_1784 : i32 to vector<16xi32>
      %add3A_1786 = arith.addi %add3A_1785, %iota3A : vector<16xi32>
      %gather3A_1787 = arith.constant 4 : i32
      %gather3A_1788 = arith.constant 0 : i32
      %gather3A_1789 = arith.constant 0 : i32
      %gather3A_1790 = tpu.memref_slice %arg6[%gather3A_1787, %gather3A_1788, %gather3A_1789] : memref<8x64x128xf32, #tpu.memory_space<vmem>> -> memref<1x64x128xf32, #tpu.memory_space<vmem>>
      %gather3A_1791 = tpu.memref_squeeze %gather3A_1790 : memref<1x64x128xf32, #tpu.memory_space<vmem>> -> memref<64x128xf32, #tpu.memory_space<vmem>>
      %gather3A_1792 = tpu.vector_load_idx %gather3A_1791[%add3A_1786, %add3A_1757] : memref<64x128xf32, #tpu.memory_space<vmem>>[vector<16xi32>, vector<16xi32>], vector<16xf32>,
      %add3A_1793 = arith.constant 32 : i32
      %add3A_1794 = vector.broadcast %add3A_1793 : i32 to vector<16xi32>
      %add3A_1795 = arith.addi %add3A_1794, %iota3A : vector<16xi32>
      tpu.vector_store_idx %arg7[%add3A_1795, %add3A_1759], %gather3A_1792 : memref<64x512xf32, #tpu.memory_space<vmem>>[vector<16xi32>, vector<16xi32>], vector<16xf32>,
      %add3A_1796 = arith.constant 48 : i32
      %add3A_1797 = vector.broadcast %add3A_1796 : i32 to vector<16xi32>
      %add3A_1798 = arith.addi %add3A_1797, %iota3A : vector<16xi32>
      %gather3A_1799 = arith.constant 4 : i32
      %gather3A_1800 = arith.constant 0 : i32
      %gather3A_1801 = arith.constant 0 : i32
      %gather3A_1802 = tpu.memref_slice %arg6[%gather3A_1799, %gather3A_1800, %gather3A_1801] : memref<8x64x128xf32, #tpu.memory_space<vmem>> -> memref<1x64x128xf32, #tpu.memory_space<vmem>>
      %gather3A_1803 = tpu.memref_squeeze %gather3A_1802 : memref<1x64x128xf32, #tpu.memory_space<vmem>> -> memref<64x128xf32, #tpu.memory_space<vmem>>
      %gather3A_1804 = tpu.vector_load_idx %gather3A_1803[%add3A_1798, %add3A_1757] : memref<64x128xf32, #tpu.memory_space<vmem>>[vector<16xi32>, vector<16xi32>], vector<16xf32>,
      %add3A_1805 = arith.constant 48 : i32
      %add3A_1806 = vector.broadcast %add3A_1805 : i32 to vector<16xi32>
      %add3A_1807 = arith.addi %add3A_1806, %iota3A : vector<16xi32>
      tpu.vector_store_idx %arg7[%add3A_1807, %add3A_1759], %gather3A_1804 : memref<64x512xf32, #tpu.memory_space<vmem>>[vector<16xi32>, vector<16xi32>], vector<16xf32>,
      %add3A_1808 = arith.constant 8 : i32
      %add3A_1809 = arith.addi %add3A_1707, %add3A_1808 : i32
      %lt3A_1810 = arith.constant 512 : i32
      %lt3A_1811 = arith.cmpi slt, %add3A_1809, %lt3A_1810 : i32
      %convert_element_type3A_1812 = arith.extui %lt3A_1811 : i1 to i32
      %cond3A_1813 = arith.constant 0 : i32
      %cond3A_1814 = arith.cmpi ne, %convert_element_type3A_1812, %cond3A_1813 : i32
      scf.if %cond3A_1814 {
        %slice3A_2148 = vector.extract_strided_slice %get3A_375 {offsets = [12], sizes = [1], strides = [1]} : vector<16xi32> to vector<1xi32>
        %squeeze3A_2149 = vector.extract %slice3A_2148[0] : i32 from vector<1xi32>
        %jit3A_2150 = arith.constant 128 : i32
        %div3A_2151 = arith.divsi %squeeze3A_2149, %jit3A_2150 : i32
        %sign3A_2152 = arith.constant 0 : i32
        %sign3A_2153 = arith.cmpi sgt, %squeeze3A_2149, %sign3A_2152 : i32
        %sign3A_2154 = arith.extui %sign3A_2153 : i1 to i32
        %sign3A_2155 = arith.constant 0 : i32
        %sign3A_2156 = arith.cmpi slt, %squeeze3A_2149, %sign3A_2155 : i32
        %sign3A_2157 = arith.extui %sign3A_2156 : i1 to i32
        %sign3A_2158 = arith.subi %sign3A_2154, %sign3A_2157 : i32
        %sign3A_2159 = arith.constant 0 : i32
        %sign3A_2160 = arith.cmpi sgt, %jit3A_2150, %sign3A_2159 : i32
        %sign3A_2161 = arith.extui %sign3A_2160 : i1 to i32
        %sign3A_2162 = arith.constant 0 : i32
        %sign3A_2163 = arith.cmpi slt, %jit3A_2150, %sign3A_2162 : i32
        %sign3A_2164 = arith.extui %sign3A_2163 : i1 to i32
        %sign3A_2165 = arith.subi %sign3A_2161, %sign3A_2164 : i32
        %ne3A_2166 = arith.cmpi ne, %sign3A_2158, %sign3A_2165 : i32
        %rem3A_2167 = arith.remsi %squeeze3A_2149, %jit3A_2150 : i32
        %ne3A_2168 = arith.constant 0 : i32
        %ne3A_2169 = arith.cmpi ne, %rem3A_2167, %ne3A_2168 : i32
        %and3A_2170 = arith.andi %ne3A_2166, %ne3A_2169 : i1
        %sub3A_2171 = arith.constant 1 : i32
        %sub3A_2172 = arith.subi %div3A_2151, %sub3A_2171 : i32
        %select_n3A_2173 = arith.select %and3A_2170, %sub3A_2172, %div3A_2151 : i32
        %mul3A_2174 = arith.constant 128 : i32
        %mul3A_2175 = arith.muli %select_n3A_2173, %mul3A_2174 : i32
        %multiple_of3A_2176 = tpu.assume_multiple %mul3A_2175, 128 : i32
        %dma_start3A_2177 = arith.constant 4 : i32
        %dma_start3A_2178 = arith.constant 4 : i32
        %dma_start3A_2179 = arith.constant 0 : i32
        %dma_start3A_2180 = arith.constant 0 : i32
        %dma_start3A_2181 = tpu.memref_slice %arg6[%dma_start3A_2177, %dma_start3A_2179, %dma_start3A_2180] : memref<8x64x128xf32, #tpu.memory_space<vmem>> -> memref<1x64x128xf32, #tpu.memory_space<vmem>>
        %dma_start3A_2182 = tpu.memref_squeeze %dma_start3A_2181 : memref<1x64x128xf32, #tpu.memory_space<vmem>> -> memref<64x128xf32, #tpu.memory_space<vmem>>
        %dma_start3A_2183 = arith.constant 0 : i32
        %dma_start3A_2184 = tpu.memref_slice %arg2[%dma_start3A_2183, %multiple_of3A_2176] : memref<64x1000000xf32, #tpu.memory_space<hbm>> -> memref<64x128xf32, #tpu.memory_space<hbm>>
        %dma_start3A_2185 = tpu.memref_slice %arg8[%dma_start3A_2178] : memref<8x!tpu.dma_semaphore, #tpu.memory_space<semaphore_mem>> -> memref<1x!tpu.dma_semaphore, #tpu.memory_space<semaphore_mem>>
        %dma_start3A_2186 = tpu.memref_squeeze %dma_start3A_2185 : memref<1x!tpu.dma_semaphore, #tpu.memory_space<semaphore_mem>> -> memref<!tpu.dma_semaphore, #tpu.memory_space<semaphore_mem>>
        %dma_start3A_2187 = arith.constant 0 : i32
        %dma_start3A_2188 = arith.constant 0 : i32
        %dma_start3A_2189 = tpu.memref_slice %arg6[%dma_start3A_2177, %dma_start3A_2187, %dma_start3A_2188] : memref<8x64x128xf32, #tpu.memory_space<vmem>> -> memref<1x64x128xf32, #tpu.memory_space<vmem>>
        %dma_start3A_2190 = tpu.memref_squeeze %dma_start3A_2189 : memref<1x64x128xf32, #tpu.memory_space<vmem>> -> memref<64x128xf32, #tpu.memory_space<vmem>>
        %dma_start3A_2191 = arith.constant 0 : i32
        %dma_start3A_2192 = tpu.memref_slice %arg2[%dma_start3A_2191, %multiple_of3A_2176] : memref<64x1000000xf32, #tpu.memory_space<hbm>> -> memref<64x128xf32, #tpu.memory_space<hbm>>
        tpu.enqueue_dma source(%dma_start3A_2192 : memref<64x128xf32, #tpu.memory_space<hbm>>) target(%dma_start3A_2190 : memref<64x128xf32, #tpu.memory_space<vmem>>) target_semaphore(%dma_start3A_2186 : memref<!tpu.dma_semaphore, #tpu.memory_space<semaphore_mem>>)
      } else {
      }
      %mul3A_1815 = arith.constant 16 : i32
      %mul3A_1816 = arith.muli %scan3A_365, %mul3A_1815 : i32
      %add3A_1817 = arith.constant 13 : i32
      %add3A_1818 = arith.addi %mul3A_1816, %add3A_1817 : i32
      %dma_wait3A_1819 = arith.constant 5 : i32
      %dma_wait3A_1820 = arith.constant 5 : i32
      %dma_wait3A_1821 = arith.constant 0 : i32
      %dma_wait3A_1822 = arith.constant 0 : i32
      %dma_wait3A_1823 = tpu.memref_slice %arg6[%dma_wait3A_1819, %dma_wait3A_1821, %dma_wait3A_1822] : memref<8x64x128xf32, #tpu.memory_space<vmem>> -> memref<1x64x128xf32, #tpu.memory_space<vmem>>
      %dma_wait3A_1824 = tpu.memref_squeeze %dma_wait3A_1823 : memref<1x64x128xf32, #tpu.memory_space<vmem>> -> memref<64x128xf32, #tpu.memory_space<vmem>>
      %dma_wait3A_1825 = arith.constant 0 : i32
      %dma_wait3A_1826 = arith.constant 0 : i32
      %dma_wait3A_1827 = tpu.memref_slice %arg2[%dma_wait3A_1825, %dma_wait3A_1826] : memref<64x1000000xf32, #tpu.memory_space<hbm>> -> memref<64x128xf32, #tpu.memory_space<hbm>>
      %dma_wait3A_1828 = tpu.memref_slice %arg8[%dma_wait3A_1820] : memref<8x!tpu.dma_semaphore, #tpu.memory_space<semaphore_mem>> -> memref<1x!tpu.dma_semaphore, #tpu.memory_space<semaphore_mem>>
      %dma_wait3A_1829 = tpu.memref_squeeze %dma_wait3A_1828 : memref<1x!tpu.dma_semaphore, #tpu.memory_space<semaphore_mem>> -> memref<!tpu.dma_semaphore, #tpu.memory_space<semaphore_mem>>
      %dma_wait3A_1830 = arith.constant 0 : i32
      %dma_wait3A_1831 = arith.constant 0 : i32
      %dma_wait3A_1832 = tpu.memref_slice %arg6[%dma_wait3A_1819, %dma_wait3A_1830, %dma_wait3A_1831] : memref<8x64x128xf32, #tpu.memory_space<vmem>> -> memref<1x64x128xf32, #tpu.memory_space<vmem>>
      %dma_wait3A_1833 = tpu.memref_squeeze %dma_wait3A_1832 : memref<1x64x128xf32, #tpu.memory_space<vmem>> -> memref<64x128xf32, #tpu.memory_space<vmem>>
      %dma_wait3A_1834 = arith.constant 0 : i32
      %dma_wait3A_1835 = arith.constant 0 : i32
      %dma_wait3A_1836 = tpu.memref_slice %arg2[%dma_wait3A_1834, %dma_wait3A_1835] : memref<64x1000000xf32, #tpu.memory_space<hbm>> -> memref<64x128xf32, #tpu.memory_space<hbm>>
      tpu.wait_dma2 semaphore(%dma_wait3A_1829 : memref<!tpu.dma_semaphore, #tpu.memory_space<semaphore_mem>>) src(%dma_wait3A_1836 : memref<64x128xf32, #tpu.memory_space<hbm>>) dst(%dma_wait3A_1833 : memref<64x128xf32, #tpu.memory_space<vmem>>)
      %slice3A_1837 = vector.extract_strided_slice %get3A_369 {offsets = [13], sizes = [1], strides = [1]} : vector<16xi32> to vector<1xi32>
      %squeeze3A_1838 = vector.extract %slice3A_1837[0] : i32 from vector<1xi32>
      %jit3A_1839 = arith.constant 128 : i32
      %div3A_1840 = arith.divsi %squeeze3A_1838, %jit3A_1839 : i32
      %sign3A_1841 = arith.constant 0 : i32
      %sign3A_1842 = arith.cmpi sgt, %squeeze3A_1838, %sign3A_1841 : i32
      %sign3A_1843 = arith.extui %sign3A_1842 : i1 to i32
      %sign3A_1844 = arith.constant 0 : i32
      %sign3A_1845 = arith.cmpi slt, %squeeze3A_1838, %sign3A_1844 : i32
      %sign3A_1846 = arith.extui %sign3A_1845 : i1 to i32
      %sign3A_1847 = arith.subi %sign3A_1843, %sign3A_1846 : i32
      %sign3A_1848 = arith.constant 0 : i32
      %sign3A_1849 = arith.cmpi sgt, %jit3A_1839, %sign3A_1848 : i32
      %sign3A_1850 = arith.extui %sign3A_1849 : i1 to i32
      %sign3A_1851 = arith.constant 0 : i32
      %sign3A_1852 = arith.cmpi slt, %jit3A_1839, %sign3A_1851 : i32
      %sign3A_1853 = arith.extui %sign3A_1852 : i1 to i32
      %sign3A_1854 = arith.subi %sign3A_1850, %sign3A_1853 : i32
      %ne3A_1855 = arith.cmpi ne, %sign3A_1847, %sign3A_1854 : i32
      %rem3A_1856 = arith.remsi %squeeze3A_1838, %jit3A_1839 : i32
      %ne3A_1857 = arith.constant 0 : i32
      %ne3A_1858 = arith.cmpi ne, %rem3A_1856, %ne3A_1857 : i32
      %and3A_1859 = arith.andi %ne3A_1855, %ne3A_1858 : i1
      %sub3A_1860 = arith.constant 1 : i32
      %sub3A_1861 = arith.subi %div3A_1840, %sub3A_1860 : i32
      %select_n3A_1862 = arith.select %and3A_1859, %sub3A_1861, %div3A_1840 : i32
      %mul3A_1863 = arith.constant 128 : i32
      %mul3A_1864 = arith.muli %select_n3A_1862, %mul3A_1863 : i32
      %multiple_of3A_1865 = tpu.assume_multiple %mul3A_1864, 128 : i32
      %sub3A_1866 = arith.subi %squeeze3A_1838, %multiple_of3A_1865 : i32
      %add3A_1867 = vector.broadcast %sub3A_1866 : i32 to vector<16xi32>
      %add3A_1868 = arith.addi %broadcast_in_dim3A_3, %add3A_1867 : vector<16xi32>
      %add3A_1869 = vector.broadcast %add3A_1818 : i32 to vector<16xi32>
      %add3A_1870 = arith.addi %broadcast_in_dim3A_3, %add3A_1869 : vector<16xi32>
      %add3A_1871 = arith.constant 0 : i32
      %add3A_1872 = vector.broadcast %add3A_1871 : i32 to vector<16xi32>
      %add3A_1873 = arith.addi %add3A_1872, %iota3A : vector<16xi32>
      %gather3A_1874 = arith.constant 5 : i32
      %gather3A_1875 = arith.constant 0 : i32
      %gather3A_1876 = arith.constant 0 : i32
      %gather3A_1877 = tpu.memref_slice %arg6[%gather3A_1874, %gather3A_1875, %gather3A_1876] : memref<8x64x128xf32, #tpu.memory_space<vmem>> -> memref<1x64x128xf32, #tpu.memory_space<vmem>>
      %gather3A_1878 = tpu.memref_squeeze %gather3A_1877 : memref<1x64x128xf32, #tpu.memory_space<vmem>> -> memref<64x128xf32, #tpu.memory_space<vmem>>
      %gather3A_1879 = tpu.vector_load_idx %gather3A_1878[%add3A_1873, %add3A_1868] : memref<64x128xf32, #tpu.memory_space<vmem>>[vector<16xi32>, vector<16xi32>], vector<16xf32>,
      %add3A_1880 = arith.constant 0 : i32
      %add3A_1881 = vector.broadcast %add3A_1880 : i32 to vector<16xi32>
      %add3A_1882 = arith.addi %add3A_1881, %iota3A : vector<16xi32>
      tpu.vector_store_idx %arg7[%add3A_1882, %add3A_1870], %gather3A_1879 : memref<64x512xf32, #tpu.memory_space<vmem>>[vector<16xi32>, vector<16xi32>], vector<16xf32>,
      %add3A_1883 = arith.constant 16 : i32
      %add3A_1884 = vector.broadcast %add3A_1883 : i32 to vector<16xi32>
      %add3A_1885 = arith.addi %add3A_1884, %iota3A : vector<16xi32>
      %gather3A_1886 = arith.constant 5 : i32
      %gather3A_1887 = arith.constant 0 : i32
      %gather3A_1888 = arith.constant 0 : i32
      %gather3A_1889 = tpu.memref_slice %arg6[%gather3A_1886, %gather3A_1887, %gather3A_1888] : memref<8x64x128xf32, #tpu.memory_space<vmem>> -> memref<1x64x128xf32, #tpu.memory_space<vmem>>
      %gather3A_1890 = tpu.memref_squeeze %gather3A_1889 : memref<1x64x128xf32, #tpu.memory_space<vmem>> -> memref<64x128xf32, #tpu.memory_space<vmem>>
      %gather3A_1891 = tpu.vector_load_idx %gather3A_1890[%add3A_1885, %add3A_1868] : memref<64x128xf32, #tpu.memory_space<vmem>>[vector<16xi32>, vector<16xi32>], vector<16xf32>,
      %add3A_1892 = arith.constant 16 : i32
      %add3A_1893 = vector.broadcast %add3A_1892 : i32 to vector<16xi32>
      %add3A_1894 = arith.addi %add3A_1893, %iota3A : vector<16xi32>
      tpu.vector_store_idx %arg7[%add3A_1894, %add3A_1870], %gather3A_1891 : memref<64x512xf32, #tpu.memory_space<vmem>>[vector<16xi32>, vector<16xi32>], vector<16xf32>,
      %add3A_1895 = arith.constant 32 : i32
      %add3A_1896 = vector.broadcast %add3A_1895 : i32 to vector<16xi32>
      %add3A_1897 = arith.addi %add3A_1896, %iota3A : vector<16xi32>
      %gather3A_1898 = arith.constant 5 : i32
      %gather3A_1899 = arith.constant 0 : i32
      %gather3A_1900 = arith.constant 0 : i32
      %gather3A_1901 = tpu.memref_slice %arg6[%gather3A_1898, %gather3A_1899, %gather3A_1900] : memref<8x64x128xf32, #tpu.memory_space<vmem>> -> memref<1x64x128xf32, #tpu.memory_space<vmem>>
      %gather3A_1902 = tpu.memref_squeeze %gather3A_1901 : memref<1x64x128xf32, #tpu.memory_space<vmem>> -> memref<64x128xf32, #tpu.memory_space<vmem>>
      %gather3A_1903 = tpu.vector_load_idx %gather3A_1902[%add3A_1897, %add3A_1868] : memref<64x128xf32, #tpu.memory_space<vmem>>[vector<16xi32>, vector<16xi32>], vector<16xf32>,
      %add3A_1904 = arith.constant 32 : i32
      %add3A_1905 = vector.broadcast %add3A_1904 : i32 to vector<16xi32>
      %add3A_1906 = arith.addi %add3A_1905, %iota3A : vector<16xi32>
      tpu.vector_store_idx %arg7[%add3A_1906, %add3A_1870], %gather3A_1903 : memref<64x512xf32, #tpu.memory_space<vmem>>[vector<16xi32>, vector<16xi32>], vector<16xf32>,
      %add3A_1907 = arith.constant 48 : i32
      %add3A_1908 = vector.broadcast %add3A_1907 : i32 to vector<16xi32>
      %add3A_1909 = arith.addi %add3A_1908, %iota3A : vector<16xi32>
      %gather3A_1910 = arith.constant 5 : i32
      %gather3A_1911 = arith.constant 0 : i32
      %gather3A_1912 = arith.constant 0 : i32
      %gather3A_1913 = tpu.memref_slice %arg6[%gather3A_1910, %gather3A_1911, %gather3A_1912] : memref<8x64x128xf32, #tpu.memory_space<vmem>> -> memref<1x64x128xf32, #tpu.memory_space<vmem>>
      %gather3A_1914 = tpu.memref_squeeze %gather3A_1913 : memref<1x64x128xf32, #tpu.memory_space<vmem>> -> memref<64x128xf32, #tpu.memory_space<vmem>>
      %gather3A_1915 = tpu.vector_load_idx %gather3A_1914[%add3A_1909, %add3A_1868] : memref<64x128xf32, #tpu.memory_space<vmem>>[vector<16xi32>, vector<16xi32>], vector<16xf32>,
      %add3A_1916 = arith.constant 48 : i32
      %add3A_1917 = vector.broadcast %add3A_1916 : i32 to vector<16xi32>
      %add3A_1918 = arith.addi %add3A_1917, %iota3A : vector<16xi32>
      tpu.vector_store_idx %arg7[%add3A_1918, %add3A_1870], %gather3A_1915 : memref<64x512xf32, #tpu.memory_space<vmem>>[vector<16xi32>, vector<16xi32>], vector<16xf32>,
      %add3A_1919 = arith.constant 8 : i32
      %add3A_1920 = arith.addi %add3A_1818, %add3A_1919 : i32
      %lt3A_1921 = arith.constant 512 : i32
      %lt3A_1922 = arith.cmpi slt, %add3A_1920, %lt3A_1921 : i32
      %convert_element_type3A_1923 = arith.extui %lt3A_1922 : i1 to i32
      %cond3A_1924 = arith.constant 0 : i32
      %cond3A_1925 = arith.cmpi ne, %convert_element_type3A_1923, %cond3A_1924 : i32
      scf.if %cond3A_1925 {
        %slice3A_2148 = vector.extract_strided_slice %get3A_375 {offsets = [13], sizes = [1], strides = [1]} : vector<16xi32> to vector<1xi32>
        %squeeze3A_2149 = vector.extract %slice3A_2148[0] : i32 from vector<1xi32>
        %jit3A_2150 = arith.constant 128 : i32
        %div3A_2151 = arith.divsi %squeeze3A_2149, %jit3A_2150 : i32
        %sign3A_2152 = arith.constant 0 : i32
        %sign3A_2153 = arith.cmpi sgt, %squeeze3A_2149, %sign3A_2152 : i32
        %sign3A_2154 = arith.extui %sign3A_2153 : i1 to i32
        %sign3A_2155 = arith.constant 0 : i32
        %sign3A_2156 = arith.cmpi slt, %squeeze3A_2149, %sign3A_2155 : i32
        %sign3A_2157 = arith.extui %sign3A_2156 : i1 to i32
        %sign3A_2158 = arith.subi %sign3A_2154, %sign3A_2157 : i32
        %sign3A_2159 = arith.constant 0 : i32
        %sign3A_2160 = arith.cmpi sgt, %jit3A_2150, %sign3A_2159 : i32
        %sign3A_2161 = arith.extui %sign3A_2160 : i1 to i32
        %sign3A_2162 = arith.constant 0 : i32
        %sign3A_2163 = arith.cmpi slt, %jit3A_2150, %sign3A_2162 : i32
        %sign3A_2164 = arith.extui %sign3A_2163 : i1 to i32
        %sign3A_2165 = arith.subi %sign3A_2161, %sign3A_2164 : i32
        %ne3A_2166 = arith.cmpi ne, %sign3A_2158, %sign3A_2165 : i32
        %rem3A_2167 = arith.remsi %squeeze3A_2149, %jit3A_2150 : i32
        %ne3A_2168 = arith.constant 0 : i32
        %ne3A_2169 = arith.cmpi ne, %rem3A_2167, %ne3A_2168 : i32
        %and3A_2170 = arith.andi %ne3A_2166, %ne3A_2169 : i1
        %sub3A_2171 = arith.constant 1 : i32
        %sub3A_2172 = arith.subi %div3A_2151, %sub3A_2171 : i32
        %select_n3A_2173 = arith.select %and3A_2170, %sub3A_2172, %div3A_2151 : i32
        %mul3A_2174 = arith.constant 128 : i32
        %mul3A_2175 = arith.muli %select_n3A_2173, %mul3A_2174 : i32
        %multiple_of3A_2176 = tpu.assume_multiple %mul3A_2175, 128 : i32
        %dma_start3A_2177 = arith.constant 5 : i32
        %dma_start3A_2178 = arith.constant 5 : i32
        %dma_start3A_2179 = arith.constant 0 : i32
        %dma_start3A_2180 = arith.constant 0 : i32
        %dma_start3A_2181 = tpu.memref_slice %arg6[%dma_start3A_2177, %dma_start3A_2179, %dma_start3A_2180] : memref<8x64x128xf32, #tpu.memory_space<vmem>> -> memref<1x64x128xf32, #tpu.memory_space<vmem>>
        %dma_start3A_2182 = tpu.memref_squeeze %dma_start3A_2181 : memref<1x64x128xf32, #tpu.memory_space<vmem>> -> memref<64x128xf32, #tpu.memory_space<vmem>>
        %dma_start3A_2183 = arith.constant 0 : i32
        %dma_start3A_2184 = tpu.memref_slice %arg2[%dma_start3A_2183, %multiple_of3A_2176] : memref<64x1000000xf32, #tpu.memory_space<hbm>> -> memref<64x128xf32, #tpu.memory_space<hbm>>
        %dma_start3A_2185 = tpu.memref_slice %arg8[%dma_start3A_2178] : memref<8x!tpu.dma_semaphore, #tpu.memory_space<semaphore_mem>> -> memref<1x!tpu.dma_semaphore, #tpu.memory_space<semaphore_mem>>
        %dma_start3A_2186 = tpu.memref_squeeze %dma_start3A_2185 : memref<1x!tpu.dma_semaphore, #tpu.memory_space<semaphore_mem>> -> memref<!tpu.dma_semaphore, #tpu.memory_space<semaphore_mem>>
        %dma_start3A_2187 = arith.constant 0 : i32
        %dma_start3A_2188 = arith.constant 0 : i32
        %dma_start3A_2189 = tpu.memref_slice %arg6[%dma_start3A_2177, %dma_start3A_2187, %dma_start3A_2188] : memref<8x64x128xf32, #tpu.memory_space<vmem>> -> memref<1x64x128xf32, #tpu.memory_space<vmem>>
        %dma_start3A_2190 = tpu.memref_squeeze %dma_start3A_2189 : memref<1x64x128xf32, #tpu.memory_space<vmem>> -> memref<64x128xf32, #tpu.memory_space<vmem>>
        %dma_start3A_2191 = arith.constant 0 : i32
        %dma_start3A_2192 = tpu.memref_slice %arg2[%dma_start3A_2191, %multiple_of3A_2176] : memref<64x1000000xf32, #tpu.memory_space<hbm>> -> memref<64x128xf32, #tpu.memory_space<hbm>>
        tpu.enqueue_dma source(%dma_start3A_2192 : memref<64x128xf32, #tpu.memory_space<hbm>>) target(%dma_start3A_2190 : memref<64x128xf32, #tpu.memory_space<vmem>>) target_semaphore(%dma_start3A_2186 : memref<!tpu.dma_semaphore, #tpu.memory_space<semaphore_mem>>)
      } else {
      }
      %mul3A_1926 = arith.constant 16 : i32
      %mul3A_1927 = arith.muli %scan3A_365, %mul3A_1926 : i32
      %add3A_1928 = arith.constant 14 : i32
      %add3A_1929 = arith.addi %mul3A_1927, %add3A_1928 : i32
      %dma_wait3A_1930 = arith.constant 6 : i32
      %dma_wait3A_1931 = arith.constant 6 : i32
      %dma_wait3A_1932 = arith.constant 0 : i32
      %dma_wait3A_1933 = arith.constant 0 : i32
      %dma_wait3A_1934 = tpu.memref_slice %arg6[%dma_wait3A_1930, %dma_wait3A_1932, %dma_wait3A_1933] : memref<8x64x128xf32, #tpu.memory_space<vmem>> -> memref<1x64x128xf32, #tpu.memory_space<vmem>>
      %dma_wait3A_1935 = tpu.memref_squeeze %dma_wait3A_1934 : memref<1x64x128xf32, #tpu.memory_space<vmem>> -> memref<64x128xf32, #tpu.memory_space<vmem>>
      %dma_wait3A_1936 = arith.constant 0 : i32
      %dma_wait3A_1937 = arith.constant 0 : i32
      %dma_wait3A_1938 = tpu.memref_slice %arg2[%dma_wait3A_1936, %dma_wait3A_1937] : memref<64x1000000xf32, #tpu.memory_space<hbm>> -> memref<64x128xf32, #tpu.memory_space<hbm>>
      %dma_wait3A_1939 = tpu.memref_slice %arg8[%dma_wait3A_1931] : memref<8x!tpu.dma_semaphore, #tpu.memory_space<semaphore_mem>> -> memref<1x!tpu.dma_semaphore, #tpu.memory_space<semaphore_mem>>
      %dma_wait3A_1940 = tpu.memref_squeeze %dma_wait3A_1939 : memref<1x!tpu.dma_semaphore, #tpu.memory_space<semaphore_mem>> -> memref<!tpu.dma_semaphore, #tpu.memory_space<semaphore_mem>>
      %dma_wait3A_1941 = arith.constant 0 : i32
      %dma_wait3A_1942 = arith.constant 0 : i32
      %dma_wait3A_1943 = tpu.memref_slice %arg6[%dma_wait3A_1930, %dma_wait3A_1941, %dma_wait3A_1942] : memref<8x64x128xf32, #tpu.memory_space<vmem>> -> memref<1x64x128xf32, #tpu.memory_space<vmem>>
      %dma_wait3A_1944 = tpu.memref_squeeze %dma_wait3A_1943 : memref<1x64x128xf32, #tpu.memory_space<vmem>> -> memref<64x128xf32, #tpu.memory_space<vmem>>
      %dma_wait3A_1945 = arith.constant 0 : i32
      %dma_wait3A_1946 = arith.constant 0 : i32
      %dma_wait3A_1947 = tpu.memref_slice %arg2[%dma_wait3A_1945, %dma_wait3A_1946] : memref<64x1000000xf32, #tpu.memory_space<hbm>> -> memref<64x128xf32, #tpu.memory_space<hbm>>
      tpu.wait_dma2 semaphore(%dma_wait3A_1940 : memref<!tpu.dma_semaphore, #tpu.memory_space<semaphore_mem>>) src(%dma_wait3A_1947 : memref<64x128xf32, #tpu.memory_space<hbm>>) dst(%dma_wait3A_1944 : memref<64x128xf32, #tpu.memory_space<vmem>>)
      %slice3A_1948 = vector.extract_strided_slice %get3A_369 {offsets = [14], sizes = [1], strides = [1]} : vector<16xi32> to vector<1xi32>
      %squeeze3A_1949 = vector.extract %slice3A_1948[0] : i32 from vector<1xi32>
      %jit3A_1950 = arith.constant 128 : i32
      %div3A_1951 = arith.divsi %squeeze3A_1949, %jit3A_1950 : i32
      %sign3A_1952 = arith.constant 0 : i32
      %sign3A_1953 = arith.cmpi sgt, %squeeze3A_1949, %sign3A_1952 : i32
      %sign3A_1954 = arith.extui %sign3A_1953 : i1 to i32
      %sign3A_1955 = arith.constant 0 : i32
      %sign3A_1956 = arith.cmpi slt, %squeeze3A_1949, %sign3A_1955 : i32
      %sign3A_1957 = arith.extui %sign3A_1956 : i1 to i32
      %sign3A_1958 = arith.subi %sign3A_1954, %sign3A_1957 : i32
      %sign3A_1959 = arith.constant 0 : i32
      %sign3A_1960 = arith.cmpi sgt, %jit3A_1950, %sign3A_1959 : i32
      %sign3A_1961 = arith.extui %sign3A_1960 : i1 to i32
      %sign3A_1962 = arith.constant 0 : i32
      %sign3A_1963 = arith.cmpi slt, %jit3A_1950, %sign3A_1962 : i32
      %sign3A_1964 = arith.extui %sign3A_1963 : i1 to i32
      %sign3A_1965 = arith.subi %sign3A_1961, %sign3A_1964 : i32
      %ne3A_1966 = arith.cmpi ne, %sign3A_1958, %sign3A_1965 : i32
      %rem3A_1967 = arith.remsi %squeeze3A_1949, %jit3A_1950 : i32
      %ne3A_1968 = arith.constant 0 : i32
      %ne3A_1969 = arith.cmpi ne, %rem3A_1967, %ne3A_1968 : i32
      %and3A_1970 = arith.andi %ne3A_1966, %ne3A_1969 : i1
      %sub3A_1971 = arith.constant 1 : i32
      %sub3A_1972 = arith.subi %div3A_1951, %sub3A_1971 : i32
      %select_n3A_1973 = arith.select %and3A_1970, %sub3A_1972, %div3A_1951 : i32
      %mul3A_1974 = arith.constant 128 : i32
      %mul3A_1975 = arith.muli %select_n3A_1973, %mul3A_1974 : i32
      %multiple_of3A_1976 = tpu.assume_multiple %mul3A_1975, 128 : i32
      %sub3A_1977 = arith.subi %squeeze3A_1949, %multiple_of3A_1976 : i32
      %add3A_1978 = vector.broadcast %sub3A_1977 : i32 to vector<16xi32>
      %add3A_1979 = arith.addi %broadcast_in_dim3A_3, %add3A_1978 : vector<16xi32>
      %add3A_1980 = vector.broadcast %add3A_1929 : i32 to vector<16xi32>
      %add3A_1981 = arith.addi %broadcast_in_dim3A_3, %add3A_1980 : vector<16xi32>
      %add3A_1982 = arith.constant 0 : i32
      %add3A_1983 = vector.broadcast %add3A_1982 : i32 to vector<16xi32>
      %add3A_1984 = arith.addi %add3A_1983, %iota3A : vector<16xi32>
      %gather3A_1985 = arith.constant 6 : i32
      %gather3A_1986 = arith.constant 0 : i32
      %gather3A_1987 = arith.constant 0 : i32
      %gather3A_1988 = tpu.memref_slice %arg6[%gather3A_1985, %gather3A_1986, %gather3A_1987] : memref<8x64x128xf32, #tpu.memory_space<vmem>> -> memref<1x64x128xf32, #tpu.memory_space<vmem>>
      %gather3A_1989 = tpu.memref_squeeze %gather3A_1988 : memref<1x64x128xf32, #tpu.memory_space<vmem>> -> memref<64x128xf32, #tpu.memory_space<vmem>>
      %gather3A_1990 = tpu.vector_load_idx %gather3A_1989[%add3A_1984, %add3A_1979] : memref<64x128xf32, #tpu.memory_space<vmem>>[vector<16xi32>, vector<16xi32>], vector<16xf32>,
      %add3A_1991 = arith.constant 0 : i32
      %add3A_1992 = vector.broadcast %add3A_1991 : i32 to vector<16xi32>
      %add3A_1993 = arith.addi %add3A_1992, %iota3A : vector<16xi32>
      tpu.vector_store_idx %arg7[%add3A_1993, %add3A_1981], %gather3A_1990 : memref<64x512xf32, #tpu.memory_space<vmem>>[vector<16xi32>, vector<16xi32>], vector<16xf32>,
      %add3A_1994 = arith.constant 16 : i32
      %add3A_1995 = vector.broadcast %add3A_1994 : i32 to vector<16xi32>
      %add3A_1996 = arith.addi %add3A_1995, %iota3A : vector<16xi32>
      %gather3A_1997 = arith.constant 6 : i32
      %gather3A_1998 = arith.constant 0 : i32
      %gather3A_1999 = arith.constant 0 : i32
      %gather3A_2000 = tpu.memref_slice %arg6[%gather3A_1997, %gather3A_1998, %gather3A_1999] : memref<8x64x128xf32, #tpu.memory_space<vmem>> -> memref<1x64x128xf32, #tpu.memory_space<vmem>>
      %gather3A_2001 = tpu.memref_squeeze %gather3A_2000 : memref<1x64x128xf32, #tpu.memory_space<vmem>> -> memref<64x128xf32, #tpu.memory_space<vmem>>
      %gather3A_2002 = tpu.vector_load_idx %gather3A_2001[%add3A_1996, %add3A_1979] : memref<64x128xf32, #tpu.memory_space<vmem>>[vector<16xi32>, vector<16xi32>], vector<16xf32>,
      %add3A_2003 = arith.constant 16 : i32
      %add3A_2004 = vector.broadcast %add3A_2003 : i32 to vector<16xi32>
      %add3A_2005 = arith.addi %add3A_2004, %iota3A : vector<16xi32>
      tpu.vector_store_idx %arg7[%add3A_2005, %add3A_1981], %gather3A_2002 : memref<64x512xf32, #tpu.memory_space<vmem>>[vector<16xi32>, vector<16xi32>], vector<16xf32>,
      %add3A_2006 = arith.constant 32 : i32
      %add3A_2007 = vector.broadcast %add3A_2006 : i32 to vector<16xi32>
      %add3A_2008 = arith.addi %add3A_2007, %iota3A : vector<16xi32>
      %gather3A_2009 = arith.constant 6 : i32
      %gather3A_2010 = arith.constant 0 : i32
      %gather3A_2011 = arith.constant 0 : i32
      %gather3A_2012 = tpu.memref_slice %arg6[%gather3A_2009, %gather3A_2010, %gather3A_2011] : memref<8x64x128xf32, #tpu.memory_space<vmem>> -> memref<1x64x128xf32, #tpu.memory_space<vmem>>
      %gather3A_2013 = tpu.memref_squeeze %gather3A_2012 : memref<1x64x128xf32, #tpu.memory_space<vmem>> -> memref<64x128xf32, #tpu.memory_space<vmem>>
      %gather3A_2014 = tpu.vector_load_idx %gather3A_2013[%add3A_2008, %add3A_1979] : memref<64x128xf32, #tpu.memory_space<vmem>>[vector<16xi32>, vector<16xi32>], vector<16xf32>,
      %add3A_2015 = arith.constant 32 : i32
      %add3A_2016 = vector.broadcast %add3A_2015 : i32 to vector<16xi32>
      %add3A_2017 = arith.addi %add3A_2016, %iota3A : vector<16xi32>
      tpu.vector_store_idx %arg7[%add3A_2017, %add3A_1981], %gather3A_2014 : memref<64x512xf32, #tpu.memory_space<vmem>>[vector<16xi32>, vector<16xi32>], vector<16xf32>,
      %add3A_2018 = arith.constant 48 : i32
      %add3A_2019 = vector.broadcast %add3A_2018 : i32 to vector<16xi32>
      %add3A_2020 = arith.addi %add3A_2019, %iota3A : vector<16xi32>
      %gather3A_2021 = arith.constant 6 : i32
      %gather3A_2022 = arith.constant 0 : i32
      %gather3A_2023 = arith.constant 0 : i32
      %gather3A_2024 = tpu.memref_slice %arg6[%gather3A_2021, %gather3A_2022, %gather3A_2023] : memref<8x64x128xf32, #tpu.memory_space<vmem>> -> memref<1x64x128xf32, #tpu.memory_space<vmem>>
      %gather3A_2025 = tpu.memref_squeeze %gather3A_2024 : memref<1x64x128xf32, #tpu.memory_space<vmem>> -> memref<64x128xf32, #tpu.memory_space<vmem>>
      %gather3A_2026 = tpu.vector_load_idx %gather3A_2025[%add3A_2020, %add3A_1979] : memref<64x128xf32, #tpu.memory_space<vmem>>[vector<16xi32>, vector<16xi32>], vector<16xf32>,
      %add3A_2027 = arith.constant 48 : i32
      %add3A_2028 = vector.broadcast %add3A_2027 : i32 to vector<16xi32>
      %add3A_2029 = arith.addi %add3A_2028, %iota3A : vector<16xi32>
      tpu.vector_store_idx %arg7[%add3A_2029, %add3A_1981], %gather3A_2026 : memref<64x512xf32, #tpu.memory_space<vmem>>[vector<16xi32>, vector<16xi32>], vector<16xf32>,
      %add3A_2030 = arith.constant 8 : i32
      %add3A_2031 = arith.addi %add3A_1929, %add3A_2030 : i32
      %lt3A_2032 = arith.constant 512 : i32
      %lt3A_2033 = arith.cmpi slt, %add3A_2031, %lt3A_2032 : i32
      %convert_element_type3A_2034 = arith.extui %lt3A_2033 : i1 to i32
      %cond3A_2035 = arith.constant 0 : i32
      %cond3A_2036 = arith.cmpi ne, %convert_element_type3A_2034, %cond3A_2035 : i32
      scf.if %cond3A_2036 {
        %slice3A_2148 = vector.extract_strided_slice %get3A_375 {offsets = [14], sizes = [1], strides = [1]} : vector<16xi32> to vector<1xi32>
        %squeeze3A_2149 = vector.extract %slice3A_2148[0] : i32 from vector<1xi32>
        %jit3A_2150 = arith.constant 128 : i32
        %div3A_2151 = arith.divsi %squeeze3A_2149, %jit3A_2150 : i32
        %sign3A_2152 = arith.constant 0 : i32
        %sign3A_2153 = arith.cmpi sgt, %squeeze3A_2149, %sign3A_2152 : i32
        %sign3A_2154 = arith.extui %sign3A_2153 : i1 to i32
        %sign3A_2155 = arith.constant 0 : i32
        %sign3A_2156 = arith.cmpi slt, %squeeze3A_2149, %sign3A_2155 : i32
        %sign3A_2157 = arith.extui %sign3A_2156 : i1 to i32
        %sign3A_2158 = arith.subi %sign3A_2154, %sign3A_2157 : i32
        %sign3A_2159 = arith.constant 0 : i32
        %sign3A_2160 = arith.cmpi sgt, %jit3A_2150, %sign3A_2159 : i32
        %sign3A_2161 = arith.extui %sign3A_2160 : i1 to i32
        %sign3A_2162 = arith.constant 0 : i32
        %sign3A_2163 = arith.cmpi slt, %jit3A_2150, %sign3A_2162 : i32
        %sign3A_2164 = arith.extui %sign3A_2163 : i1 to i32
        %sign3A_2165 = arith.subi %sign3A_2161, %sign3A_2164 : i32
        %ne3A_2166 = arith.cmpi ne, %sign3A_2158, %sign3A_2165 : i32
        %rem3A_2167 = arith.remsi %squeeze3A_2149, %jit3A_2150 : i32
        %ne3A_2168 = arith.constant 0 : i32
        %ne3A_2169 = arith.cmpi ne, %rem3A_2167, %ne3A_2168 : i32
        %and3A_2170 = arith.andi %ne3A_2166, %ne3A_2169 : i1
        %sub3A_2171 = arith.constant 1 : i32
        %sub3A_2172 = arith.subi %div3A_2151, %sub3A_2171 : i32
        %select_n3A_2173 = arith.select %and3A_2170, %sub3A_2172, %div3A_2151 : i32
        %mul3A_2174 = arith.constant 128 : i32
        %mul3A_2175 = arith.muli %select_n3A_2173, %mul3A_2174 : i32
        %multiple_of3A_2176 = tpu.assume_multiple %mul3A_2175, 128 : i32
        %dma_start3A_2177 = arith.constant 6 : i32
        %dma_start3A_2178 = arith.constant 6 : i32
        %dma_start3A_2179 = arith.constant 0 : i32
        %dma_start3A_2180 = arith.constant 0 : i32
        %dma_start3A_2181 = tpu.memref_slice %arg6[%dma_start3A_2177, %dma_start3A_2179, %dma_start3A_2180] : memref<8x64x128xf32, #tpu.memory_space<vmem>> -> memref<1x64x128xf32, #tpu.memory_space<vmem>>
        %dma_start3A_2182 = tpu.memref_squeeze %dma_start3A_2181 : memref<1x64x128xf32, #tpu.memory_space<vmem>> -> memref<64x128xf32, #tpu.memory_space<vmem>>
        %dma_start3A_2183 = arith.constant 0 : i32
        %dma_start3A_2184 = tpu.memref_slice %arg2[%dma_start3A_2183, %multiple_of3A_2176] : memref<64x1000000xf32, #tpu.memory_space<hbm>> -> memref<64x128xf32, #tpu.memory_space<hbm>>
        %dma_start3A_2185 = tpu.memref_slice %arg8[%dma_start3A_2178] : memref<8x!tpu.dma_semaphore, #tpu.memory_space<semaphore_mem>> -> memref<1x!tpu.dma_semaphore, #tpu.memory_space<semaphore_mem>>
        %dma_start3A_2186 = tpu.memref_squeeze %dma_start3A_2185 : memref<1x!tpu.dma_semaphore, #tpu.memory_space<semaphore_mem>> -> memref<!tpu.dma_semaphore, #tpu.memory_space<semaphore_mem>>
        %dma_start3A_2187 = arith.constant 0 : i32
        %dma_start3A_2188 = arith.constant 0 : i32
        %dma_start3A_2189 = tpu.memref_slice %arg6[%dma_start3A_2177, %dma_start3A_2187, %dma_start3A_2188] : memref<8x64x128xf32, #tpu.memory_space<vmem>> -> memref<1x64x128xf32, #tpu.memory_space<vmem>>
        %dma_start3A_2190 = tpu.memref_squeeze %dma_start3A_2189 : memref<1x64x128xf32, #tpu.memory_space<vmem>> -> memref<64x128xf32, #tpu.memory_space<vmem>>
        %dma_start3A_2191 = arith.constant 0 : i32
        %dma_start3A_2192 = tpu.memref_slice %arg2[%dma_start3A_2191, %multiple_of3A_2176] : memref<64x1000000xf32, #tpu.memory_space<hbm>> -> memref<64x128xf32, #tpu.memory_space<hbm>>
        tpu.enqueue_dma source(%dma_start3A_2192 : memref<64x128xf32, #tpu.memory_space<hbm>>) target(%dma_start3A_2190 : memref<64x128xf32, #tpu.memory_space<vmem>>) target_semaphore(%dma_start3A_2186 : memref<!tpu.dma_semaphore, #tpu.memory_space<semaphore_mem>>)
      } else {
      }
      %mul3A_2037 = arith.constant 16 : i32
      %mul3A_2038 = arith.muli %scan3A_365, %mul3A_2037 : i32
      %add3A_2039 = arith.constant 15 : i32
      %add3A_2040 = arith.addi %mul3A_2038, %add3A_2039 : i32
      %dma_wait3A_2041 = arith.constant 7 : i32
      %dma_wait3A_2042 = arith.constant 7 : i32
      %dma_wait3A_2043 = arith.constant 0 : i32
      %dma_wait3A_2044 = arith.constant 0 : i32
      %dma_wait3A_2045 = tpu.memref_slice %arg6[%dma_wait3A_2041, %dma_wait3A_2043, %dma_wait3A_2044] : memref<8x64x128xf32, #tpu.memory_space<vmem>> -> memref<1x64x128xf32, #tpu.memory_space<vmem>>
      %dma_wait3A_2046 = tpu.memref_squeeze %dma_wait3A_2045 : memref<1x64x128xf32, #tpu.memory_space<vmem>> -> memref<64x128xf32, #tpu.memory_space<vmem>>
      %dma_wait3A_2047 = arith.constant 0 : i32
      %dma_wait3A_2048 = arith.constant 0 : i32
      %dma_wait3A_2049 = tpu.memref_slice %arg2[%dma_wait3A_2047, %dma_wait3A_2048] : memref<64x1000000xf32, #tpu.memory_space<hbm>> -> memref<64x128xf32, #tpu.memory_space<hbm>>
      %dma_wait3A_2050 = tpu.memref_slice %arg8[%dma_wait3A_2042] : memref<8x!tpu.dma_semaphore, #tpu.memory_space<semaphore_mem>> -> memref<1x!tpu.dma_semaphore, #tpu.memory_space<semaphore_mem>>
      %dma_wait3A_2051 = tpu.memref_squeeze %dma_wait3A_2050 : memref<1x!tpu.dma_semaphore, #tpu.memory_space<semaphore_mem>> -> memref<!tpu.dma_semaphore, #tpu.memory_space<semaphore_mem>>
      %dma_wait3A_2052 = arith.constant 0 : i32
      %dma_wait3A_2053 = arith.constant 0 : i32
      %dma_wait3A_2054 = tpu.memref_slice %arg6[%dma_wait3A_2041, %dma_wait3A_2052, %dma_wait3A_2053] : memref<8x64x128xf32, #tpu.memory_space<vmem>> -> memref<1x64x128xf32, #tpu.memory_space<vmem>>
      %dma_wait3A_2055 = tpu.memref_squeeze %dma_wait3A_2054 : memref<1x64x128xf32, #tpu.memory_space<vmem>> -> memref<64x128xf32, #tpu.memory_space<vmem>>
      %dma_wait3A_2056 = arith.constant 0 : i32
      %dma_wait3A_2057 = arith.constant 0 : i32
      %dma_wait3A_2058 = tpu.memref_slice %arg2[%dma_wait3A_2056, %dma_wait3A_2057] : memref<64x1000000xf32, #tpu.memory_space<hbm>> -> memref<64x128xf32, #tpu.memory_space<hbm>>
      tpu.wait_dma2 semaphore(%dma_wait3A_2051 : memref<!tpu.dma_semaphore, #tpu.memory_space<semaphore_mem>>) src(%dma_wait3A_2058 : memref<64x128xf32, #tpu.memory_space<hbm>>) dst(%dma_wait3A_2055 : memref<64x128xf32, #tpu.memory_space<vmem>>)
      %slice3A_2059 = vector.extract_strided_slice %get3A_369 {offsets = [15], sizes = [1], strides = [1]} : vector<16xi32> to vector<1xi32>
      %squeeze3A_2060 = vector.extract %slice3A_2059[0] : i32 from vector<1xi32>
      %jit3A_2061 = arith.constant 128 : i32
      %div3A_2062 = arith.divsi %squeeze3A_2060, %jit3A_2061 : i32
      %sign3A_2063 = arith.constant 0 : i32
      %sign3A_2064 = arith.cmpi sgt, %squeeze3A_2060, %sign3A_2063 : i32
      %sign3A_2065 = arith.extui %sign3A_2064 : i1 to i32
      %sign3A_2066 = arith.constant 0 : i32
      %sign3A_2067 = arith.cmpi slt, %squeeze3A_2060, %sign3A_2066 : i32
      %sign3A_2068 = arith.extui %sign3A_2067 : i1 to i32
      %sign3A_2069 = arith.subi %sign3A_2065, %sign3A_2068 : i32
      %sign3A_2070 = arith.constant 0 : i32
      %sign3A_2071 = arith.cmpi sgt, %jit3A_2061, %sign3A_2070 : i32
      %sign3A_2072 = arith.extui %sign3A_2071 : i1 to i32
      %sign3A_2073 = arith.constant 0 : i32
      %sign3A_2074 = arith.cmpi slt, %jit3A_2061, %sign3A_2073 : i32
      %sign3A_2075 = arith.extui %sign3A_2074 : i1 to i32
      %sign3A_2076 = arith.subi %sign3A_2072, %sign3A_2075 : i32
      %ne3A_2077 = arith.cmpi ne, %sign3A_2069, %sign3A_2076 : i32
      %rem3A_2078 = arith.remsi %squeeze3A_2060, %jit3A_2061 : i32
      %ne3A_2079 = arith.constant 0 : i32
      %ne3A_2080 = arith.cmpi ne, %rem3A_2078, %ne3A_2079 : i32
      %and3A_2081 = arith.andi %ne3A_2077, %ne3A_2080 : i1
      %sub3A_2082 = arith.constant 1 : i32
      %sub3A_2083 = arith.subi %div3A_2062, %sub3A_2082 : i32
      %select_n3A_2084 = arith.select %and3A_2081, %sub3A_2083, %div3A_2062 : i32
      %mul3A_2085 = arith.constant 128 : i32
      %mul3A_2086 = arith.muli %select_n3A_2084, %mul3A_2085 : i32
      %multiple_of3A_2087 = tpu.assume_multiple %mul3A_2086, 128 : i32
      %sub3A_2088 = arith.subi %squeeze3A_2060, %multiple_of3A_2087 : i32
      %add3A_2089 = vector.broadcast %sub3A_2088 : i32 to vector<16xi32>
      %add3A_2090 = arith.addi %broadcast_in_dim3A_3, %add3A_2089 : vector<16xi32>
      %add3A_2091 = vector.broadcast %add3A_2040 : i32 to vector<16xi32>
      %add3A_2092 = arith.addi %broadcast_in_dim3A_3, %add3A_2091 : vector<16xi32>
      %add3A_2093 = arith.constant 0 : i32
      %add3A_2094 = vector.broadcast %add3A_2093 : i32 to vector<16xi32>
      %add3A_2095 = arith.addi %add3A_2094, %iota3A : vector<16xi32>
      %gather3A_2096 = arith.constant 7 : i32
      %gather3A_2097 = arith.constant 0 : i32
      %gather3A_2098 = arith.constant 0 : i32
      %gather3A_2099 = tpu.memref_slice %arg6[%gather3A_2096, %gather3A_2097, %gather3A_2098] : memref<8x64x128xf32, #tpu.memory_space<vmem>> -> memref<1x64x128xf32, #tpu.memory_space<vmem>>
      %gather3A_2100 = tpu.memref_squeeze %gather3A_2099 : memref<1x64x128xf32, #tpu.memory_space<vmem>> -> memref<64x128xf32, #tpu.memory_space<vmem>>
      %gather3A_2101 = tpu.vector_load_idx %gather3A_2100[%add3A_2095, %add3A_2090] : memref<64x128xf32, #tpu.memory_space<vmem>>[vector<16xi32>, vector<16xi32>], vector<16xf32>,
      %add3A_2102 = arith.constant 0 : i32
      %add3A_2103 = vector.broadcast %add3A_2102 : i32 to vector<16xi32>
      %add3A_2104 = arith.addi %add3A_2103, %iota3A : vector<16xi32>
      tpu.vector_store_idx %arg7[%add3A_2104, %add3A_2092], %gather3A_2101 : memref<64x512xf32, #tpu.memory_space<vmem>>[vector<16xi32>, vector<16xi32>], vector<16xf32>,
      %add3A_2105 = arith.constant 16 : i32
      %add3A_2106 = vector.broadcast %add3A_2105 : i32 to vector<16xi32>
      %add3A_2107 = arith.addi %add3A_2106, %iota3A : vector<16xi32>
      %gather3A_2108 = arith.constant 7 : i32
      %gather3A_2109 = arith.constant 0 : i32
      %gather3A_2110 = arith.constant 0 : i32
      %gather3A_2111 = tpu.memref_slice %arg6[%gather3A_2108, %gather3A_2109, %gather3A_2110] : memref<8x64x128xf32, #tpu.memory_space<vmem>> -> memref<1x64x128xf32, #tpu.memory_space<vmem>>
      %gather3A_2112 = tpu.memref_squeeze %gather3A_2111 : memref<1x64x128xf32, #tpu.memory_space<vmem>> -> memref<64x128xf32, #tpu.memory_space<vmem>>
      %gather3A_2113 = tpu.vector_load_idx %gather3A_2112[%add3A_2107, %add3A_2090] : memref<64x128xf32, #tpu.memory_space<vmem>>[vector<16xi32>, vector<16xi32>], vector<16xf32>,
      %add3A_2114 = arith.constant 16 : i32
      %add3A_2115 = vector.broadcast %add3A_2114 : i32 to vector<16xi32>
      %add3A_2116 = arith.addi %add3A_2115, %iota3A : vector<16xi32>
      tpu.vector_store_idx %arg7[%add3A_2116, %add3A_2092], %gather3A_2113 : memref<64x512xf32, #tpu.memory_space<vmem>>[vector<16xi32>, vector<16xi32>], vector<16xf32>,
      %add3A_2117 = arith.constant 32 : i32
      %add3A_2118 = vector.broadcast %add3A_2117 : i32 to vector<16xi32>
      %add3A_2119 = arith.addi %add3A_2118, %iota3A : vector<16xi32>
      %gather3A_2120 = arith.constant 7 : i32
      %gather3A_2121 = arith.constant 0 : i32
      %gather3A_2122 = arith.constant 0 : i32
      %gather3A_2123 = tpu.memref_slice %arg6[%gather3A_2120, %gather3A_2121, %gather3A_2122] : memref<8x64x128xf32, #tpu.memory_space<vmem>> -> memref<1x64x128xf32, #tpu.memory_space<vmem>>
      %gather3A_2124 = tpu.memref_squeeze %gather3A_2123 : memref<1x64x128xf32, #tpu.memory_space<vmem>> -> memref<64x128xf32, #tpu.memory_space<vmem>>
      %gather3A_2125 = tpu.vector_load_idx %gather3A_2124[%add3A_2119, %add3A_2090] : memref<64x128xf32, #tpu.memory_space<vmem>>[vector<16xi32>, vector<16xi32>], vector<16xf32>,
      %add3A_2126 = arith.constant 32 : i32
      %add3A_2127 = vector.broadcast %add3A_2126 : i32 to vector<16xi32>
      %add3A_2128 = arith.addi %add3A_2127, %iota3A : vector<16xi32>
      tpu.vector_store_idx %arg7[%add3A_2128, %add3A_2092], %gather3A_2125 : memref<64x512xf32, #tpu.memory_space<vmem>>[vector<16xi32>, vector<16xi32>], vector<16xf32>,
      %add3A_2129 = arith.constant 48 : i32
      %add3A_2130 = vector.broadcast %add3A_2129 : i32 to vector<16xi32>
      %add3A_2131 = arith.addi %add3A_2130, %iota3A : vector<16xi32>
      %gather3A_2132 = arith.constant 7 : i32
      %gather3A_2133 = arith.constant 0 : i32
      %gather3A_2134 = arith.constant 0 : i32
      %gather3A_2135 = tpu.memref_slice %arg6[%gather3A_2132, %gather3A_2133, %gather3A_2134] : memref<8x64x128xf32, #tpu.memory_space<vmem>> -> memref<1x64x128xf32, #tpu.memory_space<vmem>>
      %gather3A_2136 = tpu.memref_squeeze %gather3A_2135 : memref<1x64x128xf32, #tpu.memory_space<vmem>> -> memref<64x128xf32, #tpu.memory_space<vmem>>
      %gather3A_2137 = tpu.vector_load_idx %gather3A_2136[%add3A_2131, %add3A_2090] : memref<64x128xf32, #tpu.memory_space<vmem>>[vector<16xi32>, vector<16xi32>], vector<16xf32>,
      %add3A_2138 = arith.constant 48 : i32
      %add3A_2139 = vector.broadcast %add3A_2138 : i32 to vector<16xi32>
      %add3A_2140 = arith.addi %add3A_2139, %iota3A : vector<16xi32>
      tpu.vector_store_idx %arg7[%add3A_2140, %add3A_2092], %gather3A_2137 : memref<64x512xf32, #tpu.memory_space<vmem>>[vector<16xi32>, vector<16xi32>], vector<16xf32>,
      %add3A_2141 = arith.constant 8 : i32
      %add3A_2142 = arith.addi %add3A_2040, %add3A_2141 : i32
      %lt3A_2143 = arith.constant 512 : i32
      %lt3A_2144 = arith.cmpi slt, %add3A_2142, %lt3A_2143 : i32
      %convert_element_type3A_2145 = arith.extui %lt3A_2144 : i1 to i32
      %cond3A_2146 = arith.constant 0 : i32
      %cond3A_2147 = arith.cmpi ne, %convert_element_type3A_2145, %cond3A_2146 : i32
      scf.if %cond3A_2147 {
        %slice3A_2148 = vector.extract_strided_slice %get3A_375 {offsets = [15], sizes = [1], strides = [1]} : vector<16xi32> to vector<1xi32>
        %squeeze3A_2149 = vector.extract %slice3A_2148[0] : i32 from vector<1xi32>
        %jit3A_2150 = arith.constant 128 : i32
        %div3A_2151 = arith.divsi %squeeze3A_2149, %jit3A_2150 : i32
        %sign3A_2152 = arith.constant 0 : i32
        %sign3A_2153 = arith.cmpi sgt, %squeeze3A_2149, %sign3A_2152 : i32
        %sign3A_2154 = arith.extui %sign3A_2153 : i1 to i32
        %sign3A_2155 = arith.constant 0 : i32
        %sign3A_2156 = arith.cmpi slt, %squeeze3A_2149, %sign3A_2155 : i32
        %sign3A_2157 = arith.extui %sign3A_2156 : i1 to i32
        %sign3A_2158 = arith.subi %sign3A_2154, %sign3A_2157 : i32
        %sign3A_2159 = arith.constant 0 : i32
        %sign3A_2160 = arith.cmpi sgt, %jit3A_2150, %sign3A_2159 : i32
        %sign3A_2161 = arith.extui %sign3A_2160 : i1 to i32
        %sign3A_2162 = arith.constant 0 : i32
        %sign3A_2163 = arith.cmpi slt, %jit3A_2150, %sign3A_2162 : i32
        %sign3A_2164 = arith.extui %sign3A_2163 : i1 to i32
        %sign3A_2165 = arith.subi %sign3A_2161, %sign3A_2164 : i32
        %ne3A_2166 = arith.cmpi ne, %sign3A_2158, %sign3A_2165 : i32
        %rem3A_2167 = arith.remsi %squeeze3A_2149, %jit3A_2150 : i32
        %ne3A_2168 = arith.constant 0 : i32
        %ne3A_2169 = arith.cmpi ne, %rem3A_2167, %ne3A_2168 : i32
        %and3A_2170 = arith.andi %ne3A_2166, %ne3A_2169 : i1
        %sub3A_2171 = arith.constant 1 : i32
        %sub3A_2172 = arith.subi %div3A_2151, %sub3A_2171 : i32
        %select_n3A_2173 = arith.select %and3A_2170, %sub3A_2172, %div3A_2151 : i32
        %mul3A_2174 = arith.constant 128 : i32
        %mul3A_2175 = arith.muli %select_n3A_2173, %mul3A_2174 : i32
        %multiple_of3A_2176 = tpu.assume_multiple %mul3A_2175, 128 : i32
        %dma_start3A_2177 = arith.constant 7 : i32
        %dma_start3A_2178 = arith.constant 7 : i32
        %dma_start3A_2179 = arith.constant 0 : i32
        %dma_start3A_2180 = arith.constant 0 : i32
        %dma_start3A_2181 = tpu.memref_slice %arg6[%dma_start3A_2177, %dma_start3A_2179, %dma_start3A_2180] : memref<8x64x128xf32, #tpu.memory_space<vmem>> -> memref<1x64x128xf32, #tpu.memory_space<vmem>>
        %dma_start3A_2182 = tpu.memref_squeeze %dma_start3A_2181 : memref<1x64x128xf32, #tpu.memory_space<vmem>> -> memref<64x128xf32, #tpu.memory_space<vmem>>
        %dma_start3A_2183 = arith.constant 0 : i32
        %dma_start3A_2184 = tpu.memref_slice %arg2[%dma_start3A_2183, %multiple_of3A_2176] : memref<64x1000000xf32, #tpu.memory_space<hbm>> -> memref<64x128xf32, #tpu.memory_space<hbm>>
        %dma_start3A_2185 = tpu.memref_slice %arg8[%dma_start3A_2178] : memref<8x!tpu.dma_semaphore, #tpu.memory_space<semaphore_mem>> -> memref<1x!tpu.dma_semaphore, #tpu.memory_space<semaphore_mem>>
        %dma_start3A_2186 = tpu.memref_squeeze %dma_start3A_2185 : memref<1x!tpu.dma_semaphore, #tpu.memory_space<semaphore_mem>> -> memref<!tpu.dma_semaphore, #tpu.memory_space<semaphore_mem>>
        %dma_start3A_2187 = arith.constant 0 : i32
        %dma_start3A_2188 = arith.constant 0 : i32
        %dma_start3A_2189 = tpu.memref_slice %arg6[%dma_start3A_2177, %dma_start3A_2187, %dma_start3A_2188] : memref<8x64x128xf32, #tpu.memory_space<vmem>> -> memref<1x64x128xf32, #tpu.memory_space<vmem>>
        %dma_start3A_2190 = tpu.memref_squeeze %dma_start3A_2189 : memref<1x64x128xf32, #tpu.memory_space<vmem>> -> memref<64x128xf32, #tpu.memory_space<vmem>>
        %dma_start3A_2191 = arith.constant 0 : i32
        %dma_start3A_2192 = tpu.memref_slice %arg2[%dma_start3A_2191, %multiple_of3A_2176] : memref<64x1000000xf32, #tpu.memory_space<hbm>> -> memref<64x128xf32, #tpu.memory_space<hbm>>
        tpu.enqueue_dma source(%dma_start3A_2192 : memref<64x128xf32, #tpu.memory_space<hbm>>) target(%dma_start3A_2190 : memref<64x128xf32, #tpu.memory_space<vmem>>) target_semaphore(%dma_start3A_2186 : memref<!tpu.dma_semaphore, #tpu.memory_space<semaphore_mem>>)
      } else {
      }
    }
    %scan3A_357 = arith.constant 32 : i32
    %dma_start3A_358 = arith.constant 0 : i32
    %dma_start3A_359 = tpu.memref_slice %arg4[%dma_start3A_358, %mul3A_2] : memref<64x16384xf32, #tpu.memory_space<hbm>> -> memref<64x512xf32, #tpu.memory_space<hbm>>
    %dma_start3A_360 = arith.constant 0 : i32
    %dma_start3A_361 = tpu.memref_slice %arg4[%dma_start3A_360, %mul3A_2] : memref<64x16384xf32, #tpu.memory_space<hbm>> -> memref<64x512xf32, #tpu.memory_space<hbm>>
    tpu.enqueue_dma source(%arg7 : memref<64x512xf32, #tpu.memory_space<vmem>>) target(%dma_start3A_361 : memref<64x512xf32, #tpu.memory_space<hbm>>) target_semaphore(%arg9 : memref<!tpu.dma_semaphore, #tpu.memory_space<semaphore_mem>>)
    %dma_wait3A = arith.constant 0 : i32
    %dma_wait3A_362 = tpu.memref_slice %arg4[%dma_wait3A, %mul3A_2] : memref<64x16384xf32, #tpu.memory_space<hbm>> -> memref<64x512xf32, #tpu.memory_space<hbm>>
    %dma_wait3A_363 = arith.constant 0 : i32
    %dma_wait3A_364 = tpu.memref_slice %arg4[%dma_wait3A_363, %mul3A_2] : memref<64x16384xf32, #tpu.memory_space<hbm>> -> memref<64x512xf32, #tpu.memory_space<hbm>>
    tpu.wait_dma2 semaphore(%arg9 : memref<!tpu.dma_semaphore, #tpu.memory_space<semaphore_mem>>) src(%arg7 : memref<64x512xf32, #tpu.memory_space<vmem>>) dst(%dma_wait3A_364 : memref<64x512xf32, #tpu.memory_space<hbm>>)
    return
  }
}

</mosaic_0001>

<sc_bundles>
// kernel: _gather.3.cloned.1.call-start
scs
__scs_entry_jumppad:
0x0: {  	(pc) =	sbr.rel $0x88, $3  }
0x1: {  	(tag) =	ssettag $0x0;
	lr =	simm.s32 $0x1  }
0x2: {  	[smem:$0x3F9F] =	sst lr;
	_ =	strace $0xD0000000  }
0x3: {  	_ = 	snop  }
0x4: {  	_ = 	snop  }
0x5: {  	_ = 	snop  }
0x6: {  	_ = 	snop  }
0x7: {  	_ = 	snop  }
__scs_overlays_trampoline_lowered:
0x8: {  	[smem:$0x3FAE] =	sst s0  }
0x9: {  	[smem:$0x3FAF] =	sst s1  }
0xa: {  	[smem:$0x3FB0] =	sst s2  }
0xb: {  	[smem:$0x3FB1] =	sst s3  }
0xc: {  	[smem:$0x3FB2] =	sst s4  }
0xd: {  	[smem:$0x3FB3] =	sst s5  }
0xe: {  	[smem:$0x3FB4] =	sst s6  }
0xf: {  	[smem:$0x3FB5] =	sst s7  }
0x10: {  	[smem:$0x3FB6] =	sst s8  }
0x11: {  	[smem:$0x3FB7] =	sst s9;
	s0 =	simm.s32 @!p0 $0x0  }
0x12: {  	s1 =	sld [smem:$0x3F9D];
	s0 =	simm.s32 @p0 $0x1  }
0x13: {  	[smem:$0x3FB8] =	sst s0;
	s0 =	simm.s32 @!p1 $0x0  }
0x14: {  	s2 =	sld [smem:$0x3F9C];
	s0 =	simm.s32 @p1 $0x1  }
0x15: {  	[smem:$0x3FB9] =	sst s0;
	s0 =	simm.s32 @!p2 $0x0  }
0x16: {  	s3 =	sld [smem:$0x3FDB];
	s0 =	simm.s32 @p2 $0x1  }
0x17: {  	s4 =	simm.s32 $0x1BF5;
	[smem:$0x3FBB] =	sst s0  }
0x18: {  	s0 =	sld [smem:$0x3F9E];
	_ =	swait.ge [sflag:s4], $0x0  }
0x19: {  	s7 =	sld [smem:$0x3F9F]  }
0x1a: {  	s8 =	sadd.s32 $0xFFFFE003, lr  }
0x1b: {  	s9 =	sadd.s32 $0xFFFFFEF7, lr;
	s5 =	simm.s32 $0xFFFFFFFF;
	p2 =	slt.u32 s8, $0xFFFFF086  }
0x1c: {  	p1 =	slt.u32 s9, $0xF7A;
	s5 =	simm.s32 @!p2 $0x0  }
0x1d: {  	s5 =	simm.s32 @p1 $0x1;
	p0 =	seq.s32 s7, s2  }
0x1e: {  	s7 =	smul.u32 @!p0 $0xF7A, s2;
	p2 =	seq.s32 @!p0 s5, $0x0  }
0x1f: {  	s9 =	smul.u32 $0xF7A, s1;
	s8 =	simm.s32 @!p0 $0x1BF5;
	p2 =	por !p2, p0  }
0x20: {  	[sflag:s8] =	ssyncset.s32 @!p0 $0xFFFFF086;
	s6 =	sadd.s32 @!p0 s3, s7;
	s7 =	simm.s32 @!p0 $0x108  }
0x21: {  	s3 =	sadd.s32 s3, s9;
	s6 =	sadd.s32 @!p0 $0x88, s6;
	s7 =	simm.s32 @p2 $0x1082  }
0x22: {  	[simem:s7], [sflag:s8] =	dma.local @!p0 [hbm:s6], $0xF7A  }
0x23: {  	s9 =	sor.u32 $0xD0000000, s2;
	s6 =	simm.s32 $0x108;
	_ =	swait.ge @!p0 [sflag:s8], $0x0  }
0x24: {  	s3 =	sadd.s32 $0x88, s3;
	s6 =	simm.s32 @!p1 $0x1082;
	[sflag:s4] =	ssyncset.s32 $0xFFFFF086  }
0x25: {  	[simem:s6], [sflag:s4] =	dma.local [hbm:s3], $0xF7A  }
0x26: {  	[smem:$0x3F9F] =	sst s1;
	(tag) =	ssettag s2;
	_ =	strace s9  }
0x27: {  	s1 =	sld [smem:$0x3FAF]  }
0x28: {  	s2 =	sld [smem:$0x3FB0]  }
0x29: {  	s4 =	sld [smem:$0x3FB2]  }
0x2a: {  	p0 =	seq.s32 s5, $0x0;
	s5 =	sld [smem:$0x3FB3]  }
0x2b: {  	s6 =	sld [smem:$0x3FB4]  }
0x2c: {  	s7 =	sld [smem:$0x3FB5]  }
0x2d: {  	s3 =	simm.s32 $0x108;
	s8 =	sld [smem:$0x3FB6]  }
0x2e: {  	s3 =	simm.s32 @!p0 $0x1082;
	s9 =	sld [smem:$0x3FB7]  }
0x2f: {  	lr =	sadd.s32 s0, s3;
	s0 =	sld [smem:$0x3FAE]  }
0x30: {  	s3 =	sld [smem:$0x3FB1]  }
0x31: {  	[smem:$0x3FBA] =	sst s10  }
0x32: {  	s10 =	sld [smem:$0x3FB8];
	_ =	sdelay $0x3  }
0x33: {  	p0 =	seq.s32 s10, $0x1;
	s10 =	sld [smem:$0x3FBA];
	_ =	sdelay $0x3  }
0x34: {  	[smem:$0x3FBA] =	sst s10  }
0x35: {  	s10 =	sld [smem:$0x3FB9];
	_ =	sdelay $0x3  }
0x36: {  	p1 =	seq.s32 s10, $0x1;
	s10 =	sld [smem:$0x3FBA];
	_ =	sdelay $0x3  }
0x37: {  	[smem:$0x3FBA] =	sst s10  }
0x38: {  	s10 =	sld [smem:$0x3FBB]  }
0x39: {  	_ = 	snop;
	(pc) =	sbr.ind lr, $3  }
0x3a: {  	_ = 	snop  }
0x3b: {  	_ = 	snop  }
0x3c: {  	p2 =	seq.s32 s10, $0x1;
	s10 =	sld [smem:$0x3FBA]  }
0x3d: {  	_ =	shalt  }
0x3e: {  	_ =	shalt  }
0x3f: {  	_ =	shalt  }
0x40: {  	_ =	shalt  }
0x41: {  	_ =	shalt  }
0x42: {  	_ =	shalt  }
0x43: {  	_ =	shalt  }
0x44: {  	_ =	shalt  }
0x45: {  	_ =	shalt  }
0x46: {  	_ =	shalt  }
0x47: {  	_ =	shalt  }
0x48: {  	_ =	shalt  }
0x49: {  	_ =	shalt  }
0x4a: {  	_ =	shalt  }
0x4b: {  	_ =	shalt  }
0x4c: {  	_ =	shalt  }
0x4d: {  	_ =	shalt  }
0x4e: {  	_ =	shalt  }
0x4f: {  	_ =	shalt  }
0x50: {  	_ =	shalt  }
0x51: {  	_ =	shalt  }
0x52: {  	_ =	shalt  }
0x53: {  	_ =	shalt  }
0x54: {  	_ =	shalt  }
0x55: {  	_ =	shalt  }
0x56: {  	_ =	shalt  }
0x57: {  	_ =	shalt  }
0x58: {  	_ =	shalt  }
0x59: {  	_ =	shalt  }
0x5a: {  	_ =	shalt  }
0x5b: {  	_ =	shalt  }
0x5c: {  	_ =	shalt  }
0x5d: {  	_ =	shalt  }
0x5e: {  	_ =	shalt  }
0x5f: {  	_ =	shalt  }
0x60: {  	_ =	shalt  }
0x61: {  	_ =	shalt  }
0x62: {  	_ =	shalt  }
0x63: {  	_ =	shalt  }
0x64: {  	_ =	shalt  }
0x65: {  	_ =	shalt  }
0x66: {  	_ =	shalt  }
0x67: {  	_ =	shalt  }
0x68: {  	_ =	shalt  }
0x69: {  	_ =	shalt  }
0x6a: {  	_ =	shalt  }
0x6b: {  	_ =	shalt  }
0x6c: {  	_ =	shalt  }
0x6d: {  	_ =	shalt  }
0x6e: {  	_ =	shalt  }
0x6f: {  	_ =	shalt  }
0x70: {  	_ =	shalt  }
0x71: {  	_ =	shalt  }
0x72: {  	_ =	shalt  }
0x73: {  	_ =	shalt  }
0x74: {  	_ =	shalt  }
0x75: {  	_ =	shalt  }
0x76: {  	_ =	shalt  }
0x77: {  	_ =	shalt  }
0x78: {  	_ =	shalt  }
0x79: {  	_ =	shalt  }
0x7a: {  	_ =	shalt  }
0x7b: {  	_ =	shalt  }
0x7c: {  	_ =	shalt  }
0x7d: {  	_ =	shalt  }
0x7e: {  	_ =	shalt  }
0x7f: {  	_ =	shalt  }
0x80: {  	_ =	shalt  }
0x81: {  	_ =	shalt  }
0x82: {  	_ =	shalt  }
0x83: {  	_ =	shalt  }
0x84: {  	_ =	shalt  }
0x85: {  	_ =	shalt  }
0x86: {  	_ =	shalt  }
0x87: {  	_ =	shalt  }
.Lfunc_end0:
.L_simem_size_0:
called_computation_lowered:
.L_overlay_start_0:
0x88: {  	s2 =	sld [smem:$0x3FD9]  }
0x89: {  	s3 =	sld [smem:$0x3FFE];
	_ =	sdelay $0x1  }
0x8a: {  	s1 =	srdreg.scid  }
0x8b: {  	s0 =	sand.u32 $0x1, s1  }
0x8c: {  	s18 =	sshll.u32 s0, $0xA;
	s2 =	sadd.s32 s3, s2  }
0x8d: {  	s2 =	sadd.s32 s2, s18  }
0x8e: {  	[smem:$0x3FC6] =	sst s2  }
0x8f: {  	_ = 	snop  }
0x90: {  	s2 =	sld [smem:$0x3FC9]  }
0x91: {  	s19 =	sld [smem:$0x3FC8]  }
0x92: {  	s4 =	sld [smem:$0x3FD0];
	(tm) =	ssettm $0x1  }
0x93: {  	s5 =	sld [smem:$0x3FFB];
	_ =	sdelay $0x3  }
0x94: {  	_ =	strace s5  }
0x95: {  	s5 =	sld [smem:$0x3FFC];
	_ =	sdelay $0x3  }
0x96: {  	_ =	strace s5  }
0x97: {  	s5 =	sld [smem:$0x3FFD];
	_ =	sdelay $0x3  }
0x98: {  	_ =	strace s5  }
0x99: {  	_ =	strace $0x8FFFFFFF  }
0x9a: {  	s20 =	sld [smem:$0x3FDB];
	_ =	sdelay $0x1  }
0x9b: {  	s6 =	simm.s32 $_scs_section_size  }
0x9c: {  	s7 =	simm.s32 $_size__tile_overlayer_lowered;
	s8 =	simm.s32 $_tile_overlayer_lowered  }
0x9d: {  	s23 =	simm.s32 $0x1BFF;
	s22 =	sshll.u32 s8, $0x1;
	s5 =	sadd.s32 s6, s20  }
0x9e: {  	s9 =	simm.s32 $0x0;
	s21 =	sshll.u32 s7, $0x1;
	s7 =	sadd.s32 s22, s5  }
0x9f: {  	[timem:s9], [sflag:s23] =	dma.local [hbm:s7], s21  }
0xa0: {  	_ =	swait.ge [sflag:s23], s21  }
0xa1: {  	s6 =	ssub.s32 $0x0, s21;
	[sflag:s23] =	ssyncset.done $0x0  }
0xa2: {  	[sflag:s23] =	ssyncadd.s32 s6;
	_ =	sdelay $0x1  }
0xa3: {  	s24 =	simm.s32 $0x1B8B  }
0xa4: {  	_ =	swait.ge [sflag:s24], $0x1  }
0xa5: {  	[sflag:s24] =	ssyncset.done $0x0  }
0xa6: {  	s25 =	simm.s32 $0x1B8E;
	[sflag:s24] =	ssyncadd.s32 $0xFFFFFFFF  }
0xa7: {  	s26 =	simm.s32 $execute0_lowered;
	[smem:$0x3FD2] =	sst s25  }
0xa8: {  	s6 =	sshll.u32 s26, $0x1;
	_ =	strace $0x80000046;
	[dreg:$0x1] =	wrdreg $0xFFFFFFFF  }
0xa9: {  	s28 =	simm.s32 $_size_execute0_lowered;
	s5 =	sadd.s32 s5, s6;
	[dreg:$0x0] =	wrdreg $0x0  }
0xaa: {  	s6 =	sshll.u32 s28, $0x1;
	[dreg:$0x2] =	wrdreg s5  }
0xab: {  	[dreg:$0x3] =	wrdreg s6  }
0xac: {  	[dreg:$0x4] =	wrdreg $0xC0  }
0xad: {  	_ =	task [dreg:s9], $0x5FFFF  }
0xae: {  	[dreg:$0x1] =	wrdreg $0xFFFFFFFF  }
0xaf: {  	[dreg:$0x0] =	wrdreg $0x60  }
0xb0: {  	[dreg:$0x2] =	wrdreg s2  }
0xb1: {  	[dreg:$0x3] =	wrdreg s19  }
0xb2: {  	[dreg:$0x4] =	wrdreg s4  }
0xb3: {  	[dreg:$0x5] =	wrdreg $0x9  }
0xb4: {  	_ =	task.clear_ibuf [dreg:s9], $0x6FFFF;
	_ =	strace $0x90000046  }
0xb5: {  	s29 =	simm.s32 $0x9;
	_ =	strace $0x80000048  }
0xb6: {  	_ =	swait.ge [sflag:s29], $0x1  }
0xb7: {  	[sflag:s29] =	ssyncadd.s32 $0xFFFFFFFF  }
0xb8: {  	_ =	strace $0x90000048  }
0xb9: {  	_ =	sfence  }
0xba: {  	s30 =	sld [smem:$0x0];
	_ =	sdelay $0x2  }
0xbb: {  	s31 =	sshll.u32 s1, $0xD;
	s1 =	sshrl.u32 s1, $0x2  }
0xbc: {  	s3 =	sand.u32 $0x4000, s31;
	s1 =	sadd.s32 s1, s30  }
0xbd: {  	s0 =	sor.u32 s3, s0;
	s1 =	sshll.u32 s1, $0x11  }
0xbe: {  	s0 =	sor.u32 s1, s0  }
0xbf: {  	s0 =	sadd.s32 $0x8F2B, s0  }
0xc0: {  	[sflag:s0] =	ssyncadd.remote.s32 $0x1  }
0xc1: {  	_ =	sfence.sel $0xFFFF  }
0xc2: {  	[dreg:$0x0] =	wrdreg $0xFFFFFFFF;
	(pc) =	sbr.abs _section_cstart, $3  }
0xc3: {  	[dreg:$0x1] =	wrdreg $0xFFFFFFFF  }
0xc4: {  	_ =	task.clear_ibuf [dreg:s9], $0x2FFFF;
	_ =	strace $0x9FFFFFFF  }
0xc5: {  	(tm) =	ssettm $0x7FFFFFFF  }
tec
execute0_lowered:
.L_overlay_start_1:
0x0: {  	(tag) =	ssettag $0x1  }
0x1: {  	v0 =	vimm.s32 $0x1380;
	vm14 =	vcmask $0x300;
	vm13 =	vcmask $0x704  }
0x2: {  	vm12 =	vcmask $0xB08;
	vm11 =	vcmask $0xF0C;
	vm10 =	vcmask $0x1310  }
0x3: {  	vm9 =	vcmask $0x1714;
	vm8 =	vcmask $0x1B18;
	vm7 =	vcmask $0x1F1C  }
0x4: {  	vm6 =	vcmask $0x2320;
	vm5 =	vcmask $0x2724;
	vm4 =	vcmask $0x2B28  }
0x5: {  	vm3 =	vcmask $0x2F2C;
	v1 =	vlaneseq.u32;
	vm2 =	vcmask $0x3330  }
0x6: {  	vm1 =	vcmask $0x3734;
	vm0 =	vcmask $0x3B38;
	v3 =	vimm.s32 $0x3380  }
0x7: {  	v4 =	vimm.s32 $0x5380;
	v5 =	vimm.s32 $0x7380;
	v0 =	vsel vm14, $0x0, v0  }
0x8: {  	v3 =	vsel vm14, $0x2000, v3;
	v4 =	vsel vm14, $0x4000, v4;
	v5 =	vsel vm14, $0x6000, v5  }
0x9: {  	v0 =	vsel vm13, $0x80, v0;
	v3 =	vsel vm13, $0x2080, v3;
	v4 =	vsel vm13, $0x4080, v4  }
0xa: {  	v5 =	vsel vm13, $0x6080, v5;
	v0 =	vsel vm12, $0x100, v0;
	v3 =	vsel vm12, $0x2100, v3  }
0xb: {  	v4 =	vsel vm12, $0x4100, v4;
	v5 =	vsel vm12, $0x6100, v5;
	v0 =	vsel vm11, $0x180, v0  }
0xc: {  	v3 =	vsel vm11, $0x2180, v3;
	v4 =	vsel vm11, $0x4180, v4;
	v5 =	vsel vm11, $0x6180, v5  }
0xd: {  	s0 =	rddreg [dreg:$0x0];
	v0 =	vsel vm10, $0x200, v0;
	v3 =	vsel vm10, $0x2200, v3;
	v4 =	vsel vm10, $0x4200, v4  }
0xe: {  	s1 =	rddreg [dreg:$0x1];
	v5 =	vsel vm10, $0x6200, v5;
	v0 =	vsel vm9, $0x280, v0;
	v3 =	vsel vm9, $0x2280, v3  }
0xf: {  	s2 =	rddreg [dreg:$0x2];
	s3 =	srdreg.scid;
	s6 =	simm.s32 $0x0;
	v4 =	vsel vm9, $0x4280, v4;
	v5 =	vsel vm9, $0x6280, v5;
	v0 =	vsel vm8, $0x300, v0  }
0x10: {  	s5 =	stileid.u32;
	s7 =	simm.s32 $0xA;
	s9 =	simm.s32 $0x7A1400;
	v3 =	vsel vm8, $0x2300, v3;
	v4 =	vsel vm8, $0x4300, v4;
	v5 =	vsel vm8, $0x6300, v5  }
0x11: {  	s8 =	simm.s32 $0x1;
	s10 =	simm.s32 $0x400;
	s11 =	simm.s32 $0x280;
	v0 =	vsel vm7, $0x380, v0;
	v3 =	vsel vm7, $0x2380, v3;
	v4 =	vsel vm7, $0x4380, v4  }
0x12: {  	s12 =	simm.s32 $0x2280;
	s13 =	simm.s32 $0x4280;
	s14 =	simm.s32 $0x6280;
	v5 =	vsel vm7, $0x6380, v5;
	v0 =	vsel vm6, $0x1000, v0;
	v3 =	vsel vm6, $0x3000, v3  }
0x13: {  	s15 =	simm.s32 $0x8280;
	s16 =	simm.s32 $0xA280;
	s17 =	simm.s32 $0xC280;
	v4 =	vsel vm6, $0x5000, v4;
	v5 =	vsel vm6, $0x7000, v5;
	v0 =	vsel vm5, $0x1080, v0  }
0x14: {  	s18 =	simm.s32 $0xE280;
	s19 =	simm.s32 $0x10280;
	s20 =	simm.s32 $0x2;
	v3 =	vsel vm5, $0x3080, v3;
	v4 =	vsel vm5, $0x5080, v4;
	v5 =	vsel vm5, $0x7080, v5  }
0x15: {  	s21 =	simm.s32 $0x3;
	s22 =	simm.s32 $0x4;
	s23 =	simm.s32 $0x5;
	v0 =	vsel vm4, $0x1100, v0;
	v3 =	vsel vm4, $0x3100, v3;
	v4 =	vsel vm4, $0x5100, v4  }
0x16: {  	s24 =	simm.s32 $0x6;
	s25 =	simm.s32 $0x7;
	s30 =	simm.s32 $0x9;
	v5 =	vsel vm4, $0x7100, v5;
	v2 =	vsel vm3, $0x1180, v0;
	v0 =	vmul.u32 $0x80, v1  }
0x17: {  	s3 =	sand.u32 $0x1, s3;
	s5 =	sshll.u32 s5, $0xA;
	[smem:$0x7FF] =	sst s6;
	v3 =	vsel vm3, $0x3180, v3;
	v4 =	vsel vm3, $0x5180, v4;
	v5 =	vsel vm3, $0x7180, v5  }
.Ltmp0:
0x18: {  	s4 =	ssub.s32 $0x2, s3;
	s3 =	sshll.u32 s3, $0x9;
	v1 =	vsel vm2, $0x1200, v2;
	v3 =	vsel vm2, $0x3200, v3;
	v6 =	vsel vm2, $0x5200, v4;
	(pc) =	sbr.rel .LBB2_1-.Ltmp0, $4  }
0x19: {  	s31 =	simm.s32 $0x0;
	_ =	strace $0x80000047;
	s3 =	sor.u32 s3, s5;
	v5 =	vsel vm2, $0x7200, v5;
	v1 =	vsel vm1, $0x1280, v1;
	v2 =	vor.u32 $0x800, v0  }
0x1a: {  	s26 =	sshrl.u32 s4, $0x1;
	s28 =	sshrl.u32 s3, $0x3;
	s29 =	sadd.s32 s2, s3;
	v3 =	vsel vm1, $0x3280, v3;
	v4 =	vor.u32 $0x1000, v0;
	v6 =	vsel vm1, $0x5280, v6  }
0x1b: {  	s6 =	ssub.s32 s4, s26;
	s1 =	sadd.s32 s1, s28;
	[dreg:$0x5] =	wrdreg s29;
	v7 =	vsel vm1, $0x7280, v5;
	v1 =	vsel vm0, $0x1300, v1;
	v3 =	vsel vm0, $0x3300, v3  }
0x1c: {  	s26 =	simm.s32 $0x8;
	s6 =	smax.u32 s6, $0x1;
	[dreg:$0x4] =	wrdreg s1;
	v5 =	vsel vm0, $0x5300, v6;
	v6 =	vor.u32 $0x1800, v0;
	v7 =	vsel vm0, $0x7300, v7  }
.LBB2_4:
0x1d: {  	s31 =	sadd.s32 $0x1, s31  }
0x1e: {  	s1 =	rddreg [dreg:$0x5];
	p0 =	sne.s32 s31, s6  }
.Ltmp1:
0x1f: {  	s2 =	simm.s32 $0x1000;
	s3 =	simm.s32 $0x20000;
	(pc) =	sbr.rel @!p0 .LBB2_5-.Ltmp1, $4  }
0x20: {  	[hbm4b:s1+s2] =	stream.strided.scatter [tilespmem:s19], [sflag:$0x9], $0x8000, s3, s2, $0x38;
	[tilespmem:$0x18280] =	vst v63  }
0x21: {  	_ =	swait.ge [sflag:s30], $0x8000  }
0x22: {  	[sflag:s30] =	ssyncset.done $0x0  }
0x23: {  	[sflag:s30] =	ssyncadd.s32 $0xFFFF8000  }
.LBB2_1:
0x24: {  	s1 =	simm.s32 $0x0;
	s2 =	rddreg [dreg:$0x4]  }
0x25: {  	[tilespmem:s1], [sflag:$0xA] =	stream.linear.gather [hbm4b:s2+s1], $0x200, $0x38;
	[tilespmem:$0x18280] =	vst v63  }
0x26: {  	_ =	swait.ge [sflag:s7], $0x200  }
0x27: {  	[sflag:s7] =	ssyncset.done $0x0  }
0x28: {  	[sflag:s7] =	ssyncadd.s32 $0xFFFFFE00  }
0x29: {  	v8 =	vld [tilespmem:$0x0];
	_ =	sdelay $0x4  }
0x2a: {  	(v2sf) =	vpush v8, $0x0;
	_ =	sdelay $0x5  }
0x2b: {  	(v2sf) =	vpush v8, $0x1;
	_ =	sdelay $0x8  }
0x2c: {  	s4 =	spop (v2sf)  }
0x2d: {  	(v2sf) =	vpush v8, $0x2;
	s5 =	sand.u32 $0x7F, s4  }
0x2e: {  	s28 =	sshra.s32 s4, $0x1F;
	p1 =	slt.s32 s4, $0x1;
	p0 =	sne.s32 s5, $0x0  }
0x2f: {  	s2 =	sshrl.u32 s28, $0x19;
	p0 =	por !p1, !p0  }
0x30: {  	s1 =	sadd.s32 s2, s4;
	s2 =	simm.s32 $0x1;
	p0 =	por !p0, !p0  }
0x31: {  	s1 =	sshrl.u32 s1, $0x7;
	s2 =	simm.s32 @!p0 $0x0  }
0x32: {  	s29 =	spop (v2sf);
	s1 =	ssub.s32 s1, s2  }
0x33: {  	s3 =	sand.u32 $0x7F, s29;
	p6 =	slt.s32 s29, $0x1;
	s1 =	sshll.u32 s1, $0x7  }
0x34: {  	(v2sf) =	vpush v8, $0x3;
	p5 =	sne.s32 s3, $0x0;
	s4 =	sshra.s32 s29, $0x1F;
	s1 =	sand.u32 $0x1FFFFF80, s1  }
0x35: {  	p0 =	por !p6, !p5;
	s2 =	sshrl.u32 s4, $0x19;
	s1 =	sadd.s32 s0, s1  }
0x36: {  	[tilespmem:s11], [sflag:$0x1] =	stream.strided.gather [hbm4b:s1+s10], $0x2000, s9, s10, $0x38;
	[tilespmem:$0x18280] =	vst v63  }
0x37: {  	p0 =	por !p0, !p0;
	s1 =	sadd.s32 s2, s29;
	s2 =	simm.s32 $0x1  }
0x38: {  	s1 =	sshrl.u32 s1, $0x7;
	s2 =	simm.s32 @!p0 $0x0  }
0x39: {  	s1 =	ssub.s32 s1, s2  }
0x3a: {  	s1 =	sshll.u32 s1, $0x7  }
0x3b: {  	s1 =	sand.u32 $0x1FFFFF80, s1  }
0x3c: {  	s1 =	sadd.s32 s0, s1;
	s5 =	spop (v2sf)  }
0x3d: {  	[tilespmem:s12], [sflag:$0x2] =	stream.strided.gather [hbm4b:s1+s10], $0x2000, s9, s10, $0x38;
	[tilespmem:$0x18280] =	vst v63  }
0x3e: {  	(v2sf) =	vpush v8, $0x4;
	s28 =	sand.u32 $0x7F, s5  }
0x3f: {  	s29 =	sshra.s32 s5, $0x1F;
	p2 =	slt.s32 s5, $0x1;
	p1 =	sne.s32 s28, $0x0  }
0x40: {  	s2 =	sshrl.u32 s29, $0x19;
	p0 =	por !p2, !p1  }
0x41: {  	s1 =	sadd.s32 s2, s5;
	s2 =	simm.s32 $0x1;
	p0 =	por !p0, !p0  }
0x42: {  	s1 =	sshrl.u32 s1, $0x7;
	s2 =	simm.s32 @!p0 $0x0  }
0x43: {  	s3 =	spop (v2sf);
	s1 =	ssub.s32 s1, s2  }
0x44: {  	s4 =	sand.u32 $0x7F, s3;
	p4 =	slt.s32 s3, $0x1;
	s1 =	sshll.u32 s1, $0x7  }
0x45: {  	(v2sf) =	vpush v8, $0x5;
	p3 =	sne.s32 s4, $0x0;
	s5 =	sshra.s32 s3, $0x1F;
	s1 =	sand.u32 $0x1FFFFF80, s1  }
0x46: {  	p0 =	por !p4, !p3;
	s2 =	sshrl.u32 s5, $0x19;
	s1 =	sadd.s32 s0, s1  }
0x47: {  	[tilespmem:s13], [sflag:$0x3] =	stream.strided.gather [hbm4b:s1+s10], $0x2000, s9, s10, $0x38;
	[tilespmem:$0x18280] =	vst v63  }
0x48: {  	p0 =	por !p0, !p0;
	s1 =	sadd.s32 s2, s3;
	s2 =	simm.s32 $0x1  }
0x49: {  	s1 =	sshrl.u32 s1, $0x7;
	s2 =	simm.s32 @!p0 $0x0  }
0x4a: {  	s1 =	ssub.s32 s1, s2  }
0x4b: {  	s1 =	sshll.u32 s1, $0x7  }
0x4c: {  	s1 =	sand.u32 $0x1FFFFF80, s1  }
0x4d: {  	s1 =	sadd.s32 s0, s1;
	s28 =	spop (v2sf)  }
0x4e: {  	[tilespmem:s14], [sflag:$0x4] =	stream.strided.gather [hbm4b:s1+s10], $0x2000, s9, s10, $0x38;
	[tilespmem:$0x18280] =	vst v63  }
0x4f: {  	(v2sf) =	vpush v8, $0x6;
	s29 =	sand.u32 $0x7F, s28  }
0x50: {  	s3 =	sshra.s32 s28, $0x1F;
	p6 =	slt.s32 s28, $0x1;
	p5 =	sne.s32 s29, $0x0  }
0x51: {  	s2 =	sshrl.u32 s3, $0x19;
	p0 =	por !p6, !p5  }
0x52: {  	s1 =	sadd.s32 s2, s28;
	s2 =	simm.s32 $0x1;
	p0 =	por !p0, !p0  }
0x53: {  	s1 =	sshrl.u32 s1, $0x7;
	s2 =	simm.s32 @!p0 $0x0  }
0x54: {  	s4 =	spop (v2sf);
	s1 =	ssub.s32 s1, s2  }
0x55: {  	s5 =	sand.u32 $0x7F, s4;
	p2 =	slt.s32 s4, $0x1;
	s1 =	sshll.u32 s1, $0x7  }
0x56: {  	(v2sf) =	vpush v8, $0x7;
	p1 =	sne.s32 s5, $0x0;
	s28 =	sshra.s32 s4, $0x1F;
	s1 =	sand.u32 $0x1FFFFF80, s1  }
0x57: {  	p0 =	por !p2, !p1;
	s2 =	sshrl.u32 s28, $0x19;
	s1 =	sadd.s32 s0, s1  }
0x58: {  	[tilespmem:s15], [sflag:$0x5] =	stream.strided.gather [hbm4b:s1+s10], $0x2000, s9, s10, $0x38;
	[tilespmem:$0x18280] =	vst v63  }
0x59: {  	p0 =	por !p0, !p0;
	s1 =	sadd.s32 s2, s4;
	s2 =	simm.s32 $0x1  }
0x5a: {  	s1 =	sshrl.u32 s1, $0x7;
	s2 =	simm.s32 @!p0 $0x0  }
0x5b: {  	s1 =	ssub.s32 s1, s2  }
0x5c: {  	s1 =	sshll.u32 s1, $0x7  }
0x5d: {  	s1 =	sand.u32 $0x1FFFFF80, s1  }
0x5e: {  	s29 =	spop (v2sf);
	s1 =	sadd.s32 s0, s1  }
0x5f: {  	[tilespmem:s16], [sflag:$0x6] =	stream.strided.gather [hbm4b:s1+s10], $0x2000, s9, s10, $0x38;
	[tilespmem:$0x18280] =	vst v63  }
0x60: {  	s3 =	sand.u32 $0x7F, s29  }
0x61: {  	s4 =	sshra.s32 s29, $0x1F;
	p4 =	slt.s32 s29, $0x1;
	p3 =	sne.s32 s3, $0x0  }
0x62: {  	s1 =	sshrl.u32 s4, $0x19;
	p0 =	por !p4, !p3  }
0x63: {  	s2 =	simm.s32 $0x1;
	s1 =	sadd.s32 s1, s29;
	p0 =	por !p0, !p0  }
0x64: {  	s1 =	sshrl.u32 s1, $0x7;
	s2 =	simm.s32 @!p0 $0x0  }
0x65: {  	s5 =	spop (v2sf);
	s1 =	ssub.s32 s1, s2  }
0x66: {  	s28 =	sand.u32 $0x7F, s5;
	p6 =	slt.s32 s5, $0x1;
	s1 =	sshll.u32 s1, $0x7  }
0x67: {  	p5 =	sne.s32 s28, $0x0;
	s29 =	sshra.s32 s5, $0x1F;
	s1 =	sand.u32 $0x1FFFFF80, s1  }
0x68: {  	p0 =	por !p6, !p5;
	s2 =	sshrl.u32 s29, $0x19;
	s1 =	sadd.s32 s0, s1  }
0x69: {  	[tilespmem:s17], [sflag:$0x7] =	stream.strided.gather [hbm4b:s1+s10], $0x2000, s9, s10, $0x38;
	[tilespmem:$0x18280] =	vst v63  }
0x6a: {  	p0 =	por !p0, !p0;
	s1 =	sadd.s32 s2, s5;
	s2 =	simm.s32 $0x1  }
0x6b: {  	s1 =	sshrl.u32 s1, $0x7;
	s2 =	simm.s32 @!p0 $0x0  }
0x6c: {  	s1 =	ssub.s32 s1, s2  }
0x6d: {  	s1 =	sshll.u32 s1, $0x7  }
0x6e: {  	s1 =	sand.u32 $0x1FFFFF80, s1  }
0x6f: {  	s1 =	sadd.s32 s0, s1  }
0x70: {  	[tilespmem:s18], [sflag:$0x8] =	stream.strided.gather [hbm4b:s1+s10], $0x2000, s9, s10, $0x38;
	[tilespmem:$0x18280] =	vst v63  }
0x71: {  	s2 =	simm.s32 $0x8;
	s1 =	simm.s32 $0xF  }
.LBB2_2:
0x72: {  	v9 =	vld [tilespmem:s2+$0xFFFFFFF8];
	_ =	sdelay $0x3  }
0x73: {  	v8 =	vld [tilespmem:s2+$0x0];
	_ =	swait.ge [sflag:s8], $0x2000  }
0x74: {  	(v2sf) =	vpush v9, $0x0;
	_ =	sdelay $0xe  }
0x75: {  	s3 =	spop (v2sf)  }
0x76: {  	s28 =	sand.u32 $0x7F, s3  }
0x77: {  	s29 =	sshra.s32 s3, $0x1F;
	p0 =	slt.s32 s3, $0x1;
	p1 =	sne.s32 s28, $0x0  }
0x78: {  	s5 =	sshrl.u32 s29, $0x19;
	p0 =	por !p0, !p1  }
0x79: {  	s29 =	simm.s32 $0x1;
	s28 =	sadd.s32 s5, s3;
	p0 =	por !p0, !p0  }
0x7a: {  	s28 =	sshrl.u32 s28, $0x7;
	s29 =	simm.s32 @!p0 $0x0  }
0x7b: {  	s28 =	ssub.s32 s29, s28  }
0x7c: {  	s28 =	sshll.u32 s28, $0x7  }
0x7d: {  	s3 =	sadd.s32 s3, s28  }
0x7e: {  	s29 =	sadd.s32 $0xFFFFFFF1, s1;
	v10 =	vadd.s32 s3, v0  }
0x7f: {  	v11 =	vmov s29  }
0x80: {  	v12 =	vshll.u32 v11, $0x3  }
0x81: {  	[sflag:s8] =	ssyncset.done $0x0;
	v11 =	vand.u32 $0x70, v11;
	v12 =	vand.u32 $0xC00, v12  }
0x82: {  	[sflag:s8] =	ssyncadd.s32 $0xFFFFE000;
	(v2sf) =	vpush v8, $0x0;
	v11 =	vor.u32 v11, v12  }
0x83: {  	v12 =	vor.u32 v1, v11;
	v10 =	vld.idx.msk [tilespmem:v10+s11+$0x0], $0xffff  }
0x84: {  	v13 =	vadd.s32 s3, v2;
	_ =	sdelay $0x3  }
0x85: {  	[tilespmem:v12+s19+$0x0] =	vst.idx.msk $0xffff, v10  }
0x86: {  	v21 =	vor.u32 v3, v11;
	v10 =	vld.idx.msk [tilespmem:v13+s11+$0x0], $0xffff  }
0x87: {  	v22 =	vadd.s32 s3, v4;
	_ =	sdelay $0x3  }
0x88: {  	[tilespmem:v21+s19+$0x0] =	vst.idx.msk $0xffff, v10  }
0x89: {  	v23 =	vor.u32 v5, v11;
	v10 =	vld.idx.msk [tilespmem:v22+s11+$0x0], $0xffff  }
0x8a: {  	v24 =	vadd.s32 s3, v6  }
0x8b: {  	s3 =	spop (v2sf)  }
0x8c: {  	s4 =	sand.u32 $0x7F, s3  }
0x8d: {  	s5 =	sshra.s32 s3, $0x1F;
	p3 =	slt.s32 s3, $0x1;
	p4 =	sne.s32 s4, $0x0  }
0x8e: {  	s4 =	sshrl.u32 s5, $0x19;
	p0 =	por !p3, !p4;
	[tilespmem:v23+s19+$0x0] =	vst.idx.msk $0xffff, v10  }
0x8f: {  	s28 =	simm.s32 $0x1;
	v11 =	vor.u32 v7, v11;
	s3 =	sadd.s32 s4, s3;
	p0 =	por !p0, !p0;
	v10 =	vld.idx.msk [tilespmem:v24+s11+$0x0], $0xffff  }
0x90: {  	s3 =	sshrl.u32 s3, $0x7;
	s28 =	simm.s32 @!p0 $0x0  }
0x91: {  	s3 =	ssub.s32 s3, s28  }
0x92: {  	s3 =	sshll.u32 s3, $0x7  }
0x93: {  	s3 =	sand.u32 $0x1FFFFF80, s3  }
0x94: {  	s3 =	sadd.s32 s0, s3;
	[tilespmem:v11+s19+$0x0] =	vst.idx.msk $0xffff, v10  }
0x95: {  	[tilespmem:s11], [sflag:$0x1] =	stream.strided.gather [hbm4b:s3+s10], $0x2000, s9, s10, $0x38;
	[tilespmem:$0x18280] =	vst v63  }
0x96: {  	_ =	swait.ge [sflag:s20], $0x2000  }
0x97: {  	(v2sf) =	vpush v9, $0x1;
	_ =	sdelay $0xe  }
0x98: {  	s3 =	spop (v2sf)  }
0x99: {  	s5 =	sand.u32 $0x7F, s3  }
0x9a: {  	s4 =	sshra.s32 s3, $0x1F;
	p5 =	slt.s32 s3, $0x1;
	p6 =	sne.s32 s5, $0x0  }
0x9b: {  	s5 =	sshrl.u32 s4, $0x19;
	p0 =	por !p5, !p6  }
0x9c: {  	s29 =	simm.s32 $0x1;
	s28 =	sadd.s32 s5, s3;
	p0 =	por !p0, !p0  }
0x9d: {  	s28 =	sshrl.u32 s28, $0x7;
	s29 =	simm.s32 @!p0 $0x0  }
0x9e: {  	s28 =	ssub.s32 s29, s28  }
0x9f: {  	s28 =	sshll.u32 s28, $0x7  }
0xa0: {  	s3 =	sadd.s32 s3, s28  }
0xa1: {  	s29 =	sadd.s32 $0xFFFFFFF2, s1;
	v10 =	vadd.s32 s3, v0  }
0xa2: {  	v11 =	vmov s29  }
0xa3: {  	v25 =	vshll.u32 v11, $0x3  }
0xa4: {  	[sflag:s20] =	ssyncset.done $0x0;
	v11 =	vand.u32 $0x71, v11;
	v12 =	vand.u32 $0xC00, v25  }
0xa5: {  	[sflag:s20] =	ssyncadd.s32 $0xFFFFE000;
	(v2sf) =	vpush v8, $0x1;
	v11 =	vor.u32 v11, v12  }
0xa6: {  	v12 =	vor.u32 v1, v11;
	v10 =	vld.idx.msk [tilespmem:v10+s12+$0x0], $0xffff  }
0xa7: {  	v26 =	vadd.s32 s3, v2;
	_ =	sdelay $0x3  }
0xa8: {  	[tilespmem:v12+s19+$0x0] =	vst.idx.msk $0xffff, v10  }
0xa9: {  	v27 =	vor.u32 v3, v11;
	v10 =	vld.idx.msk [tilespmem:v26+s12+$0x0], $0xffff  }
0xaa: {  	v28 =	vadd.s32 s3, v4;
	_ =	sdelay $0x3  }
0xab: {  	[tilespmem:v27+s19+$0x0] =	vst.idx.msk $0xffff, v10  }
0xac: {  	v29 =	vor.u32 v5, v11;
	v10 =	vld.idx.msk [tilespmem:v28+s12+$0x0], $0xffff  }
0xad: {  	v30 =	vadd.s32 s3, v6  }
0xae: {  	s3 =	spop (v2sf)  }
0xaf: {  	s4 =	sand.u32 $0x7F, s3  }
0xb0: {  	s5 =	sshra.s32 s3, $0x1F;
	p1 =	slt.s32 s3, $0x1;
	p2 =	sne.s32 s4, $0x0  }
0xb1: {  	s4 =	sshrl.u32 s5, $0x19;
	p0 =	por !p1, !p2;
	[tilespmem:v29+s19+$0x0] =	vst.idx.msk $0xffff, v10  }
0xb2: {  	s28 =	simm.s32 $0x1;
	v11 =	vor.u32 v7, v11;
	s3 =	sadd.s32 s4, s3;
	p0 =	por !p0, !p0;
	v10 =	vld.idx.msk [tilespmem:v30+s12+$0x0], $0xffff  }
0xb3: {  	s3 =	sshrl.u32 s3, $0x7;
	s28 =	simm.s32 @!p0 $0x0  }
0xb4: {  	s3 =	ssub.s32 s3, s28  }
0xb5: {  	s3 =	sshll.u32 s3, $0x7  }
0xb6: {  	s3 =	sand.u32 $0x1FFFFF80, s3  }
0xb7: {  	s3 =	sadd.s32 s0, s3;
	[tilespmem:v11+s19+$0x0] =	vst.idx.msk $0xffff, v10  }
0xb8: {  	[tilespmem:s12], [sflag:$0x2] =	stream.strided.gather [hbm4b:s3+s10], $0x2000, s9, s10, $0x38;
	[tilespmem:$0x18280] =	vst v63  }
0xb9: {  	_ =	swait.ge [sflag:s21], $0x2000  }
0xba: {  	(v2sf) =	vpush v9, $0x2;
	_ =	sdelay $0xe  }
0xbb: {  	s3 =	spop (v2sf)  }
0xbc: {  	s5 =	sand.u32 $0x7F, s3  }
0xbd: {  	s4 =	sshra.s32 s3, $0x1F;
	p3 =	slt.s32 s3, $0x1;
	p4 =	sne.s32 s5, $0x0  }
0xbe: {  	s5 =	sshrl.u32 s4, $0x19;
	p0 =	por !p3, !p4  }
0xbf: {  	s29 =	simm.s32 $0x1;
	s28 =	sadd.s32 s5, s3;
	p0 =	por !p0, !p0  }
0xc0: {  	s28 =	sshrl.u32 s28, $0x7;
	s29 =	simm.s32 @!p0 $0x0  }
0xc1: {  	s28 =	ssub.s32 s29, s28  }
0xc2: {  	s28 =	sshll.u32 s28, $0x7  }
0xc3: {  	s3 =	sadd.s32 s3, s28  }
0xc4: {  	s29 =	sadd.s32 $0xFFFFFFF3, s1;
	v10 =	vadd.s32 s3, v0  }
0xc5: {  	v11 =	vmov s29  }
0xc6: {  	v31 =	vshll.u32 v11, $0x3  }
0xc7: {  	[sflag:s21] =	ssyncset.done $0x0;
	v11 =	vand.u32 $0x72, v11;
	v12 =	vand.u32 $0xC00, v31  }
0xc8: {  	[sflag:s21] =	ssyncadd.s32 $0xFFFFE000;
	(v2sf) =	vpush v8, $0x2;
	v11 =	vor.u32 v11, v12  }
0xc9: {  	v12 =	vor.u32 v1, v11;
	v10 =	vld.idx.msk [tilespmem:v10+s13+$0x0], $0xffff  }
0xca: {  	v32 =	vadd.s32 s3, v2;
	_ =	sdelay $0x3  }
0xcb: {  	[tilespmem:v12+s19+$0x0] =	vst.idx.msk $0xffff, v10  }
0xcc: {  	v33 =	vor.u32 v3, v11;
	v10 =	vld.idx.msk [tilespmem:v32+s13+$0x0], $0xffff  }
0xcd: {  	v34 =	vadd.s32 s3, v4;
	_ =	sdelay $0x3  }
0xce: {  	[tilespmem:v33+s19+$0x0] =	vst.idx.msk $0xffff, v10  }
0xcf: {  	v35 =	vor.u32 v5, v11;
	v10 =	vld.idx.msk [tilespmem:v34+s13+$0x0], $0xffff  }
0xd0: {  	v36 =	vadd.s32 s3, v6  }
0xd1: {  	s3 =	spop (v2sf)  }
0xd2: {  	s4 =	sand.u32 $0x7F, s3  }
0xd3: {  	s5 =	sshra.s32 s3, $0x1F;
	p5 =	slt.s32 s3, $0x1;
	p6 =	sne.s32 s4, $0x0  }
0xd4: {  	s4 =	sshrl.u32 s5, $0x19;
	p0 =	por !p5, !p6;
	[tilespmem:v35+s19+$0x0] =	vst.idx.msk $0xffff, v10  }
0xd5: {  	s28 =	simm.s32 $0x1;
	v11 =	vor.u32 v7, v11;
	s3 =	sadd.s32 s4, s3;
	p0 =	por !p0, !p0;
	v10 =	vld.idx.msk [tilespmem:v36+s13+$0x0], $0xffff  }
0xd6: {  	s3 =	sshrl.u32 s3, $0x7;
	s28 =	simm.s32 @!p0 $0x0  }
0xd7: {  	s3 =	ssub.s32 s3, s28  }
0xd8: {  	s3 =	sshll.u32 s3, $0x7  }
0xd9: {  	s3 =	sand.u32 $0x1FFFFF80, s3  }
0xda: {  	s3 =	sadd.s32 s0, s3;
	[tilespmem:v11+s19+$0x0] =	vst.idx.msk $0xffff, v10  }
0xdb: {  	[tilespmem:s13], [sflag:$0x3] =	stream.strided.gather [hbm4b:s3+s10], $0x2000, s9, s10, $0x38;
	[tilespmem:$0x18280] =	vst v63  }
0xdc: {  	_ =	swait.ge [sflag:s22], $0x2000  }
0xdd: {  	(v2sf) =	vpush v9, $0x3;
	_ =	sdelay $0xe  }
0xde: {  	s3 =	spop (v2sf)  }
0xdf: {  	s5 =	sand.u32 $0x7F, s3  }
0xe0: {  	s4 =	sshra.s32 s3, $0x1F;
	p1 =	slt.s32 s3, $0x1;
	p2 =	sne.s32 s5, $0x0  }
0xe1: {  	s5 =	sshrl.u32 s4, $0x19;
	p0 =	por !p1, !p2  }
0xe2: {  	s29 =	simm.s32 $0x1;
	s28 =	sadd.s32 s5, s3;
	p0 =	por !p0, !p0  }
0xe3: {  	s28 =	sshrl.u32 s28, $0x7;
	s29 =	simm.s32 @!p0 $0x0  }
0xe4: {  	s28 =	ssub.s32 s29, s28  }
0xe5: {  	s28 =	sshll.u32 s28, $0x7  }
0xe6: {  	s3 =	sadd.s32 s3, s28  }
0xe7: {  	s29 =	sadd.s32 $0xFFFFFFF4, s1;
	v10 =	vadd.s32 s3, v0  }
0xe8: {  	v11 =	vmov s29  }
0xe9: {  	v37 =	vshll.u32 v11, $0x3  }
0xea: {  	[sflag:s22] =	ssyncset.done $0x0;
	v11 =	vand.u32 $0x73, v11;
	v12 =	vand.u32 $0xC00, v37  }
0xeb: {  	[sflag:s22] =	ssyncadd.s32 $0xFFFFE000;
	(v2sf) =	vpush v8, $0x3;
	v11 =	vor.u32 v11, v12  }
0xec: {  	v12 =	vor.u32 v1, v11;
	v10 =	vld.idx.msk [tilespmem:v10+s14+$0x0], $0xffff  }
0xed: {  	v38 =	vadd.s32 s3, v2;
	_ =	sdelay $0x3  }
0xee: {  	[tilespmem:v12+s19+$0x0] =	vst.idx.msk $0xffff, v10  }
0xef: {  	v39 =	vor.u32 v3, v11;
	v10 =	vld.idx.msk [tilespmem:v38+s14+$0x0], $0xffff  }
0xf0: {  	v40 =	vadd.s32 s3, v4;
	_ =	sdelay $0x3  }
0xf1: {  	[tilespmem:v39+s19+$0x0] =	vst.idx.msk $0xffff, v10  }
0xf2: {  	v41 =	vor.u32 v5, v11;
	v10 =	vld.idx.msk [tilespmem:v40+s14+$0x0], $0xffff  }
0xf3: {  	v42 =	vadd.s32 s3, v6  }
0xf4: {  	s3 =	spop (v2sf)  }
0xf5: {  	s4 =	sand.u32 $0x7F, s3  }
0xf6: {  	s5 =	sshra.s32 s3, $0x1F;
	p3 =	slt.s32 s3, $0x1;
	p4 =	sne.s32 s4, $0x0  }
0xf7: {  	s4 =	sshrl.u32 s5, $0x19;
	p0 =	por !p3, !p4;
	[tilespmem:v41+s19+$0x0] =	vst.idx.msk $0xffff, v10  }
0xf8: {  	s28 =	simm.s32 $0x1;
	v11 =	vor.u32 v7, v11;
	s3 =	sadd.s32 s4, s3;
	p0 =	por !p0, !p0;
	v10 =	vld.idx.msk [tilespmem:v42+s14+$0x0], $0xffff  }
0xf9: {  	s3 =	sshrl.u32 s3, $0x7;
	s28 =	simm.s32 @!p0 $0x0  }
0xfa: {  	s3 =	ssub.s32 s3, s28  }
0xfb: {  	s3 =	sshll.u32 s3, $0x7  }
0xfc: {  	s3 =	sand.u32 $0x1FFFFF80, s3  }
0xfd: {  	s3 =	sadd.s32 s0, s3;
	[tilespmem:v11+s19+$0x0] =	vst.idx.msk $0xffff, v10  }
0xfe: {  	[tilespmem:s14], [sflag:$0x4] =	stream.strided.gather [hbm4b:s3+s10], $0x2000, s9, s10, $0x38;
	[tilespmem:$0x18280] =	vst v63  }
0xff: {  	_ =	swait.ge [sflag:s23], $0x2000  }
0x100: {  	(v2sf) =	vpush v9, $0x4;
	_ =	sdelay $0xe  }
0x101: {  	s3 =	spop (v2sf)  }
0x102: {  	s5 =	sand.u32 $0x7F, s3  }
0x103: {  	s4 =	sshra.s32 s3, $0x1F;
	p5 =	slt.s32 s3, $0x1;
	p6 =	sne.s32 s5, $0x0  }
0x104: {  	s5 =	sshrl.u32 s4, $0x19;
	p0 =	por !p5, !p6  }
0x105: {  	s29 =	simm.s32 $0x1;
	s28 =	sadd.s32 s5, s3;
	p0 =	por !p0, !p0  }
0x106: {  	s28 =	sshrl.u32 s28, $0x7;
	s29 =	simm.s32 @!p0 $0x0  }
0x107: {  	s28 =	ssub.s32 s29, s28  }
0x108: {  	s28 =	sshll.u32 s28, $0x7  }
0x109: {  	s3 =	sadd.s32 s3, s28  }
0x10a: {  	s29 =	sadd.s32 $0xFFFFFFF5, s1;
	v10 =	vadd.s32 s3, v0  }
0x10b: {  	v11 =	vmov s29  }
0x10c: {  	v43 =	vshll.u32 v11, $0x3  }
0x10d: {  	[sflag:s23] =	ssyncset.done $0x0;
	v11 =	vand.u32 $0x74, v11;
	v12 =	vand.u32 $0xC00, v43  }
0x10e: {  	[sflag:s23] =	ssyncadd.s32 $0xFFFFE000;
	(v2sf) =	vpush v8, $0x4;
	v11 =	vor.u32 v11, v12  }
0x10f: {  	v12 =	vor.u32 v1, v11;
	v10 =	vld.idx.msk [tilespmem:v10+s15+$0x0], $0xffff  }
0x110: {  	v44 =	vadd.s32 s3, v2;
	_ =	sdelay $0x3  }
0x111: {  	[tilespmem:v12+s19+$0x0] =	vst.idx.msk $0xffff, v10  }
0x112: {  	v45 =	vor.u32 v3, v11;
	v10 =	vld.idx.msk [tilespmem:v44+s15+$0x0], $0xffff  }
0x113: {  	v46 =	vadd.s32 s3, v4;
	_ =	sdelay $0x3  }
0x114: {  	[tilespmem:v45+s19+$0x0] =	vst.idx.msk $0xffff, v10  }
0x115: {  	v47 =	vor.u32 v5, v11;
	v10 =	vld.idx.msk [tilespmem:v46+s15+$0x0], $0xffff  }
0x116: {  	v48 =	vadd.s32 s3, v6  }
0x117: {  	s3 =	spop (v2sf)  }
0x118: {  	s4 =	sand.u32 $0x7F, s3  }
0x119: {  	s5 =	sshra.s32 s3, $0x1F;
	p1 =	slt.s32 s3, $0x1;
	p2 =	sne.s32 s4, $0x0  }
0x11a: {  	s4 =	sshrl.u32 s5, $0x19;
	p0 =	por !p1, !p2;
	[tilespmem:v47+s19+$0x0] =	vst.idx.msk $0xffff, v10  }
0x11b: {  	s28 =	simm.s32 $0x1;
	v11 =	vor.u32 v7, v11;
	s3 =	sadd.s32 s4, s3;
	p0 =	por !p0, !p0;
	v10 =	vld.idx.msk [tilespmem:v48+s15+$0x0], $0xffff  }
0x11c: {  	s3 =	sshrl.u32 s3, $0x7;
	s28 =	simm.s32 @!p0 $0x0  }
0x11d: {  	s3 =	ssub.s32 s3, s28  }
0x11e: {  	s3 =	sshll.u32 s3, $0x7  }
0x11f: {  	s3 =	sand.u32 $0x1FFFFF80, s3  }
0x120: {  	s3 =	sadd.s32 s0, s3;
	[tilespmem:v11+s19+$0x0] =	vst.idx.msk $0xffff, v10  }
0x121: {  	[tilespmem:s15], [sflag:$0x5] =	stream.strided.gather [hbm4b:s3+s10], $0x2000, s9, s10, $0x38;
	[tilespmem:$0x18280] =	vst v63  }
0x122: {  	_ =	swait.ge [sflag:s24], $0x2000  }
0x123: {  	(v2sf) =	vpush v9, $0x5;
	_ =	sdelay $0xe  }
0x124: {  	s3 =	spop (v2sf)  }
0x125: {  	s5 =	sand.u32 $0x7F, s3  }
0x126: {  	s4 =	sshra.s32 s3, $0x1F;
	p3 =	slt.s32 s3, $0x1;
	p4 =	sne.s32 s5, $0x0  }
0x127: {  	s5 =	sshrl.u32 s4, $0x19;
	p0 =	por !p3, !p4  }
0x128: {  	s29 =	simm.s32 $0x1;
	s28 =	sadd.s32 s5, s3;
	p0 =	por !p0, !p0  }
0x129: {  	s28 =	sshrl.u32 s28, $0x7;
	s29 =	simm.s32 @!p0 $0x0  }
0x12a: {  	s28 =	ssub.s32 s29, s28  }
0x12b: {  	s28 =	sshll.u32 s28, $0x7  }
0x12c: {  	s3 =	sadd.s32 s3, s28  }
0x12d: {  	s29 =	sadd.s32 $0xFFFFFFF6, s1;
	v10 =	vadd.s32 s3, v0  }
0x12e: {  	v11 =	vmov s29  }
0x12f: {  	v49 =	vshll.u32 v11, $0x3  }
0x130: {  	[sflag:s24] =	ssyncset.done $0x0;
	v11 =	vand.u32 $0x75, v11;
	v12 =	vand.u32 $0xC00, v49  }
0x131: {  	[sflag:s24] =	ssyncadd.s32 $0xFFFFE000;
	(v2sf) =	vpush v8, $0x5;
	v11 =	vor.u32 v11, v12  }
0x132: {  	v12 =	vor.u32 v1, v11;
	v10 =	vld.idx.msk [tilespmem:v10+s16+$0x0], $0xffff  }
0x133: {  	v50 =	vadd.s32 s3, v2;
	_ =	sdelay $0x3  }
0x134: {  	[tilespmem:v12+s19+$0x0] =	vst.idx.msk $0xffff, v10  }
0x135: {  	v51 =	vor.u32 v3, v11;
	v10 =	vld.idx.msk [tilespmem:v50+s16+$0x0], $0xffff  }
0x136: {  	v52 =	vadd.s32 s3, v4;
	_ =	sdelay $0x3  }
0x137: {  	[tilespmem:v51+s19+$0x0] =	vst.idx.msk $0xffff, v10  }
0x138: {  	v53 =	vor.u32 v5, v11;
	v10 =	vld.idx.msk [tilespmem:v52+s16+$0x0], $0xffff  }
0x139: {  	v54 =	vadd.s32 s3, v6  }
0x13a: {  	s3 =	spop (v2sf)  }
0x13b: {  	s4 =	sand.u32 $0x7F, s3  }
0x13c: {  	s5 =	sshra.s32 s3, $0x1F;
	p5 =	slt.s32 s3, $0x1;
	p6 =	sne.s32 s4, $0x0  }
0x13d: {  	s4 =	sshrl.u32 s5, $0x19;
	p0 =	por !p5, !p6;
	[tilespmem:v53+s19+$0x0] =	vst.idx.msk $0xffff, v10  }
0x13e: {  	s28 =	simm.s32 $0x1;
	v11 =	vor.u32 v7, v11;
	s3 =	sadd.s32 s4, s3;
	p0 =	por !p0, !p0;
	v10 =	vld.idx.msk [tilespmem:v54+s16+$0x0], $0xffff  }
0x13f: {  	s3 =	sshrl.u32 s3, $0x7;
	s28 =	simm.s32 @!p0 $0x0  }
0x140: {  	s3 =	ssub.s32 s3, s28  }
0x141: {  	s3 =	sshll.u32 s3, $0x7  }
0x142: {  	s3 =	sand.u32 $0x1FFFFF80, s3  }
0x143: {  	s3 =	sadd.s32 s0, s3;
	[tilespmem:v11+s19+$0x0] =	vst.idx.msk $0xffff, v10  }
0x144: {  	[tilespmem:s16], [sflag:$0x6] =	stream.strided.gather [hbm4b:s3+s10], $0x2000, s9, s10, $0x38;
	[tilespmem:$0x18280] =	vst v63  }
0x145: {  	_ =	swait.ge [sflag:s25], $0x2000  }
0x146: {  	(v2sf) =	vpush v9, $0x6;
	_ =	sdelay $0xe  }
0x147: {  	s3 =	spop (v2sf)  }
0x148: {  	s5 =	sand.u32 $0x7F, s3  }
0x149: {  	s4 =	sshra.s32 s3, $0x1F;
	p1 =	slt.s32 s3, $0x1;
	p2 =	sne.s32 s5, $0x0  }
0x14a: {  	s5 =	sshrl.u32 s4, $0x19;
	p0 =	por !p1, !p2  }
0x14b: {  	s29 =	simm.s32 $0x1;
	s28 =	sadd.s32 s5, s3;
	p0 =	por !p0, !p0  }
0x14c: {  	s28 =	sshrl.u32 s28, $0x7;
	s29 =	simm.s32 @!p0 $0x0  }
0x14d: {  	s28 =	ssub.s32 s29, s28  }
0x14e: {  	s28 =	sshll.u32 s28, $0x7  }
0x14f: {  	s3 =	sadd.s32 s3, s28  }
0x150: {  	s29 =	sadd.s32 $0xFFFFFFF7, s1;
	v10 =	vadd.s32 s3, v0  }
0x151: {  	v11 =	vmov s29  }
0x152: {  	v55 =	vshll.u32 v11, $0x3  }
0x153: {  	[sflag:s25] =	ssyncset.done $0x0;
	v11 =	vand.u32 $0x76, v11;
	v12 =	vand.u32 $0xC00, v55  }
0x154: {  	[sflag:s25] =	ssyncadd.s32 $0xFFFFE000;
	(v2sf) =	vpush v8, $0x6;
	v11 =	vor.u32 v11, v12  }
0x155: {  	v12 =	vor.u32 v1, v11;
	v10 =	vld.idx.msk [tilespmem:v10+s17+$0x0], $0xffff  }
0x156: {  	v56 =	vadd.s32 s3, v2;
	_ =	sdelay $0x3  }
0x157: {  	[tilespmem:v12+s19+$0x0] =	vst.idx.msk $0xffff, v10  }
0x158: {  	v57 =	vor.u32 v3, v11;
	v10 =	vld.idx.msk [tilespmem:v56+s17+$0x0], $0xffff  }
0x159: {  	v58 =	vadd.s32 s3, v4;
	_ =	sdelay $0x3  }
0x15a: {  	[tilespmem:v57+s19+$0x0] =	vst.idx.msk $0xffff, v10  }
0x15b: {  	v59 =	vor.u32 v5, v11;
	v10 =	vld.idx.msk [tilespmem:v58+s17+$0x0], $0xffff  }
0x15c: {  	v60 =	vadd.s32 s3, v6  }
0x15d: {  	s3 =	spop (v2sf)  }
0x15e: {  	s4 =	sand.u32 $0x7F, s3  }
0x15f: {  	s5 =	sshra.s32 s3, $0x1F;
	p3 =	slt.s32 s3, $0x1;
	p4 =	sne.s32 s4, $0x0  }
0x160: {  	s4 =	sshrl.u32 s5, $0x19;
	p0 =	por !p3, !p4;
	[tilespmem:v59+s19+$0x0] =	vst.idx.msk $0xffff, v10  }
0x161: {  	s28 =	simm.s32 $0x1;
	v11 =	vor.u32 v7, v11;
	s3 =	sadd.s32 s4, s3;
	p0 =	por !p0, !p0;
	v10 =	vld.idx.msk [tilespmem:v60+s17+$0x0], $0xffff  }
0x162: {  	s3 =	sshrl.u32 s3, $0x7;
	s28 =	simm.s32 @!p0 $0x0  }
0x163: {  	s3 =	ssub.s32 s3, s28  }
0x164: {  	s3 =	sshll.u32 s3, $0x7  }
0x165: {  	s3 =	sand.u32 $0x1FFFFF80, s3  }
0x166: {  	s3 =	sadd.s32 s0, s3;
	[tilespmem:v11+s19+$0x0] =	vst.idx.msk $0xffff, v10  }
0x167: {  	[tilespmem:s17], [sflag:$0x7] =	stream.strided.gather [hbm4b:s3+s10], $0x2000, s9, s10, $0x38;
	[tilespmem:$0x18280] =	vst v63  }
0x168: {  	_ =	swait.ge [sflag:s26], $0x2000  }
0x169: {  	(v2sf) =	vpush v9, $0x7;
	_ =	sdelay $0xe  }
0x16a: {  	s3 =	spop (v2sf)  }
0x16b: {  	s5 =	sand.u32 $0x7F, s3  }
0x16c: {  	s4 =	sshra.s32 s3, $0x1F;
	p5 =	slt.s32 s3, $0x1;
	p6 =	sne.s32 s5, $0x0  }
0x16d: {  	s5 =	sshrl.u32 s4, $0x19;
	p0 =	por !p5, !p6  }
0x16e: {  	s29 =	simm.s32 $0x1;
	s28 =	sadd.s32 s5, s3;
	p0 =	por !p0, !p0  }
0x16f: {  	s28 =	sshrl.u32 s28, $0x7;
	s29 =	simm.s32 @!p0 $0x0  }
0x170: {  	s28 =	ssub.s32 s29, s28  }
0x171: {  	s28 =	sshll.u32 s28, $0x7  }
0x172: {  	s3 =	sadd.s32 s3, s28  }
0x173: {  	s29 =	sadd.s32 $0xFFFFFFF8, s1;
	v10 =	vadd.s32 s3, v0  }
0x174: {  	v11 =	vmov s29  }
0x175: {  	v61 =	vshll.u32 v11, $0x3  }
0x176: {  	[sflag:s26] =	ssyncset.done $0x0;
	v11 =	vand.u32 $0x77, v11;
	v12 =	vand.u32 $0xC00, v61  }
0x177: {  	[sflag:s26] =	ssyncadd.s32 $0xFFFFE000;
	(v2sf) =	vpush v8, $0x7;
	v11 =	vor.u32 v11, v12  }
0x178: {  	v12 =	vor.u32 v1, v11;
	v10 =	vld.idx.msk [tilespmem:v10+s18+$0x0], $0xffff  }
0x179: {  	v62 =	vadd.s32 s3, v2;
	_ =	sdelay $0x3  }
0x17a: {  	[tilespmem:v12+s19+$0x0] =	vst.idx.msk $0xffff, v10  }
0x17b: {  	v63 =	vor.u32 v3, v11;
	v10 =	vld.idx.msk [tilespmem:v62+s18+$0x0], $0xffff  }
0x17c: {  	v16 =	vadd.s32 s3, v4;
	_ =	sdelay $0x3  }
0x17d: {  	[tilespmem:v63+s19+$0x0] =	vst.idx.msk $0xffff, v10  }
0x17e: {  	v17 =	vor.u32 v5, v11;
	v10 =	vld.idx.msk [tilespmem:v16+s18+$0x0], $0xffff  }
0x17f: {  	v18 =	vadd.s32 s3, v6  }
0x180: {  	s3 =	spop (v2sf)  }
0x181: {  	s4 =	sand.u32 $0x7F, s3  }
0x182: {  	s5 =	sshra.s32 s3, $0x1F;
	p1 =	slt.s32 s3, $0x1;
	p2 =	sne.s32 s4, $0x0  }
0x183: {  	s29 =	sshrl.u32 s5, $0x19;
	p0 =	por !p1, !p2;
	[tilespmem:v17+s19+$0x0] =	vst.idx.msk $0xffff, v10  }
0x184: {  	s28 =	simm.s32 $0x1;
	v11 =	vor.u32 v7, v11;
	s3 =	sadd.s32 s29, s3;
	p0 =	por !p0, !p0;
	v10 =	vld.idx.msk [tilespmem:v18+s18+$0x0], $0xffff  }
0x185: {  	s3 =	sshrl.u32 s3, $0x7;
	s28 =	simm.s32 @!p0 $0x0  }
0x186: {  	s3 =	ssub.s32 s3, s28  }
0x187: {  	s3 =	sshll.u32 s3, $0x7  }
0x188: {  	s3 =	sand.u32 $0x1FFFFF80, s3  }
0x189: {  	s3 =	sadd.s32 s0, s3;
	[tilespmem:v11+s19+$0x0] =	vst.idx.msk $0xffff, v10  }
0x18a: {  	[tilespmem:s18], [sflag:$0x8] =	stream.strided.gather [hbm4b:s3+s10], $0x2000, s9, s10, $0x38;
	[tilespmem:$0x18280] =	vst v63  }
0x18b: {  	_ =	swait.ge [sflag:s8], $0x2000  }
0x18c: {  	(v2sf) =	vpush v9, $0x8;
	_ =	sdelay $0xe  }
0x18d: {  	s3 =	spop (v2sf)  }
0x18e: {  	s4 =	sand.u32 $0x7F, s3  }
0x18f: {  	s5 =	sshra.s32 s3, $0x1F;
	p3 =	slt.s32 s3, $0x1;
	p4 =	sne.s32 s4, $0x0  }
0x190: {  	s4 =	sshrl.u32 s5, $0x19;
	p0 =	por !p3, !p4  }
0x191: {  	s29 =	simm.s32 $0x1;
	s28 =	sadd.s32 s4, s3;
	p0 =	por !p0, !p0  }
0x192: {  	s28 =	sshrl.u32 s28, $0x7;
	s29 =	simm.s32 @!p0 $0x0  }
0x193: {  	s28 =	ssub.s32 s29, s28  }
0x194: {  	s28 =	sshll.u32 s28, $0x7  }
0x195: {  	s3 =	sadd.s32 s3, s28  }
0x196: {  	s5 =	sadd.s32 $0xFFFFFFF9, s1;
	v10 =	vadd.s32 s3, v0  }
0x197: {  	v11 =	vmov s5  }
0x198: {  	v19 =	vshll.u32 v11, $0x3;
	p0 =	seq.s32 s1, $0x1FF  }
0x199: {  	[sflag:s8] =	ssyncset.done $0x0;
	v11 =	vand.u32 $0x78, v11;
	v12 =	vand.u32 $0xC00, v19;
	(v2sf) =	vpush @!p0 v8, $0x8  }
0x19a: {  	[sflag:s8] =	ssyncadd.s32 $0xFFFFE000;
	v11 =	vor.u32 v11, v12  }
0x19b: {  	v12 =	vor.u32 v1, v11;
	v10 =	vld.idx.msk [tilespmem:v10+s11+$0x0], $0xffff  }
0x19c: {  	v20 =	vadd.s32 s3, v2;
	_ =	sdelay $0x3  }
0x19d: {  	[tilespmem:v12+s19+$0x0] =	vst.idx.msk $0xffff, v10  }
0x19e: {  	v21 =	vor.u32 v3, v11;
	v10 =	vld.idx.msk [tilespmem:v20+s11+$0x0], $0xffff  }
0x19f: {  	v22 =	vadd.s32 s3, v4;
	_ =	sdelay $0x3  }
0x1a0: {  	[tilespmem:v21+s19+$0x0] =	vst.idx.msk $0xffff, v10  }
0x1a1: {  	v23 =	vor.u32 v5, v11;
	v10 =	vld.idx.msk [tilespmem:v22+s11+$0x0], $0xffff  }
0x1a2: {  	v24 =	vadd.s32 s3, v6;
	s28 =	spop @!p0 (v2sf)  }
0x1a3: {  	s3 =	sand.u32 @!p0 $0x7F, s28  }
0x1a4: {  	p1 =	slt.s32 @!p0 s28, $0x1;
	p2 =	sne.s32 @!p0 s3, $0x0  }
0x1a5: {  	s3 =	sshra.s32 @!p0 s28, $0x1F;
	p1 =	por @!p0 !p1, !p2  }
0x1a6: {  	s3 =	sshrl.u32 @!p0 s3, $0x19;
	p1 =	por @!p0 !p1, !p1;
	[tilespmem:v23+s19+$0x0] =	vst.idx.msk $0xffff, v10  }
0x1a7: {  	v11 =	vor.u32 v7, v11;
	s3 =	sadd.s32 @!p0 s3, s28;
	s28 =	simm.s32 @!p0 $0x1;
	p1 =	por !p1, p0;
	v10 =	vld.idx.msk [tilespmem:v24+s11+$0x0], $0xffff  }
0x1a8: {  	s3 =	sshrl.u32 @!p0 s3, $0x7;
	s28 =	simm.s32 @p1 $0x0  }
0x1a9: {  	s3 =	ssub.s32 @!p0 s3, s28  }
0x1aa: {  	s3 =	sshll.u32 @!p0 s3, $0x7  }
0x1ab: {  	s4 =	simm.s32 @!p0 $0x280;
	s3 =	sand.u32 @!p0 $0x1FFFFF80, s3  }
0x1ac: {  	s28 =	simm.s32 @!p0 $0x7A1400;
	s29 =	sadd.s32 @!p0 s0, s3;
	s3 =	simm.s32 @!p0 $0x400;
	[tilespmem:v11+s19+$0x0] =	vst.idx.msk $0xffff, v10  }
0x1ad: {  	[tilespmem:s4], [sflag:$0x1] =	stream.strided.gather @!p0 [hbm4b:s29+s3], $0x2000, s28, s3, $0x38;
	[tilespmem:$0x18280] =	vst v63  }
0x1ae: {  	_ =	swait.ge [sflag:s20], $0x2000  }
0x1af: {  	(v2sf) =	vpush v9, $0x9;
	_ =	sdelay $0xe  }
0x1b0: {  	s4 =	spop (v2sf)  }
0x1b1: {  	s29 =	sand.u32 $0x7F, s4  }
0x1b2: {  	s5 =	sshra.s32 s4, $0x1F;
	p5 =	slt.s32 s4, $0x1;
	p6 =	sne.s32 s29, $0x0  }
0x1b3: {  	s5 =	sshrl.u32 s5, $0x19;
	p1 =	por !p5, !p6  }
0x1b4: {  	s29 =	simm.s32 $0x1;
	s5 =	sadd.s32 s5, s4;
	p1 =	por !p1, !p1  }
0x1b5: {  	s5 =	sshrl.u32 s5, $0x7;
	s29 =	simm.s32 @!p1 $0x0  }
0x1b6: {  	s5 =	ssub.s32 s29, s5  }
0x1b7: {  	s5 =	sshll.u32 s5, $0x7  }
0x1b8: {  	s4 =	sadd.s32 s4, s5  }
0x1b9: {  	s29 =	sadd.s32 $0xFFFFFFFA, s1;
	v10 =	vadd.s32 s4, v0  }
0x1ba: {  	v11 =	vmov s29  }
0x1bb: {  	v25 =	vshll.u32 v11, $0x3  }
0x1bc: {  	[sflag:s20] =	ssyncset.done $0x0;
	(v2sf) =	vpush @!p0 v8, $0x9;
	v11 =	vand.u32 $0x79, v11;
	v12 =	vand.u32 $0xC00, v25  }
0x1bd: {  	[sflag:s20] =	ssyncadd.s32 $0xFFFFE000;
	v11 =	vor.u32 v11, v12  }
0x1be: {  	v12 =	vor.u32 v1, v11;
	v10 =	vld.idx.msk [tilespmem:v10+s12+$0x0], $0xffff  }
0x1bf: {  	v26 =	vadd.s32 s4, v2;
	_ =	sdelay $0x3  }
0x1c0: {  	[tilespmem:v12+s19+$0x0] =	vst.idx.msk $0xffff, v10  }
0x1c1: {  	v27 =	vor.u32 v3, v11;
	v10 =	vld.idx.msk [tilespmem:v26+s12+$0x0], $0xffff  }
0x1c2: {  	v28 =	vadd.s32 s4, v4;
	_ =	sdelay $0x3  }
0x1c3: {  	[tilespmem:v27+s19+$0x0] =	vst.idx.msk $0xffff, v10  }
0x1c4: {  	v29 =	vor.u32 v5, v11;
	v10 =	vld.idx.msk [tilespmem:v28+s12+$0x0], $0xffff  }
0x1c5: {  	v30 =	vadd.s32 s4, v6;
	s4 =	spop @!p0 (v2sf)  }
0x1c6: {  	s5 =	sand.u32 @!p0 $0x7F, s4  }
0x1c7: {  	p1 =	slt.s32 @!p0 s4, $0x1;
	p2 =	sne.s32 @!p0 s5, $0x0  }
0x1c8: {  	s5 =	sshra.s32 @!p0 s4, $0x1F;
	p1 =	por @!p0 !p1, !p2  }
0x1c9: {  	s5 =	sshrl.u32 @!p0 s5, $0x19;
	p1 =	por @!p0 !p1, !p1;
	[tilespmem:v29+s19+$0x0] =	vst.idx.msk $0xffff, v10  }
0x1ca: {  	v11 =	vor.u32 v7, v11;
	s4 =	sadd.s32 @!p0 s5, s4;
	s5 =	simm.s32 @!p0 $0x1;
	p1 =	por !p1, p0;
	v10 =	vld.idx.msk [tilespmem:v30+s12+$0x0], $0xffff  }
0x1cb: {  	s4 =	sshrl.u32 @!p0 s4, $0x7;
	s5 =	simm.s32 @p1 $0x0  }
0x1cc: {  	s4 =	ssub.s32 @!p0 s4, s5  }
0x1cd: {  	s4 =	sshll.u32 @!p0 s4, $0x7  }
0x1ce: {  	s4 =	sand.u32 @!p0 $0x1FFFFF80, s4  }
0x1cf: {  	s5 =	simm.s32 @!p0 $0x2280;
	s4 =	sadd.s32 @!p0 s0, s4;
	[tilespmem:v11+s19+$0x0] =	vst.idx.msk $0xffff, v10  }
0x1d0: {  	[tilespmem:s5], [sflag:$0x2] =	stream.strided.gather @!p0 [hbm4b:s4+s3], $0x2000, s28, s3, $0x38;
	[tilespmem:$0x18280] =	vst v63  }
0x1d1: {  	_ =	swait.ge [sflag:s21], $0x2000  }
0x1d2: {  	(v2sf) =	vpush v9, $0xA;
	_ =	sdelay $0xe  }
0x1d3: {  	s4 =	spop (v2sf)  }
0x1d4: {  	s5 =	sand.u32 $0x7F, s4  }
0x1d5: {  	s29 =	sshra.s32 s4, $0x1F;
	p3 =	slt.s32 s4, $0x1;
	p4 =	sne.s32 s5, $0x0  }
0x1d6: {  	s29 =	sshrl.u32 s29, $0x19;
	p1 =	por !p3, !p4  }
0x1d7: {  	s5 =	sadd.s32 s29, s4;
	s29 =	simm.s32 $0x1;
	p1 =	por !p1, !p1  }
0x1d8: {  	s5 =	sshrl.u32 s5, $0x7;
	s29 =	simm.s32 @!p1 $0x0  }
0x1d9: {  	s5 =	ssub.s32 s29, s5  }
0x1da: {  	s5 =	sshll.u32 s5, $0x7  }
0x1db: {  	s4 =	sadd.s32 s4, s5  }
0x1dc: {  	s29 =	sadd.s32 $0xFFFFFFFB, s1;
	v10 =	vadd.s32 s4, v0  }
0x1dd: {  	v11 =	vmov s29  }
0x1de: {  	v31 =	vshll.u32 v11, $0x3  }
0x1df: {  	[sflag:s21] =	ssyncset.done $0x0;
	(v2sf) =	vpush @!p0 v8, $0xA;
	v11 =	vand.u32 $0x7A, v11;
	v12 =	vand.u32 $0xC00, v31  }
0x1e0: {  	[sflag:s21] =	ssyncadd.s32 $0xFFFFE000;
	v11 =	vor.u32 v11, v12  }
0x1e1: {  	v12 =	vor.u32 v1, v11;
	v10 =	vld.idx.msk [tilespmem:v10+s13+$0x0], $0xffff  }
0x1e2: {  	v32 =	vadd.s32 s4, v2;
	_ =	sdelay $0x3  }
0x1e3: {  	[tilespmem:v12+s19+$0x0] =	vst.idx.msk $0xffff, v10  }
0x1e4: {  	v33 =	vor.u32 v3, v11;
	v10 =	vld.idx.msk [tilespmem:v32+s13+$0x0], $0xffff  }
0x1e5: {  	v34 =	vadd.s32 s4, v4;
	_ =	sdelay $0x3  }
0x1e6: {  	[tilespmem:v33+s19+$0x0] =	vst.idx.msk $0xffff, v10  }
0x1e7: {  	v35 =	vor.u32 v5, v11;
	v10 =	vld.idx.msk [tilespmem:v34+s13+$0x0], $0xffff  }
0x1e8: {  	v36 =	vadd.s32 s4, v6;
	s4 =	spop @!p0 (v2sf)  }
0x1e9: {  	s5 =	sand.u32 @!p0 $0x7F, s4  }
0x1ea: {  	p1 =	slt.s32 @!p0 s4, $0x1;
	p2 =	sne.s32 @!p0 s5, $0x0  }
0x1eb: {  	s5 =	sshra.s32 @!p0 s4, $0x1F;
	p1 =	por @!p0 !p1, !p2  }
0x1ec: {  	s5 =	sshrl.u32 @!p0 s5, $0x19;
	p1 =	por @!p0 !p1, !p1;
	[tilespmem:v35+s19+$0x0] =	vst.idx.msk $0xffff, v10  }
0x1ed: {  	v11 =	vor.u32 v7, v11;
	s4 =	sadd.s32 @!p0 s5, s4;
	s5 =	simm.s32 @!p0 $0x1;
	p1 =	por !p1, p0;
	v10 =	vld.idx.msk [tilespmem:v36+s13+$0x0], $0xffff  }
0x1ee: {  	s4 =	sshrl.u32 @!p0 s4, $0x7;
	s5 =	simm.s32 @p1 $0x0  }
0x1ef: {  	s4 =	ssub.s32 @!p0 s4, s5  }
0x1f0: {  	s4 =	sshll.u32 @!p0 s4, $0x7  }
0x1f1: {  	s4 =	sand.u32 @!p0 $0x1FFFFF80, s4  }
0x1f2: {  	s5 =	simm.s32 @!p0 $0x4280;
	s4 =	sadd.s32 @!p0 s0, s4;
	[tilespmem:v11+s19+$0x0] =	vst.idx.msk $0xffff, v10  }
0x1f3: {  	[tilespmem:s5], [sflag:$0x3] =	stream.strided.gather @!p0 [hbm4b:s4+s3], $0x2000, s28, s3, $0x38;
	[tilespmem:$0x18280] =	vst v63  }
0x1f4: {  	_ =	swait.ge [sflag:s22], $0x2000  }
0x1f5: {  	(v2sf) =	vpush v9, $0xB;
	_ =	sdelay $0xe  }
0x1f6: {  	s4 =	spop (v2sf)  }
0x1f7: {  	s5 =	sand.u32 $0x7F, s4  }
0x1f8: {  	s29 =	sshra.s32 s4, $0x1F;
	p5 =	slt.s32 s4, $0x1;
	p6 =	sne.s32 s5, $0x0  }
0x1f9: {  	s29 =	sshrl.u32 s29, $0x19;
	p1 =	por !p5, !p6  }
0x1fa: {  	s5 =	sadd.s32 s29, s4;
	s29 =	simm.s32 $0x1;
	p1 =	por !p1, !p1  }
0x1fb: {  	s5 =	sshrl.u32 s5, $0x7;
	s29 =	simm.s32 @!p1 $0x0  }
0x1fc: {  	s5 =	ssub.s32 s29, s5  }
0x1fd: {  	s5 =	sshll.u32 s5, $0x7  }
0x1fe: {  	s4 =	sadd.s32 s4, s5  }
0x1ff: {  	s29 =	sadd.s32 $0xFFFFFFFC, s1;
	v10 =	vadd.s32 s4, v0  }
0x200: {  	v11 =	vmov s29  }
0x201: {  	v37 =	vshll.u32 v11, $0x3  }
0x202: {  	[sflag:s22] =	ssyncset.done $0x0;
	(v2sf) =	vpush @!p0 v8, $0xB;
	v11 =	vand.u32 $0x7B, v11;
	v12 =	vand.u32 $0xC00, v37  }
0x203: {  	[sflag:s22] =	ssyncadd.s32 $0xFFFFE000;
	v11 =	vor.u32 v11, v12  }
0x204: {  	v12 =	vor.u32 v1, v11;
	v10 =	vld.idx.msk [tilespmem:v10+s14+$0x0], $0xffff  }
0x205: {  	v38 =	vadd.s32 s4, v2;
	_ =	sdelay $0x3  }
0x206: {  	[tilespmem:v12+s19+$0x0] =	vst.idx.msk $0xffff, v10  }
0x207: {  	v39 =	vor.u32 v3, v11;
	v10 =	vld.idx.msk [tilespmem:v38+s14+$0x0], $0xffff  }
0x208: {  	v40 =	vadd.s32 s4, v4;
	_ =	sdelay $0x3  }
0x209: {  	[tilespmem:v39+s19+$0x0] =	vst.idx.msk $0xffff, v10  }
0x20a: {  	v41 =	vor.u32 v5, v11;
	v10 =	vld.idx.msk [tilespmem:v40+s14+$0x0], $0xffff  }
0x20b: {  	v42 =	vadd.s32 s4, v6;
	s4 =	spop @!p0 (v2sf)  }
0x20c: {  	s5 =	sand.u32 @!p0 $0x7F, s4  }
0x20d: {  	p1 =	slt.s32 @!p0 s4, $0x1;
	p2 =	sne.s32 @!p0 s5, $0x0  }
0x20e: {  	s5 =	sshra.s32 @!p0 s4, $0x1F;
	p1 =	por @!p0 !p1, !p2  }
0x20f: {  	s5 =	sshrl.u32 @!p0 s5, $0x19;
	p1 =	por @!p0 !p1, !p1;
	[tilespmem:v41+s19+$0x0] =	vst.idx.msk $0xffff, v10  }
0x210: {  	v11 =	vor.u32 v7, v11;
	s4 =	sadd.s32 @!p0 s5, s4;
	s5 =	simm.s32 @!p0 $0x1;
	p1 =	por !p1, p0;
	v10 =	vld.idx.msk [tilespmem:v42+s14+$0x0], $0xffff  }
0x211: {  	s4 =	sshrl.u32 @!p0 s4, $0x7;
	s5 =	simm.s32 @p1 $0x0  }
0x212: {  	s4 =	ssub.s32 @!p0 s4, s5  }
0x213: {  	s4 =	sshll.u32 @!p0 s4, $0x7  }
0x214: {  	s4 =	sand.u32 @!p0 $0x1FFFFF80, s4  }
0x215: {  	s5 =	simm.s32 @!p0 $0x6280;
	s4 =	sadd.s32 @!p0 s0, s4;
	[tilespmem:v11+s19+$0x0] =	vst.idx.msk $0xffff, v10  }
0x216: {  	[tilespmem:s5], [sflag:$0x4] =	stream.strided.gather @!p0 [hbm4b:s4+s3], $0x2000, s28, s3, $0x38;
	[tilespmem:$0x18280] =	vst v63  }
0x217: {  	_ =	swait.ge [sflag:s23], $0x2000  }
0x218: {  	(v2sf) =	vpush v9, $0xC;
	_ =	sdelay $0xe  }
0x219: {  	s4 =	spop (v2sf)  }
0x21a: {  	s5 =	sand.u32 $0x7F, s4  }
0x21b: {  	s29 =	sshra.s32 s4, $0x1F;
	p3 =	slt.s32 s4, $0x1;
	p4 =	sne.s32 s5, $0x0  }
0x21c: {  	s29 =	sshrl.u32 s29, $0x19;
	p1 =	por !p3, !p4  }
0x21d: {  	s5 =	sadd.s32 s29, s4;
	s29 =	simm.s32 $0x1;
	p1 =	por !p1, !p1  }
0x21e: {  	s5 =	sshrl.u32 s5, $0x7;
	s29 =	simm.s32 @!p1 $0x0  }
0x21f: {  	s5 =	ssub.s32 s29, s5  }
0x220: {  	s5 =	sshll.u32 s5, $0x7  }
0x221: {  	s4 =	sadd.s32 s4, s5  }
0x222: {  	s29 =	sadd.s32 $0xFFFFFFFD, s1;
	v10 =	vadd.s32 s4, v0  }
0x223: {  	v11 =	vmov s29  }
0x224: {  	v43 =	vshll.u32 v11, $0x3  }
0x225: {  	[sflag:s23] =	ssyncset.done $0x0;
	(v2sf) =	vpush @!p0 v8, $0xC;
	v11 =	vand.u32 $0x7C, v11;
	v12 =	vand.u32 $0xC00, v43  }
0x226: {  	[sflag:s23] =	ssyncadd.s32 $0xFFFFE000;
	v11 =	vor.u32 v11, v12  }
0x227: {  	v12 =	vor.u32 v1, v11;
	v10 =	vld.idx.msk [tilespmem:v10+s15+$0x0], $0xffff  }
0x228: {  	v44 =	vadd.s32 s4, v2;
	_ =	sdelay $0x3  }
0x229: {  	[tilespmem:v12+s19+$0x0] =	vst.idx.msk $0xffff, v10  }
0x22a: {  	v45 =	vor.u32 v3, v11;
	v10 =	vld.idx.msk [tilespmem:v44+s15+$0x0], $0xffff  }
0x22b: {  	v46 =	vadd.s32 s4, v4;
	_ =	sdelay $0x3  }
0x22c: {  	[tilespmem:v45+s19+$0x0] =	vst.idx.msk $0xffff, v10  }
0x22d: {  	v47 =	vor.u32 v5, v11;
	v10 =	vld.idx.msk [tilespmem:v46+s15+$0x0], $0xffff  }
0x22e: {  	v48 =	vadd.s32 s4, v6;
	s4 =	spop @!p0 (v2sf)  }
0x22f: {  	s5 =	sand.u32 @!p0 $0x7F, s4  }
0x230: {  	p1 =	slt.s32 @!p0 s4, $0x1;
	p2 =	sne.s32 @!p0 s5, $0x0  }
0x231: {  	s5 =	sshra.s32 @!p0 s4, $0x1F;
	p1 =	por @!p0 !p1, !p2  }
0x232: {  	s5 =	sshrl.u32 @!p0 s5, $0x19;
	p1 =	por @!p0 !p1, !p1;
	[tilespmem:v47+s19+$0x0] =	vst.idx.msk $0xffff, v10  }
0x233: {  	v11 =	vor.u32 v7, v11;
	s4 =	sadd.s32 @!p0 s5, s4;
	s5 =	simm.s32 @!p0 $0x1;
	p1 =	por !p1, p0;
	v10 =	vld.idx.msk [tilespmem:v48+s15+$0x0], $0xffff  }
0x234: {  	s4 =	sshrl.u32 @!p0 s4, $0x7;
	s5 =	simm.s32 @p1 $0x0  }
0x235: {  	s4 =	ssub.s32 @!p0 s4, s5  }
0x236: {  	s4 =	sshll.u32 @!p0 s4, $0x7  }
0x237: {  	s4 =	sand.u32 @!p0 $0x1FFFFF80, s4  }
0x238: {  	s5 =	simm.s32 @!p0 $0x8280;
	s4 =	sadd.s32 @!p0 s0, s4;
	[tilespmem:v11+s19+$0x0] =	vst.idx.msk $0xffff, v10  }
0x239: {  	[tilespmem:s5], [sflag:$0x5] =	stream.strided.gather @!p0 [hbm4b:s4+s3], $0x2000, s28, s3, $0x38;
	[tilespmem:$0x18280] =	vst v63  }
0x23a: {  	_ =	swait.ge [sflag:s24], $0x2000  }
0x23b: {  	(v2sf) =	vpush v9, $0xD;
	_ =	sdelay $0xe  }
0x23c: {  	s4 =	spop (v2sf)  }
0x23d: {  	s5 =	sand.u32 $0x7F, s4  }
0x23e: {  	s29 =	sshra.s32 s4, $0x1F;
	p5 =	slt.s32 s4, $0x1;
	p6 =	sne.s32 s5, $0x0  }
0x23f: {  	s29 =	sshrl.u32 s29, $0x19;
	p1 =	por !p5, !p6  }
0x240: {  	s5 =	sadd.s32 s29, s4;
	s29 =	simm.s32 $0x1;
	p1 =	por !p1, !p1  }
0x241: {  	s5 =	sshrl.u32 s5, $0x7;
	s29 =	simm.s32 @!p1 $0x0  }
0x242: {  	s5 =	ssub.s32 s29, s5  }
0x243: {  	s5 =	sshll.u32 s5, $0x7  }
0x244: {  	s4 =	sadd.s32 s4, s5  }
0x245: {  	s29 =	sadd.s32 $0xFFFFFFFE, s1;
	v10 =	vadd.s32 s4, v0  }
0x246: {  	v11 =	vmov s29  }
0x247: {  	v49 =	vshll.u32 v11, $0x3  }
0x248: {  	[sflag:s24] =	ssyncset.done $0x0;
	(v2sf) =	vpush @!p0 v8, $0xD;
	v11 =	vand.u32 $0x7D, v11;
	v12 =	vand.u32 $0xC00, v49  }
0x249: {  	[sflag:s24] =	ssyncadd.s32 $0xFFFFE000;
	v11 =	vor.u32 v11, v12  }
0x24a: {  	v12 =	vor.u32 v1, v11;
	v10 =	vld.idx.msk [tilespmem:v10+s16+$0x0], $0xffff  }
0x24b: {  	v50 =	vadd.s32 s4, v2;
	_ =	sdelay $0x3  }
0x24c: {  	[tilespmem:v12+s19+$0x0] =	vst.idx.msk $0xffff, v10  }
0x24d: {  	v51 =	vor.u32 v3, v11;
	v10 =	vld.idx.msk [tilespmem:v50+s16+$0x0], $0xffff  }
0x24e: {  	v52 =	vadd.s32 s4, v4;
	_ =	sdelay $0x3  }
0x24f: {  	[tilespmem:v51+s19+$0x0] =	vst.idx.msk $0xffff, v10  }
0x250: {  	v53 =	vor.u32 v5, v11;
	v10 =	vld.idx.msk [tilespmem:v52+s16+$0x0], $0xffff  }
0x251: {  	v54 =	vadd.s32 s4, v6;
	s4 =	spop @!p0 (v2sf)  }
0x252: {  	s5 =	sand.u32 @!p0 $0x7F, s4  }
0x253: {  	p1 =	slt.s32 @!p0 s4, $0x1;
	p2 =	sne.s32 @!p0 s5, $0x0  }
0x254: {  	s5 =	sshra.s32 @!p0 s4, $0x1F;
	p1 =	por @!p0 !p1, !p2  }
0x255: {  	s5 =	sshrl.u32 @!p0 s5, $0x19;
	p1 =	por @!p0 !p1, !p1;
	[tilespmem:v53+s19+$0x0] =	vst.idx.msk $0xffff, v10  }
0x256: {  	v11 =	vor.u32 v7, v11;
	s4 =	sadd.s32 @!p0 s5, s4;
	s5 =	simm.s32 @!p0 $0x1;
	p1 =	por !p1, p0;
	v10 =	vld.idx.msk [tilespmem:v54+s16+$0x0], $0xffff  }
0x257: {  	s4 =	sshrl.u32 @!p0 s4, $0x7;
	s5 =	simm.s32 @p1 $0x0  }
0x258: {  	s4 =	ssub.s32 @!p0 s4, s5  }
0x259: {  	s4 =	sshll.u32 @!p0 s4, $0x7  }
0x25a: {  	s4 =	sand.u32 @!p0 $0x1FFFFF80, s4  }
0x25b: {  	s5 =	simm.s32 @!p0 $0xA280;
	s4 =	sadd.s32 @!p0 s0, s4;
	[tilespmem:v11+s19+$0x0] =	vst.idx.msk $0xffff, v10  }
0x25c: {  	[tilespmem:s5], [sflag:$0x6] =	stream.strided.gather @!p0 [hbm4b:s4+s3], $0x2000, s28, s3, $0x38;
	[tilespmem:$0x18280] =	vst v63  }
0x25d: {  	_ =	swait.ge [sflag:s25], $0x2000  }
0x25e: {  	(v2sf) =	vpush v9, $0xE;
	_ =	sdelay $0xe  }
0x25f: {  	s4 =	spop (v2sf)  }
0x260: {  	s5 =	sand.u32 $0x7F, s4  }
0x261: {  	s29 =	sshra.s32 s4, $0x1F;
	p3 =	slt.s32 s4, $0x1;
	p4 =	sne.s32 s5, $0x0  }
0x262: {  	s29 =	sshrl.u32 s29, $0x19;
	p1 =	por !p3, !p4  }
0x263: {  	s5 =	sadd.s32 s29, s4;
	s29 =	simm.s32 $0x1;
	p1 =	por !p1, !p1  }
0x264: {  	s5 =	sshrl.u32 s5, $0x7;
	s29 =	simm.s32 @!p1 $0x0  }
0x265: {  	s5 =	ssub.s32 s29, s5  }
0x266: {  	s5 =	sshll.u32 s5, $0x7  }
0x267: {  	s4 =	sadd.s32 s4, s5  }
0x268: {  	s29 =	sadd.s32 $0xFFFFFFFF, s1;
	v10 =	vadd.s32 s4, v0  }
0x269: {  	v11 =	vmov s29  }
0x26a: {  	v55 =	vshll.u32 v11, $0x3  }
0x26b: {  	[sflag:s25] =	ssyncset.done $0x0;
	(v2sf) =	vpush @!p0 v8, $0xE;
	v11 =	vand.u32 $0x7E, v11;
	v12 =	vand.u32 $0xC00, v55  }
0x26c: {  	[sflag:s25] =	ssyncadd.s32 $0xFFFFE000;
	v11 =	vor.u32 v11, v12  }
0x26d: {  	v12 =	vor.u32 v1, v11;
	v10 =	vld.idx.msk [tilespmem:v10+s17+$0x0], $0xffff  }
0x26e: {  	v56 =	vadd.s32 s4, v2;
	_ =	sdelay $0x3  }
0x26f: {  	[tilespmem:v12+s19+$0x0] =	vst.idx.msk $0xffff, v10  }
0x270: {  	v57 =	vor.u32 v3, v11;
	v10 =	vld.idx.msk [tilespmem:v56+s17+$0x0], $0xffff  }
0x271: {  	v58 =	vadd.s32 s4, v4;
	_ =	sdelay $0x3  }
0x272: {  	[tilespmem:v57+s19+$0x0] =	vst.idx.msk $0xffff, v10  }
0x273: {  	v59 =	vor.u32 v5, v11;
	v10 =	vld.idx.msk [tilespmem:v58+s17+$0x0], $0xffff  }
0x274: {  	v60 =	vadd.s32 s4, v6;
	s4 =	spop @!p0 (v2sf)  }
0x275: {  	s5 =	sand.u32 @!p0 $0x7F, s4  }
0x276: {  	p1 =	slt.s32 @!p0 s4, $0x1;
	p2 =	sne.s32 @!p0 s5, $0x0  }
0x277: {  	s5 =	sshra.s32 @!p0 s4, $0x1F;
	p1 =	por @!p0 !p1, !p2  }
0x278: {  	s5 =	sshrl.u32 @!p0 s5, $0x19;
	p1 =	por @!p0 !p1, !p1;
	[tilespmem:v59+s19+$0x0] =	vst.idx.msk $0xffff, v10  }
0x279: {  	v11 =	vor.u32 v7, v11;
	s4 =	sadd.s32 @!p0 s5, s4;
	s5 =	simm.s32 @!p0 $0x1;
	p1 =	por !p1, p0;
	v10 =	vld.idx.msk [tilespmem:v60+s17+$0x0], $0xffff  }
0x27a: {  	s4 =	sshrl.u32 @!p0 s4, $0x7;
	s5 =	simm.s32 @p1 $0x0  }
0x27b: {  	s4 =	ssub.s32 @!p0 s4, s5  }
0x27c: {  	s4 =	sshll.u32 @!p0 s4, $0x7  }
0x27d: {  	s4 =	sand.u32 @!p0 $0x1FFFFF80, s4  }
0x27e: {  	s5 =	simm.s32 @!p0 $0xC280;
	s4 =	sadd.s32 @!p0 s0, s4;
	[tilespmem:v11+s19+$0x0] =	vst.idx.msk $0xffff, v10  }
0x27f: {  	[tilespmem:s5], [sflag:$0x7] =	stream.strided.gather @!p0 [hbm4b:s4+s3], $0x2000, s28, s3, $0x38;
	[tilespmem:$0x18280] =	vst v63  }
0x280: {  	_ =	swait.ge [sflag:s26], $0x2000  }
0x281: {  	(v2sf) =	vpush v9, $0xF;
	_ =	sdelay $0xe  }
0x282: {  	s3 =	spop (v2sf)  }
0x283: {  	s5 =	sand.u32 $0x7F, s3  }
0x284: {  	s28 =	sshra.s32 s3, $0x1F;
	p5 =	slt.s32 s3, $0x1;
	p6 =	sne.s32 s5, $0x0  }
0x285: {  	s29 =	sshrl.u32 s28, $0x19;
	p1 =	por !p5, !p6  }
0x286: {  	s5 =	simm.s32 $0x1;
	s4 =	sadd.s32 s29, s3;
	p1 =	por !p1, !p1  }
0x287: {  	s4 =	sshrl.u32 s4, $0x7;
	s5 =	simm.s32 @!p1 $0x0  }
0x288: {  	s4 =	ssub.s32 s5, s4  }
0x289: {  	s4 =	sshll.u32 s4, $0x7  }
0x28a: {  	s3 =	sadd.s32 s3, s4  }
0x28b: {  	v9 =	vadd.s32 s3, v0  }
0x28c: {  	v10 =	vmov s1  }
0x28d: {  	v11 =	vshll.u32 v10, $0x3  }
0x28e: {  	v10 =	vand.u32 $0x7F, v10;
	v11 =	vand.u32 $0xC00, v11;
	[sflag:s26] =	ssyncset.done $0x0  }
0x28f: {  	v10 =	vor.u32 v10, v11;
	[sflag:s26] =	ssyncadd.s32 $0xFFFFE000  }
0x290: {  	v11 =	vor.u32 v1, v10;
	v9 =	vld.idx.msk [tilespmem:v9+s18+$0x0], $0xffff  }
0x291: {  	v61 =	vadd.s32 s3, v2;
	_ =	sdelay $0x3  }
0x292: {  	[tilespmem:v11+s19+$0x0] =	vst.idx.msk $0xffff, v9  }
0x293: {  	v11 =	vor.u32 v3, v10;
	v9 =	vld.idx.msk [tilespmem:v61+s18+$0x0], $0xffff  }
0x294: {  	v62 =	vadd.s32 s3, v4;
	_ =	sdelay $0x3  }
0x295: {  	[tilespmem:v11+s19+$0x0] =	vst.idx.msk $0xffff, v9  }
0x296: {  	v11 =	vor.u32 v5, v10;
	v9 =	vld.idx.msk [tilespmem:v62+s18+$0x0], $0xffff  }
0x297: {  	v63 =	vadd.s32 s3, v6;
	_ =	sdelay $0x3  }
0x298: {  	[tilespmem:v11+s19+$0x0] =	vst.idx.msk $0xffff, v9  }
0x299: {  	v10 =	vor.u32 v7, v10;
	v9 =	vld.idx.msk [tilespmem:v63+s18+$0x0], $0xffff  }
.Ltmp2:
0x29a: {  	_ = 	snop;
	(pc) =	sbr.rel @p0 .LBB2_4-.Ltmp2, $2  }
0x29b: {  	_ =	sdelay $0x2  }
0x29c: {  	[tilespmem:v10+s19+$0x0] =	vst.idx.msk $0xffff, v9  }
0x29d: {  	(v2sf) =	vpush v8, $0xF;
	_ =	sdelay $0xe  }
0x29e: {  	s3 =	spop (v2sf)  }
0x29f: {  	s4 =	sand.u32 $0x7F, s3  }
0x2a0: {  	s29 =	sshra.s32 s3, $0x1F;
	p1 =	slt.s32 s3, $0x1;
	p0 =	sne.s32 s4, $0x0  }
0x2a1: {  	s4 =	sshrl.u32 s29, $0x19;
	p0 =	por !p1, !p0  }
0x2a2: {  	s3 =	sadd.s32 s4, s3;
	s4 =	simm.s32 $0x1;
	p0 =	por !p0, !p0  }
0x2a3: {  	s3 =	sshrl.u32 s3, $0x7;
	s4 =	simm.s32 @!p0 $0x0  }
.Ltmp3:
0x2a4: {  	s3 =	ssub.s32 s3, s4;
	(pc) =	sbr.rel .LBB2_2-.Ltmp3, $4  }
0x2a5: {  	s3 =	sshll.u32 s3, $0x7  }
0x2a6: {  	s3 =	sand.u32 $0x1FFFFF80, s3  }
0x2a7: {  	s1 =	sadd.s32 $0x10, s1;
	s2 =	sadd.s32 $0x10, s2;
	s3 =	sadd.s32 s0, s3  }
0x2a8: {  	[tilespmem:s18], [sflag:$0x8] =	stream.strided.gather [hbm4b:s3+s10], $0x2000, s9, s10, $0x38;
	[tilespmem:$0x18280] =	vst v63  }
.LBB2_5:
0x2a9: {  	_ =	sfence.sel $0x180000  }
0x2aa: {  	[bflag:$0x0] =	sbarrier.arrive $0xFFFF  }
0x2ab: {  	_ =	strace $0x90000047  }
0x2ac: {  	s0 =	stileid.u32;
	[bflag:$0x2] =	sbarrier.arrive $0xFFFF  }
0x2ad: {  	p0 =	sne.s32 s0, $0x0;
	s0 =	rddreg [dreg:$0x3]  }
0x2ae: {  	s0 =	sadd.s32 @!p0 $0x100000, s0  }
0x2af: {  	[sflag:s0] =	ssyncadd.tile.s32 @!p0 $0x1;
	_ =	shalt  }
.Lfunc_end2:
_tile_overlayer_lowered:
.L_overlay_start_2:
0x2b0: {  	(tag) =	ssettag $0x2  }
0x2b1: {  	s0 =	rddreg [dreg:$0x0];
	s2 =	stileid.u32  }
0x2b2: {  	s1 =	rddreg [dreg:$0x1];
	p0 =	sne.s32 s2, $0x0  }
0x2b3: {  	s3 =	rddreg [dreg:$0x2];
	[bflag:$0x3] =	sbarrier.arrive $0xFFFF;
	s2 =	simm.s32 @!p0 $0x1C0A  }
0x2b4: {  	[timem:s3], [sflag:s2] =	dma.local @!p0 [hbm:s0], s1  }
0x2b5: {  	s0 =	simm.s32 @!p0 $0xA  }
0x2b6: {  	_ =	swait.ge @!p0 [sflag:s0], s1  }
0x2b7: {  	s1 =	ssub.s32 @!p0 $0x0, s1;
	[sflag:s0] =	ssyncset.done @!p0 $0x0  }
0x2b8: {  	[sflag:s0] =	ssyncadd.s32 @!p0 s1  }
0x2b9: {  	[bflag:$0x3] =	sbarrier.arrive $0xFFFF  }
0x2ba: {  	_ =	shalt  }

</sc_bundles>
